<compile_context>
chip_gen: v7x
topology: tpu7x:2x2x1
jax: 0.10.2.dev20260603
libtpu: 0.0.44.dev20260713+nightly
codegen_flags: <defaults>
</compile_context>

<pallas_src>
import functools

import jax
import jax.numpy as jnp
from jax import lax
from jax.experimental import pallas as pl
from jax.experimental.pallas import tpu as pltpu
from jax.experimental.pallas import tpu_sc as plsc

_V = 10000
_B = 1048576
_NW = 32
_BPW = _B // _NW
_CHUNK = 2048
_NCH = _BPW // _CHUNK
_GRP = _CHUNK // 16


def _sc_gather(idx, table):
    mesh = plsc.VectorSubcoreMesh(core_axis_name="c", subcore_axis_name="s")

    @functools.partial(
        pl.kernel,
        mesh=mesh,
        compiler_params=pltpu.CompilerParams(needs_layout_passes=False),
        out_type=[
            jax.ShapeDtypeStruct((_B * 4,), jnp.float32),
            jax.ShapeDtypeStruct((_B * 4,), jnp.float32),
        ],
        scratch_types=[
            pltpu.VMEM((_V * 6,), jnp.float32),
            pltpu.VMEM((_BPW,), jnp.int32),
            pltpu.VMEM((_CHUNK * 4,), jnp.float32),
            pltpu.VMEM((_CHUNK * 4,), jnp.float32),
            pltpu.VMEM((_CHUNK * 4,), jnp.float32),
            pltpu.VMEM((_CHUNK * 4,), jnp.float32),
            pltpu.SemaphoreType.DMA,
            pltpu.SemaphoreType.DMA,
            pltpu.SemaphoreType.DMA,
            pltpu.SemaphoreType.DMA,
            pltpu.SemaphoreType.DMA,
            pltpu.SemaphoreType.DMA,
        ],
    )
    def k(idx_hbm, tbl_hbm, oint_hbm, odir_hbm,
          tbl_v, idx_v, oi_v0, oi_v1, od_v0, od_v1,
          is0, is1, ois0, ois1, ods0, ods1):
        wid = lax.axis_index("s") * 2 + lax.axis_index("c")
        base = wid * _BPW
        oi_b = (oi_v0, oi_v1)
        od_b = (od_v0, od_v1)
        oisem = (ois0, ois1)
        odsem = (ods0, ods1)

        h_oi = [None, None]
        h_od = [None, None]
        h_idx = pltpu.async_copy(
            idx_hbm.at[pl.ds(base, _BPW)], idx_v, is0)
        h_dir = pltpu.async_copy(
            tbl_hbm.at[pl.ds(0, 3 * _V)], tbl_v.at[pl.ds(0, 3 * _V)], ods0)
        h_int = pltpu.async_copy(
            tbl_hbm.at[pl.ds(3 * _V, 3 * _V)],
            tbl_v.at[pl.ds(3 * _V, 3 * _V)], ods1)

        iota = lax.iota(jnp.int32, 16)
        zeros = jnp.zeros((16,), jnp.float32)

        @plsc.parallel_loop(0, _CHUNK * 4 // 16, unroll=8)
        def zbody(t):
            oi_v0[pl.ds(t * 16, 16)] = zeros
            oi_v1[pl.ds(t * 16, 16)] = zeros
            od_v0[pl.ds(t * 16, 16)] = zeros
            od_v1[pl.ds(t * 16, 16)] = zeros

        h_dir.wait()

        @plsc.parallel_loop(0, _V // 16, unroll=4)
        def nbody(t):
            x = tbl_v[pl.ds(t * 16, 16)]
            y = tbl_v[pl.ds(_V + t * 16, 16)]
            z = tbl_v[pl.ds(2 * _V + t * 16, 16)]
            s = x * x + y * y + z * z
            i = plsc.bitcast(s, jnp.int32)
            r = plsc.bitcast(0x5F3759DF - (i >> 1), jnp.float32)
            hs = 0.5 * s
            r = r * (1.5 - hs * r * r)
            r = r * (1.5 - hs * r * r)
            r = r * (1.5 - hs * r * r)
            r = jnp.minimum(r, 1e12)
            tbl_v[pl.ds(t * 16, 16)] = x * r
            tbl_v[pl.ds(_V + t * 16, 16)] = y * r
            tbl_v[pl.ds(2 * _V + t * 16, 16)] = z * r

        h_int.wait()
        h_idx.wait()
        for ch in range(_NCH):
            slot = ch % 2
            cbase = base + ch * _CHUNK
            coff = ch * _CHUNK
            oib, odb = oi_b[slot], od_b[slot]
            if ch >= 2:
                h_oi[slot].wait()
                h_od[slot].wait()

            @plsc.parallel_loop(0, _GRP, unroll=4)
            def body(g):
                iv = idx_v[pl.ds(coff + g * 16, 16)]
                p0 = iota + ((g >> 3) * 512 + (g & 7) * 16)
                p1 = p0 + 128
                p2 = p0 + 256
                plsc.store_scatter(odb, [p0], plsc.load_gather(tbl_v, [iv]))
                plsc.store_scatter(odb, [p1],
                                   plsc.load_gather(tbl_v, [iv + _V]))
                plsc.store_scatter(odb, [p2],
                                   plsc.load_gather(tbl_v, [iv + 2 * _V]))
                plsc.store_scatter(oib, [p0],
                                   plsc.load_gather(tbl_v, [iv + 3 * _V]))
                plsc.store_scatter(oib, [p1],
                                   plsc.load_gather(tbl_v, [iv + 4 * _V]))
                plsc.store_scatter(oib, [p2],
                                   plsc.load_gather(tbl_v, [iv + 5 * _V]))

            h_oi[slot] = pltpu.async_copy(
                oib, oint_hbm.at[pl.ds(cbase * 4, _CHUNK * 4)], oisem[slot])
            h_od[slot] = pltpu.async_copy(
                odb, odir_hbm.at[pl.ds(cbase * 4, _CHUNK * 4)], odsem[slot])
        for s in range(2):
            h_oi[s].wait()
            h_od[s].wait()

    return k(idx, table)


def _unpack(o):
    return (o.reshape(_B // 128, 4, 128)
            .transpose(0, 2, 1).reshape(_B, 4)[:, :3])


def kernel(rays_light_indices, light_dir, intensity):
    idx = rays_light_indices.astype(jnp.int32)
    table = jnp.concatenate(
        [light_dir.T.reshape(-1), intensity.T.reshape(-1)])
    oi, od = _sc_gather(idx, table)
    return _unpack(oi), _unpack(od)

# --- scband reference (transcript-rebuilt; emitter-appended) ---
"""Pipeline reference for scband-lighting-parameters-37546604102163 (READ-ONLY COPY).

The authoritative reference and input builder live on the scoring server;
editing this copy changes nothing except your own understanding.
"""

import jax, jax.numpy as jnp
import numpy as np

NUM_LIGHTS = 10000
N_RAYS = 1048576

def setup_inputs(seed: int = 0) -> dict:
    key = jax.random.key(seed)
    k1, k2, k3 = jax.random.split(key, 3)
    rays_light_indices = jax.random.randint(k1, (N_RAYS,), 0, NUM_LIGHTS, dtype=jnp.int64) if jax.config.jax_enable_x64 else jax.random.randint(k1, (N_RAYS,), 0, NUM_LIGHTS, dtype=jnp.int32)
    light_dir = jax.random.normal(k2, (NUM_LIGHTS, 3), dtype=jnp.float32)
    intensity = jax.random.uniform(k3, (NUM_LIGHTS, 3), dtype=jnp.float32)
    return {"rays_light_indices": rays_light_indices, "light_dir": light_dir, "intensity": intensity}

def reference(rays_light_indices, light_dir, intensity):
    # rays_light_intensity = self.intensity[rays_light_indices]
    rays_light_intensity = jnp.take(intensity, rays_light_indices, axis=0)
    # F.normalize(self.light_dir, p=2, dim=-1): x / max(||x||_2, eps), eps=1e-12
    eps = 1e-12
    norm = jnp.sqrt(jnp.sum(light_dir * light_dir, axis=-1, keepdims=True))
    light_dir_normalized = light_dir / jnp.maximum(norm, eps)
    rays_light_dir_camera_space = jnp.take(light_dir_normalized, rays_light_indices, axis=0)
    return (rays_light_intensity, rays_light_dir_camera_space)

if __name__ == "__main__":
    import jax
    _d = setup_inputs()
    print(jax.jit(kernel)(*tuple(_d.values())))

</pallas_src>

<mosaic_0001>
#map = affine_map<(d0, d1) -> (0)>
module attributes {stable_mosaic.version = 14 : i64} {
  func.func @k(%arg0: i32, %arg1: i32, %arg2: memref<1048576xi32, #tpu.memory_space<hbm>>, %arg3: memref<60000xf32, #tpu.memory_space<hbm>>, %arg4: memref<4194304xf32, #tpu.memory_space<hbm>>, %arg5: memref<4194304xf32, #tpu.memory_space<hbm>>, %arg6: memref<60000xf32, #tpu.memory_space<vmem>>, %arg7: memref<32768xi32, #tpu.memory_space<vmem>>, %arg8: memref<8192xf32, #tpu.memory_space<vmem>>, %arg9: memref<8192xf32, #tpu.memory_space<vmem>>, %arg10: memref<8192xf32, #tpu.memory_space<vmem>>, %arg11: memref<8192xf32, #tpu.memory_space<vmem>>, %arg12: memref<!tpu.dma_semaphore, #tpu.memory_space<semaphore_mem>>, %arg13: memref<!tpu.dma_semaphore, #tpu.memory_space<semaphore_mem>>, %arg14: memref<!tpu.dma_semaphore, #tpu.memory_space<semaphore_mem>>, %arg15: memref<!tpu.dma_semaphore, #tpu.memory_space<semaphore_mem>>, %arg16: memref<!tpu.dma_semaphore, #tpu.memory_space<semaphore_mem>>, %arg17: memref<!tpu.dma_semaphore, #tpu.memory_space<semaphore_mem>>) attributes {dimension_semantics = [#tpu.dimension_semantics<core_parallel>, #tpu.dimension_semantics<subcore_parallel>], iteration_bounds = array<i64: 2, 16>, scalar_prefetch = 0 : i64, scratch_operands = 12 : i64, tpu.core_type = #tpu.core_type<sc_vector_subcore>, window_params = [{transform_indices = #map}, {transform_indices = #map}, {transform_indices = #map}, {transform_indices = #map}]} {
    %mul3A = arith.constant 2 : i32
    %mul3A_0 = arith.muli %arg1, %mul3A : i32
    %add3A = arith.addi %mul3A_0, %arg0 : i32
    %mul3A_1 = arith.constant 32768 : i32
    %mul3A_2 = arith.muli %add3A, %mul3A_1 : i32
    %dma_start3A = tpu.memref_slice %arg2[%mul3A_2] : memref<1048576xi32, #tpu.memory_space<hbm>> -> memref<32768xi32, #tpu.memory_space<hbm>>
    %dma_start3A_3 = tpu.memref_slice %arg2[%mul3A_2] : memref<1048576xi32, #tpu.memory_space<hbm>> -> memref<32768xi32, #tpu.memory_space<hbm>>
    tpu.enqueue_dma source(%dma_start3A_3 : memref<32768xi32, #tpu.memory_space<hbm>>) target(%arg7 : memref<32768xi32, #tpu.memory_space<vmem>>) target_semaphore(%arg12 : memref<!tpu.dma_semaphore, #tpu.memory_space<semaphore_mem>>)
    %dma_start3A_4 = arith.constant 0 : i32
    %dma_start3A_5 = tpu.memref_slice %arg6[%dma_start3A_4] : memref<60000xf32, #tpu.memory_space<vmem>> -> memref<30000xf32, #tpu.memory_space<vmem>>
    %dma_start3A_6 = arith.constant 0 : i32
    %dma_start3A_7 = tpu.memref_slice %arg3[%dma_start3A_6] : memref<60000xf32, #tpu.memory_space<hbm>> -> memref<30000xf32, #tpu.memory_space<hbm>>
    %dma_start3A_8 = arith.constant 0 : i32
    %dma_start3A_9 = tpu.memref_slice %arg6[%dma_start3A_8] : memref<60000xf32, #tpu.memory_space<vmem>> -> memref<30000xf32, #tpu.memory_space<vmem>>
    %dma_start3A_10 = arith.constant 0 : i32
    %dma_start3A_11 = tpu.memref_slice %arg3[%dma_start3A_10] : memref<60000xf32, #tpu.memory_space<hbm>> -> memref<30000xf32, #tpu.memory_space<hbm>>
    tpu.enqueue_dma source(%dma_start3A_11 : memref<30000xf32, #tpu.memory_space<hbm>>) target(%dma_start3A_9 : memref<30000xf32, #tpu.memory_space<vmem>>) target_semaphore(%arg16 : memref<!tpu.dma_semaphore, #tpu.memory_space<semaphore_mem>>)
    %dma_start3A_12 = arith.constant 30000 : i32
    %dma_start3A_13 = tpu.memref_slice %arg6[%dma_start3A_12] : memref<60000xf32, #tpu.memory_space<vmem>> -> memref<30000xf32, #tpu.memory_space<vmem>>
    %dma_start3A_14 = arith.constant 30000 : i32
    %dma_start3A_15 = tpu.memref_slice %arg3[%dma_start3A_14] : memref<60000xf32, #tpu.memory_space<hbm>> -> memref<30000xf32, #tpu.memory_space<hbm>>
    %dma_start3A_16 = arith.constant 30000 : i32
    %dma_start3A_17 = tpu.memref_slice %arg6[%dma_start3A_16] : memref<60000xf32, #tpu.memory_space<vmem>> -> memref<30000xf32, #tpu.memory_space<vmem>>
    %dma_start3A_18 = arith.constant 30000 : i32
    %dma_start3A_19 = tpu.memref_slice %arg3[%dma_start3A_18] : memref<60000xf32, #tpu.memory_space<hbm>> -> memref<30000xf32, #tpu.memory_space<hbm>>
    tpu.enqueue_dma source(%dma_start3A_19 : memref<30000xf32, #tpu.memory_space<hbm>>) target(%dma_start3A_17 : memref<30000xf32, #tpu.memory_space<vmem>>) target_semaphore(%arg17 : memref<!tpu.dma_semaphore, #tpu.memory_space<semaphore_mem>>)
    %iota3A = tpu.iota {dimensions = array<i32: 0>} : vector<16xi32>
    %broadcast_in_dim3A = arith.constant 0.000000e+00 : f32
    %broadcast_in_dim3A_20 = vector.broadcast %broadcast_in_dim3A : f32 to vector<16xf32>
    %parallel_loop3A = arith.constant 0 : i32
    %parallel_loop3A_21 = arith.constant 512 : i32
    %parallel_loop3A_22 = arith.constant 1 : i32
    scf.for %parallel_loop3A_315 = %parallel_loop3A to %parallel_loop3A_21 step %parallel_loop3A_22  : i32 {
      %parallel_loop3A_316 = arith.constant 16 : i32
      %parallel_loop3A_317 = arith.muli %parallel_loop3A_315, %parallel_loop3A_316 : i32
      %parallel_loop3A_318 = arith.index_cast %parallel_loop3A_317 : i32 to index
      %parallel_loop3A_319 = tpu.vector_load %arg8[%parallel_loop3A_318] {strides = array<i32>} : memref<8192xf32, #tpu.memory_space<vmem>>, vector<16xf32>,
      tpu.vector_store %arg8[%parallel_loop3A_318], %broadcast_in_dim3A_20 {strides = array<i32>} : memref<8192xf32, #tpu.memory_space<vmem>>, vector<16xf32>,
      %parallel_loop3A_320 = arith.constant 16 : i32
      %parallel_loop3A_321 = arith.muli %parallel_loop3A_315, %parallel_loop3A_320 : i32
      %parallel_loop3A_322 = arith.index_cast %parallel_loop3A_321 : i32 to index
      %parallel_loop3A_323 = tpu.vector_load %arg9[%parallel_loop3A_322] {strides = array<i32>} : memref<8192xf32, #tpu.memory_space<vmem>>, vector<16xf32>,
      tpu.vector_store %arg9[%parallel_loop3A_322], %broadcast_in_dim3A_20 {strides = array<i32>} : memref<8192xf32, #tpu.memory_space<vmem>>, vector<16xf32>,
      %parallel_loop3A_324 = arith.constant 16 : i32
      %parallel_loop3A_325 = arith.muli %parallel_loop3A_315, %parallel_loop3A_324 : i32
      %parallel_loop3A_326 = arith.index_cast %parallel_loop3A_325 : i32 to index
      %parallel_loop3A_327 = tpu.vector_load %arg10[%parallel_loop3A_326] {strides = array<i32>} : memref<8192xf32, #tpu.memory_space<vmem>>, vector<16xf32>,
      tpu.vector_store %arg10[%parallel_loop3A_326], %broadcast_in_dim3A_20 {strides = array<i32>} : memref<8192xf32, #tpu.memory_space<vmem>>, vector<16xf32>,
      %parallel_loop3A_328 = arith.constant 16 : i32
      %parallel_loop3A_329 = arith.muli %parallel_loop3A_315, %parallel_loop3A_328 : i32
      %parallel_loop3A_330 = arith.index_cast %parallel_loop3A_329 : i32 to index
      %parallel_loop3A_331 = tpu.vector_load %arg11[%parallel_loop3A_330] {strides = array<i32>} : memref<8192xf32, #tpu.memory_space<vmem>>, vector<16xf32>,
      tpu.vector_store %arg11[%parallel_loop3A_330], %broadcast_in_dim3A_20 {strides = array<i32>} : memref<8192xf32, #tpu.memory_space<vmem>>, vector<16xf32>,
    } {sc.loop_unroll_factor = 8 : i64, sc.parallel_access}
    %dma_wait3A = arith.constant 0 : i32
    %dma_wait3A_23 = tpu.memref_slice %arg6[%dma_wait3A] : memref<60000xf32, #tpu.memory_space<vmem>> -> memref<30000xf32, #tpu.memory_space<vmem>>
    %dma_wait3A_24 = arith.constant 0 : i32
    %dma_wait3A_25 = tpu.memref_slice %arg3[%dma_wait3A_24] : memref<60000xf32, #tpu.memory_space<hbm>> -> memref<30000xf32, #tpu.memory_space<hbm>>
    %dma_wait3A_26 = arith.constant 0 : i32
    %dma_wait3A_27 = tpu.memref_slice %arg6[%dma_wait3A_26] : memref<60000xf32, #tpu.memory_space<vmem>> -> memref<30000xf32, #tpu.memory_space<vmem>>
    %dma_wait3A_28 = arith.constant 0 : i32
    %dma_wait3A_29 = tpu.memref_slice %arg3[%dma_wait3A_28] : memref<60000xf32, #tpu.memory_space<hbm>> -> memref<30000xf32, #tpu.memory_space<hbm>>
    tpu.wait_dma2 semaphore(%arg16 : memref<!tpu.dma_semaphore, #tpu.memory_space<semaphore_mem>>) src(%dma_wait3A_29 : memref<30000xf32, #tpu.memory_space<hbm>>) dst(%dma_wait3A_27 : memref<30000xf32, #tpu.memory_space<vmem>>)
    %parallel_loop3A_30 = arith.constant 0 : i32
    %parallel_loop3A_31 = arith.constant 625 : i32
    %parallel_loop3A_32 = arith.constant 1 : i32
    scf.for %parallel_loop3A_315 = %parallel_loop3A_30 to %parallel_loop3A_31 step %parallel_loop3A_32  : i32 {
      %parallel_loop3A_316 = arith.constant 16 : i32
      %parallel_loop3A_317 = arith.muli %parallel_loop3A_315, %parallel_loop3A_316 : i32
      %parallel_loop3A_318 = arith.index_cast %parallel_loop3A_317 : i32 to index
      %parallel_loop3A_319 = tpu.vector_load %arg6[%parallel_loop3A_318] {strides = array<i32>} : memref<60000xf32, #tpu.memory_space<vmem>>, vector<16xf32>,
      %parallel_loop3A_320 = arith.constant 16 : i32
      %parallel_loop3A_321 = arith.muli %parallel_loop3A_315, %parallel_loop3A_320 : i32
      %parallel_loop3A_322 = arith.constant 10000 : i32
      %parallel_loop3A_323 = arith.addi %parallel_loop3A_322, %parallel_loop3A_321 : i32
      %parallel_loop3A_324 = arith.index_cast %parallel_loop3A_323 : i32 to index
      %parallel_loop3A_325 = tpu.vector_load %arg6[%parallel_loop3A_324] {strides = array<i32>} : memref<60000xf32, #tpu.memory_space<vmem>>, vector<16xf32>,
      %parallel_loop3A_326 = arith.constant 16 : i32
      %parallel_loop3A_327 = arith.muli %parallel_loop3A_315, %parallel_loop3A_326 : i32
      %parallel_loop3A_328 = arith.constant 20000 : i32
      %parallel_loop3A_329 = arith.addi %parallel_loop3A_328, %parallel_loop3A_327 : i32
      %parallel_loop3A_330 = arith.index_cast %parallel_loop3A_329 : i32 to index
      %parallel_loop3A_331 = tpu.vector_load %arg6[%parallel_loop3A_330] {strides = array<i32>} : memref<60000xf32, #tpu.memory_space<vmem>>, vector<16xf32>,
      %parallel_loop3A_332 = arith.mulf %parallel_loop3A_319, %parallel_loop3A_319 : vector<16xf32>
      %parallel_loop3A_333 = arith.mulf %parallel_loop3A_325, %parallel_loop3A_325 : vector<16xf32>
      %parallel_loop3A_334 = arith.addf %parallel_loop3A_332, %parallel_loop3A_333 : vector<16xf32>
      %parallel_loop3A_335 = arith.mulf %parallel_loop3A_331, %parallel_loop3A_331 : vector<16xf32>
      %parallel_loop3A_336 = arith.addf %parallel_loop3A_334, %parallel_loop3A_335 : vector<16xf32>
      %parallel_loop3A_337 = vector.bitcast %parallel_loop3A_336 : vector<16xf32> to vector<16xi32>
      %parallel_loop3A_338 = arith.constant 1 : i32
      %parallel_loop3A_339 = vector.broadcast %parallel_loop3A_338 : i32 to vector<16xi32>
      %parallel_loop3A_340 = arith.shrsi %parallel_loop3A_337, %parallel_loop3A_339 : vector<16xi32>
      %parallel_loop3A_341 = arith.constant 1597463007 : i32
      %parallel_loop3A_342 = vector.broadcast %parallel_loop3A_341 : i32 to vector<16xi32>
      %parallel_loop3A_343 = arith.subi %parallel_loop3A_342, %parallel_loop3A_340 : vector<16xi32>
      %parallel_loop3A_344 = vector.bitcast %parallel_loop3A_343 : vector<16xi32> to vector<16xf32>
      %parallel_loop3A_345 = arith.constant 5.000000e-01 : f32
      %parallel_loop3A_346 = vector.broadcast %parallel_loop3A_345 : f32 to vector<16xf32>
      %parallel_loop3A_347 = arith.mulf %parallel_loop3A_346, %parallel_loop3A_336 : vector<16xf32>
      %parallel_loop3A_348 = arith.mulf %parallel_loop3A_347, %parallel_loop3A_344 : vector<16xf32>
      %parallel_loop3A_349 = arith.mulf %parallel_loop3A_348, %parallel_loop3A_344 : vector<16xf32>
      %parallel_loop3A_350 = arith.constant 1.500000e+00 : f32
      %parallel_loop3A_351 = vector.broadcast %parallel_loop3A_350 : f32 to vector<16xf32>
      %parallel_loop3A_352 = arith.subf %parallel_loop3A_351, %parallel_loop3A_349 : vector<16xf32>
      %parallel_loop3A_353 = arith.mulf %parallel_loop3A_344, %parallel_loop3A_352 : vector<16xf32>
      %parallel_loop3A_354 = arith.mulf %parallel_loop3A_347, %parallel_loop3A_353 : vector<16xf32>
      %parallel_loop3A_355 = arith.mulf %parallel_loop3A_354, %parallel_loop3A_353 : vector<16xf32>
      %parallel_loop3A_356 = arith.constant 1.500000e+00 : f32
      %parallel_loop3A_357 = vector.broadcast %parallel_loop3A_356 : f32 to vector<16xf32>
      %parallel_loop3A_358 = arith.subf %parallel_loop3A_357, %parallel_loop3A_355 : vector<16xf32>
      %parallel_loop3A_359 = arith.mulf %parallel_loop3A_353, %parallel_loop3A_358 : vector<16xf32>
      %parallel_loop3A_360 = arith.mulf %parallel_loop3A_347, %parallel_loop3A_359 : vector<16xf32>
      %parallel_loop3A_361 = arith.mulf %parallel_loop3A_360, %parallel_loop3A_359 : vector<16xf32>
      %parallel_loop3A_362 = arith.constant 1.500000e+00 : f32
      %parallel_loop3A_363 = vector.broadcast %parallel_loop3A_362 : f32 to vector<16xf32>
      %parallel_loop3A_364 = arith.subf %parallel_loop3A_363, %parallel_loop3A_361 : vector<16xf32>
      %parallel_loop3A_365 = arith.mulf %parallel_loop3A_359, %parallel_loop3A_364 : vector<16xf32>
      %parallel_loop3A_366 = arith.constant 9.99999995E+11 : f32
      %parallel_loop3A_367 = vector.broadcast %parallel_loop3A_366 : f32 to vector<16xf32>
      %parallel_loop3A_368 = arith.minimumf %parallel_loop3A_365, %parallel_loop3A_367 : vector<16xf32>
      %parallel_loop3A_369 = arith.mulf %parallel_loop3A_319, %parallel_loop3A_368 : vector<16xf32>
      %parallel_loop3A_370 = arith.constant 16 : i32
      %parallel_loop3A_371 = arith.muli %parallel_loop3A_315, %parallel_loop3A_370 : i32
      %parallel_loop3A_372 = arith.index_cast %parallel_loop3A_371 : i32 to index
      %parallel_loop3A_373 = tpu.vector_load %arg6[%parallel_loop3A_372] {strides = array<i32>} : memref<60000xf32, #tpu.memory_space<vmem>>, vector<16xf32>,
      tpu.vector_store %arg6[%parallel_loop3A_372], %parallel_loop3A_369 {strides = array<i32>} : memref<60000xf32, #tpu.memory_space<vmem>>, vector<16xf32>,
      %parallel_loop3A_374 = arith.mulf %parallel_loop3A_325, %parallel_loop3A_368 : vector<16xf32>
      %parallel_loop3A_375 = arith.constant 16 : i32
      %parallel_loop3A_376 = arith.muli %parallel_loop3A_315, %parallel_loop3A_375 : i32
      %parallel_loop3A_377 = arith.constant 10000 : i32
      %parallel_loop3A_378 = arith.addi %parallel_loop3A_377, %parallel_loop3A_376 : i32
      %parallel_loop3A_379 = arith.index_cast %parallel_loop3A_378 : i32 to index
      %parallel_loop3A_380 = tpu.vector_load %arg6[%parallel_loop3A_379] {strides = array<i32>} : memref<60000xf32, #tpu.memory_space<vmem>>, vector<16xf32>,
      tpu.vector_store %arg6[%parallel_loop3A_379], %parallel_loop3A_374 {strides = array<i32>} : memref<60000xf32, #tpu.memory_space<vmem>>, vector<16xf32>,
      %parallel_loop3A_381 = arith.mulf %parallel_loop3A_331, %parallel_loop3A_368 : vector<16xf32>
      %parallel_loop3A_382 = arith.constant 16 : i32
      %parallel_loop3A_383 = arith.muli %parallel_loop3A_315, %parallel_loop3A_382 : i32
      %parallel_loop3A_384 = arith.constant 20000 : i32
      %parallel_loop3A_385 = arith.addi %parallel_loop3A_384, %parallel_loop3A_383 : i32
      %parallel_loop3A_386 = arith.index_cast %parallel_loop3A_385 : i32 to index
      %parallel_loop3A_387 = tpu.vector_load %arg6[%parallel_loop3A_386] {strides = array<i32>} : memref<60000xf32, #tpu.memory_space<vmem>>, vector<16xf32>,
      tpu.vector_store %arg6[%parallel_loop3A_386], %parallel_loop3A_381 {strides = array<i32>} : memref<60000xf32, #tpu.memory_space<vmem>>, vector<16xf32>,
    } {sc.loop_unroll_factor = 4 : i64, sc.parallel_access}
    %dma_wait3A_33 = arith.constant 30000 : i32
    %dma_wait3A_34 = tpu.memref_slice %arg6[%dma_wait3A_33] : memref<60000xf32, #tpu.memory_space<vmem>> -> memref<30000xf32, #tpu.memory_space<vmem>>
    %dma_wait3A_35 = arith.constant 30000 : i32
    %dma_wait3A_36 = tpu.memref_slice %arg3[%dma_wait3A_35] : memref<60000xf32, #tpu.memory_space<hbm>> -> memref<30000xf32, #tpu.memory_space<hbm>>
    %dma_wait3A_37 = arith.constant 30000 : i32
    %dma_wait3A_38 = tpu.memref_slice %arg6[%dma_wait3A_37] : memref<60000xf32, #tpu.memory_space<vmem>> -> memref<30000xf32, #tpu.memory_space<vmem>>
    %dma_wait3A_39 = arith.constant 30000 : i32
    %dma_wait3A_40 = tpu.memref_slice %arg3[%dma_wait3A_39] : memref<60000xf32, #tpu.memory_space<hbm>> -> memref<30000xf32, #tpu.memory_space<hbm>>
    tpu.wait_dma2 semaphore(%arg17 : memref<!tpu.dma_semaphore, #tpu.memory_space<semaphore_mem>>) src(%dma_wait3A_40 : memref<30000xf32, #tpu.memory_space<hbm>>) dst(%dma_wait3A_38 : memref<30000xf32, #tpu.memory_space<vmem>>)
    %dma_wait3A_41 = tpu.memref_slice %arg2[%mul3A_2] : memref<1048576xi32, #tpu.memory_space<hbm>> -> memref<32768xi32, #tpu.memory_space<hbm>>
    %dma_wait3A_42 = tpu.memref_slice %arg2[%mul3A_2] : memref<1048576xi32, #tpu.memory_space<hbm>> -> memref<32768xi32, #tpu.memory_space<hbm>>
    tpu.wait_dma2 semaphore(%arg12 : memref<!tpu.dma_semaphore, #tpu.memory_space<semaphore_mem>>) src(%dma_wait3A_42 : memref<32768xi32, #tpu.memory_space<hbm>>) dst(%arg7 : memref<32768xi32, #tpu.memory_space<vmem>>)
    %add3A_43 = arith.constant 0 : i32
    %add3A_44 = arith.addi %mul3A_2, %add3A_43 : i32
    %parallel_loop3A_45 = arith.constant 0 : i32
    %parallel_loop3A_46 = arith.constant 128 : i32
    %parallel_loop3A_47 = arith.constant 1 : i32
    scf.for %parallel_loop3A_315 = %parallel_loop3A_45 to %parallel_loop3A_46 step %parallel_loop3A_47  : i32 {
      %parallel_loop3A_316 = arith.constant 16 : i32
      %parallel_loop3A_317 = arith.muli %parallel_loop3A_315, %parallel_loop3A_316 : i32
      %parallel_loop3A_318 = arith.constant 0 : i32
      %parallel_loop3A_319 = arith.addi %parallel_loop3A_318, %parallel_loop3A_317 : i32
      %parallel_loop3A_320 = arith.index_cast %parallel_loop3A_319 : i32 to index
      %parallel_loop3A_321 = tpu.vector_load %arg7[%parallel_loop3A_320] {strides = array<i32>} : memref<32768xi32, #tpu.memory_space<vmem>>, vector<16xi32>,
      %parallel_loop3A_322 = arith.constant 3 : i32
      %parallel_loop3A_323 = arith.shrsi %parallel_loop3A_315, %parallel_loop3A_322 : i32
      %parallel_loop3A_324 = arith.constant 512 : i32
      %parallel_loop3A_325 = arith.muli %parallel_loop3A_323, %parallel_loop3A_324 : i32
      %parallel_loop3A_326 = arith.constant 7 : i32
      %parallel_loop3A_327 = arith.andi %parallel_loop3A_315, %parallel_loop3A_326 : i32
      %parallel_loop3A_328 = arith.constant 16 : i32
      %parallel_loop3A_329 = arith.muli %parallel_loop3A_327, %parallel_loop3A_328 : i32
      %parallel_loop3A_330 = arith.addi %parallel_loop3A_325, %parallel_loop3A_329 : i32
      %parallel_loop3A_331 = vector.broadcast %parallel_loop3A_330 : i32 to vector<16xi32>
      %parallel_loop3A_332 = arith.addi %iota3A, %parallel_loop3A_331 : vector<16xi32>
      %parallel_loop3A_333 = arith.constant 128 : i32
      %parallel_loop3A_334 = vector.broadcast %parallel_loop3A_333 : i32 to vector<16xi32>
      %parallel_loop3A_335 = arith.addi %parallel_loop3A_332, %parallel_loop3A_334 : vector<16xi32>
      %parallel_loop3A_336 = arith.constant 256 : i32
      %parallel_loop3A_337 = vector.broadcast %parallel_loop3A_336 : i32 to vector<16xi32>
      %parallel_loop3A_338 = arith.addi %parallel_loop3A_332, %parallel_loop3A_337 : vector<16xi32>
      %parallel_loop3A_339 = tpu.vector_load_idx %arg6[%parallel_loop3A_321] : memref<60000xf32, #tpu.memory_space<vmem>>[vector<16xi32>], vector<16xf32>,
      tpu.vector_store_idx %arg10[%parallel_loop3A_332], %parallel_loop3A_339 : memref<8192xf32, #tpu.memory_space<vmem>>[vector<16xi32>], vector<16xf32>,
      %parallel_loop3A_340 = arith.constant 10000 : i32
      %parallel_loop3A_341 = vector.broadcast %parallel_loop3A_340 : i32 to vector<16xi32>
      %parallel_loop3A_342 = arith.addi %parallel_loop3A_321, %parallel_loop3A_341 : vector<16xi32>
      %parallel_loop3A_343 = tpu.vector_load_idx %arg6[%parallel_loop3A_342] : memref<60000xf32, #tpu.memory_space<vmem>>[vector<16xi32>], vector<16xf32>,
      tpu.vector_store_idx %arg10[%parallel_loop3A_335], %parallel_loop3A_343 : memref<8192xf32, #tpu.memory_space<vmem>>[vector<16xi32>], vector<16xf32>,
      %parallel_loop3A_344 = arith.constant 20000 : i32
      %parallel_loop3A_345 = vector.broadcast %parallel_loop3A_344 : i32 to vector<16xi32>
      %parallel_loop3A_346 = arith.addi %parallel_loop3A_321, %parallel_loop3A_345 : vector<16xi32>
      %parallel_loop3A_347 = tpu.vector_load_idx %arg6[%parallel_loop3A_346] : memref<60000xf32, #tpu.memory_space<vmem>>[vector<16xi32>], vector<16xf32>,
      tpu.vector_store_idx %arg10[%parallel_loop3A_338], %parallel_loop3A_347 : memref<8192xf32, #tpu.memory_space<vmem>>[vector<16xi32>], vector<16xf32>,
      %parallel_loop3A_348 = arith.constant 30000 : i32
      %parallel_loop3A_349 = vector.broadcast %parallel_loop3A_348 : i32 to vector<16xi32>
      %parallel_loop3A_350 = arith.addi %parallel_loop3A_321, %parallel_loop3A_349 : vector<16xi32>
      %parallel_loop3A_351 = tpu.vector_load_idx %arg6[%parallel_loop3A_350] : memref<60000xf32, #tpu.memory_space<vmem>>[vector<16xi32>], vector<16xf32>,
      tpu.vector_store_idx %arg8[%parallel_loop3A_332], %parallel_loop3A_351 : memref<8192xf32, #tpu.memory_space<vmem>>[vector<16xi32>], vector<16xf32>,
      %parallel_loop3A_352 = arith.constant 40000 : i32
      %parallel_loop3A_353 = vector.broadcast %parallel_loop3A_352 : i32 to vector<16xi32>
      %parallel_loop3A_354 = arith.addi %parallel_loop3A_321, %parallel_loop3A_353 : vector<16xi32>
      %parallel_loop3A_355 = tpu.vector_load_idx %arg6[%parallel_loop3A_354] : memref<60000xf32, #tpu.memory_space<vmem>>[vector<16xi32>], vector<16xf32>,
      tpu.vector_store_idx %arg8[%parallel_loop3A_335], %parallel_loop3A_355 : memref<8192xf32, #tpu.memory_space<vmem>>[vector<16xi32>], vector<16xf32>,
      %parallel_loop3A_356 = arith.constant 50000 : i32
      %parallel_loop3A_357 = vector.broadcast %parallel_loop3A_356 : i32 to vector<16xi32>
      %parallel_loop3A_358 = arith.addi %parallel_loop3A_321, %parallel_loop3A_357 : vector<16xi32>
      %parallel_loop3A_359 = tpu.vector_load_idx %arg6[%parallel_loop3A_358] : memref<60000xf32, #tpu.memory_space<vmem>>[vector<16xi32>], vector<16xf32>,
      tpu.vector_store_idx %arg8[%parallel_loop3A_338], %parallel_loop3A_359 : memref<8192xf32, #tpu.memory_space<vmem>>[vector<16xi32>], vector<16xf32>,
    } {sc.loop_unroll_factor = 4 : i64, sc.parallel_access}
    %mul3A_48 = arith.constant 4 : i32
    %mul3A_49 = arith.muli %add3A_44, %mul3A_48 : i32
    %dma_start3A_50 = tpu.memref_slice %arg4[%mul3A_49] : memref<4194304xf32, #tpu.memory_space<hbm>> -> memref<8192xf32, #tpu.memory_space<hbm>>
    %dma_start3A_51 = tpu.memref_slice %arg4[%mul3A_49] : memref<4194304xf32, #tpu.memory_space<hbm>> -> memref<8192xf32, #tpu.memory_space<hbm>>
    tpu.enqueue_dma source(%arg8 : memref<8192xf32, #tpu.memory_space<vmem>>) target(%dma_start3A_51 : memref<8192xf32, #tpu.memory_space<hbm>>) target_semaphore(%arg14 : memref<!tpu.dma_semaphore, #tpu.memory_space<semaphore_mem>>)
    %mul3A_52 = arith.constant 4 : i32
    %mul3A_53 = arith.muli %add3A_44, %mul3A_52 : i32
    %dma_start3A_54 = tpu.memref_slice %arg5[%mul3A_53] : memref<4194304xf32, #tpu.memory_space<hbm>> -> memref<8192xf32, #tpu.memory_space<hbm>>
    %dma_start3A_55 = tpu.memref_slice %arg5[%mul3A_53] : memref<4194304xf32, #tpu.memory_space<hbm>> -> memref<8192xf32, #tpu.memory_space<hbm>>
    tpu.enqueue_dma source(%arg10 : memref<8192xf32, #tpu.memory_space<vmem>>) target(%dma_start3A_55 : memref<8192xf32, #tpu.memory_space<hbm>>) target_semaphore(%arg16 : memref<!tpu.dma_semaphore, #tpu.memory_space<semaphore_mem>>)
    %add3A_56 = arith.constant 2048 : i32
    %add3A_57 = arith.addi %mul3A_2, %add3A_56 : i32
    %parallel_loop3A_58 = arith.constant 0 : i32
    %parallel_loop3A_59 = arith.constant 128 : i32
    %parallel_loop3A_60 = arith.constant 1 : i32
    scf.for %parallel_loop3A_315 = %parallel_loop3A_58 to %parallel_loop3A_59 step %parallel_loop3A_60  : i32 {
      %parallel_loop3A_316 = arith.constant 16 : i32
      %parallel_loop3A_317 = arith.muli %parallel_loop3A_315, %parallel_loop3A_316 : i32
      %parallel_loop3A_318 = arith.constant 2048 : i32
      %parallel_loop3A_319 = arith.addi %parallel_loop3A_318, %parallel_loop3A_317 : i32
      %parallel_loop3A_320 = arith.index_cast %parallel_loop3A_319 : i32 to index
      %parallel_loop3A_321 = tpu.vector_load %arg7[%parallel_loop3A_320] {strides = array<i32>} : memref<32768xi32, #tpu.memory_space<vmem>>, vector<16xi32>,
      %parallel_loop3A_322 = arith.constant 3 : i32
      %parallel_loop3A_323 = arith.shrsi %parallel_loop3A_315, %parallel_loop3A_322 : i32
      %parallel_loop3A_324 = arith.constant 512 : i32
      %parallel_loop3A_325 = arith.muli %parallel_loop3A_323, %parallel_loop3A_324 : i32
      %parallel_loop3A_326 = arith.constant 7 : i32
      %parallel_loop3A_327 = arith.andi %parallel_loop3A_315, %parallel_loop3A_326 : i32
      %parallel_loop3A_328 = arith.constant 16 : i32
      %parallel_loop3A_329 = arith.muli %parallel_loop3A_327, %parallel_loop3A_328 : i32
      %parallel_loop3A_330 = arith.addi %parallel_loop3A_325, %parallel_loop3A_329 : i32
      %parallel_loop3A_331 = vector.broadcast %parallel_loop3A_330 : i32 to vector<16xi32>
      %parallel_loop3A_332 = arith.addi %iota3A, %parallel_loop3A_331 : vector<16xi32>
      %parallel_loop3A_333 = arith.constant 128 : i32
      %parallel_loop3A_334 = vector.broadcast %parallel_loop3A_333 : i32 to vector<16xi32>
      %parallel_loop3A_335 = arith.addi %parallel_loop3A_332, %parallel_loop3A_334 : vector<16xi32>
      %parallel_loop3A_336 = arith.constant 256 : i32
      %parallel_loop3A_337 = vector.broadcast %parallel_loop3A_336 : i32 to vector<16xi32>
      %parallel_loop3A_338 = arith.addi %parallel_loop3A_332, %parallel_loop3A_337 : vector<16xi32>
      %parallel_loop3A_339 = tpu.vector_load_idx %arg6[%parallel_loop3A_321] : memref<60000xf32, #tpu.memory_space<vmem>>[vector<16xi32>], vector<16xf32>,
      tpu.vector_store_idx %arg11[%parallel_loop3A_332], %parallel_loop3A_339 : memref<8192xf32, #tpu.memory_space<vmem>>[vector<16xi32>], vector<16xf32>,
      %parallel_loop3A_340 = arith.constant 10000 : i32
      %parallel_loop3A_341 = vector.broadcast %parallel_loop3A_340 : i32 to vector<16xi32>
      %parallel_loop3A_342 = arith.addi %parallel_loop3A_321, %parallel_loop3A_341 : vector<16xi32>
      %parallel_loop3A_343 = tpu.vector_load_idx %arg6[%parallel_loop3A_342] : memref<60000xf32, #tpu.memory_space<vmem>>[vector<16xi32>], vector<16xf32>,
      tpu.vector_store_idx %arg11[%parallel_loop3A_335], %parallel_loop3A_343 : memref<8192xf32, #tpu.memory_space<vmem>>[vector<16xi32>], vector<16xf32>,
      %parallel_loop3A_344 = arith.constant 20000 : i32
      %parallel_loop3A_345 = vector.broadcast %parallel_loop3A_344 : i32 to vector<16xi32>
      %parallel_loop3A_346 = arith.addi %parallel_loop3A_321, %parallel_loop3A_345 : vector<16xi32>
      %parallel_loop3A_347 = tpu.vector_load_idx %arg6[%parallel_loop3A_346] : memref<60000xf32, #tpu.memory_space<vmem>>[vector<16xi32>], vector<16xf32>,
      tpu.vector_store_idx %arg11[%parallel_loop3A_338], %parallel_loop3A_347 : memref<8192xf32, #tpu.memory_space<vmem>>[vector<16xi32>], vector<16xf32>,
      %parallel_loop3A_348 = arith.constant 30000 : i32
      %parallel_loop3A_349 = vector.broadcast %parallel_loop3A_348 : i32 to vector<16xi32>
      %parallel_loop3A_350 = arith.addi %parallel_loop3A_321, %parallel_loop3A_349 : vector<16xi32>
      %parallel_loop3A_351 = tpu.vector_load_idx %arg6[%parallel_loop3A_350] : memref<60000xf32, #tpu.memory_space<vmem>>[vector<16xi32>], vector<16xf32>,
      tpu.vector_store_idx %arg9[%parallel_loop3A_332], %parallel_loop3A_351 : memref<8192xf32, #tpu.memory_space<vmem>>[vector<16xi32>], vector<16xf32>,
      %parallel_loop3A_352 = arith.constant 40000 : i32
      %parallel_loop3A_353 = vector.broadcast %parallel_loop3A_352 : i32 to vector<16xi32>
      %parallel_loop3A_354 = arith.addi %parallel_loop3A_321, %parallel_loop3A_353 : vector<16xi32>
      %parallel_loop3A_355 = tpu.vector_load_idx %arg6[%parallel_loop3A_354] : memref<60000xf32, #tpu.memory_space<vmem>>[vector<16xi32>], vector<16xf32>,
      tpu.vector_store_idx %arg9[%parallel_loop3A_335], %parallel_loop3A_355 : memref<8192xf32, #tpu.memory_space<vmem>>[vector<16xi32>], vector<16xf32>,
      %parallel_loop3A_356 = arith.constant 50000 : i32
      %parallel_loop3A_357 = vector.broadcast %parallel_loop3A_356 : i32 to vector<16xi32>
      %parallel_loop3A_358 = arith.addi %parallel_loop3A_321, %parallel_loop3A_357 : vector<16xi32>
      %parallel_loop3A_359 = tpu.vector_load_idx %arg6[%parallel_loop3A_358] : memref<60000xf32, #tpu.memory_space<vmem>>[vector<16xi32>], vector<16xf32>,
      tpu.vector_store_idx %arg9[%parallel_loop3A_338], %parallel_loop3A_359 : memref<8192xf32, #tpu.memory_space<vmem>>[vector<16xi32>], vector<16xf32>,
    } {sc.loop_unroll_factor = 4 : i64, sc.parallel_access}
    %mul3A_61 = arith.constant 4 : i32
    %mul3A_62 = arith.muli %add3A_57, %mul3A_61 : i32
    %dma_start3A_63 = tpu.memref_slice %arg4[%mul3A_62] : memref<4194304xf32, #tpu.memory_space<hbm>> -> memref<8192xf32, #tpu.memory_space<hbm>>
    %dma_start3A_64 = tpu.memref_slice %arg4[%mul3A_62] : memref<4194304xf32, #tpu.memory_space<hbm>> -> memref<8192xf32, #tpu.memory_space<hbm>>
    tpu.enqueue_dma source(%arg9 : memref<8192xf32, #tpu.memory_space<vmem>>) target(%dma_start3A_64 : memref<8192xf32, #tpu.memory_space<hbm>>) target_semaphore(%arg15 : memref<!tpu.dma_semaphore, #tpu.memory_space<semaphore_mem>>)
    %mul3A_65 = arith.constant 4 : i32
    %mul3A_66 = arith.muli %add3A_57, %mul3A_65 : i32
    %dma_start3A_67 = tpu.memref_slice %arg5[%mul3A_66] : memref<4194304xf32, #tpu.memory_space<hbm>> -> memref<8192xf32, #tpu.memory_space<hbm>>
    %dma_start3A_68 = tpu.memref_slice %arg5[%mul3A_66] : memref<4194304xf32, #tpu.memory_space<hbm>> -> memref<8192xf32, #tpu.memory_space<hbm>>
    tpu.enqueue_dma source(%arg11 : memref<8192xf32, #tpu.memory_space<vmem>>) target(%dma_start3A_68 : memref<8192xf32, #tpu.memory_space<hbm>>) target_semaphore(%arg17 : memref<!tpu.dma_semaphore, #tpu.memory_space<semaphore_mem>>)
    %add3A_69 = arith.constant 4096 : i32
    %add3A_70 = arith.addi %mul3A_2, %add3A_69 : i32
    %dma_wait3A_71 = tpu.memref_slice %arg4[%mul3A_49] : memref<4194304xf32, #tpu.memory_space<hbm>> -> memref<8192xf32, #tpu.memory_space<hbm>>
    %dma_wait3A_72 = tpu.memref_slice %arg4[%mul3A_49] : memref<4194304xf32, #tpu.memory_space<hbm>> -> memref<8192xf32, #tpu.memory_space<hbm>>
    tpu.wait_dma2 semaphore(%arg14 : memref<!tpu.dma_semaphore, #tpu.memory_space<semaphore_mem>>) src(%arg8 : memref<8192xf32, #tpu.memory_space<vmem>>) dst(%dma_wait3A_72 : memref<8192xf32, #tpu.memory_space<hbm>>)
    %dma_wait3A_73 = tpu.memref_slice %arg5[%mul3A_53] : memref<4194304xf32, #tpu.memory_space<hbm>> -> memref<8192xf32, #tpu.memory_space<hbm>>
    %dma_wait3A_74 = tpu.memref_slice %arg5[%mul3A_53] : memref<4194304xf32, #tpu.memory_space<hbm>> -> memref<8192xf32, #tpu.memory_space<hbm>>
    tpu.wait_dma2 semaphore(%arg16 : memref<!tpu.dma_semaphore, #tpu.memory_space<semaphore_mem>>) src(%arg10 : memref<8192xf32, #tpu.memory_space<vmem>>) dst(%dma_wait3A_74 : memref<8192xf32, #tpu.memory_space<hbm>>)
    %parallel_loop3A_75 = arith.constant 0 : i32
    %parallel_loop3A_76 = arith.constant 128 : i32
    %parallel_loop3A_77 = arith.constant 1 : i32
    scf.for %parallel_loop3A_315 = %parallel_loop3A_75 to %parallel_loop3A_76 step %parallel_loop3A_77  : i32 {
      %parallel_loop3A_316 = arith.constant 16 : i32
      %parallel_loop3A_317 = arith.muli %parallel_loop3A_315, %parallel_loop3A_316 : i32
      %parallel_loop3A_318 = arith.constant 4096 : i32
      %parallel_loop3A_319 = arith.addi %parallel_loop3A_318, %parallel_loop3A_317 : i32
      %parallel_loop3A_320 = arith.index_cast %parallel_loop3A_319 : i32 to index
      %parallel_loop3A_321 = tpu.vector_load %arg7[%parallel_loop3A_320] {strides = array<i32>} : memref<32768xi32, #tpu.memory_space<vmem>>, vector<16xi32>,
      %parallel_loop3A_322 = arith.constant 3 : i32
      %parallel_loop3A_323 = arith.shrsi %parallel_loop3A_315, %parallel_loop3A_322 : i32
      %parallel_loop3A_324 = arith.constant 512 : i32
      %parallel_loop3A_325 = arith.muli %parallel_loop3A_323, %parallel_loop3A_324 : i32
      %parallel_loop3A_326 = arith.constant 7 : i32
      %parallel_loop3A_327 = arith.andi %parallel_loop3A_315, %parallel_loop3A_326 : i32
      %parallel_loop3A_328 = arith.constant 16 : i32
      %parallel_loop3A_329 = arith.muli %parallel_loop3A_327, %parallel_loop3A_328 : i32
      %parallel_loop3A_330 = arith.addi %parallel_loop3A_325, %parallel_loop3A_329 : i32
      %parallel_loop3A_331 = vector.broadcast %parallel_loop3A_330 : i32 to vector<16xi32>
      %parallel_loop3A_332 = arith.addi %iota3A, %parallel_loop3A_331 : vector<16xi32>
      %parallel_loop3A_333 = arith.constant 128 : i32
      %parallel_loop3A_334 = vector.broadcast %parallel_loop3A_333 : i32 to vector<16xi32>
      %parallel_loop3A_335 = arith.addi %parallel_loop3A_332, %parallel_loop3A_334 : vector<16xi32>
      %parallel_loop3A_336 = arith.constant 256 : i32
      %parallel_loop3A_337 = vector.broadcast %parallel_loop3A_336 : i32 to vector<16xi32>
      %parallel_loop3A_338 = arith.addi %parallel_loop3A_332, %parallel_loop3A_337 : vector<16xi32>
      %parallel_loop3A_339 = tpu.vector_load_idx %arg6[%parallel_loop3A_321] : memref<60000xf32, #tpu.memory_space<vmem>>[vector<16xi32>], vector<16xf32>,
      tpu.vector_store_idx %arg10[%parallel_loop3A_332], %parallel_loop3A_339 : memref<8192xf32, #tpu.memory_space<vmem>>[vector<16xi32>], vector<16xf32>,
      %parallel_loop3A_340 = arith.constant 10000 : i32
      %parallel_loop3A_341 = vector.broadcast %parallel_loop3A_340 : i32 to vector<16xi32>
      %parallel_loop3A_342 = arith.addi %parallel_loop3A_321, %parallel_loop3A_341 : vector<16xi32>
      %parallel_loop3A_343 = tpu.vector_load_idx %arg6[%parallel_loop3A_342] : memref<60000xf32, #tpu.memory_space<vmem>>[vector<16xi32>], vector<16xf32>,
      tpu.vector_store_idx %arg10[%parallel_loop3A_335], %parallel_loop3A_343 : memref<8192xf32, #tpu.memory_space<vmem>>[vector<16xi32>], vector<16xf32>,
      %parallel_loop3A_344 = arith.constant 20000 : i32
      %parallel_loop3A_345 = vector.broadcast %parallel_loop3A_344 : i32 to vector<16xi32>
      %parallel_loop3A_346 = arith.addi %parallel_loop3A_321, %parallel_loop3A_345 : vector<16xi32>
      %parallel_loop3A_347 = tpu.vector_load_idx %arg6[%parallel_loop3A_346] : memref<60000xf32, #tpu.memory_space<vmem>>[vector<16xi32>], vector<16xf32>,
      tpu.vector_store_idx %arg10[%parallel_loop3A_338], %parallel_loop3A_347 : memref<8192xf32, #tpu.memory_space<vmem>>[vector<16xi32>], vector<16xf32>,
      %parallel_loop3A_348 = arith.constant 30000 : i32
      %parallel_loop3A_349 = vector.broadcast %parallel_loop3A_348 : i32 to vector<16xi32>
      %parallel_loop3A_350 = arith.addi %parallel_loop3A_321, %parallel_loop3A_349 : vector<16xi32>
      %parallel_loop3A_351 = tpu.vector_load_idx %arg6[%parallel_loop3A_350] : memref<60000xf32, #tpu.memory_space<vmem>>[vector<16xi32>], vector<16xf32>,
      tpu.vector_store_idx %arg8[%parallel_loop3A_332], %parallel_loop3A_351 : memref<8192xf32, #tpu.memory_space<vmem>>[vector<16xi32>], vector<16xf32>,
      %parallel_loop3A_352 = arith.constant 40000 : i32
      %parallel_loop3A_353 = vector.broadcast %parallel_loop3A_352 : i32 to vector<16xi32>
      %parallel_loop3A_354 = arith.addi %parallel_loop3A_321, %parallel_loop3A_353 : vector<16xi32>
      %parallel_loop3A_355 = tpu.vector_load_idx %arg6[%parallel_loop3A_354] : memref<60000xf32, #tpu.memory_space<vmem>>[vector<16xi32>], vector<16xf32>,
      tpu.vector_store_idx %arg8[%parallel_loop3A_335], %parallel_loop3A_355 : memref<8192xf32, #tpu.memory_space<vmem>>[vector<16xi32>], vector<16xf32>,
      %parallel_loop3A_356 = arith.constant 50000 : i32
      %parallel_loop3A_357 = vector.broadcast %parallel_loop3A_356 : i32 to vector<16xi32>
      %parallel_loop3A_358 = arith.addi %parallel_loop3A_321, %parallel_loop3A_357 : vector<16xi32>
      %parallel_loop3A_359 = tpu.vector_load_idx %arg6[%parallel_loop3A_358] : memref<60000xf32, #tpu.memory_space<vmem>>[vector<16xi32>], vector<16xf32>,
      tpu.vector_store_idx %arg8[%parallel_loop3A_338], %parallel_loop3A_359 : memref<8192xf32, #tpu.memory_space<vmem>>[vector<16xi32>], vector<16xf32>,
    } {sc.loop_unroll_factor = 4 : i64, sc.parallel_access}
    %mul3A_78 = arith.constant 4 : i32
    %mul3A_79 = arith.muli %add3A_70, %mul3A_78 : i32
    %dma_start3A_80 = tpu.memref_slice %arg4[%mul3A_79] : memref<4194304xf32, #tpu.memory_space<hbm>> -> memref<8192xf32, #tpu.memory_space<hbm>>
    %dma_start3A_81 = tpu.memref_slice %arg4[%mul3A_79] : memref<4194304xf32, #tpu.memory_space<hbm>> -> memref<8192xf32, #tpu.memory_space<hbm>>
    tpu.enqueue_dma source(%arg8 : memref<8192xf32, #tpu.memory_space<vmem>>) target(%dma_start3A_81 : memref<8192xf32, #tpu.memory_space<hbm>>) target_semaphore(%arg14 : memref<!tpu.dma_semaphore, #tpu.memory_space<semaphore_mem>>)
    %mul3A_82 = arith.constant 4 : i32
    %mul3A_83 = arith.muli %add3A_70, %mul3A_82 : i32
    %dma_start3A_84 = tpu.memref_slice %arg5[%mul3A_83] : memref<4194304xf32, #tpu.memory_space<hbm>> -> memref<8192xf32, #tpu.memory_space<hbm>>
    %dma_start3A_85 = tpu.memref_slice %arg5[%mul3A_83] : memref<4194304xf32, #tpu.memory_space<hbm>> -> memref<8192xf32, #tpu.memory_space<hbm>>
    tpu.enqueue_dma source(%arg10 : memref<8192xf32, #tpu.memory_space<vmem>>) target(%dma_start3A_85 : memref<8192xf32, #tpu.memory_space<hbm>>) target_semaphore(%arg16 : memref<!tpu.dma_semaphore, #tpu.memory_space<semaphore_mem>>)
    %add3A_86 = arith.constant 6144 : i32
    %add3A_87 = arith.addi %mul3A_2, %add3A_86 : i32
    %dma_wait3A_88 = tpu.memref_slice %arg4[%mul3A_62] : memref<4194304xf32, #tpu.memory_space<hbm>> -> memref<8192xf32, #tpu.memory_space<hbm>>
    %dma_wait3A_89 = tpu.memref_slice %arg4[%mul3A_62] : memref<4194304xf32, #tpu.memory_space<hbm>> -> memref<8192xf32, #tpu.memory_space<hbm>>
    tpu.wait_dma2 semaphore(%arg15 : memref<!tpu.dma_semaphore, #tpu.memory_space<semaphore_mem>>) src(%arg9 : memref<8192xf32, #tpu.memory_space<vmem>>) dst(%dma_wait3A_89 : memref<8192xf32, #tpu.memory_space<hbm>>)
    %dma_wait3A_90 = tpu.memref_slice %arg5[%mul3A_66] : memref<4194304xf32, #tpu.memory_space<hbm>> -> memref<8192xf32, #tpu.memory_space<hbm>>
    %dma_wait3A_91 = tpu.memref_slice %arg5[%mul3A_66] : memref<4194304xf32, #tpu.memory_space<hbm>> -> memref<8192xf32, #tpu.memory_space<hbm>>
    tpu.wait_dma2 semaphore(%arg17 : memref<!tpu.dma_semaphore, #tpu.memory_space<semaphore_mem>>) src(%arg11 : memref<8192xf32, #tpu.memory_space<vmem>>) dst(%dma_wait3A_91 : memref<8192xf32, #tpu.memory_space<hbm>>)
    %parallel_loop3A_92 = arith.constant 0 : i32
    %parallel_loop3A_93 = arith.constant 128 : i32
    %parallel_loop3A_94 = arith.constant 1 : i32
    scf.for %parallel_loop3A_315 = %parallel_loop3A_92 to %parallel_loop3A_93 step %parallel_loop3A_94  : i32 {
      %parallel_loop3A_316 = arith.constant 16 : i32
      %parallel_loop3A_317 = arith.muli %parallel_loop3A_315, %parallel_loop3A_316 : i32
      %parallel_loop3A_318 = arith.constant 6144 : i32
      %parallel_loop3A_319 = arith.addi %parallel_loop3A_318, %parallel_loop3A_317 : i32
      %parallel_loop3A_320 = arith.index_cast %parallel_loop3A_319 : i32 to index
      %parallel_loop3A_321 = tpu.vector_load %arg7[%parallel_loop3A_320] {strides = array<i32>} : memref<32768xi32, #tpu.memory_space<vmem>>, vector<16xi32>,
      %parallel_loop3A_322 = arith.constant 3 : i32
      %parallel_loop3A_323 = arith.shrsi %parallel_loop3A_315, %parallel_loop3A_322 : i32
      %parallel_loop3A_324 = arith.constant 512 : i32
      %parallel_loop3A_325 = arith.muli %parallel_loop3A_323, %parallel_loop3A_324 : i32
      %parallel_loop3A_326 = arith.constant 7 : i32
      %parallel_loop3A_327 = arith.andi %parallel_loop3A_315, %parallel_loop3A_326 : i32
      %parallel_loop3A_328 = arith.constant 16 : i32
      %parallel_loop3A_329 = arith.muli %parallel_loop3A_327, %parallel_loop3A_328 : i32
      %parallel_loop3A_330 = arith.addi %parallel_loop3A_325, %parallel_loop3A_329 : i32
      %parallel_loop3A_331 = vector.broadcast %parallel_loop3A_330 : i32 to vector<16xi32>
      %parallel_loop3A_332 = arith.addi %iota3A, %parallel_loop3A_331 : vector<16xi32>
      %parallel_loop3A_333 = arith.constant 128 : i32
      %parallel_loop3A_334 = vector.broadcast %parallel_loop3A_333 : i32 to vector<16xi32>
      %parallel_loop3A_335 = arith.addi %parallel_loop3A_332, %parallel_loop3A_334 : vector<16xi32>
      %parallel_loop3A_336 = arith.constant 256 : i32
      %parallel_loop3A_337 = vector.broadcast %parallel_loop3A_336 : i32 to vector<16xi32>
      %parallel_loop3A_338 = arith.addi %parallel_loop3A_332, %parallel_loop3A_337 : vector<16xi32>
      %parallel_loop3A_339 = tpu.vector_load_idx %arg6[%parallel_loop3A_321] : memref<60000xf32, #tpu.memory_space<vmem>>[vector<16xi32>], vector<16xf32>,
      tpu.vector_store_idx %arg11[%parallel_loop3A_332], %parallel_loop3A_339 : memref<8192xf32, #tpu.memory_space<vmem>>[vector<16xi32>], vector<16xf32>,
      %parallel_loop3A_340 = arith.constant 10000 : i32
      %parallel_loop3A_341 = vector.broadcast %parallel_loop3A_340 : i32 to vector<16xi32>
      %parallel_loop3A_342 = arith.addi %parallel_loop3A_321, %parallel_loop3A_341 : vector<16xi32>
      %parallel_loop3A_343 = tpu.vector_load_idx %arg6[%parallel_loop3A_342] : memref<60000xf32, #tpu.memory_space<vmem>>[vector<16xi32>], vector<16xf32>,
      tpu.vector_store_idx %arg11[%parallel_loop3A_335], %parallel_loop3A_343 : memref<8192xf32, #tpu.memory_space<vmem>>[vector<16xi32>], vector<16xf32>,
      %parallel_loop3A_344 = arith.constant 20000 : i32
      %parallel_loop3A_345 = vector.broadcast %parallel_loop3A_344 : i32 to vector<16xi32>
      %parallel_loop3A_346 = arith.addi %parallel_loop3A_321, %parallel_loop3A_345 : vector<16xi32>
      %parallel_loop3A_347 = tpu.vector_load_idx %arg6[%parallel_loop3A_346] : memref<60000xf32, #tpu.memory_space<vmem>>[vector<16xi32>], vector<16xf32>,
      tpu.vector_store_idx %arg11[%parallel_loop3A_338], %parallel_loop3A_347 : memref<8192xf32, #tpu.memory_space<vmem>>[vector<16xi32>], vector<16xf32>,
      %parallel_loop3A_348 = arith.constant 30000 : i32
      %parallel_loop3A_349 = vector.broadcast %parallel_loop3A_348 : i32 to vector<16xi32>
      %parallel_loop3A_350 = arith.addi %parallel_loop3A_321, %parallel_loop3A_349 : vector<16xi32>
      %parallel_loop3A_351 = tpu.vector_load_idx %arg6[%parallel_loop3A_350] : memref<60000xf32, #tpu.memory_space<vmem>>[vector<16xi32>], vector<16xf32>,
      tpu.vector_store_idx %arg9[%parallel_loop3A_332], %parallel_loop3A_351 : memref<8192xf32, #tpu.memory_space<vmem>>[vector<16xi32>], vector<16xf32>,
      %parallel_loop3A_352 = arith.constant 40000 : i32
      %parallel_loop3A_353 = vector.broadcast %parallel_loop3A_352 : i32 to vector<16xi32>
      %parallel_loop3A_354 = arith.addi %parallel_loop3A_321, %parallel_loop3A_353 : vector<16xi32>
      %parallel_loop3A_355 = tpu.vector_load_idx %arg6[%parallel_loop3A_354] : memref<60000xf32, #tpu.memory_space<vmem>>[vector<16xi32>], vector<16xf32>,
      tpu.vector_store_idx %arg9[%parallel_loop3A_335], %parallel_loop3A_355 : memref<8192xf32, #tpu.memory_space<vmem>>[vector<16xi32>], vector<16xf32>,
      %parallel_loop3A_356 = arith.constant 50000 : i32
      %parallel_loop3A_357 = vector.broadcast %parallel_loop3A_356 : i32 to vector<16xi32>
      %parallel_loop3A_358 = arith.addi %parallel_loop3A_321, %parallel_loop3A_357 : vector<16xi32>
      %parallel_loop3A_359 = tpu.vector_load_idx %arg6[%parallel_loop3A_358] : memref<60000xf32, #tpu.memory_space<vmem>>[vector<16xi32>], vector<16xf32>,
      tpu.vector_store_idx %arg9[%parallel_loop3A_338], %parallel_loop3A_359 : memref<8192xf32, #tpu.memory_space<vmem>>[vector<16xi32>], vector<16xf32>,
    } {sc.loop_unroll_factor = 4 : i64, sc.parallel_access}
    %mul3A_95 = arith.constant 4 : i32
    %mul3A_96 = arith.muli %add3A_87, %mul3A_95 : i32
    %dma_start3A_97 = tpu.memref_slice %arg4[%mul3A_96] : memref<4194304xf32, #tpu.memory_space<hbm>> -> memref<8192xf32, #tpu.memory_space<hbm>>
    %dma_start3A_98 = tpu.memref_slice %arg4[%mul3A_96] : memref<4194304xf32, #tpu.memory_space<hbm>> -> memref<8192xf32, #tpu.memory_space<hbm>>
    tpu.enqueue_dma source(%arg9 : memref<8192xf32, #tpu.memory_space<vmem>>) target(%dma_start3A_98 : memref<8192xf32, #tpu.memory_space<hbm>>) target_semaphore(%arg15 : memref<!tpu.dma_semaphore, #tpu.memory_space<semaphore_mem>>)
    %mul3A_99 = arith.constant 4 : i32
    %mul3A_100 = arith.muli %add3A_87, %mul3A_99 : i32
    %dma_start3A_101 = tpu.memref_slice %arg5[%mul3A_100] : memref<4194304xf32, #tpu.memory_space<hbm>> -> memref<8192xf32, #tpu.memory_space<hbm>>
    %dma_start3A_102 = tpu.memref_slice %arg5[%mul3A_100] : memref<4194304xf32, #tpu.memory_space<hbm>> -> memref<8192xf32, #tpu.memory_space<hbm>>
    tpu.enqueue_dma source(%arg11 : memref<8192xf32, #tpu.memory_space<vmem>>) target(%dma_start3A_102 : memref<8192xf32, #tpu.memory_space<hbm>>) target_semaphore(%arg17 : memref<!tpu.dma_semaphore, #tpu.memory_space<semaphore_mem>>)
    %add3A_103 = arith.constant 8192 : i32
    %add3A_104 = arith.addi %mul3A_2, %add3A_103 : i32
    %dma_wait3A_105 = tpu.memref_slice %arg4[%mul3A_79] : memref<4194304xf32, #tpu.memory_space<hbm>> -> memref<8192xf32, #tpu.memory_space<hbm>>
    %dma_wait3A_106 = tpu.memref_slice %arg4[%mul3A_79] : memref<4194304xf32, #tpu.memory_space<hbm>> -> memref<8192xf32, #tpu.memory_space<hbm>>
    tpu.wait_dma2 semaphore(%arg14 : memref<!tpu.dma_semaphore, #tpu.memory_space<semaphore_mem>>) src(%arg8 : memref<8192xf32, #tpu.memory_space<vmem>>) dst(%dma_wait3A_106 : memref<8192xf32, #tpu.memory_space<hbm>>)
    %dma_wait3A_107 = tpu.memref_slice %arg5[%mul3A_83] : memref<4194304xf32, #tpu.memory_space<hbm>> -> memref<8192xf32, #tpu.memory_space<hbm>>
    %dma_wait3A_108 = tpu.memref_slice %arg5[%mul3A_83] : memref<4194304xf32, #tpu.memory_space<hbm>> -> memref<8192xf32, #tpu.memory_space<hbm>>
    tpu.wait_dma2 semaphore(%arg16 : memref<!tpu.dma_semaphore, #tpu.memory_space<semaphore_mem>>) src(%arg10 : memref<8192xf32, #tpu.memory_space<vmem>>) dst(%dma_wait3A_108 : memref<8192xf32, #tpu.memory_space<hbm>>)
    %parallel_loop3A_109 = arith.constant 0 : i32
    %parallel_loop3A_110 = arith.constant 128 : i32
    %parallel_loop3A_111 = arith.constant 1 : i32
    scf.for %parallel_loop3A_315 = %parallel_loop3A_109 to %parallel_loop3A_110 step %parallel_loop3A_111  : i32 {
      %parallel_loop3A_316 = arith.constant 16 : i32
      %parallel_loop3A_317 = arith.muli %parallel_loop3A_315, %parallel_loop3A_316 : i32
      %parallel_loop3A_318 = arith.constant 8192 : i32
      %parallel_loop3A_319 = arith.addi %parallel_loop3A_318, %parallel_loop3A_317 : i32
      %parallel_loop3A_320 = arith.index_cast %parallel_loop3A_319 : i32 to index
      %parallel_loop3A_321 = tpu.vector_load %arg7[%parallel_loop3A_320] {strides = array<i32>} : memref<32768xi32, #tpu.memory_space<vmem>>, vector<16xi32>,
      %parallel_loop3A_322 = arith.constant 3 : i32
      %parallel_loop3A_323 = arith.shrsi %parallel_loop3A_315, %parallel_loop3A_322 : i32
      %parallel_loop3A_324 = arith.constant 512 : i32
      %parallel_loop3A_325 = arith.muli %parallel_loop3A_323, %parallel_loop3A_324 : i32
      %parallel_loop3A_326 = arith.constant 7 : i32
      %parallel_loop3A_327 = arith.andi %parallel_loop3A_315, %parallel_loop3A_326 : i32
      %parallel_loop3A_328 = arith.constant 16 : i32
      %parallel_loop3A_329 = arith.muli %parallel_loop3A_327, %parallel_loop3A_328 : i32
      %parallel_loop3A_330 = arith.addi %parallel_loop3A_325, %parallel_loop3A_329 : i32
      %parallel_loop3A_331 = vector.broadcast %parallel_loop3A_330 : i32 to vector<16xi32>
      %parallel_loop3A_332 = arith.addi %iota3A, %parallel_loop3A_331 : vector<16xi32>
      %parallel_loop3A_333 = arith.constant 128 : i32
      %parallel_loop3A_334 = vector.broadcast %parallel_loop3A_333 : i32 to vector<16xi32>
      %parallel_loop3A_335 = arith.addi %parallel_loop3A_332, %parallel_loop3A_334 : vector<16xi32>
      %parallel_loop3A_336 = arith.constant 256 : i32
      %parallel_loop3A_337 = vector.broadcast %parallel_loop3A_336 : i32 to vector<16xi32>
      %parallel_loop3A_338 = arith.addi %parallel_loop3A_332, %parallel_loop3A_337 : vector<16xi32>
      %parallel_loop3A_339 = tpu.vector_load_idx %arg6[%parallel_loop3A_321] : memref<60000xf32, #tpu.memory_space<vmem>>[vector<16xi32>], vector<16xf32>,
      tpu.vector_store_idx %arg10[%parallel_loop3A_332], %parallel_loop3A_339 : memref<8192xf32, #tpu.memory_space<vmem>>[vector<16xi32>], vector<16xf32>,
      %parallel_loop3A_340 = arith.constant 10000 : i32
      %parallel_loop3A_341 = vector.broadcast %parallel_loop3A_340 : i32 to vector<16xi32>
      %parallel_loop3A_342 = arith.addi %parallel_loop3A_321, %parallel_loop3A_341 : vector<16xi32>
      %parallel_loop3A_343 = tpu.vector_load_idx %arg6[%parallel_loop3A_342] : memref<60000xf32, #tpu.memory_space<vmem>>[vector<16xi32>], vector<16xf32>,
      tpu.vector_store_idx %arg10[%parallel_loop3A_335], %parallel_loop3A_343 : memref<8192xf32, #tpu.memory_space<vmem>>[vector<16xi32>], vector<16xf32>,
      %parallel_loop3A_344 = arith.constant 20000 : i32
      %parallel_loop3A_345 = vector.broadcast %parallel_loop3A_344 : i32 to vector<16xi32>
      %parallel_loop3A_346 = arith.addi %parallel_loop3A_321, %parallel_loop3A_345 : vector<16xi32>
      %parallel_loop3A_347 = tpu.vector_load_idx %arg6[%parallel_loop3A_346] : memref<60000xf32, #tpu.memory_space<vmem>>[vector<16xi32>], vector<16xf32>,
      tpu.vector_store_idx %arg10[%parallel_loop3A_338], %parallel_loop3A_347 : memref<8192xf32, #tpu.memory_space<vmem>>[vector<16xi32>], vector<16xf32>,
      %parallel_loop3A_348 = arith.constant 30000 : i32
      %parallel_loop3A_349 = vector.broadcast %parallel_loop3A_348 : i32 to vector<16xi32>
      %parallel_loop3A_350 = arith.addi %parallel_loop3A_321, %parallel_loop3A_349 : vector<16xi32>
      %parallel_loop3A_351 = tpu.vector_load_idx %arg6[%parallel_loop3A_350] : memref<60000xf32, #tpu.memory_space<vmem>>[vector<16xi32>], vector<16xf32>,
      tpu.vector_store_idx %arg8[%parallel_loop3A_332], %parallel_loop3A_351 : memref<8192xf32, #tpu.memory_space<vmem>>[vector<16xi32>], vector<16xf32>,
      %parallel_loop3A_352 = arith.constant 40000 : i32
      %parallel_loop3A_353 = vector.broadcast %parallel_loop3A_352 : i32 to vector<16xi32>
      %parallel_loop3A_354 = arith.addi %parallel_loop3A_321, %parallel_loop3A_353 : vector<16xi32>
      %parallel_loop3A_355 = tpu.vector_load_idx %arg6[%parallel_loop3A_354] : memref<60000xf32, #tpu.memory_space<vmem>>[vector<16xi32>], vector<16xf32>,
      tpu.vector_store_idx %arg8[%parallel_loop3A_335], %parallel_loop3A_355 : memref<8192xf32, #tpu.memory_space<vmem>>[vector<16xi32>], vector<16xf32>,
      %parallel_loop3A_356 = arith.constant 50000 : i32
      %parallel_loop3A_357 = vector.broadcast %parallel_loop3A_356 : i32 to vector<16xi32>
      %parallel_loop3A_358 = arith.addi %parallel_loop3A_321, %parallel_loop3A_357 : vector<16xi32>
      %parallel_loop3A_359 = tpu.vector_load_idx %arg6[%parallel_loop3A_358] : memref<60000xf32, #tpu.memory_space<vmem>>[vector<16xi32>], vector<16xf32>,
      tpu.vector_store_idx %arg8[%parallel_loop3A_338], %parallel_loop3A_359 : memref<8192xf32, #tpu.memory_space<vmem>>[vector<16xi32>], vector<16xf32>,
    } {sc.loop_unroll_factor = 4 : i64, sc.parallel_access}
    %mul3A_112 = arith.constant 4 : i32
    %mul3A_113 = arith.muli %add3A_104, %mul3A_112 : i32
    %dma_start3A_114 = tpu.memref_slice %arg4[%mul3A_113] : memref<4194304xf32, #tpu.memory_space<hbm>> -> memref<8192xf32, #tpu.memory_space<hbm>>
    %dma_start3A_115 = tpu.memref_slice %arg4[%mul3A_113] : memref<4194304xf32, #tpu.memory_space<hbm>> -> memref<8192xf32, #tpu.memory_space<hbm>>
    tpu.enqueue_dma source(%arg8 : memref<8192xf32, #tpu.memory_space<vmem>>) target(%dma_start3A_115 : memref<8192xf32, #tpu.memory_space<hbm>>) target_semaphore(%arg14 : memref<!tpu.dma_semaphore, #tpu.memory_space<semaphore_mem>>)
    %mul3A_116 = arith.constant 4 : i32
    %mul3A_117 = arith.muli %add3A_104, %mul3A_116 : i32
    %dma_start3A_118 = tpu.memref_slice %arg5[%mul3A_117] : memref<4194304xf32, #tpu.memory_space<hbm>> -> memref<8192xf32, #tpu.memory_space<hbm>>
    %dma_start3A_119 = tpu.memref_slice %arg5[%mul3A_117] : memref<4194304xf32, #tpu.memory_space<hbm>> -> memref<8192xf32, #tpu.memory_space<hbm>>
    tpu.enqueue_dma source(%arg10 : memref<8192xf32, #tpu.memory_space<vmem>>) target(%dma_start3A_119 : memref<8192xf32, #tpu.memory_space<hbm>>) target_semaphore(%arg16 : memref<!tpu.dma_semaphore, #tpu.memory_space<semaphore_mem>>)
    %add3A_120 = arith.constant 10240 : i32
    %add3A_121 = arith.addi %mul3A_2, %add3A_120 : i32
    %dma_wait3A_122 = tpu.memref_slice %arg4[%mul3A_96] : memref<4194304xf32, #tpu.memory_space<hbm>> -> memref<8192xf32, #tpu.memory_space<hbm>>
    %dma_wait3A_123 = tpu.memref_slice %arg4[%mul3A_96] : memref<4194304xf32, #tpu.memory_space<hbm>> -> memref<8192xf32, #tpu.memory_space<hbm>>
    tpu.wait_dma2 semaphore(%arg15 : memref<!tpu.dma_semaphore, #tpu.memory_space<semaphore_mem>>) src(%arg9 : memref<8192xf32, #tpu.memory_space<vmem>>) dst(%dma_wait3A_123 : memref<8192xf32, #tpu.memory_space<hbm>>)
    %dma_wait3A_124 = tpu.memref_slice %arg5[%mul3A_100] : memref<4194304xf32, #tpu.memory_space<hbm>> -> memref<8192xf32, #tpu.memory_space<hbm>>
    %dma_wait3A_125 = tpu.memref_slice %arg5[%mul3A_100] : memref<4194304xf32, #tpu.memory_space<hbm>> -> memref<8192xf32, #tpu.memory_space<hbm>>
    tpu.wait_dma2 semaphore(%arg17 : memref<!tpu.dma_semaphore, #tpu.memory_space<semaphore_mem>>) src(%arg11 : memref<8192xf32, #tpu.memory_space<vmem>>) dst(%dma_wait3A_125 : memref<8192xf32, #tpu.memory_space<hbm>>)
    %parallel_loop3A_126 = arith.constant 0 : i32
    %parallel_loop3A_127 = arith.constant 128 : i32
    %parallel_loop3A_128 = arith.constant 1 : i32
    scf.for %parallel_loop3A_315 = %parallel_loop3A_126 to %parallel_loop3A_127 step %parallel_loop3A_128  : i32 {
      %parallel_loop3A_316 = arith.constant 16 : i32
      %parallel_loop3A_317 = arith.muli %parallel_loop3A_315, %parallel_loop3A_316 : i32
      %parallel_loop3A_318 = arith.constant 10240 : i32
      %parallel_loop3A_319 = arith.addi %parallel_loop3A_318, %parallel_loop3A_317 : i32
      %parallel_loop3A_320 = arith.index_cast %parallel_loop3A_319 : i32 to index
      %parallel_loop3A_321 = tpu.vector_load %arg7[%parallel_loop3A_320] {strides = array<i32>} : memref<32768xi32, #tpu.memory_space<vmem>>, vector<16xi32>,
      %parallel_loop3A_322 = arith.constant 3 : i32
      %parallel_loop3A_323 = arith.shrsi %parallel_loop3A_315, %parallel_loop3A_322 : i32
      %parallel_loop3A_324 = arith.constant 512 : i32
      %parallel_loop3A_325 = arith.muli %parallel_loop3A_323, %parallel_loop3A_324 : i32
      %parallel_loop3A_326 = arith.constant 7 : i32
      %parallel_loop3A_327 = arith.andi %parallel_loop3A_315, %parallel_loop3A_326 : i32
      %parallel_loop3A_328 = arith.constant 16 : i32
      %parallel_loop3A_329 = arith.muli %parallel_loop3A_327, %parallel_loop3A_328 : i32
      %parallel_loop3A_330 = arith.addi %parallel_loop3A_325, %parallel_loop3A_329 : i32
      %parallel_loop3A_331 = vector.broadcast %parallel_loop3A_330 : i32 to vector<16xi32>
      %parallel_loop3A_332 = arith.addi %iota3A, %parallel_loop3A_331 : vector<16xi32>
      %parallel_loop3A_333 = arith.constant 128 : i32
      %parallel_loop3A_334 = vector.broadcast %parallel_loop3A_333 : i32 to vector<16xi32>
      %parallel_loop3A_335 = arith.addi %parallel_loop3A_332, %parallel_loop3A_334 : vector<16xi32>
      %parallel_loop3A_336 = arith.constant 256 : i32
      %parallel_loop3A_337 = vector.broadcast %parallel_loop3A_336 : i32 to vector<16xi32>
      %parallel_loop3A_338 = arith.addi %parallel_loop3A_332, %parallel_loop3A_337 : vector<16xi32>
      %parallel_loop3A_339 = tpu.vector_load_idx %arg6[%parallel_loop3A_321] : memref<60000xf32, #tpu.memory_space<vmem>>[vector<16xi32>], vector<16xf32>,
      tpu.vector_store_idx %arg11[%parallel_loop3A_332], %parallel_loop3A_339 : memref<8192xf32, #tpu.memory_space<vmem>>[vector<16xi32>], vector<16xf32>,
      %parallel_loop3A_340 = arith.constant 10000 : i32
      %parallel_loop3A_341 = vector.broadcast %parallel_loop3A_340 : i32 to vector<16xi32>
      %parallel_loop3A_342 = arith.addi %parallel_loop3A_321, %parallel_loop3A_341 : vector<16xi32>
      %parallel_loop3A_343 = tpu.vector_load_idx %arg6[%parallel_loop3A_342] : memref<60000xf32, #tpu.memory_space<vmem>>[vector<16xi32>], vector<16xf32>,
      tpu.vector_store_idx %arg11[%parallel_loop3A_335], %parallel_loop3A_343 : memref<8192xf32, #tpu.memory_space<vmem>>[vector<16xi32>], vector<16xf32>,
      %parallel_loop3A_344 = arith.constant 20000 : i32
      %parallel_loop3A_345 = vector.broadcast %parallel_loop3A_344 : i32 to vector<16xi32>
      %parallel_loop3A_346 = arith.addi %parallel_loop3A_321, %parallel_loop3A_345 : vector<16xi32>
      %parallel_loop3A_347 = tpu.vector_load_idx %arg6[%parallel_loop3A_346] : memref<60000xf32, #tpu.memory_space<vmem>>[vector<16xi32>], vector<16xf32>,
      tpu.vector_store_idx %arg11[%parallel_loop3A_338], %parallel_loop3A_347 : memref<8192xf32, #tpu.memory_space<vmem>>[vector<16xi32>], vector<16xf32>,
      %parallel_loop3A_348 = arith.constant 30000 : i32
      %parallel_loop3A_349 = vector.broadcast %parallel_loop3A_348 : i32 to vector<16xi32>
      %parallel_loop3A_350 = arith.addi %parallel_loop3A_321, %parallel_loop3A_349 : vector<16xi32>
      %parallel_loop3A_351 = tpu.vector_load_idx %arg6[%parallel_loop3A_350] : memref<60000xf32, #tpu.memory_space<vmem>>[vector<16xi32>], vector<16xf32>,
      tpu.vector_store_idx %arg9[%parallel_loop3A_332], %parallel_loop3A_351 : memref<8192xf32, #tpu.memory_space<vmem>>[vector<16xi32>], vector<16xf32>,
      %parallel_loop3A_352 = arith.constant 40000 : i32
      %parallel_loop3A_353 = vector.broadcast %parallel_loop3A_352 : i32 to vector<16xi32>
      %parallel_loop3A_354 = arith.addi %parallel_loop3A_321, %parallel_loop3A_353 : vector<16xi32>
      %parallel_loop3A_355 = tpu.vector_load_idx %arg6[%parallel_loop3A_354] : memref<60000xf32, #tpu.memory_space<vmem>>[vector<16xi32>], vector<16xf32>,
      tpu.vector_store_idx %arg9[%parallel_loop3A_335], %parallel_loop3A_355 : memref<8192xf32, #tpu.memory_space<vmem>>[vector<16xi32>], vector<16xf32>,
      %parallel_loop3A_356 = arith.constant 50000 : i32
      %parallel_loop3A_357 = vector.broadcast %parallel_loop3A_356 : i32 to vector<16xi32>
      %parallel_loop3A_358 = arith.addi %parallel_loop3A_321, %parallel_loop3A_357 : vector<16xi32>
      %parallel_loop3A_359 = tpu.vector_load_idx %arg6[%parallel_loop3A_358] : memref<60000xf32, #tpu.memory_space<vmem>>[vector<16xi32>], vector<16xf32>,
      tpu.vector_store_idx %arg9[%parallel_loop3A_338], %parallel_loop3A_359 : memref<8192xf32, #tpu.memory_space<vmem>>[vector<16xi32>], vector<16xf32>,
    } {sc.loop_unroll_factor = 4 : i64, sc.parallel_access}
    %mul3A_129 = arith.constant 4 : i32
    %mul3A_130 = arith.muli %add3A_121, %mul3A_129 : i32
    %dma_start3A_131 = tpu.memref_slice %arg4[%mul3A_130] : memref<4194304xf32, #tpu.memory_space<hbm>> -> memref<8192xf32, #tpu.memory_space<hbm>>
    %dma_start3A_132 = tpu.memref_slice %arg4[%mul3A_130] : memref<4194304xf32, #tpu.memory_space<hbm>> -> memref<8192xf32, #tpu.memory_space<hbm>>
    tpu.enqueue_dma source(%arg9 : memref<8192xf32, #tpu.memory_space<vmem>>) target(%dma_start3A_132 : memref<8192xf32, #tpu.memory_space<hbm>>) target_semaphore(%arg15 : memref<!tpu.dma_semaphore, #tpu.memory_space<semaphore_mem>>)
    %mul3A_133 = arith.constant 4 : i32
    %mul3A_134 = arith.muli %add3A_121, %mul3A_133 : i32
    %dma_start3A_135 = tpu.memref_slice %arg5[%mul3A_134] : memref<4194304xf32, #tpu.memory_space<hbm>> -> memref<8192xf32, #tpu.memory_space<hbm>>
    %dma_start3A_136 = tpu.memref_slice %arg5[%mul3A_134] : memref<4194304xf32, #tpu.memory_space<hbm>> -> memref<8192xf32, #tpu.memory_space<hbm>>
    tpu.enqueue_dma source(%arg11 : memref<8192xf32, #tpu.memory_space<vmem>>) target(%dma_start3A_136 : memref<8192xf32, #tpu.memory_space<hbm>>) target_semaphore(%arg17 : memref<!tpu.dma_semaphore, #tpu.memory_space<semaphore_mem>>)
    %add3A_137 = arith.constant 12288 : i32
    %add3A_138 = arith.addi %mul3A_2, %add3A_137 : i32
    %dma_wait3A_139 = tpu.memref_slice %arg4[%mul3A_113] : memref<4194304xf32, #tpu.memory_space<hbm>> -> memref<8192xf32, #tpu.memory_space<hbm>>
    %dma_wait3A_140 = tpu.memref_slice %arg4[%mul3A_113] : memref<4194304xf32, #tpu.memory_space<hbm>> -> memref<8192xf32, #tpu.memory_space<hbm>>
    tpu.wait_dma2 semaphore(%arg14 : memref<!tpu.dma_semaphore, #tpu.memory_space<semaphore_mem>>) src(%arg8 : memref<8192xf32, #tpu.memory_space<vmem>>) dst(%dma_wait3A_140 : memref<8192xf32, #tpu.memory_space<hbm>>)
    %dma_wait3A_141 = tpu.memref_slice %arg5[%mul3A_117] : memref<4194304xf32, #tpu.memory_space<hbm>> -> memref<8192xf32, #tpu.memory_space<hbm>>
    %dma_wait3A_142 = tpu.memref_slice %arg5[%mul3A_117] : memref<4194304xf32, #tpu.memory_space<hbm>> -> memref<8192xf32, #tpu.memory_space<hbm>>
    tpu.wait_dma2 semaphore(%arg16 : memref<!tpu.dma_semaphore, #tpu.memory_space<semaphore_mem>>) src(%arg10 : memref<8192xf32, #tpu.memory_space<vmem>>) dst(%dma_wait3A_142 : memref<8192xf32, #tpu.memory_space<hbm>>)
    %parallel_loop3A_143 = arith.constant 0 : i32
    %parallel_loop3A_144 = arith.constant 128 : i32
    %parallel_loop3A_145 = arith.constant 1 : i32
    scf.for %parallel_loop3A_315 = %parallel_loop3A_143 to %parallel_loop3A_144 step %parallel_loop3A_145  : i32 {
      %parallel_loop3A_316 = arith.constant 16 : i32
      %parallel_loop3A_317 = arith.muli %parallel_loop3A_315, %parallel_loop3A_316 : i32
      %parallel_loop3A_318 = arith.constant 12288 : i32
      %parallel_loop3A_319 = arith.addi %parallel_loop3A_318, %parallel_loop3A_317 : i32
      %parallel_loop3A_320 = arith.index_cast %parallel_loop3A_319 : i32 to index
      %parallel_loop3A_321 = tpu.vector_load %arg7[%parallel_loop3A_320] {strides = array<i32>} : memref<32768xi32, #tpu.memory_space<vmem>>, vector<16xi32>,
      %parallel_loop3A_322 = arith.constant 3 : i32
      %parallel_loop3A_323 = arith.shrsi %parallel_loop3A_315, %parallel_loop3A_322 : i32
      %parallel_loop3A_324 = arith.constant 512 : i32
      %parallel_loop3A_325 = arith.muli %parallel_loop3A_323, %parallel_loop3A_324 : i32
      %parallel_loop3A_326 = arith.constant 7 : i32
      %parallel_loop3A_327 = arith.andi %parallel_loop3A_315, %parallel_loop3A_326 : i32
      %parallel_loop3A_328 = arith.constant 16 : i32
      %parallel_loop3A_329 = arith.muli %parallel_loop3A_327, %parallel_loop3A_328 : i32
      %parallel_loop3A_330 = arith.addi %parallel_loop3A_325, %parallel_loop3A_329 : i32
      %parallel_loop3A_331 = vector.broadcast %parallel_loop3A_330 : i32 to vector<16xi32>
      %parallel_loop3A_332 = arith.addi %iota3A, %parallel_loop3A_331 : vector<16xi32>
      %parallel_loop3A_333 = arith.constant 128 : i32
      %parallel_loop3A_334 = vector.broadcast %parallel_loop3A_333 : i32 to vector<16xi32>
      %parallel_loop3A_335 = arith.addi %parallel_loop3A_332, %parallel_loop3A_334 : vector<16xi32>
      %parallel_loop3A_336 = arith.constant 256 : i32
      %parallel_loop3A_337 = vector.broadcast %parallel_loop3A_336 : i32 to vector<16xi32>
      %parallel_loop3A_338 = arith.addi %parallel_loop3A_332, %parallel_loop3A_337 : vector<16xi32>
      %parallel_loop3A_339 = tpu.vector_load_idx %arg6[%parallel_loop3A_321] : memref<60000xf32, #tpu.memory_space<vmem>>[vector<16xi32>], vector<16xf32>,
      tpu.vector_store_idx %arg10[%parallel_loop3A_332], %parallel_loop3A_339 : memref<8192xf32, #tpu.memory_space<vmem>>[vector<16xi32>], vector<16xf32>,
      %parallel_loop3A_340 = arith.constant 10000 : i32
      %parallel_loop3A_341 = vector.broadcast %parallel_loop3A_340 : i32 to vector<16xi32>
      %parallel_loop3A_342 = arith.addi %parallel_loop3A_321, %parallel_loop3A_341 : vector<16xi32>
      %parallel_loop3A_343 = tpu.vector_load_idx %arg6[%parallel_loop3A_342] : memref<60000xf32, #tpu.memory_space<vmem>>[vector<16xi32>], vector<16xf32>,
      tpu.vector_store_idx %arg10[%parallel_loop3A_335], %parallel_loop3A_343 : memref<8192xf32, #tpu.memory_space<vmem>>[vector<16xi32>], vector<16xf32>,
      %parallel_loop3A_344 = arith.constant 20000 : i32
      %parallel_loop3A_345 = vector.broadcast %parallel_loop3A_344 : i32 to vector<16xi32>
      %parallel_loop3A_346 = arith.addi %parallel_loop3A_321, %parallel_loop3A_345 : vector<16xi32>
      %parallel_loop3A_347 = tpu.vector_load_idx %arg6[%parallel_loop3A_346] : memref<60000xf32, #tpu.memory_space<vmem>>[vector<16xi32>], vector<16xf32>,
      tpu.vector_store_idx %arg10[%parallel_loop3A_338], %parallel_loop3A_347 : memref<8192xf32, #tpu.memory_space<vmem>>[vector<16xi32>], vector<16xf32>,
      %parallel_loop3A_348 = arith.constant 30000 : i32
      %parallel_loop3A_349 = vector.broadcast %parallel_loop3A_348 : i32 to vector<16xi32>
      %parallel_loop3A_350 = arith.addi %parallel_loop3A_321, %parallel_loop3A_349 : vector<16xi32>
      %parallel_loop3A_351 = tpu.vector_load_idx %arg6[%parallel_loop3A_350] : memref<60000xf32, #tpu.memory_space<vmem>>[vector<16xi32>], vector<16xf32>,
      tpu.vector_store_idx %arg8[%parallel_loop3A_332], %parallel_loop3A_351 : memref<8192xf32, #tpu.memory_space<vmem>>[vector<16xi32>], vector<16xf32>,
      %parallel_loop3A_352 = arith.constant 40000 : i32
      %parallel_loop3A_353 = vector.broadcast %parallel_loop3A_352 : i32 to vector<16xi32>
      %parallel_loop3A_354 = arith.addi %parallel_loop3A_321, %parallel_loop3A_353 : vector<16xi32>
      %parallel_loop3A_355 = tpu.vector_load_idx %arg6[%parallel_loop3A_354] : memref<60000xf32, #tpu.memory_space<vmem>>[vector<16xi32>], vector<16xf32>,
      tpu.vector_store_idx %arg8[%parallel_loop3A_335], %parallel_loop3A_355 : memref<8192xf32, #tpu.memory_space<vmem>>[vector<16xi32>], vector<16xf32>,
      %parallel_loop3A_356 = arith.constant 50000 : i32
      %parallel_loop3A_357 = vector.broadcast %parallel_loop3A_356 : i32 to vector<16xi32>
      %parallel_loop3A_358 = arith.addi %parallel_loop3A_321, %parallel_loop3A_357 : vector<16xi32>
      %parallel_loop3A_359 = tpu.vector_load_idx %arg6[%parallel_loop3A_358] : memref<60000xf32, #tpu.memory_space<vmem>>[vector<16xi32>], vector<16xf32>,
      tpu.vector_store_idx %arg8[%parallel_loop3A_338], %parallel_loop3A_359 : memref<8192xf32, #tpu.memory_space<vmem>>[vector<16xi32>], vector<16xf32>,
    } {sc.loop_unroll_factor = 4 : i64, sc.parallel_access}
    %mul3A_146 = arith.constant 4 : i32
    %mul3A_147 = arith.muli %add3A_138, %mul3A_146 : i32
    %dma_start3A_148 = tpu.memref_slice %arg4[%mul3A_147] : memref<4194304xf32, #tpu.memory_space<hbm>> -> memref<8192xf32, #tpu.memory_space<hbm>>
    %dma_start3A_149 = tpu.memref_slice %arg4[%mul3A_147] : memref<4194304xf32, #tpu.memory_space<hbm>> -> memref<8192xf32, #tpu.memory_space<hbm>>
    tpu.enqueue_dma source(%arg8 : memref<8192xf32, #tpu.memory_space<vmem>>) target(%dma_start3A_149 : memref<8192xf32, #tpu.memory_space<hbm>>) target_semaphore(%arg14 : memref<!tpu.dma_semaphore, #tpu.memory_space<semaphore_mem>>)
    %mul3A_150 = arith.constant 4 : i32
    %mul3A_151 = arith.muli %add3A_138, %mul3A_150 : i32
    %dma_start3A_152 = tpu.memref_slice %arg5[%mul3A_151] : memref<4194304xf32, #tpu.memory_space<hbm>> -> memref<8192xf32, #tpu.memory_space<hbm>>
    %dma_start3A_153 = tpu.memref_slice %arg5[%mul3A_151] : memref<4194304xf32, #tpu.memory_space<hbm>> -> memref<8192xf32, #tpu.memory_space<hbm>>
    tpu.enqueue_dma source(%arg10 : memref<8192xf32, #tpu.memory_space<vmem>>) target(%dma_start3A_153 : memref<8192xf32, #tpu.memory_space<hbm>>) target_semaphore(%arg16 : memref<!tpu.dma_semaphore, #tpu.memory_space<semaphore_mem>>)
    %add3A_154 = arith.constant 14336 : i32
    %add3A_155 = arith.addi %mul3A_2, %add3A_154 : i32
    %dma_wait3A_156 = tpu.memref_slice %arg4[%mul3A_130] : memref<4194304xf32, #tpu.memory_space<hbm>> -> memref<8192xf32, #tpu.memory_space<hbm>>
    %dma_wait3A_157 = tpu.memref_slice %arg4[%mul3A_130] : memref<4194304xf32, #tpu.memory_space<hbm>> -> memref<8192xf32, #tpu.memory_space<hbm>>
    tpu.wait_dma2 semaphore(%arg15 : memref<!tpu.dma_semaphore, #tpu.memory_space<semaphore_mem>>) src(%arg9 : memref<8192xf32, #tpu.memory_space<vmem>>) dst(%dma_wait3A_157 : memref<8192xf32, #tpu.memory_space<hbm>>)
    %dma_wait3A_158 = tpu.memref_slice %arg5[%mul3A_134] : memref<4194304xf32, #tpu.memory_space<hbm>> -> memref<8192xf32, #tpu.memory_space<hbm>>
    %dma_wait3A_159 = tpu.memref_slice %arg5[%mul3A_134] : memref<4194304xf32, #tpu.memory_space<hbm>> -> memref<8192xf32, #tpu.memory_space<hbm>>
    tpu.wait_dma2 semaphore(%arg17 : memref<!tpu.dma_semaphore, #tpu.memory_space<semaphore_mem>>) src(%arg11 : memref<8192xf32, #tpu.memory_space<vmem>>) dst(%dma_wait3A_159 : memref<8192xf32, #tpu.memory_space<hbm>>)
    %parallel_loop3A_160 = arith.constant 0 : i32
    %parallel_loop3A_161 = arith.constant 128 : i32
    %parallel_loop3A_162 = arith.constant 1 : i32
    scf.for %parallel_loop3A_315 = %parallel_loop3A_160 to %parallel_loop3A_161 step %parallel_loop3A_162  : i32 {
      %parallel_loop3A_316 = arith.constant 16 : i32
      %parallel_loop3A_317 = arith.muli %parallel_loop3A_315, %parallel_loop3A_316 : i32
      %parallel_loop3A_318 = arith.constant 14336 : i32
      %parallel_loop3A_319 = arith.addi %parallel_loop3A_318, %parallel_loop3A_317 : i32
      %parallel_loop3A_320 = arith.index_cast %parallel_loop3A_319 : i32 to index
      %parallel_loop3A_321 = tpu.vector_load %arg7[%parallel_loop3A_320] {strides = array<i32>} : memref<32768xi32, #tpu.memory_space<vmem>>, vector<16xi32>,
      %parallel_loop3A_322 = arith.constant 3 : i32
      %parallel_loop3A_323 = arith.shrsi %parallel_loop3A_315, %parallel_loop3A_322 : i32
      %parallel_loop3A_324 = arith.constant 512 : i32
      %parallel_loop3A_325 = arith.muli %parallel_loop3A_323, %parallel_loop3A_324 : i32
      %parallel_loop3A_326 = arith.constant 7 : i32
      %parallel_loop3A_327 = arith.andi %parallel_loop3A_315, %parallel_loop3A_326 : i32
      %parallel_loop3A_328 = arith.constant 16 : i32
      %parallel_loop3A_329 = arith.muli %parallel_loop3A_327, %parallel_loop3A_328 : i32
      %parallel_loop3A_330 = arith.addi %parallel_loop3A_325, %parallel_loop3A_329 : i32
      %parallel_loop3A_331 = vector.broadcast %parallel_loop3A_330 : i32 to vector<16xi32>
      %parallel_loop3A_332 = arith.addi %iota3A, %parallel_loop3A_331 : vector<16xi32>
      %parallel_loop3A_333 = arith.constant 128 : i32
      %parallel_loop3A_334 = vector.broadcast %parallel_loop3A_333 : i32 to vector<16xi32>
      %parallel_loop3A_335 = arith.addi %parallel_loop3A_332, %parallel_loop3A_334 : vector<16xi32>
      %parallel_loop3A_336 = arith.constant 256 : i32
      %parallel_loop3A_337 = vector.broadcast %parallel_loop3A_336 : i32 to vector<16xi32>
      %parallel_loop3A_338 = arith.addi %parallel_loop3A_332, %parallel_loop3A_337 : vector<16xi32>
      %parallel_loop3A_339 = tpu.vector_load_idx %arg6[%parallel_loop3A_321] : memref<60000xf32, #tpu.memory_space<vmem>>[vector<16xi32>], vector<16xf32>,
      tpu.vector_store_idx %arg11[%parallel_loop3A_332], %parallel_loop3A_339 : memref<8192xf32, #tpu.memory_space<vmem>>[vector<16xi32>], vector<16xf32>,
      %parallel_loop3A_340 = arith.constant 10000 : i32
      %parallel_loop3A_341 = vector.broadcast %parallel_loop3A_340 : i32 to vector<16xi32>
      %parallel_loop3A_342 = arith.addi %parallel_loop3A_321, %parallel_loop3A_341 : vector<16xi32>
      %parallel_loop3A_343 = tpu.vector_load_idx %arg6[%parallel_loop3A_342] : memref<60000xf32, #tpu.memory_space<vmem>>[vector<16xi32>], vector<16xf32>,
      tpu.vector_store_idx %arg11[%parallel_loop3A_335], %parallel_loop3A_343 : memref<8192xf32, #tpu.memory_space<vmem>>[vector<16xi32>], vector<16xf32>,
      %parallel_loop3A_344 = arith.constant 20000 : i32
      %parallel_loop3A_345 = vector.broadcast %parallel_loop3A_344 : i32 to vector<16xi32>
      %parallel_loop3A_346 = arith.addi %parallel_loop3A_321, %parallel_loop3A_345 : vector<16xi32>
      %parallel_loop3A_347 = tpu.vector_load_idx %arg6[%parallel_loop3A_346] : memref<60000xf32, #tpu.memory_space<vmem>>[vector<16xi32>], vector<16xf32>,
      tpu.vector_store_idx %arg11[%parallel_loop3A_338], %parallel_loop3A_347 : memref<8192xf32, #tpu.memory_space<vmem>>[vector<16xi32>], vector<16xf32>,
      %parallel_loop3A_348 = arith.constant 30000 : i32
      %parallel_loop3A_349 = vector.broadcast %parallel_loop3A_348 : i32 to vector<16xi32>
      %parallel_loop3A_350 = arith.addi %parallel_loop3A_321, %parallel_loop3A_349 : vector<16xi32>
      %parallel_loop3A_351 = tpu.vector_load_idx %arg6[%parallel_loop3A_350] : memref<60000xf32, #tpu.memory_space<vmem>>[vector<16xi32>], vector<16xf32>,
      tpu.vector_store_idx %arg9[%parallel_loop3A_332], %parallel_loop3A_351 : memref<8192xf32, #tpu.memory_space<vmem>>[vector<16xi32>], vector<16xf32>,
      %parallel_loop3A_352 = arith.constant 40000 : i32
      %parallel_loop3A_353 = vector.broadcast %parallel_loop3A_352 : i32 to vector<16xi32>
      %parallel_loop3A_354 = arith.addi %parallel_loop3A_321, %parallel_loop3A_353 : vector<16xi32>
      %parallel_loop3A_355 = tpu.vector_load_idx %arg6[%parallel_loop3A_354] : memref<60000xf32, #tpu.memory_space<vmem>>[vector<16xi32>], vector<16xf32>,
      tpu.vector_store_idx %arg9[%parallel_loop3A_335], %parallel_loop3A_355 : memref<8192xf32, #tpu.memory_space<vmem>>[vector<16xi32>], vector<16xf32>,
      %parallel_loop3A_356 = arith.constant 50000 : i32
      %parallel_loop3A_357 = vector.broadcast %parallel_loop3A_356 : i32 to vector<16xi32>
      %parallel_loop3A_358 = arith.addi %parallel_loop3A_321, %parallel_loop3A_357 : vector<16xi32>
      %parallel_loop3A_359 = tpu.vector_load_idx %arg6[%parallel_loop3A_358] : memref<60000xf32, #tpu.memory_space<vmem>>[vector<16xi32>], vector<16xf32>,
      tpu.vector_store_idx %arg9[%parallel_loop3A_338], %parallel_loop3A_359 : memref<8192xf32, #tpu.memory_space<vmem>>[vector<16xi32>], vector<16xf32>,
    } {sc.loop_unroll_factor = 4 : i64, sc.parallel_access}
    %mul3A_163 = arith.constant 4 : i32
    %mul3A_164 = arith.muli %add3A_155, %mul3A_163 : i32
    %dma_start3A_165 = tpu.memref_slice %arg4[%mul3A_164] : memref<4194304xf32, #tpu.memory_space<hbm>> -> memref<8192xf32, #tpu.memory_space<hbm>>
    %dma_start3A_166 = tpu.memref_slice %arg4[%mul3A_164] : memref<4194304xf32, #tpu.memory_space<hbm>> -> memref<8192xf32, #tpu.memory_space<hbm>>
    tpu.enqueue_dma source(%arg9 : memref<8192xf32, #tpu.memory_space<vmem>>) target(%dma_start3A_166 : memref<8192xf32, #tpu.memory_space<hbm>>) target_semaphore(%arg15 : memref<!tpu.dma_semaphore, #tpu.memory_space<semaphore_mem>>)
    %mul3A_167 = arith.constant 4 : i32
    %mul3A_168 = arith.muli %add3A_155, %mul3A_167 : i32
    %dma_start3A_169 = tpu.memref_slice %arg5[%mul3A_168] : memref<4194304xf32, #tpu.memory_space<hbm>> -> memref<8192xf32, #tpu.memory_space<hbm>>
    %dma_start3A_170 = tpu.memref_slice %arg5[%mul3A_168] : memref<4194304xf32, #tpu.memory_space<hbm>> -> memref<8192xf32, #tpu.memory_space<hbm>>
    tpu.enqueue_dma source(%arg11 : memref<8192xf32, #tpu.memory_space<vmem>>) target(%dma_start3A_170 : memref<8192xf32, #tpu.memory_space<hbm>>) target_semaphore(%arg17 : memref<!tpu.dma_semaphore, #tpu.memory_space<semaphore_mem>>)
    %add3A_171 = arith.constant 16384 : i32
    %add3A_172 = arith.addi %mul3A_2, %add3A_171 : i32
    %dma_wait3A_173 = tpu.memref_slice %arg4[%mul3A_147] : memref<4194304xf32, #tpu.memory_space<hbm>> -> memref<8192xf32, #tpu.memory_space<hbm>>
    %dma_wait3A_174 = tpu.memref_slice %arg4[%mul3A_147] : memref<4194304xf32, #tpu.memory_space<hbm>> -> memref<8192xf32, #tpu.memory_space<hbm>>
    tpu.wait_dma2 semaphore(%arg14 : memref<!tpu.dma_semaphore, #tpu.memory_space<semaphore_mem>>) src(%arg8 : memref<8192xf32, #tpu.memory_space<vmem>>) dst(%dma_wait3A_174 : memref<8192xf32, #tpu.memory_space<hbm>>)
    %dma_wait3A_175 = tpu.memref_slice %arg5[%mul3A_151] : memref<4194304xf32, #tpu.memory_space<hbm>> -> memref<8192xf32, #tpu.memory_space<hbm>>
    %dma_wait3A_176 = tpu.memref_slice %arg5[%mul3A_151] : memref<4194304xf32, #tpu.memory_space<hbm>> -> memref<8192xf32, #tpu.memory_space<hbm>>
    tpu.wait_dma2 semaphore(%arg16 : memref<!tpu.dma_semaphore, #tpu.memory_space<semaphore_mem>>) src(%arg10 : memref<8192xf32, #tpu.memory_space<vmem>>) dst(%dma_wait3A_176 : memref<8192xf32, #tpu.memory_space<hbm>>)
    %parallel_loop3A_177 = arith.constant 0 : i32
    %parallel_loop3A_178 = arith.constant 128 : i32
    %parallel_loop3A_179 = arith.constant 1 : i32
    scf.for %parallel_loop3A_315 = %parallel_loop3A_177 to %parallel_loop3A_178 step %parallel_loop3A_179  : i32 {
      %parallel_loop3A_316 = arith.constant 16 : i32
      %parallel_loop3A_317 = arith.muli %parallel_loop3A_315, %parallel_loop3A_316 : i32
      %parallel_loop3A_318 = arith.constant 16384 : i32
      %parallel_loop3A_319 = arith.addi %parallel_loop3A_318, %parallel_loop3A_317 : i32
      %parallel_loop3A_320 = arith.index_cast %parallel_loop3A_319 : i32 to index
      %parallel_loop3A_321 = tpu.vector_load %arg7[%parallel_loop3A_320] {strides = array<i32>} : memref<32768xi32, #tpu.memory_space<vmem>>, vector<16xi32>,
      %parallel_loop3A_322 = arith.constant 3 : i32
      %parallel_loop3A_323 = arith.shrsi %parallel_loop3A_315, %parallel_loop3A_322 : i32
      %parallel_loop3A_324 = arith.constant 512 : i32
      %parallel_loop3A_325 = arith.muli %parallel_loop3A_323, %parallel_loop3A_324 : i32
      %parallel_loop3A_326 = arith.constant 7 : i32
      %parallel_loop3A_327 = arith.andi %parallel_loop3A_315, %parallel_loop3A_326 : i32
      %parallel_loop3A_328 = arith.constant 16 : i32
      %parallel_loop3A_329 = arith.muli %parallel_loop3A_327, %parallel_loop3A_328 : i32
      %parallel_loop3A_330 = arith.addi %parallel_loop3A_325, %parallel_loop3A_329 : i32
      %parallel_loop3A_331 = vector.broadcast %parallel_loop3A_330 : i32 to vector<16xi32>
      %parallel_loop3A_332 = arith.addi %iota3A, %parallel_loop3A_331 : vector<16xi32>
      %parallel_loop3A_333 = arith.constant 128 : i32
      %parallel_loop3A_334 = vector.broadcast %parallel_loop3A_333 : i32 to vector<16xi32>
      %parallel_loop3A_335 = arith.addi %parallel_loop3A_332, %parallel_loop3A_334 : vector<16xi32>
      %parallel_loop3A_336 = arith.constant 256 : i32
      %parallel_loop3A_337 = vector.broadcast %parallel_loop3A_336 : i32 to vector<16xi32>
      %parallel_loop3A_338 = arith.addi %parallel_loop3A_332, %parallel_loop3A_337 : vector<16xi32>
      %parallel_loop3A_339 = tpu.vector_load_idx %arg6[%parallel_loop3A_321] : memref<60000xf32, #tpu.memory_space<vmem>>[vector<16xi32>], vector<16xf32>,
      tpu.vector_store_idx %arg10[%parallel_loop3A_332], %parallel_loop3A_339 : memref<8192xf32, #tpu.memory_space<vmem>>[vector<16xi32>], vector<16xf32>,
      %parallel_loop3A_340 = arith.constant 10000 : i32
      %parallel_loop3A_341 = vector.broadcast %parallel_loop3A_340 : i32 to vector<16xi32>
      %parallel_loop3A_342 = arith.addi %parallel_loop3A_321, %parallel_loop3A_341 : vector<16xi32>
      %parallel_loop3A_343 = tpu.vector_load_idx %arg6[%parallel_loop3A_342] : memref<60000xf32, #tpu.memory_space<vmem>>[vector<16xi32>], vector<16xf32>,
      tpu.vector_store_idx %arg10[%parallel_loop3A_335], %parallel_loop3A_343 : memref<8192xf32, #tpu.memory_space<vmem>>[vector<16xi32>], vector<16xf32>,
      %parallel_loop3A_344 = arith.constant 20000 : i32
      %parallel_loop3A_345 = vector.broadcast %parallel_loop3A_344 : i32 to vector<16xi32>
      %parallel_loop3A_346 = arith.addi %parallel_loop3A_321, %parallel_loop3A_345 : vector<16xi32>
      %parallel_loop3A_347 = tpu.vector_load_idx %arg6[%parallel_loop3A_346] : memref<60000xf32, #tpu.memory_space<vmem>>[vector<16xi32>], vector<16xf32>,
      tpu.vector_store_idx %arg10[%parallel_loop3A_338], %parallel_loop3A_347 : memref<8192xf32, #tpu.memory_space<vmem>>[vector<16xi32>], vector<16xf32>,
      %parallel_loop3A_348 = arith.constant 30000 : i32
      %parallel_loop3A_349 = vector.broadcast %parallel_loop3A_348 : i32 to vector<16xi32>
      %parallel_loop3A_350 = arith.addi %parallel_loop3A_321, %parallel_loop3A_349 : vector<16xi32>
      %parallel_loop3A_351 = tpu.vector_load_idx %arg6[%parallel_loop3A_350] : memref<60000xf32, #tpu.memory_space<vmem>>[vector<16xi32>], vector<16xf32>,
      tpu.vector_store_idx %arg8[%parallel_loop3A_332], %parallel_loop3A_351 : memref<8192xf32, #tpu.memory_space<vmem>>[vector<16xi32>], vector<16xf32>,
      %parallel_loop3A_352 = arith.constant 40000 : i32
      %parallel_loop3A_353 = vector.broadcast %parallel_loop3A_352 : i32 to vector<16xi32>
      %parallel_loop3A_354 = arith.addi %parallel_loop3A_321, %parallel_loop3A_353 : vector<16xi32>
      %parallel_loop3A_355 = tpu.vector_load_idx %arg6[%parallel_loop3A_354] : memref<60000xf32, #tpu.memory_space<vmem>>[vector<16xi32>], vector<16xf32>,
      tpu.vector_store_idx %arg8[%parallel_loop3A_335], %parallel_loop3A_355 : memref<8192xf32, #tpu.memory_space<vmem>>[vector<16xi32>], vector<16xf32>,
      %parallel_loop3A_356 = arith.constant 50000 : i32
      %parallel_loop3A_357 = vector.broadcast %parallel_loop3A_356 : i32 to vector<16xi32>
      %parallel_loop3A_358 = arith.addi %parallel_loop3A_321, %parallel_loop3A_357 : vector<16xi32>
      %parallel_loop3A_359 = tpu.vector_load_idx %arg6[%parallel_loop3A_358] : memref<60000xf32, #tpu.memory_space<vmem>>[vector<16xi32>], vector<16xf32>,
      tpu.vector_store_idx %arg8[%parallel_loop3A_338], %parallel_loop3A_359 : memref<8192xf32, #tpu.memory_space<vmem>>[vector<16xi32>], vector<16xf32>,
    } {sc.loop_unroll_factor = 4 : i64, sc.parallel_access}
    %mul3A_180 = arith.constant 4 : i32
    %mul3A_181 = arith.muli %add3A_172, %mul3A_180 : i32
    %dma_start3A_182 = tpu.memref_slice %arg4[%mul3A_181] : memref<4194304xf32, #tpu.memory_space<hbm>> -> memref<8192xf32, #tpu.memory_space<hbm>>
    %dma_start3A_183 = tpu.memref_slice %arg4[%mul3A_181] : memref<4194304xf32, #tpu.memory_space<hbm>> -> memref<8192xf32, #tpu.memory_space<hbm>>
    tpu.enqueue_dma source(%arg8 : memref<8192xf32, #tpu.memory_space<vmem>>) target(%dma_start3A_183 : memref<8192xf32, #tpu.memory_space<hbm>>) target_semaphore(%arg14 : memref<!tpu.dma_semaphore, #tpu.memory_space<semaphore_mem>>)
    %mul3A_184 = arith.constant 4 : i32
    %mul3A_185 = arith.muli %add3A_172, %mul3A_184 : i32
    %dma_start3A_186 = tpu.memref_slice %arg5[%mul3A_185] : memref<4194304xf32, #tpu.memory_space<hbm>> -> memref<8192xf32, #tpu.memory_space<hbm>>
    %dma_start3A_187 = tpu.memref_slice %arg5[%mul3A_185] : memref<4194304xf32, #tpu.memory_space<hbm>> -> memref<8192xf32, #tpu.memory_space<hbm>>
    tpu.enqueue_dma source(%arg10 : memref<8192xf32, #tpu.memory_space<vmem>>) target(%dma_start3A_187 : memref<8192xf32, #tpu.memory_space<hbm>>) target_semaphore(%arg16 : memref<!tpu.dma_semaphore, #tpu.memory_space<semaphore_mem>>)
    %add3A_188 = arith.constant 18432 : i32
    %add3A_189 = arith.addi %mul3A_2, %add3A_188 : i32
    %dma_wait3A_190 = tpu.memref_slice %arg4[%mul3A_164] : memref<4194304xf32, #tpu.memory_space<hbm>> -> memref<8192xf32, #tpu.memory_space<hbm>>
    %dma_wait3A_191 = tpu.memref_slice %arg4[%mul3A_164] : memref<4194304xf32, #tpu.memory_space<hbm>> -> memref<8192xf32, #tpu.memory_space<hbm>>
    tpu.wait_dma2 semaphore(%arg15 : memref<!tpu.dma_semaphore, #tpu.memory_space<semaphore_mem>>) src(%arg9 : memref<8192xf32, #tpu.memory_space<vmem>>) dst(%dma_wait3A_191 : memref<8192xf32, #tpu.memory_space<hbm>>)
    %dma_wait3A_192 = tpu.memref_slice %arg5[%mul3A_168] : memref<4194304xf32, #tpu.memory_space<hbm>> -> memref<8192xf32, #tpu.memory_space<hbm>>
    %dma_wait3A_193 = tpu.memref_slice %arg5[%mul3A_168] : memref<4194304xf32, #tpu.memory_space<hbm>> -> memref<8192xf32, #tpu.memory_space<hbm>>
    tpu.wait_dma2 semaphore(%arg17 : memref<!tpu.dma_semaphore, #tpu.memory_space<semaphore_mem>>) src(%arg11 : memref<8192xf32, #tpu.memory_space<vmem>>) dst(%dma_wait3A_193 : memref<8192xf32, #tpu.memory_space<hbm>>)
    %parallel_loop3A_194 = arith.constant 0 : i32
    %parallel_loop3A_195 = arith.constant 128 : i32
    %parallel_loop3A_196 = arith.constant 1 : i32
    scf.for %parallel_loop3A_315 = %parallel_loop3A_194 to %parallel_loop3A_195 step %parallel_loop3A_196  : i32 {
      %parallel_loop3A_316 = arith.constant 16 : i32
      %parallel_loop3A_317 = arith.muli %parallel_loop3A_315, %parallel_loop3A_316 : i32
      %parallel_loop3A_318 = arith.constant 18432 : i32
      %parallel_loop3A_319 = arith.addi %parallel_loop3A_318, %parallel_loop3A_317 : i32
      %parallel_loop3A_320 = arith.index_cast %parallel_loop3A_319 : i32 to index
      %parallel_loop3A_321 = tpu.vector_load %arg7[%parallel_loop3A_320] {strides = array<i32>} : memref<32768xi32, #tpu.memory_space<vmem>>, vector<16xi32>,
      %parallel_loop3A_322 = arith.constant 3 : i32
      %parallel_loop3A_323 = arith.shrsi %parallel_loop3A_315, %parallel_loop3A_322 : i32
      %parallel_loop3A_324 = arith.constant 512 : i32
      %parallel_loop3A_325 = arith.muli %parallel_loop3A_323, %parallel_loop3A_324 : i32
      %parallel_loop3A_326 = arith.constant 7 : i32
      %parallel_loop3A_327 = arith.andi %parallel_loop3A_315, %parallel_loop3A_326 : i32
      %parallel_loop3A_328 = arith.constant 16 : i32
      %parallel_loop3A_329 = arith.muli %parallel_loop3A_327, %parallel_loop3A_328 : i32
      %parallel_loop3A_330 = arith.addi %parallel_loop3A_325, %parallel_loop3A_329 : i32
      %parallel_loop3A_331 = vector.broadcast %parallel_loop3A_330 : i32 to vector<16xi32>
      %parallel_loop3A_332 = arith.addi %iota3A, %parallel_loop3A_331 : vector<16xi32>
      %parallel_loop3A_333 = arith.constant 128 : i32
      %parallel_loop3A_334 = vector.broadcast %parallel_loop3A_333 : i32 to vector<16xi32>
      %parallel_loop3A_335 = arith.addi %parallel_loop3A_332, %parallel_loop3A_334 : vector<16xi32>
      %parallel_loop3A_336 = arith.constant 256 : i32
      %parallel_loop3A_337 = vector.broadcast %parallel_loop3A_336 : i32 to vector<16xi32>
      %parallel_loop3A_338 = arith.addi %parallel_loop3A_332, %parallel_loop3A_337 : vector<16xi32>
      %parallel_loop3A_339 = tpu.vector_load_idx %arg6[%parallel_loop3A_321] : memref<60000xf32, #tpu.memory_space<vmem>>[vector<16xi32>], vector<16xf32>,
      tpu.vector_store_idx %arg11[%parallel_loop3A_332], %parallel_loop3A_339 : memref<8192xf32, #tpu.memory_space<vmem>>[vector<16xi32>], vector<16xf32>,
      %parallel_loop3A_340 = arith.constant 10000 : i32
      %parallel_loop3A_341 = vector.broadcast %parallel_loop3A_340 : i32 to vector<16xi32>
      %parallel_loop3A_342 = arith.addi %parallel_loop3A_321, %parallel_loop3A_341 : vector<16xi32>
      %parallel_loop3A_343 = tpu.vector_load_idx %arg6[%parallel_loop3A_342] : memref<60000xf32, #tpu.memory_space<vmem>>[vector<16xi32>], vector<16xf32>,
      tpu.vector_store_idx %arg11[%parallel_loop3A_335], %parallel_loop3A_343 : memref<8192xf32, #tpu.memory_space<vmem>>[vector<16xi32>], vector<16xf32>,
      %parallel_loop3A_344 = arith.constant 20000 : i32
      %parallel_loop3A_345 = vector.broadcast %parallel_loop3A_344 : i32 to vector<16xi32>
      %parallel_loop3A_346 = arith.addi %parallel_loop3A_321, %parallel_loop3A_345 : vector<16xi32>
      %parallel_loop3A_347 = tpu.vector_load_idx %arg6[%parallel_loop3A_346] : memref<60000xf32, #tpu.memory_space<vmem>>[vector<16xi32>], vector<16xf32>,
      tpu.vector_store_idx %arg11[%parallel_loop3A_338], %parallel_loop3A_347 : memref<8192xf32, #tpu.memory_space<vmem>>[vector<16xi32>], vector<16xf32>,
      %parallel_loop3A_348 = arith.constant 30000 : i32
      %parallel_loop3A_349 = vector.broadcast %parallel_loop3A_348 : i32 to vector<16xi32>
      %parallel_loop3A_350 = arith.addi %parallel_loop3A_321, %parallel_loop3A_349 : vector<16xi32>
      %parallel_loop3A_351 = tpu.vector_load_idx %arg6[%parallel_loop3A_350] : memref<60000xf32, #tpu.memory_space<vmem>>[vector<16xi32>], vector<16xf32>,
      tpu.vector_store_idx %arg9[%parallel_loop3A_332], %parallel_loop3A_351 : memref<8192xf32, #tpu.memory_space<vmem>>[vector<16xi32>], vector<16xf32>,
      %parallel_loop3A_352 = arith.constant 40000 : i32
      %parallel_loop3A_353 = vector.broadcast %parallel_loop3A_352 : i32 to vector<16xi32>
      %parallel_loop3A_354 = arith.addi %parallel_loop3A_321, %parallel_loop3A_353 : vector<16xi32>
      %parallel_loop3A_355 = tpu.vector_load_idx %arg6[%parallel_loop3A_354] : memref<60000xf32, #tpu.memory_space<vmem>>[vector<16xi32>], vector<16xf32>,
      tpu.vector_store_idx %arg9[%parallel_loop3A_335], %parallel_loop3A_355 : memref<8192xf32, #tpu.memory_space<vmem>>[vector<16xi32>], vector<16xf32>,
      %parallel_loop3A_356 = arith.constant 50000 : i32
      %parallel_loop3A_357 = vector.broadcast %parallel_loop3A_356 : i32 to vector<16xi32>
      %parallel_loop3A_358 = arith.addi %parallel_loop3A_321, %parallel_loop3A_357 : vector<16xi32>
      %parallel_loop3A_359 = tpu.vector_load_idx %arg6[%parallel_loop3A_358] : memref<60000xf32, #tpu.memory_space<vmem>>[vector<16xi32>], vector<16xf32>,
      tpu.vector_store_idx %arg9[%parallel_loop3A_338], %parallel_loop3A_359 : memref<8192xf32, #tpu.memory_space<vmem>>[vector<16xi32>], vector<16xf32>,
    } {sc.loop_unroll_factor = 4 : i64, sc.parallel_access}
    %mul3A_197 = arith.constant 4 : i32
    %mul3A_198 = arith.muli %add3A_189, %mul3A_197 : i32
    %dma_start3A_199 = tpu.memref_slice %arg4[%mul3A_198] : memref<4194304xf32, #tpu.memory_space<hbm>> -> memref<8192xf32, #tpu.memory_space<hbm>>
    %dma_start3A_200 = tpu.memref_slice %arg4[%mul3A_198] : memref<4194304xf32, #tpu.memory_space<hbm>> -> memref<8192xf32, #tpu.memory_space<hbm>>
    tpu.enqueue_dma source(%arg9 : memref<8192xf32, #tpu.memory_space<vmem>>) target(%dma_start3A_200 : memref<8192xf32, #tpu.memory_space<hbm>>) target_semaphore(%arg15 : memref<!tpu.dma_semaphore, #tpu.memory_space<semaphore_mem>>)
    %mul3A_201 = arith.constant 4 : i32
    %mul3A_202 = arith.muli %add3A_189, %mul3A_201 : i32
    %dma_start3A_203 = tpu.memref_slice %arg5[%mul3A_202] : memref<4194304xf32, #tpu.memory_space<hbm>> -> memref<8192xf32, #tpu.memory_space<hbm>>
    %dma_start3A_204 = tpu.memref_slice %arg5[%mul3A_202] : memref<4194304xf32, #tpu.memory_space<hbm>> -> memref<8192xf32, #tpu.memory_space<hbm>>
    tpu.enqueue_dma source(%arg11 : memref<8192xf32, #tpu.memory_space<vmem>>) target(%dma_start3A_204 : memref<8192xf32, #tpu.memory_space<hbm>>) target_semaphore(%arg17 : memref<!tpu.dma_semaphore, #tpu.memory_space<semaphore_mem>>)
    %add3A_205 = arith.constant 20480 : i32
    %add3A_206 = arith.addi %mul3A_2, %add3A_205 : i32
    %dma_wait3A_207 = tpu.memref_slice %arg4[%mul3A_181] : memref<4194304xf32, #tpu.memory_space<hbm>> -> memref<8192xf32, #tpu.memory_space<hbm>>
    %dma_wait3A_208 = tpu.memref_slice %arg4[%mul3A_181] : memref<4194304xf32, #tpu.memory_space<hbm>> -> memref<8192xf32, #tpu.memory_space<hbm>>
    tpu.wait_dma2 semaphore(%arg14 : memref<!tpu.dma_semaphore, #tpu.memory_space<semaphore_mem>>) src(%arg8 : memref<8192xf32, #tpu.memory_space<vmem>>) dst(%dma_wait3A_208 : memref<8192xf32, #tpu.memory_space<hbm>>)
    %dma_wait3A_209 = tpu.memref_slice %arg5[%mul3A_185] : memref<4194304xf32, #tpu.memory_space<hbm>> -> memref<8192xf32, #tpu.memory_space<hbm>>
    %dma_wait3A_210 = tpu.memref_slice %arg5[%mul3A_185] : memref<4194304xf32, #tpu.memory_space<hbm>> -> memref<8192xf32, #tpu.memory_space<hbm>>
    tpu.wait_dma2 semaphore(%arg16 : memref<!tpu.dma_semaphore, #tpu.memory_space<semaphore_mem>>) src(%arg10 : memref<8192xf32, #tpu.memory_space<vmem>>) dst(%dma_wait3A_210 : memref<8192xf32, #tpu.memory_space<hbm>>)
    %parallel_loop3A_211 = arith.constant 0 : i32
    %parallel_loop3A_212 = arith.constant 128 : i32
    %parallel_loop3A_213 = arith.constant 1 : i32
    scf.for %parallel_loop3A_315 = %parallel_loop3A_211 to %parallel_loop3A_212 step %parallel_loop3A_213  : i32 {
      %parallel_loop3A_316 = arith.constant 16 : i32
      %parallel_loop3A_317 = arith.muli %parallel_loop3A_315, %parallel_loop3A_316 : i32
      %parallel_loop3A_318 = arith.constant 20480 : i32
      %parallel_loop3A_319 = arith.addi %parallel_loop3A_318, %parallel_loop3A_317 : i32
      %parallel_loop3A_320 = arith.index_cast %parallel_loop3A_319 : i32 to index
      %parallel_loop3A_321 = tpu.vector_load %arg7[%parallel_loop3A_320] {strides = array<i32>} : memref<32768xi32, #tpu.memory_space<vmem>>, vector<16xi32>,
      %parallel_loop3A_322 = arith.constant 3 : i32
      %parallel_loop3A_323 = arith.shrsi %parallel_loop3A_315, %parallel_loop3A_322 : i32
      %parallel_loop3A_324 = arith.constant 512 : i32
      %parallel_loop3A_325 = arith.muli %parallel_loop3A_323, %parallel_loop3A_324 : i32
      %parallel_loop3A_326 = arith.constant 7 : i32
      %parallel_loop3A_327 = arith.andi %parallel_loop3A_315, %parallel_loop3A_326 : i32
      %parallel_loop3A_328 = arith.constant 16 : i32
      %parallel_loop3A_329 = arith.muli %parallel_loop3A_327, %parallel_loop3A_328 : i32
      %parallel_loop3A_330 = arith.addi %parallel_loop3A_325, %parallel_loop3A_329 : i32
      %parallel_loop3A_331 = vector.broadcast %parallel_loop3A_330 : i32 to vector<16xi32>
      %parallel_loop3A_332 = arith.addi %iota3A, %parallel_loop3A_331 : vector<16xi32>
      %parallel_loop3A_333 = arith.constant 128 : i32
      %parallel_loop3A_334 = vector.broadcast %parallel_loop3A_333 : i32 to vector<16xi32>
      %parallel_loop3A_335 = arith.addi %parallel_loop3A_332, %parallel_loop3A_334 : vector<16xi32>
      %parallel_loop3A_336 = arith.constant 256 : i32
      %parallel_loop3A_337 = vector.broadcast %parallel_loop3A_336 : i32 to vector<16xi32>
      %parallel_loop3A_338 = arith.addi %parallel_loop3A_332, %parallel_loop3A_337 : vector<16xi32>
      %parallel_loop3A_339 = tpu.vector_load_idx %arg6[%parallel_loop3A_321] : memref<60000xf32, #tpu.memory_space<vmem>>[vector<16xi32>], vector<16xf32>,
      tpu.vector_store_idx %arg10[%parallel_loop3A_332], %parallel_loop3A_339 : memref<8192xf32, #tpu.memory_space<vmem>>[vector<16xi32>], vector<16xf32>,
      %parallel_loop3A_340 = arith.constant 10000 : i32
      %parallel_loop3A_341 = vector.broadcast %parallel_loop3A_340 : i32 to vector<16xi32>
      %parallel_loop3A_342 = arith.addi %parallel_loop3A_321, %parallel_loop3A_341 : vector<16xi32>
      %parallel_loop3A_343 = tpu.vector_load_idx %arg6[%parallel_loop3A_342] : memref<60000xf32, #tpu.memory_space<vmem>>[vector<16xi32>], vector<16xf32>,
      tpu.vector_store_idx %arg10[%parallel_loop3A_335], %parallel_loop3A_343 : memref<8192xf32, #tpu.memory_space<vmem>>[vector<16xi32>], vector<16xf32>,
      %parallel_loop3A_344 = arith.constant 20000 : i32
      %parallel_loop3A_345 = vector.broadcast %parallel_loop3A_344 : i32 to vector<16xi32>
      %parallel_loop3A_346 = arith.addi %parallel_loop3A_321, %parallel_loop3A_345 : vector<16xi32>
      %parallel_loop3A_347 = tpu.vector_load_idx %arg6[%parallel_loop3A_346] : memref<60000xf32, #tpu.memory_space<vmem>>[vector<16xi32>], vector<16xf32>,
      tpu.vector_store_idx %arg10[%parallel_loop3A_338], %parallel_loop3A_347 : memref<8192xf32, #tpu.memory_space<vmem>>[vector<16xi32>], vector<16xf32>,
      %parallel_loop3A_348 = arith.constant 30000 : i32
      %parallel_loop3A_349 = vector.broadcast %parallel_loop3A_348 : i32 to vector<16xi32>
      %parallel_loop3A_350 = arith.addi %parallel_loop3A_321, %parallel_loop3A_349 : vector<16xi32>
      %parallel_loop3A_351 = tpu.vector_load_idx %arg6[%parallel_loop3A_350] : memref<60000xf32, #tpu.memory_space<vmem>>[vector<16xi32>], vector<16xf32>,
      tpu.vector_store_idx %arg8[%parallel_loop3A_332], %parallel_loop3A_351 : memref<8192xf32, #tpu.memory_space<vmem>>[vector<16xi32>], vector<16xf32>,
      %parallel_loop3A_352 = arith.constant 40000 : i32
      %parallel_loop3A_353 = vector.broadcast %parallel_loop3A_352 : i32 to vector<16xi32>
      %parallel_loop3A_354 = arith.addi %parallel_loop3A_321, %parallel_loop3A_353 : vector<16xi32>
      %parallel_loop3A_355 = tpu.vector_load_idx %arg6[%parallel_loop3A_354] : memref<60000xf32, #tpu.memory_space<vmem>>[vector<16xi32>], vector<16xf32>,
      tpu.vector_store_idx %arg8[%parallel_loop3A_335], %parallel_loop3A_355 : memref<8192xf32, #tpu.memory_space<vmem>>[vector<16xi32>], vector<16xf32>,
      %parallel_loop3A_356 = arith.constant 50000 : i32
      %parallel_loop3A_357 = vector.broadcast %parallel_loop3A_356 : i32 to vector<16xi32>
      %parallel_loop3A_358 = arith.addi %parallel_loop3A_321, %parallel_loop3A_357 : vector<16xi32>
      %parallel_loop3A_359 = tpu.vector_load_idx %arg6[%parallel_loop3A_358] : memref<60000xf32, #tpu.memory_space<vmem>>[vector<16xi32>], vector<16xf32>,
      tpu.vector_store_idx %arg8[%parallel_loop3A_338], %parallel_loop3A_359 : memref<8192xf32, #tpu.memory_space<vmem>>[vector<16xi32>], vector<16xf32>,
    } {sc.loop_unroll_factor = 4 : i64, sc.parallel_access}
    %mul3A_214 = arith.constant 4 : i32
    %mul3A_215 = arith.muli %add3A_206, %mul3A_214 : i32
    %dma_start3A_216 = tpu.memref_slice %arg4[%mul3A_215] : memref<4194304xf32, #tpu.memory_space<hbm>> -> memref<8192xf32, #tpu.memory_space<hbm>>
    %dma_start3A_217 = tpu.memref_slice %arg4[%mul3A_215] : memref<4194304xf32, #tpu.memory_space<hbm>> -> memref<8192xf32, #tpu.memory_space<hbm>>
    tpu.enqueue_dma source(%arg8 : memref<8192xf32, #tpu.memory_space<vmem>>) target(%dma_start3A_217 : memref<8192xf32, #tpu.memory_space<hbm>>) target_semaphore(%arg14 : memref<!tpu.dma_semaphore, #tpu.memory_space<semaphore_mem>>)
    %mul3A_218 = arith.constant 4 : i32
    %mul3A_219 = arith.muli %add3A_206, %mul3A_218 : i32
    %dma_start3A_220 = tpu.memref_slice %arg5[%mul3A_219] : memref<4194304xf32, #tpu.memory_space<hbm>> -> memref<8192xf32, #tpu.memory_space<hbm>>
    %dma_start3A_221 = tpu.memref_slice %arg5[%mul3A_219] : memref<4194304xf32, #tpu.memory_space<hbm>> -> memref<8192xf32, #tpu.memory_space<hbm>>
    tpu.enqueue_dma source(%arg10 : memref<8192xf32, #tpu.memory_space<vmem>>) target(%dma_start3A_221 : memref<8192xf32, #tpu.memory_space<hbm>>) target_semaphore(%arg16 : memref<!tpu.dma_semaphore, #tpu.memory_space<semaphore_mem>>)
    %add3A_222 = arith.constant 22528 : i32
    %add3A_223 = arith.addi %mul3A_2, %add3A_222 : i32
    %dma_wait3A_224 = tpu.memref_slice %arg4[%mul3A_198] : memref<4194304xf32, #tpu.memory_space<hbm>> -> memref<8192xf32, #tpu.memory_space<hbm>>
    %dma_wait3A_225 = tpu.memref_slice %arg4[%mul3A_198] : memref<4194304xf32, #tpu.memory_space<hbm>> -> memref<8192xf32, #tpu.memory_space<hbm>>
    tpu.wait_dma2 semaphore(%arg15 : memref<!tpu.dma_semaphore, #tpu.memory_space<semaphore_mem>>) src(%arg9 : memref<8192xf32, #tpu.memory_space<vmem>>) dst(%dma_wait3A_225 : memref<8192xf32, #tpu.memory_space<hbm>>)
    %dma_wait3A_226 = tpu.memref_slice %arg5[%mul3A_202] : memref<4194304xf32, #tpu.memory_space<hbm>> -> memref<8192xf32, #tpu.memory_space<hbm>>
    %dma_wait3A_227 = tpu.memref_slice %arg5[%mul3A_202] : memref<4194304xf32, #tpu.memory_space<hbm>> -> memref<8192xf32, #tpu.memory_space<hbm>>
    tpu.wait_dma2 semaphore(%arg17 : memref<!tpu.dma_semaphore, #tpu.memory_space<semaphore_mem>>) src(%arg11 : memref<8192xf32, #tpu.memory_space<vmem>>) dst(%dma_wait3A_227 : memref<8192xf32, #tpu.memory_space<hbm>>)
    %parallel_loop3A_228 = arith.constant 0 : i32
    %parallel_loop3A_229 = arith.constant 128 : i32
    %parallel_loop3A_230 = arith.constant 1 : i32
    scf.for %parallel_loop3A_315 = %parallel_loop3A_228 to %parallel_loop3A_229 step %parallel_loop3A_230  : i32 {
      %parallel_loop3A_316 = arith.constant 16 : i32
      %parallel_loop3A_317 = arith.muli %parallel_loop3A_315, %parallel_loop3A_316 : i32
      %parallel_loop3A_318 = arith.constant 22528 : i32
      %parallel_loop3A_319 = arith.addi %parallel_loop3A_318, %parallel_loop3A_317 : i32
      %parallel_loop3A_320 = arith.index_cast %parallel_loop3A_319 : i32 to index
      %parallel_loop3A_321 = tpu.vector_load %arg7[%parallel_loop3A_320] {strides = array<i32>} : memref<32768xi32, #tpu.memory_space<vmem>>, vector<16xi32>,
      %parallel_loop3A_322 = arith.constant 3 : i32
      %parallel_loop3A_323 = arith.shrsi %parallel_loop3A_315, %parallel_loop3A_322 : i32
      %parallel_loop3A_324 = arith.constant 512 : i32
      %parallel_loop3A_325 = arith.muli %parallel_loop3A_323, %parallel_loop3A_324 : i32
      %parallel_loop3A_326 = arith.constant 7 : i32
      %parallel_loop3A_327 = arith.andi %parallel_loop3A_315, %parallel_loop3A_326 : i32
      %parallel_loop3A_328 = arith.constant 16 : i32
      %parallel_loop3A_329 = arith.muli %parallel_loop3A_327, %parallel_loop3A_328 : i32
      %parallel_loop3A_330 = arith.addi %parallel_loop3A_325, %parallel_loop3A_329 : i32
      %parallel_loop3A_331 = vector.broadcast %parallel_loop3A_330 : i32 to vector<16xi32>
      %parallel_loop3A_332 = arith.addi %iota3A, %parallel_loop3A_331 : vector<16xi32>
      %parallel_loop3A_333 = arith.constant 128 : i32
      %parallel_loop3A_334 = vector.broadcast %parallel_loop3A_333 : i32 to vector<16xi32>
      %parallel_loop3A_335 = arith.addi %parallel_loop3A_332, %parallel_loop3A_334 : vector<16xi32>
      %parallel_loop3A_336 = arith.constant 256 : i32
      %parallel_loop3A_337 = vector.broadcast %parallel_loop3A_336 : i32 to vector<16xi32>
      %parallel_loop3A_338 = arith.addi %parallel_loop3A_332, %parallel_loop3A_337 : vector<16xi32>
      %parallel_loop3A_339 = tpu.vector_load_idx %arg6[%parallel_loop3A_321] : memref<60000xf32, #tpu.memory_space<vmem>>[vector<16xi32>], vector<16xf32>,
      tpu.vector_store_idx %arg11[%parallel_loop3A_332], %parallel_loop3A_339 : memref<8192xf32, #tpu.memory_space<vmem>>[vector<16xi32>], vector<16xf32>,
      %parallel_loop3A_340 = arith.constant 10000 : i32
      %parallel_loop3A_341 = vector.broadcast %parallel_loop3A_340 : i32 to vector<16xi32>
      %parallel_loop3A_342 = arith.addi %parallel_loop3A_321, %parallel_loop3A_341 : vector<16xi32>
      %parallel_loop3A_343 = tpu.vector_load_idx %arg6[%parallel_loop3A_342] : memref<60000xf32, #tpu.memory_space<vmem>>[vector<16xi32>], vector<16xf32>,
      tpu.vector_store_idx %arg11[%parallel_loop3A_335], %parallel_loop3A_343 : memref<8192xf32, #tpu.memory_space<vmem>>[vector<16xi32>], vector<16xf32>,
      %parallel_loop3A_344 = arith.constant 20000 : i32
      %parallel_loop3A_345 = vector.broadcast %parallel_loop3A_344 : i32 to vector<16xi32>
      %parallel_loop3A_346 = arith.addi %parallel_loop3A_321, %parallel_loop3A_345 : vector<16xi32>
      %parallel_loop3A_347 = tpu.vector_load_idx %arg6[%parallel_loop3A_346] : memref<60000xf32, #tpu.memory_space<vmem>>[vector<16xi32>], vector<16xf32>,
      tpu.vector_store_idx %arg11[%parallel_loop3A_338], %parallel_loop3A_347 : memref<8192xf32, #tpu.memory_space<vmem>>[vector<16xi32>], vector<16xf32>,
      %parallel_loop3A_348 = arith.constant 30000 : i32
      %parallel_loop3A_349 = vector.broadcast %parallel_loop3A_348 : i32 to vector<16xi32>
      %parallel_loop3A_350 = arith.addi %parallel_loop3A_321, %parallel_loop3A_349 : vector<16xi32>
      %parallel_loop3A_351 = tpu.vector_load_idx %arg6[%parallel_loop3A_350] : memref<60000xf32, #tpu.memory_space<vmem>>[vector<16xi32>], vector<16xf32>,
      tpu.vector_store_idx %arg9[%parallel_loop3A_332], %parallel_loop3A_351 : memref<8192xf32, #tpu.memory_space<vmem>>[vector<16xi32>], vector<16xf32>,
      %parallel_loop3A_352 = arith.constant 40000 : i32
      %parallel_loop3A_353 = vector.broadcast %parallel_loop3A_352 : i32 to vector<16xi32>
      %parallel_loop3A_354 = arith.addi %parallel_loop3A_321, %parallel_loop3A_353 : vector<16xi32>
      %parallel_loop3A_355 = tpu.vector_load_idx %arg6[%parallel_loop3A_354] : memref<60000xf32, #tpu.memory_space<vmem>>[vector<16xi32>], vector<16xf32>,
      tpu.vector_store_idx %arg9[%parallel_loop3A_335], %parallel_loop3A_355 : memref<8192xf32, #tpu.memory_space<vmem>>[vector<16xi32>], vector<16xf32>,
      %parallel_loop3A_356 = arith.constant 50000 : i32
      %parallel_loop3A_357 = vector.broadcast %parallel_loop3A_356 : i32 to vector<16xi32>
      %parallel_loop3A_358 = arith.addi %parallel_loop3A_321, %parallel_loop3A_357 : vector<16xi32>
      %parallel_loop3A_359 = tpu.vector_load_idx %arg6[%parallel_loop3A_358] : memref<60000xf32, #tpu.memory_space<vmem>>[vector<16xi32>], vector<16xf32>,
      tpu.vector_store_idx %arg9[%parallel_loop3A_338], %parallel_loop3A_359 : memref<8192xf32, #tpu.memory_space<vmem>>[vector<16xi32>], vector<16xf32>,
    } {sc.loop_unroll_factor = 4 : i64, sc.parallel_access}
    %mul3A_231 = arith.constant 4 : i32
    %mul3A_232 = arith.muli %add3A_223, %mul3A_231 : i32
    %dma_start3A_233 = tpu.memref_slice %arg4[%mul3A_232] : memref<4194304xf32, #tpu.memory_space<hbm>> -> memref<8192xf32, #tpu.memory_space<hbm>>
    %dma_start3A_234 = tpu.memref_slice %arg4[%mul3A_232] : memref<4194304xf32, #tpu.memory_space<hbm>> -> memref<8192xf32, #tpu.memory_space<hbm>>
    tpu.enqueue_dma source(%arg9 : memref<8192xf32, #tpu.memory_space<vmem>>) target(%dma_start3A_234 : memref<8192xf32, #tpu.memory_space<hbm>>) target_semaphore(%arg15 : memref<!tpu.dma_semaphore, #tpu.memory_space<semaphore_mem>>)
    %mul3A_235 = arith.constant 4 : i32
    %mul3A_236 = arith.muli %add3A_223, %mul3A_235 : i32
    %dma_start3A_237 = tpu.memref_slice %arg5[%mul3A_236] : memref<4194304xf32, #tpu.memory_space<hbm>> -> memref<8192xf32, #tpu.memory_space<hbm>>
    %dma_start3A_238 = tpu.memref_slice %arg5[%mul3A_236] : memref<4194304xf32, #tpu.memory_space<hbm>> -> memref<8192xf32, #tpu.memory_space<hbm>>
    tpu.enqueue_dma source(%arg11 : memref<8192xf32, #tpu.memory_space<vmem>>) target(%dma_start3A_238 : memref<8192xf32, #tpu.memory_space<hbm>>) target_semaphore(%arg17 : memref<!tpu.dma_semaphore, #tpu.memory_space<semaphore_mem>>)
    %add3A_239 = arith.constant 24576 : i32
    %add3A_240 = arith.addi %mul3A_2, %add3A_239 : i32
    %dma_wait3A_241 = tpu.memref_slice %arg4[%mul3A_215] : memref<4194304xf32, #tpu.memory_space<hbm>> -> memref<8192xf32, #tpu.memory_space<hbm>>
    %dma_wait3A_242 = tpu.memref_slice %arg4[%mul3A_215] : memref<4194304xf32, #tpu.memory_space<hbm>> -> memref<8192xf32, #tpu.memory_space<hbm>>
    tpu.wait_dma2 semaphore(%arg14 : memref<!tpu.dma_semaphore, #tpu.memory_space<semaphore_mem>>) src(%arg8 : memref<8192xf32, #tpu.memory_space<vmem>>) dst(%dma_wait3A_242 : memref<8192xf32, #tpu.memory_space<hbm>>)
    %dma_wait3A_243 = tpu.memref_slice %arg5[%mul3A_219] : memref<4194304xf32, #tpu.memory_space<hbm>> -> memref<8192xf32, #tpu.memory_space<hbm>>
    %dma_wait3A_244 = tpu.memref_slice %arg5[%mul3A_219] : memref<4194304xf32, #tpu.memory_space<hbm>> -> memref<8192xf32, #tpu.memory_space<hbm>>
    tpu.wait_dma2 semaphore(%arg16 : memref<!tpu.dma_semaphore, #tpu.memory_space<semaphore_mem>>) src(%arg10 : memref<8192xf32, #tpu.memory_space<vmem>>) dst(%dma_wait3A_244 : memref<8192xf32, #tpu.memory_space<hbm>>)
    %parallel_loop3A_245 = arith.constant 0 : i32
    %parallel_loop3A_246 = arith.constant 128 : i32
    %parallel_loop3A_247 = arith.constant 1 : i32
    scf.for %parallel_loop3A_315 = %parallel_loop3A_245 to %parallel_loop3A_246 step %parallel_loop3A_247  : i32 {
      %parallel_loop3A_316 = arith.constant 16 : i32
      %parallel_loop3A_317 = arith.muli %parallel_loop3A_315, %parallel_loop3A_316 : i32
      %parallel_loop3A_318 = arith.constant 24576 : i32
      %parallel_loop3A_319 = arith.addi %parallel_loop3A_318, %parallel_loop3A_317 : i32
      %parallel_loop3A_320 = arith.index_cast %parallel_loop3A_319 : i32 to index
      %parallel_loop3A_321 = tpu.vector_load %arg7[%parallel_loop3A_320] {strides = array<i32>} : memref<32768xi32, #tpu.memory_space<vmem>>, vector<16xi32>,
      %parallel_loop3A_322 = arith.constant 3 : i32
      %parallel_loop3A_323 = arith.shrsi %parallel_loop3A_315, %parallel_loop3A_322 : i32
      %parallel_loop3A_324 = arith.constant 512 : i32
      %parallel_loop3A_325 = arith.muli %parallel_loop3A_323, %parallel_loop3A_324 : i32
      %parallel_loop3A_326 = arith.constant 7 : i32
      %parallel_loop3A_327 = arith.andi %parallel_loop3A_315, %parallel_loop3A_326 : i32
      %parallel_loop3A_328 = arith.constant 16 : i32
      %parallel_loop3A_329 = arith.muli %parallel_loop3A_327, %parallel_loop3A_328 : i32
      %parallel_loop3A_330 = arith.addi %parallel_loop3A_325, %parallel_loop3A_329 : i32
      %parallel_loop3A_331 = vector.broadcast %parallel_loop3A_330 : i32 to vector<16xi32>
      %parallel_loop3A_332 = arith.addi %iota3A, %parallel_loop3A_331 : vector<16xi32>
      %parallel_loop3A_333 = arith.constant 128 : i32
      %parallel_loop3A_334 = vector.broadcast %parallel_loop3A_333 : i32 to vector<16xi32>
      %parallel_loop3A_335 = arith.addi %parallel_loop3A_332, %parallel_loop3A_334 : vector<16xi32>
      %parallel_loop3A_336 = arith.constant 256 : i32
      %parallel_loop3A_337 = vector.broadcast %parallel_loop3A_336 : i32 to vector<16xi32>
      %parallel_loop3A_338 = arith.addi %parallel_loop3A_332, %parallel_loop3A_337 : vector<16xi32>
      %parallel_loop3A_339 = tpu.vector_load_idx %arg6[%parallel_loop3A_321] : memref<60000xf32, #tpu.memory_space<vmem>>[vector<16xi32>], vector<16xf32>,
      tpu.vector_store_idx %arg10[%parallel_loop3A_332], %parallel_loop3A_339 : memref<8192xf32, #tpu.memory_space<vmem>>[vector<16xi32>], vector<16xf32>,
      %parallel_loop3A_340 = arith.constant 10000 : i32
      %parallel_loop3A_341 = vector.broadcast %parallel_loop3A_340 : i32 to vector<16xi32>
      %parallel_loop3A_342 = arith.addi %parallel_loop3A_321, %parallel_loop3A_341 : vector<16xi32>
      %parallel_loop3A_343 = tpu.vector_load_idx %arg6[%parallel_loop3A_342] : memref<60000xf32, #tpu.memory_space<vmem>>[vector<16xi32>], vector<16xf32>,
      tpu.vector_store_idx %arg10[%parallel_loop3A_335], %parallel_loop3A_343 : memref<8192xf32, #tpu.memory_space<vmem>>[vector<16xi32>], vector<16xf32>,
      %parallel_loop3A_344 = arith.constant 20000 : i32
      %parallel_loop3A_345 = vector.broadcast %parallel_loop3A_344 : i32 to vector<16xi32>
      %parallel_loop3A_346 = arith.addi %parallel_loop3A_321, %parallel_loop3A_345 : vector<16xi32>
      %parallel_loop3A_347 = tpu.vector_load_idx %arg6[%parallel_loop3A_346] : memref<60000xf32, #tpu.memory_space<vmem>>[vector<16xi32>], vector<16xf32>,
      tpu.vector_store_idx %arg10[%parallel_loop3A_338], %parallel_loop3A_347 : memref<8192xf32, #tpu.memory_space<vmem>>[vector<16xi32>], vector<16xf32>,
      %parallel_loop3A_348 = arith.constant 30000 : i32
      %parallel_loop3A_349 = vector.broadcast %parallel_loop3A_348 : i32 to vector<16xi32>
      %parallel_loop3A_350 = arith.addi %parallel_loop3A_321, %parallel_loop3A_349 : vector<16xi32>
      %parallel_loop3A_351 = tpu.vector_load_idx %arg6[%parallel_loop3A_350] : memref<60000xf32, #tpu.memory_space<vmem>>[vector<16xi32>], vector<16xf32>,
      tpu.vector_store_idx %arg8[%parallel_loop3A_332], %parallel_loop3A_351 : memref<8192xf32, #tpu.memory_space<vmem>>[vector<16xi32>], vector<16xf32>,
      %parallel_loop3A_352 = arith.constant 40000 : i32
      %parallel_loop3A_353 = vector.broadcast %parallel_loop3A_352 : i32 to vector<16xi32>
      %parallel_loop3A_354 = arith.addi %parallel_loop3A_321, %parallel_loop3A_353 : vector<16xi32>
      %parallel_loop3A_355 = tpu.vector_load_idx %arg6[%parallel_loop3A_354] : memref<60000xf32, #tpu.memory_space<vmem>>[vector<16xi32>], vector<16xf32>,
      tpu.vector_store_idx %arg8[%parallel_loop3A_335], %parallel_loop3A_355 : memref<8192xf32, #tpu.memory_space<vmem>>[vector<16xi32>], vector<16xf32>,
      %parallel_loop3A_356 = arith.constant 50000 : i32
      %parallel_loop3A_357 = vector.broadcast %parallel_loop3A_356 : i32 to vector<16xi32>
      %parallel_loop3A_358 = arith.addi %parallel_loop3A_321, %parallel_loop3A_357 : vector<16xi32>
      %parallel_loop3A_359 = tpu.vector_load_idx %arg6[%parallel_loop3A_358] : memref<60000xf32, #tpu.memory_space<vmem>>[vector<16xi32>], vector<16xf32>,
      tpu.vector_store_idx %arg8[%parallel_loop3A_338], %parallel_loop3A_359 : memref<8192xf32, #tpu.memory_space<vmem>>[vector<16xi32>], vector<16xf32>,
    } {sc.loop_unroll_factor = 4 : i64, sc.parallel_access}
    %mul3A_248 = arith.constant 4 : i32
    %mul3A_249 = arith.muli %add3A_240, %mul3A_248 : i32
    %dma_start3A_250 = tpu.memref_slice %arg4[%mul3A_249] : memref<4194304xf32, #tpu.memory_space<hbm>> -> memref<8192xf32, #tpu.memory_space<hbm>>
    %dma_start3A_251 = tpu.memref_slice %arg4[%mul3A_249] : memref<4194304xf32, #tpu.memory_space<hbm>> -> memref<8192xf32, #tpu.memory_space<hbm>>
    tpu.enqueue_dma source(%arg8 : memref<8192xf32, #tpu.memory_space<vmem>>) target(%dma_start3A_251 : memref<8192xf32, #tpu.memory_space<hbm>>) target_semaphore(%arg14 : memref<!tpu.dma_semaphore, #tpu.memory_space<semaphore_mem>>)
    %mul3A_252 = arith.constant 4 : i32
    %mul3A_253 = arith.muli %add3A_240, %mul3A_252 : i32
    %dma_start3A_254 = tpu.memref_slice %arg5[%mul3A_253] : memref<4194304xf32, #tpu.memory_space<hbm>> -> memref<8192xf32, #tpu.memory_space<hbm>>
    %dma_start3A_255 = tpu.memref_slice %arg5[%mul3A_253] : memref<4194304xf32, #tpu.memory_space<hbm>> -> memref<8192xf32, #tpu.memory_space<hbm>>
    tpu.enqueue_dma source(%arg10 : memref<8192xf32, #tpu.memory_space<vmem>>) target(%dma_start3A_255 : memref<8192xf32, #tpu.memory_space<hbm>>) target_semaphore(%arg16 : memref<!tpu.dma_semaphore, #tpu.memory_space<semaphore_mem>>)
    %add3A_256 = arith.constant 26624 : i32
    %add3A_257 = arith.addi %mul3A_2, %add3A_256 : i32
    %dma_wait3A_258 = tpu.memref_slice %arg4[%mul3A_232] : memref<4194304xf32, #tpu.memory_space<hbm>> -> memref<8192xf32, #tpu.memory_space<hbm>>
    %dma_wait3A_259 = tpu.memref_slice %arg4[%mul3A_232] : memref<4194304xf32, #tpu.memory_space<hbm>> -> memref<8192xf32, #tpu.memory_space<hbm>>
    tpu.wait_dma2 semaphore(%arg15 : memref<!tpu.dma_semaphore, #tpu.memory_space<semaphore_mem>>) src(%arg9 : memref<8192xf32, #tpu.memory_space<vmem>>) dst(%dma_wait3A_259 : memref<8192xf32, #tpu.memory_space<hbm>>)
    %dma_wait3A_260 = tpu.memref_slice %arg5[%mul3A_236] : memref<4194304xf32, #tpu.memory_space<hbm>> -> memref<8192xf32, #tpu.memory_space<hbm>>
    %dma_wait3A_261 = tpu.memref_slice %arg5[%mul3A_236] : memref<4194304xf32, #tpu.memory_space<hbm>> -> memref<8192xf32, #tpu.memory_space<hbm>>
    tpu.wait_dma2 semaphore(%arg17 : memref<!tpu.dma_semaphore, #tpu.memory_space<semaphore_mem>>) src(%arg11 : memref<8192xf32, #tpu.memory_space<vmem>>) dst(%dma_wait3A_261 : memref<8192xf32, #tpu.memory_space<hbm>>)
    %parallel_loop3A_262 = arith.constant 0 : i32
    %parallel_loop3A_263 = arith.constant 128 : i32
    %parallel_loop3A_264 = arith.constant 1 : i32
    scf.for %parallel_loop3A_315 = %parallel_loop3A_262 to %parallel_loop3A_263 step %parallel_loop3A_264  : i32 {
      %parallel_loop3A_316 = arith.constant 16 : i32
      %parallel_loop3A_317 = arith.muli %parallel_loop3A_315, %parallel_loop3A_316 : i32
      %parallel_loop3A_318 = arith.constant 26624 : i32
      %parallel_loop3A_319 = arith.addi %parallel_loop3A_318, %parallel_loop3A_317 : i32
      %parallel_loop3A_320 = arith.index_cast %parallel_loop3A_319 : i32 to index
      %parallel_loop3A_321 = tpu.vector_load %arg7[%parallel_loop3A_320] {strides = array<i32>} : memref<32768xi32, #tpu.memory_space<vmem>>, vector<16xi32>,
      %parallel_loop3A_322 = arith.constant 3 : i32
      %parallel_loop3A_323 = arith.shrsi %parallel_loop3A_315, %parallel_loop3A_322 : i32
      %parallel_loop3A_324 = arith.constant 512 : i32
      %parallel_loop3A_325 = arith.muli %parallel_loop3A_323, %parallel_loop3A_324 : i32
      %parallel_loop3A_326 = arith.constant 7 : i32
      %parallel_loop3A_327 = arith.andi %parallel_loop3A_315, %parallel_loop3A_326 : i32
      %parallel_loop3A_328 = arith.constant 16 : i32
      %parallel_loop3A_329 = arith.muli %parallel_loop3A_327, %parallel_loop3A_328 : i32
      %parallel_loop3A_330 = arith.addi %parallel_loop3A_325, %parallel_loop3A_329 : i32
      %parallel_loop3A_331 = vector.broadcast %parallel_loop3A_330 : i32 to vector<16xi32>
      %parallel_loop3A_332 = arith.addi %iota3A, %parallel_loop3A_331 : vector<16xi32>
      %parallel_loop3A_333 = arith.constant 128 : i32
      %parallel_loop3A_334 = vector.broadcast %parallel_loop3A_333 : i32 to vector<16xi32>
      %parallel_loop3A_335 = arith.addi %parallel_loop3A_332, %parallel_loop3A_334 : vector<16xi32>
      %parallel_loop3A_336 = arith.constant 256 : i32
      %parallel_loop3A_337 = vector.broadcast %parallel_loop3A_336 : i32 to vector<16xi32>
      %parallel_loop3A_338 = arith.addi %parallel_loop3A_332, %parallel_loop3A_337 : vector<16xi32>
      %parallel_loop3A_339 = tpu.vector_load_idx %arg6[%parallel_loop3A_321] : memref<60000xf32, #tpu.memory_space<vmem>>[vector<16xi32>], vector<16xf32>,
      tpu.vector_store_idx %arg11[%parallel_loop3A_332], %parallel_loop3A_339 : memref<8192xf32, #tpu.memory_space<vmem>>[vector<16xi32>], vector<16xf32>,
      %parallel_loop3A_340 = arith.constant 10000 : i32
      %parallel_loop3A_341 = vector.broadcast %parallel_loop3A_340 : i32 to vector<16xi32>
      %parallel_loop3A_342 = arith.addi %parallel_loop3A_321, %parallel_loop3A_341 : vector<16xi32>
      %parallel_loop3A_343 = tpu.vector_load_idx %arg6[%parallel_loop3A_342] : memref<60000xf32, #tpu.memory_space<vmem>>[vector<16xi32>], vector<16xf32>,
      tpu.vector_store_idx %arg11[%parallel_loop3A_335], %parallel_loop3A_343 : memref<8192xf32, #tpu.memory_space<vmem>>[vector<16xi32>], vector<16xf32>,
      %parallel_loop3A_344 = arith.constant 20000 : i32
      %parallel_loop3A_345 = vector.broadcast %parallel_loop3A_344 : i32 to vector<16xi32>
      %parallel_loop3A_346 = arith.addi %parallel_loop3A_321, %parallel_loop3A_345 : vector<16xi32>
      %parallel_loop3A_347 = tpu.vector_load_idx %arg6[%parallel_loop3A_346] : memref<60000xf32, #tpu.memory_space<vmem>>[vector<16xi32>], vector<16xf32>,
      tpu.vector_store_idx %arg11[%parallel_loop3A_338], %parallel_loop3A_347 : memref<8192xf32, #tpu.memory_space<vmem>>[vector<16xi32>], vector<16xf32>,
      %parallel_loop3A_348 = arith.constant 30000 : i32
      %parallel_loop3A_349 = vector.broadcast %parallel_loop3A_348 : i32 to vector<16xi32>
      %parallel_loop3A_350 = arith.addi %parallel_loop3A_321, %parallel_loop3A_349 : vector<16xi32>
      %parallel_loop3A_351 = tpu.vector_load_idx %arg6[%parallel_loop3A_350] : memref<60000xf32, #tpu.memory_space<vmem>>[vector<16xi32>], vector<16xf32>,
      tpu.vector_store_idx %arg9[%parallel_loop3A_332], %parallel_loop3A_351 : memref<8192xf32, #tpu.memory_space<vmem>>[vector<16xi32>], vector<16xf32>,
      %parallel_loop3A_352 = arith.constant 40000 : i32
      %parallel_loop3A_353 = vector.broadcast %parallel_loop3A_352 : i32 to vector<16xi32>
      %parallel_loop3A_354 = arith.addi %parallel_loop3A_321, %parallel_loop3A_353 : vector<16xi32>
      %parallel_loop3A_355 = tpu.vector_load_idx %arg6[%parallel_loop3A_354] : memref<60000xf32, #tpu.memory_space<vmem>>[vector<16xi32>], vector<16xf32>,
      tpu.vector_store_idx %arg9[%parallel_loop3A_335], %parallel_loop3A_355 : memref<8192xf32, #tpu.memory_space<vmem>>[vector<16xi32>], vector<16xf32>,
      %parallel_loop3A_356 = arith.constant 50000 : i32
      %parallel_loop3A_357 = vector.broadcast %parallel_loop3A_356 : i32 to vector<16xi32>
      %parallel_loop3A_358 = arith.addi %parallel_loop3A_321, %parallel_loop3A_357 : vector<16xi32>
      %parallel_loop3A_359 = tpu.vector_load_idx %arg6[%parallel_loop3A_358] : memref<60000xf32, #tpu.memory_space<vmem>>[vector<16xi32>], vector<16xf32>,
      tpu.vector_store_idx %arg9[%parallel_loop3A_338], %parallel_loop3A_359 : memref<8192xf32, #tpu.memory_space<vmem>>[vector<16xi32>], vector<16xf32>,
    } {sc.loop_unroll_factor = 4 : i64, sc.parallel_access}
    %mul3A_265 = arith.constant 4 : i32
    %mul3A_266 = arith.muli %add3A_257, %mul3A_265 : i32
    %dma_start3A_267 = tpu.memref_slice %arg4[%mul3A_266] : memref<4194304xf32, #tpu.memory_space<hbm>> -> memref<8192xf32, #tpu.memory_space<hbm>>
    %dma_start3A_268 = tpu.memref_slice %arg4[%mul3A_266] : memref<4194304xf32, #tpu.memory_space<hbm>> -> memref<8192xf32, #tpu.memory_space<hbm>>
    tpu.enqueue_dma source(%arg9 : memref<8192xf32, #tpu.memory_space<vmem>>) target(%dma_start3A_268 : memref<8192xf32, #tpu.memory_space<hbm>>) target_semaphore(%arg15 : memref<!tpu.dma_semaphore, #tpu.memory_space<semaphore_mem>>)
    %mul3A_269 = arith.constant 4 : i32
    %mul3A_270 = arith.muli %add3A_257, %mul3A_269 : i32
    %dma_start3A_271 = tpu.memref_slice %arg5[%mul3A_270] : memref<4194304xf32, #tpu.memory_space<hbm>> -> memref<8192xf32, #tpu.memory_space<hbm>>
    %dma_start3A_272 = tpu.memref_slice %arg5[%mul3A_270] : memref<4194304xf32, #tpu.memory_space<hbm>> -> memref<8192xf32, #tpu.memory_space<hbm>>
    tpu.enqueue_dma source(%arg11 : memref<8192xf32, #tpu.memory_space<vmem>>) target(%dma_start3A_272 : memref<8192xf32, #tpu.memory_space<hbm>>) target_semaphore(%arg17 : memref<!tpu.dma_semaphore, #tpu.memory_space<semaphore_mem>>)
    %add3A_273 = arith.constant 28672 : i32
    %add3A_274 = arith.addi %mul3A_2, %add3A_273 : i32
    %dma_wait3A_275 = tpu.memref_slice %arg4[%mul3A_249] : memref<4194304xf32, #tpu.memory_space<hbm>> -> memref<8192xf32, #tpu.memory_space<hbm>>
    %dma_wait3A_276 = tpu.memref_slice %arg4[%mul3A_249] : memref<4194304xf32, #tpu.memory_space<hbm>> -> memref<8192xf32, #tpu.memory_space<hbm>>
    tpu.wait_dma2 semaphore(%arg14 : memref<!tpu.dma_semaphore, #tpu.memory_space<semaphore_mem>>) src(%arg8 : memref<8192xf32, #tpu.memory_space<vmem>>) dst(%dma_wait3A_276 : memref<8192xf32, #tpu.memory_space<hbm>>)
    %dma_wait3A_277 = tpu.memref_slice %arg5[%mul3A_253] : memref<4194304xf32, #tpu.memory_space<hbm>> -> memref<8192xf32, #tpu.memory_space<hbm>>
    %dma_wait3A_278 = tpu.memref_slice %arg5[%mul3A_253] : memref<4194304xf32, #tpu.memory_space<hbm>> -> memref<8192xf32, #tpu.memory_space<hbm>>
    tpu.wait_dma2 semaphore(%arg16 : memref<!tpu.dma_semaphore, #tpu.memory_space<semaphore_mem>>) src(%arg10 : memref<8192xf32, #tpu.memory_space<vmem>>) dst(%dma_wait3A_278 : memref<8192xf32, #tpu.memory_space<hbm>>)
    %parallel_loop3A_279 = arith.constant 0 : i32
    %parallel_loop3A_280 = arith.constant 128 : i32
    %parallel_loop3A_281 = arith.constant 1 : i32
    scf.for %parallel_loop3A_315 = %parallel_loop3A_279 to %parallel_loop3A_280 step %parallel_loop3A_281  : i32 {
      %parallel_loop3A_316 = arith.constant 16 : i32
      %parallel_loop3A_317 = arith.muli %parallel_loop3A_315, %parallel_loop3A_316 : i32
      %parallel_loop3A_318 = arith.constant 28672 : i32
      %parallel_loop3A_319 = arith.addi %parallel_loop3A_318, %parallel_loop3A_317 : i32
      %parallel_loop3A_320 = arith.index_cast %parallel_loop3A_319 : i32 to index
      %parallel_loop3A_321 = tpu.vector_load %arg7[%parallel_loop3A_320] {strides = array<i32>} : memref<32768xi32, #tpu.memory_space<vmem>>, vector<16xi32>,
      %parallel_loop3A_322 = arith.constant 3 : i32
      %parallel_loop3A_323 = arith.shrsi %parallel_loop3A_315, %parallel_loop3A_322 : i32
      %parallel_loop3A_324 = arith.constant 512 : i32
      %parallel_loop3A_325 = arith.muli %parallel_loop3A_323, %parallel_loop3A_324 : i32
      %parallel_loop3A_326 = arith.constant 7 : i32
      %parallel_loop3A_327 = arith.andi %parallel_loop3A_315, %parallel_loop3A_326 : i32
      %parallel_loop3A_328 = arith.constant 16 : i32
      %parallel_loop3A_329 = arith.muli %parallel_loop3A_327, %parallel_loop3A_328 : i32
      %parallel_loop3A_330 = arith.addi %parallel_loop3A_325, %parallel_loop3A_329 : i32
      %parallel_loop3A_331 = vector.broadcast %parallel_loop3A_330 : i32 to vector<16xi32>
      %parallel_loop3A_332 = arith.addi %iota3A, %parallel_loop3A_331 : vector<16xi32>
      %parallel_loop3A_333 = arith.constant 128 : i32
      %parallel_loop3A_334 = vector.broadcast %parallel_loop3A_333 : i32 to vector<16xi32>
      %parallel_loop3A_335 = arith.addi %parallel_loop3A_332, %parallel_loop3A_334 : vector<16xi32>
      %parallel_loop3A_336 = arith.constant 256 : i32
      %parallel_loop3A_337 = vector.broadcast %parallel_loop3A_336 : i32 to vector<16xi32>
      %parallel_loop3A_338 = arith.addi %parallel_loop3A_332, %parallel_loop3A_337 : vector<16xi32>
      %parallel_loop3A_339 = tpu.vector_load_idx %arg6[%parallel_loop3A_321] : memref<60000xf32, #tpu.memory_space<vmem>>[vector<16xi32>], vector<16xf32>,
      tpu.vector_store_idx %arg10[%parallel_loop3A_332], %parallel_loop3A_339 : memref<8192xf32, #tpu.memory_space<vmem>>[vector<16xi32>], vector<16xf32>,
      %parallel_loop3A_340 = arith.constant 10000 : i32
      %parallel_loop3A_341 = vector.broadcast %parallel_loop3A_340 : i32 to vector<16xi32>
      %parallel_loop3A_342 = arith.addi %parallel_loop3A_321, %parallel_loop3A_341 : vector<16xi32>
      %parallel_loop3A_343 = tpu.vector_load_idx %arg6[%parallel_loop3A_342] : memref<60000xf32, #tpu.memory_space<vmem>>[vector<16xi32>], vector<16xf32>,
      tpu.vector_store_idx %arg10[%parallel_loop3A_335], %parallel_loop3A_343 : memref<8192xf32, #tpu.memory_space<vmem>>[vector<16xi32>], vector<16xf32>,
      %parallel_loop3A_344 = arith.constant 20000 : i32
      %parallel_loop3A_345 = vector.broadcast %parallel_loop3A_344 : i32 to vector<16xi32>
      %parallel_loop3A_346 = arith.addi %parallel_loop3A_321, %parallel_loop3A_345 : vector<16xi32>
      %parallel_loop3A_347 = tpu.vector_load_idx %arg6[%parallel_loop3A_346] : memref<60000xf32, #tpu.memory_space<vmem>>[vector<16xi32>], vector<16xf32>,
      tpu.vector_store_idx %arg10[%parallel_loop3A_338], %parallel_loop3A_347 : memref<8192xf32, #tpu.memory_space<vmem>>[vector<16xi32>], vector<16xf32>,
      %parallel_loop3A_348 = arith.constant 30000 : i32
      %parallel_loop3A_349 = vector.broadcast %parallel_loop3A_348 : i32 to vector<16xi32>
      %parallel_loop3A_350 = arith.addi %parallel_loop3A_321, %parallel_loop3A_349 : vector<16xi32>
      %parallel_loop3A_351 = tpu.vector_load_idx %arg6[%parallel_loop3A_350] : memref<60000xf32, #tpu.memory_space<vmem>>[vector<16xi32>], vector<16xf32>,
      tpu.vector_store_idx %arg8[%parallel_loop3A_332], %parallel_loop3A_351 : memref<8192xf32, #tpu.memory_space<vmem>>[vector<16xi32>], vector<16xf32>,
      %parallel_loop3A_352 = arith.constant 40000 : i32
      %parallel_loop3A_353 = vector.broadcast %parallel_loop3A_352 : i32 to vector<16xi32>
      %parallel_loop3A_354 = arith.addi %parallel_loop3A_321, %parallel_loop3A_353 : vector<16xi32>
      %parallel_loop3A_355 = tpu.vector_load_idx %arg6[%parallel_loop3A_354] : memref<60000xf32, #tpu.memory_space<vmem>>[vector<16xi32>], vector<16xf32>,
      tpu.vector_store_idx %arg8[%parallel_loop3A_335], %parallel_loop3A_355 : memref<8192xf32, #tpu.memory_space<vmem>>[vector<16xi32>], vector<16xf32>,
      %parallel_loop3A_356 = arith.constant 50000 : i32
      %parallel_loop3A_357 = vector.broadcast %parallel_loop3A_356 : i32 to vector<16xi32>
      %parallel_loop3A_358 = arith.addi %parallel_loop3A_321, %parallel_loop3A_357 : vector<16xi32>
      %parallel_loop3A_359 = tpu.vector_load_idx %arg6[%parallel_loop3A_358] : memref<60000xf32, #tpu.memory_space<vmem>>[vector<16xi32>], vector<16xf32>,
      tpu.vector_store_idx %arg8[%parallel_loop3A_338], %parallel_loop3A_359 : memref<8192xf32, #tpu.memory_space<vmem>>[vector<16xi32>], vector<16xf32>,
    } {sc.loop_unroll_factor = 4 : i64, sc.parallel_access}
    %mul3A_282 = arith.constant 4 : i32
    %mul3A_283 = arith.muli %add3A_274, %mul3A_282 : i32
    %dma_start3A_284 = tpu.memref_slice %arg4[%mul3A_283] : memref<4194304xf32, #tpu.memory_space<hbm>> -> memref<8192xf32, #tpu.memory_space<hbm>>
    %dma_start3A_285 = tpu.memref_slice %arg4[%mul3A_283] : memref<4194304xf32, #tpu.memory_space<hbm>> -> memref<8192xf32, #tpu.memory_space<hbm>>
    tpu.enqueue_dma source(%arg8 : memref<8192xf32, #tpu.memory_space<vmem>>) target(%dma_start3A_285 : memref<8192xf32, #tpu.memory_space<hbm>>) target_semaphore(%arg14 : memref<!tpu.dma_semaphore, #tpu.memory_space<semaphore_mem>>)
    %mul3A_286 = arith.constant 4 : i32
    %mul3A_287 = arith.muli %add3A_274, %mul3A_286 : i32
    %dma_start3A_288 = tpu.memref_slice %arg5[%mul3A_287] : memref<4194304xf32, #tpu.memory_space<hbm>> -> memref<8192xf32, #tpu.memory_space<hbm>>
    %dma_start3A_289 = tpu.memref_slice %arg5[%mul3A_287] : memref<4194304xf32, #tpu.memory_space<hbm>> -> memref<8192xf32, #tpu.memory_space<hbm>>
    tpu.enqueue_dma source(%arg10 : memref<8192xf32, #tpu.memory_space<vmem>>) target(%dma_start3A_289 : memref<8192xf32, #tpu.memory_space<hbm>>) target_semaphore(%arg16 : memref<!tpu.dma_semaphore, #tpu.memory_space<semaphore_mem>>)
    %add3A_290 = arith.constant 30720 : i32
    %add3A_291 = arith.addi %mul3A_2, %add3A_290 : i32
    %dma_wait3A_292 = tpu.memref_slice %arg4[%mul3A_266] : memref<4194304xf32, #tpu.memory_space<hbm>> -> memref<8192xf32, #tpu.memory_space<hbm>>
    %dma_wait3A_293 = tpu.memref_slice %arg4[%mul3A_266] : memref<4194304xf32, #tpu.memory_space<hbm>> -> memref<8192xf32, #tpu.memory_space<hbm>>
    tpu.wait_dma2 semaphore(%arg15 : memref<!tpu.dma_semaphore, #tpu.memory_space<semaphore_mem>>) src(%arg9 : memref<8192xf32, #tpu.memory_space<vmem>>) dst(%dma_wait3A_293 : memref<8192xf32, #tpu.memory_space<hbm>>)
    %dma_wait3A_294 = tpu.memref_slice %arg5[%mul3A_270] : memref<4194304xf32, #tpu.memory_space<hbm>> -> memref<8192xf32, #tpu.memory_space<hbm>>
    %dma_wait3A_295 = tpu.memref_slice %arg5[%mul3A_270] : memref<4194304xf32, #tpu.memory_space<hbm>> -> memref<8192xf32, #tpu.memory_space<hbm>>
    tpu.wait_dma2 semaphore(%arg17 : memref<!tpu.dma_semaphore, #tpu.memory_space<semaphore_mem>>) src(%arg11 : memref<8192xf32, #tpu.memory_space<vmem>>) dst(%dma_wait3A_295 : memref<8192xf32, #tpu.memory_space<hbm>>)
    %parallel_loop3A_296 = arith.constant 0 : i32
    %parallel_loop3A_297 = arith.constant 128 : i32
    %parallel_loop3A_298 = arith.constant 1 : i32
    scf.for %parallel_loop3A_315 = %parallel_loop3A_296 to %parallel_loop3A_297 step %parallel_loop3A_298  : i32 {
      %parallel_loop3A_316 = arith.constant 16 : i32
      %parallel_loop3A_317 = arith.muli %parallel_loop3A_315, %parallel_loop3A_316 : i32
      %parallel_loop3A_318 = arith.constant 30720 : i32
      %parallel_loop3A_319 = arith.addi %parallel_loop3A_318, %parallel_loop3A_317 : i32
      %parallel_loop3A_320 = arith.index_cast %parallel_loop3A_319 : i32 to index
      %parallel_loop3A_321 = tpu.vector_load %arg7[%parallel_loop3A_320] {strides = array<i32>} : memref<32768xi32, #tpu.memory_space<vmem>>, vector<16xi32>,
      %parallel_loop3A_322 = arith.constant 3 : i32
      %parallel_loop3A_323 = arith.shrsi %parallel_loop3A_315, %parallel_loop3A_322 : i32
      %parallel_loop3A_324 = arith.constant 512 : i32
      %parallel_loop3A_325 = arith.muli %parallel_loop3A_323, %parallel_loop3A_324 : i32
      %parallel_loop3A_326 = arith.constant 7 : i32
      %parallel_loop3A_327 = arith.andi %parallel_loop3A_315, %parallel_loop3A_326 : i32
      %parallel_loop3A_328 = arith.constant 16 : i32
      %parallel_loop3A_329 = arith.muli %parallel_loop3A_327, %parallel_loop3A_328 : i32
      %parallel_loop3A_330 = arith.addi %parallel_loop3A_325, %parallel_loop3A_329 : i32
      %parallel_loop3A_331 = vector.broadcast %parallel_loop3A_330 : i32 to vector<16xi32>
      %parallel_loop3A_332 = arith.addi %iota3A, %parallel_loop3A_331 : vector<16xi32>
      %parallel_loop3A_333 = arith.constant 128 : i32
      %parallel_loop3A_334 = vector.broadcast %parallel_loop3A_333 : i32 to vector<16xi32>
      %parallel_loop3A_335 = arith.addi %parallel_loop3A_332, %parallel_loop3A_334 : vector<16xi32>
      %parallel_loop3A_336 = arith.constant 256 : i32
      %parallel_loop3A_337 = vector.broadcast %parallel_loop3A_336 : i32 to vector<16xi32>
      %parallel_loop3A_338 = arith.addi %parallel_loop3A_332, %parallel_loop3A_337 : vector<16xi32>
      %parallel_loop3A_339 = tpu.vector_load_idx %arg6[%parallel_loop3A_321] : memref<60000xf32, #tpu.memory_space<vmem>>[vector<16xi32>], vector<16xf32>,
      tpu.vector_store_idx %arg11[%parallel_loop3A_332], %parallel_loop3A_339 : memref<8192xf32, #tpu.memory_space<vmem>>[vector<16xi32>], vector<16xf32>,
      %parallel_loop3A_340 = arith.constant 10000 : i32
      %parallel_loop3A_341 = vector.broadcast %parallel_loop3A_340 : i32 to vector<16xi32>
      %parallel_loop3A_342 = arith.addi %parallel_loop3A_321, %parallel_loop3A_341 : vector<16xi32>
      %parallel_loop3A_343 = tpu.vector_load_idx %arg6[%parallel_loop3A_342] : memref<60000xf32, #tpu.memory_space<vmem>>[vector<16xi32>], vector<16xf32>,
      tpu.vector_store_idx %arg11[%parallel_loop3A_335], %parallel_loop3A_343 : memref<8192xf32, #tpu.memory_space<vmem>>[vector<16xi32>], vector<16xf32>,
      %parallel_loop3A_344 = arith.constant 20000 : i32
      %parallel_loop3A_345 = vector.broadcast %parallel_loop3A_344 : i32 to vector<16xi32>
      %parallel_loop3A_346 = arith.addi %parallel_loop3A_321, %parallel_loop3A_345 : vector<16xi32>
      %parallel_loop3A_347 = tpu.vector_load_idx %arg6[%parallel_loop3A_346] : memref<60000xf32, #tpu.memory_space<vmem>>[vector<16xi32>], vector<16xf32>,
      tpu.vector_store_idx %arg11[%parallel_loop3A_338], %parallel_loop3A_347 : memref<8192xf32, #tpu.memory_space<vmem>>[vector<16xi32>], vector<16xf32>,
      %parallel_loop3A_348 = arith.constant 30000 : i32
      %parallel_loop3A_349 = vector.broadcast %parallel_loop3A_348 : i32 to vector<16xi32>
      %parallel_loop3A_350 = arith.addi %parallel_loop3A_321, %parallel_loop3A_349 : vector<16xi32>
      %parallel_loop3A_351 = tpu.vector_load_idx %arg6[%parallel_loop3A_350] : memref<60000xf32, #tpu.memory_space<vmem>>[vector<16xi32>], vector<16xf32>,
      tpu.vector_store_idx %arg9[%parallel_loop3A_332], %parallel_loop3A_351 : memref<8192xf32, #tpu.memory_space<vmem>>[vector<16xi32>], vector<16xf32>,
      %parallel_loop3A_352 = arith.constant 40000 : i32
      %parallel_loop3A_353 = vector.broadcast %parallel_loop3A_352 : i32 to vector<16xi32>
      %parallel_loop3A_354 = arith.addi %parallel_loop3A_321, %parallel_loop3A_353 : vector<16xi32>
      %parallel_loop3A_355 = tpu.vector_load_idx %arg6[%parallel_loop3A_354] : memref<60000xf32, #tpu.memory_space<vmem>>[vector<16xi32>], vector<16xf32>,
      tpu.vector_store_idx %arg9[%parallel_loop3A_335], %parallel_loop3A_355 : memref<8192xf32, #tpu.memory_space<vmem>>[vector<16xi32>], vector<16xf32>,
      %parallel_loop3A_356 = arith.constant 50000 : i32
      %parallel_loop3A_357 = vector.broadcast %parallel_loop3A_356 : i32 to vector<16xi32>
      %parallel_loop3A_358 = arith.addi %parallel_loop3A_321, %parallel_loop3A_357 : vector<16xi32>
      %parallel_loop3A_359 = tpu.vector_load_idx %arg6[%parallel_loop3A_358] : memref<60000xf32, #tpu.memory_space<vmem>>[vector<16xi32>], vector<16xf32>,
      tpu.vector_store_idx %arg9[%parallel_loop3A_338], %parallel_loop3A_359 : memref<8192xf32, #tpu.memory_space<vmem>>[vector<16xi32>], vector<16xf32>,
    } {sc.loop_unroll_factor = 4 : i64, sc.parallel_access}
    %mul3A_299 = arith.constant 4 : i32
    %mul3A_300 = arith.muli %add3A_291, %mul3A_299 : i32
    %dma_start3A_301 = tpu.memref_slice %arg4[%mul3A_300] : memref<4194304xf32, #tpu.memory_space<hbm>> -> memref<8192xf32, #tpu.memory_space<hbm>>
    %dma_start3A_302 = tpu.memref_slice %arg4[%mul3A_300] : memref<4194304xf32, #tpu.memory_space<hbm>> -> memref<8192xf32, #tpu.memory_space<hbm>>
    tpu.enqueue_dma source(%arg9 : memref<8192xf32, #tpu.memory_space<vmem>>) target(%dma_start3A_302 : memref<8192xf32, #tpu.memory_space<hbm>>) target_semaphore(%arg15 : memref<!tpu.dma_semaphore, #tpu.memory_space<semaphore_mem>>)
    %mul3A_303 = arith.constant 4 : i32
    %mul3A_304 = arith.muli %add3A_291, %mul3A_303 : i32
    %dma_start3A_305 = tpu.memref_slice %arg5[%mul3A_304] : memref<4194304xf32, #tpu.memory_space<hbm>> -> memref<8192xf32, #tpu.memory_space<hbm>>
    %dma_start3A_306 = tpu.memref_slice %arg5[%mul3A_304] : memref<4194304xf32, #tpu.memory_space<hbm>> -> memref<8192xf32, #tpu.memory_space<hbm>>
    tpu.enqueue_dma source(%arg11 : memref<8192xf32, #tpu.memory_space<vmem>>) target(%dma_start3A_306 : memref<8192xf32, #tpu.memory_space<hbm>>) target_semaphore(%arg17 : memref<!tpu.dma_semaphore, #tpu.memory_space<semaphore_mem>>)
    %dma_wait3A_307 = tpu.memref_slice %arg4[%mul3A_283] : memref<4194304xf32, #tpu.memory_space<hbm>> -> memref<8192xf32, #tpu.memory_space<hbm>>
    %dma_wait3A_308 = tpu.memref_slice %arg4[%mul3A_283] : memref<4194304xf32, #tpu.memory_space<hbm>> -> memref<8192xf32, #tpu.memory_space<hbm>>
    tpu.wait_dma2 semaphore(%arg14 : memref<!tpu.dma_semaphore, #tpu.memory_space<semaphore_mem>>) src(%arg8 : memref<8192xf32, #tpu.memory_space<vmem>>) dst(%dma_wait3A_308 : memref<8192xf32, #tpu.memory_space<hbm>>)
    %dma_wait3A_309 = tpu.memref_slice %arg5[%mul3A_287] : memref<4194304xf32, #tpu.memory_space<hbm>> -> memref<8192xf32, #tpu.memory_space<hbm>>
    %dma_wait3A_310 = tpu.memref_slice %arg5[%mul3A_287] : memref<4194304xf32, #tpu.memory_space<hbm>> -> memref<8192xf32, #tpu.memory_space<hbm>>
    tpu.wait_dma2 semaphore(%arg16 : memref<!tpu.dma_semaphore, #tpu.memory_space<semaphore_mem>>) src(%arg10 : memref<8192xf32, #tpu.memory_space<vmem>>) dst(%dma_wait3A_310 : memref<8192xf32, #tpu.memory_space<hbm>>)
    %dma_wait3A_311 = tpu.memref_slice %arg4[%mul3A_300] : memref<4194304xf32, #tpu.memory_space<hbm>> -> memref<8192xf32, #tpu.memory_space<hbm>>
    %dma_wait3A_312 = tpu.memref_slice %arg4[%mul3A_300] : memref<4194304xf32, #tpu.memory_space<hbm>> -> memref<8192xf32, #tpu.memory_space<hbm>>
    tpu.wait_dma2 semaphore(%arg15 : memref<!tpu.dma_semaphore, #tpu.memory_space<semaphore_mem>>) src(%arg9 : memref<8192xf32, #tpu.memory_space<vmem>>) dst(%dma_wait3A_312 : memref<8192xf32, #tpu.memory_space<hbm>>)
    %dma_wait3A_313 = tpu.memref_slice %arg5[%mul3A_304] : memref<4194304xf32, #tpu.memory_space<hbm>> -> memref<8192xf32, #tpu.memory_space<hbm>>
    %dma_wait3A_314 = tpu.memref_slice %arg5[%mul3A_304] : memref<4194304xf32, #tpu.memory_space<hbm>> -> memref<8192xf32, #tpu.memory_space<hbm>>
    tpu.wait_dma2 semaphore(%arg17 : memref<!tpu.dma_semaphore, #tpu.memory_space<semaphore_mem>>) src(%arg11 : memref<8192xf32, #tpu.memory_space<vmem>>) dst(%dma_wait3A_314 : memref<8192xf32, #tpu.memory_space<hbm>>)
    return
  }
}

</mosaic_0001>

<sc_bundles>
// kernel: kernel.3.cloned.1.call-start
scs
__scs_entry_jumppad:
0x0: {  	(pc) =	sbr.rel $0x88, $3  }
0x1: {  	(tag) =	ssettag $0x0;
	lr =	simm.s32 $0x1  }
0x2: {  	[smem:$0x3F9E] =	sst lr;
	_ =	strace $0xD0000000  }
0x3: {  	_ = 	snop  }
0x4: {  	_ = 	snop  }
0x5: {  	_ = 	snop  }
0x6: {  	_ = 	snop  }
0x7: {  	_ = 	snop  }
__scs_overlays_trampoline_lowered:
0x8: {  	[smem:$0x3FAD] =	sst s0  }
0x9: {  	[smem:$0x3FAE] =	sst s1  }
0xa: {  	[smem:$0x3FAF] =	sst s2  }
0xb: {  	[smem:$0x3FB0] =	sst s3  }
0xc: {  	[smem:$0x3FB1] =	sst s4  }
0xd: {  	[smem:$0x3FB2] =	sst s5  }
0xe: {  	[smem:$0x3FB3] =	sst s6  }
0xf: {  	[smem:$0x3FB4] =	sst s7  }
0x10: {  	[smem:$0x3FB5] =	sst s8  }
0x11: {  	[smem:$0x3FB6] =	sst s9;
	s0 =	simm.s32 @!p0 $0x0  }
0x12: {  	s1 =	sld [smem:$0x3F9C];
	s0 =	simm.s32 @p0 $0x1  }
0x13: {  	[smem:$0x3FB7] =	sst s0;
	s0 =	simm.s32 @!p1 $0x0  }
0x14: {  	s2 =	sld [smem:$0x3F9B];
	s0 =	simm.s32 @p1 $0x1  }
0x15: {  	[smem:$0x3FB8] =	sst s0;
	s0 =	simm.s32 @!p2 $0x0  }
0x16: {  	s3 =	sld [smem:$0x3FDB];
	s0 =	simm.s32 @p2 $0x1  }
0x17: {  	s4 =	simm.s32 $0x1BF5;
	[smem:$0x3FBA] =	sst s0  }
0x18: {  	s0 =	sld [smem:$0x3F9D];
	_ =	swait.ge [sflag:s4], $0x0  }
0x19: {  	s7 =	sld [smem:$0x3F9E]  }
0x1a: {  	s8 =	sadd.s32 $0xFFFFE003, lr  }
0x1b: {  	s9 =	sadd.s32 $0xFFFFFEF7, lr;
	s5 =	simm.s32 $0xFFFFFFFF;
	p2 =	slt.u32 s8, $0xFFFFF086  }
0x1c: {  	p1 =	slt.u32 s9, $0xF7A;
	s5 =	simm.s32 @!p2 $0x0  }
0x1d: {  	s5 =	simm.s32 @p1 $0x1;
	p0 =	seq.s32 s7, s2  }
0x1e: {  	s7 =	smul.u32 @!p0 $0xF7A, s2;
	p2 =	seq.s32 @!p0 s5, $0x0  }
0x1f: {  	s9 =	smul.u32 $0xF7A, s1;
	s8 =	simm.s32 @!p0 $0x1BF5;
	p2 =	por !p2, p0  }
0x20: {  	[sflag:s8] =	ssyncset.s32 @!p0 $0xFFFFF086;
	s6 =	sadd.s32 @!p0 s3, s7;
	s7 =	simm.s32 @!p0 $0x108  }
0x21: {  	s3 =	sadd.s32 s3, s9;
	s6 =	sadd.s32 @!p0 $0x88, s6;
	s7 =	simm.s32 @p2 $0x1082  }
0x22: {  	[simem:s7], [sflag:s8] =	dma.local @!p0 [hbm:s6], $0xF7A  }
0x23: {  	s9 =	sor.u32 $0xD0000000, s2;
	s6 =	simm.s32 $0x108;
	_ =	swait.ge @!p0 [sflag:s8], $0x0  }
0x24: {  	s3 =	sadd.s32 $0x88, s3;
	s6 =	simm.s32 @!p1 $0x1082;
	[sflag:s4] =	ssyncset.s32 $0xFFFFF086  }
0x25: {  	[simem:s6], [sflag:s4] =	dma.local [hbm:s3], $0xF7A  }
0x26: {  	[smem:$0x3F9E] =	sst s1;
	(tag) =	ssettag s2;
	_ =	strace s9  }
0x27: {  	s1 =	sld [smem:$0x3FAE]  }
0x28: {  	s2 =	sld [smem:$0x3FAF]  }
0x29: {  	s4 =	sld [smem:$0x3FB1]  }
0x2a: {  	p0 =	seq.s32 s5, $0x0;
	s5 =	sld [smem:$0x3FB2]  }
0x2b: {  	s6 =	sld [smem:$0x3FB3]  }
0x2c: {  	s7 =	sld [smem:$0x3FB4]  }
0x2d: {  	s3 =	simm.s32 $0x108;
	s8 =	sld [smem:$0x3FB5]  }
0x2e: {  	s3 =	simm.s32 @!p0 $0x1082;
	s9 =	sld [smem:$0x3FB6]  }
0x2f: {  	lr =	sadd.s32 s0, s3;
	s0 =	sld [smem:$0x3FAD]  }
0x30: {  	s3 =	sld [smem:$0x3FB0]  }
0x31: {  	[smem:$0x3FB9] =	sst s10  }
0x32: {  	s10 =	sld [smem:$0x3FB7];
	_ =	sdelay $0x3  }
0x33: {  	p0 =	seq.s32 s10, $0x1;
	s10 =	sld [smem:$0x3FB9];
	_ =	sdelay $0x3  }
0x34: {  	[smem:$0x3FB9] =	sst s10  }
0x35: {  	s10 =	sld [smem:$0x3FB8];
	_ =	sdelay $0x3  }
0x36: {  	p1 =	seq.s32 s10, $0x1;
	s10 =	sld [smem:$0x3FB9];
	_ =	sdelay $0x3  }
0x37: {  	[smem:$0x3FB9] =	sst s10  }
0x38: {  	s10 =	sld [smem:$0x3FBA]  }
0x39: {  	_ = 	snop;
	(pc) =	sbr.ind lr, $3  }
0x3a: {  	_ = 	snop  }
0x3b: {  	_ = 	snop  }
0x3c: {  	p2 =	seq.s32 s10, $0x1;
	s10 =	sld [smem:$0x3FB9]  }
0x3d: {  	_ =	shalt  }
0x3e: {  	_ =	shalt  }
0x3f: {  	_ =	shalt  }
0x40: {  	_ =	shalt  }
0x41: {  	_ =	shalt  }
0x42: {  	_ =	shalt  }
0x43: {  	_ =	shalt  }
0x44: {  	_ =	shalt  }
0x45: {  	_ =	shalt  }
0x46: {  	_ =	shalt  }
0x47: {  	_ =	shalt  }
0x48: {  	_ =	shalt  }
0x49: {  	_ =	shalt  }
0x4a: {  	_ =	shalt  }
0x4b: {  	_ =	shalt  }
0x4c: {  	_ =	shalt  }
0x4d: {  	_ =	shalt  }
0x4e: {  	_ =	shalt  }
0x4f: {  	_ =	shalt  }
0x50: {  	_ =	shalt  }
0x51: {  	_ =	shalt  }
0x52: {  	_ =	shalt  }
0x53: {  	_ =	shalt  }
0x54: {  	_ =	shalt  }
0x55: {  	_ =	shalt  }
0x56: {  	_ =	shalt  }
0x57: {  	_ =	shalt  }
0x58: {  	_ =	shalt  }
0x59: {  	_ =	shalt  }
0x5a: {  	_ =	shalt  }
0x5b: {  	_ =	shalt  }
0x5c: {  	_ =	shalt  }
0x5d: {  	_ =	shalt  }
0x5e: {  	_ =	shalt  }
0x5f: {  	_ =	shalt  }
0x60: {  	_ =	shalt  }
0x61: {  	_ =	shalt  }
0x62: {  	_ =	shalt  }
0x63: {  	_ =	shalt  }
0x64: {  	_ =	shalt  }
0x65: {  	_ =	shalt  }
0x66: {  	_ =	shalt  }
0x67: {  	_ =	shalt  }
0x68: {  	_ =	shalt  }
0x69: {  	_ =	shalt  }
0x6a: {  	_ =	shalt  }
0x6b: {  	_ =	shalt  }
0x6c: {  	_ =	shalt  }
0x6d: {  	_ =	shalt  }
0x6e: {  	_ =	shalt  }
0x6f: {  	_ =	shalt  }
0x70: {  	_ =	shalt  }
0x71: {  	_ =	shalt  }
0x72: {  	_ =	shalt  }
0x73: {  	_ =	shalt  }
0x74: {  	_ =	shalt  }
0x75: {  	_ =	shalt  }
0x76: {  	_ =	shalt  }
0x77: {  	_ =	shalt  }
0x78: {  	_ =	shalt  }
0x79: {  	_ =	shalt  }
0x7a: {  	_ =	shalt  }
0x7b: {  	_ =	shalt  }
0x7c: {  	_ =	shalt  }
0x7d: {  	_ =	shalt  }
0x7e: {  	_ =	shalt  }
0x7f: {  	_ =	shalt  }
0x80: {  	_ =	shalt  }
0x81: {  	_ =	shalt  }
0x82: {  	_ =	shalt  }
0x83: {  	_ =	shalt  }
0x84: {  	_ =	shalt  }
0x85: {  	_ =	shalt  }
0x86: {  	_ =	shalt  }
0x87: {  	_ =	shalt  }
.Lfunc_end0:
.L_simem_size_0:
called_computation_lowered:
.L_overlay_start_0:
0x88: {  	s2 =	sld [smem:$0x3FD9]  }
0x89: {  	s3 =	sld [smem:$0x3FFE];
	_ =	sdelay $0x1  }
0x8a: {  	s1 =	srdreg.scid  }
0x8b: {  	s0 =	sand.u32 $0x1, s1  }
0x8c: {  	s14 =	sshll.u32 s0, $0xA;
	s2 =	sadd.s32 s3, s2  }
0x8d: {  	s2 =	sadd.s32 s2, s14  }
0x8e: {  	[smem:$0x3FC5] =	sst s2  }
0x8f: {  	_ = 	snop  }
0x90: {  	s2 =	sld [smem:$0x3FD0];
	_ =	sdelay $0x2  }
0x91: {  	s4 =	simm.s32 $0xA;
	s5 =	simm.s32 $0x10;
	s15 =	sld [smem:$0x3FC9]  }
0x92: {  	[smem:s5], [sflag:s4] =	dma.local [hbm:s2], $0x1  }
0x93: {  	_ =	swait.eq [sflag:s4], $0x1  }
0x94: {  	[sflag:s4] =	ssyncset.done $0x0  }
0x95: {  	s16 =	sld [smem:$0x10];
	[sflag:s4] =	ssyncadd.s32 $0xFFFFFFFF  }
0x96: {  	s17 =	sld [smem:$0x11];
	(tm) =	ssettm $0x1  }
0x97: {  	s18 =	sld [smem:$0x3FFB];
	_ =	sdelay $0x3  }
0x98: {  	_ =	strace s18  }
0x99: {  	s5 =	sld [smem:$0x3FFC];
	_ =	sdelay $0x3  }
0x9a: {  	_ =	strace s5  }
0x9b: {  	s5 =	sld [smem:$0x3FFD];
	_ =	sdelay $0x3  }
0x9c: {  	_ =	strace s5  }
0x9d: {  	_ =	strace $0x8FFFFFFF  }
0x9e: {  	s19 =	sld [smem:$0x3FDB];
	_ =	sdelay $0x1  }
0x9f: {  	s6 =	simm.s32 $_scs_section_size  }
0xa0: {  	s7 =	simm.s32 $_size__tile_overlayer_lowered;
	s8 =	simm.s32 $_tile_overlayer_lowered  }
0xa1: {  	s22 =	simm.s32 $0x1BFF;
	s21 =	sshll.u32 s8, $0x1;
	s5 =	sadd.s32 s6, s19  }
0xa2: {  	s9 =	simm.s32 $0x0;
	s20 =	sshll.u32 s7, $0x1;
	s7 =	sadd.s32 s21, s5  }
0xa3: {  	[timem:s9], [sflag:s22] =	dma.local [hbm:s7], s20  }
0xa4: {  	_ =	swait.ge [sflag:s22], s20  }
0xa5: {  	s6 =	ssub.s32 $0x0, s20;
	[sflag:s22] =	ssyncset.done $0x0  }
0xa6: {  	[sflag:s22] =	ssyncadd.s32 s6;
	_ =	sdelay $0x1  }
0xa7: {  	s23 =	simm.s32 $0x1B8B  }
0xa8: {  	_ =	swait.ge [sflag:s23], $0x1  }
0xa9: {  	[sflag:s23] =	ssyncset.done $0x0  }
0xaa: {  	s25 =	simm.s32 $0x1B8E;
	s24 =	sld [smem:$0x3FFE];
	[sflag:s23] =	ssyncadd.s32 $0xFFFFFFFF  }
0xab: {  	s26 =	simm.s32 $execute0_lowered;
	[smem:$0x3FD2] =	sst s25  }
0xac: {  	s7 =	sshll.u32 s26, $0x1;
	_ =	strace $0x80000046;
	[dreg:$0x1] =	wrdreg $0xFFFFFFFF  }
0xad: {  	s28 =	simm.s32 $_size_execute0_lowered;
	s5 =	sadd.s32 s5, s7;
	[dreg:$0x0] =	wrdreg $0x0  }
0xae: {  	s7 =	sshll.u32 s28, $0x1;
	[dreg:$0x2] =	wrdreg s5  }
0xaf: {  	[dreg:$0x3] =	wrdreg s7  }
0xb0: {  	[dreg:$0x4] =	wrdreg $0xC0  }
0xb1: {  	_ =	task [dreg:s9], $0x5FFFF  }
0xb2: {  	[dreg:$0x1] =	wrdreg $0xFFFFFFFF  }
0xb3: {  	[dreg:$0x0] =	wrdreg $0x60  }
0xb4: {  	[dreg:$0x2] =	wrdreg s15  }
0xb5: {  	[dreg:$0x3] =	wrdreg s24  }
0xb6: {  	[dreg:$0x4] =	wrdreg s16  }
0xb7: {  	[dreg:$0x5] =	wrdreg s17  }
0xb8: {  	[dreg:$0x6] =	wrdreg $0x9  }
0xb9: {  	_ =	task.clear_ibuf [dreg:s9], $0x7FFFF;
	_ =	strace $0x90000046  }
0xba: {  	s29 =	simm.s32 $0x9;
	_ =	strace $0x80000048  }
0xbb: {  	_ =	swait.ge [sflag:s29], $0x1  }
0xbc: {  	[sflag:s29] =	ssyncadd.s32 $0xFFFFFFFF  }
0xbd: {  	_ =	strace $0x90000048  }
0xbe: {  	_ =	sfence  }
0xbf: {  	s30 =	sld [smem:$0x0];
	_ =	sdelay $0x2  }
0xc0: {  	s31 =	sshll.u32 s1, $0xD;
	s1 =	sshrl.u32 s1, $0x2  }
0xc1: {  	s3 =	sand.u32 $0x4000, s31;
	s1 =	sadd.s32 s1, s30  }
0xc2: {  	s0 =	sor.u32 s3, s0;
	s1 =	sshll.u32 s1, $0x11  }
0xc3: {  	s0 =	sor.u32 s1, s0  }
0xc4: {  	s0 =	sadd.s32 $0x8F2B, s0  }
0xc5: {  	[sflag:s0] =	ssyncadd.remote.s32 $0x1  }
0xc6: {  	_ =	sfence.sel $0xFFFF  }
0xc7: {  	[dreg:$0x0] =	wrdreg $0xFFFFFFFF;
	(pc) =	sbr.abs _section_cstart, $3  }
0xc8: {  	[dreg:$0x1] =	wrdreg $0xFFFFFFFF  }
0xc9: {  	_ =	task.clear_ibuf [dreg:s9], $0x2FFFF;
	_ =	strace $0x9FFFFFFF  }
0xca: {  	(tm) =	ssettm $0x7FFFFFFF  }
0xcb: {  	_ =	shalt  }
tec
execute0_lowered:
.L_overlay_start_1:
0x0: {  	(tag) =	ssettag $0x1  }
0x1: {  	s0 =	rddreg [dreg:$0x0]  }
0x2: {  	s1 =	srdreg.scid;
	s6 =	stileid.u32  }
0x3: {  	s3 =	rddreg [dreg:$0x2];
	s2 =	sand.u32 $0x1, s1;
	s6 =	sshll.u32 s6, $0x1  }
0x4: {  	s4 =	rddreg [dreg:$0x3];
	s5 =	ssub.s32 $0x2, s2;
	s2 =	sor.u32 s2, s6  }
0x5: {  	s1 =	simm.s32 $0x0;
	s16 =	sshll.u32 s2, $0xC;
	s6 =	sshll.u32 s2, $0xE  }
0x6: {  	[smem:$0x7FF] =	sst s1;
	s0 =	sadd.s32 s0, s16;
	s17 =	sor.u32 $0x400, s6  }
0x7: {  	s7 =	sshrl.u32 s5, $0x1;
	[dreg:$0x5] =	wrdreg s0;
	s18 =	sadd.s32 s3, s17  }
0x8: {  	s2 =	sor.u32 $0x800, s6;
	s0 =	sadd.s32 s4, s17;
	[dreg:$0x6] =	wrdreg s18  }
0x9: {  	s7 =	ssub.s32 s5, s7;
	s19 =	sadd.s32 s3, s2;
	[dreg:$0x7] =	wrdreg s0  }
0xa: {  	s21 =	sor.u32 $0xC00, s6;
	s20 =	sadd.s32 s4, s2;
	[dreg:$0x8] =	wrdreg s19  }
0xb: {  	s22 =	sor.u32 $0x1000, s6;
	s23 =	sadd.s32 s3, s21;
	[dreg:$0x9] =	wrdreg s20  }
0xc: {  	s26 =	sor.u32 $0x1400, s6;
	s24 =	sadd.s32 s3, s22;
	[dreg:$0xa] =	wrdreg s23  }
0xd: {  	s28 =	sor.u32 $0x1800, s6;
	s25 =	sadd.s32 s4, s22;
	[dreg:$0xc] =	wrdreg s24  }
0xe: {  	s10 =	sor.u32 $0x1C00, s6;
	s29 =	sadd.s32 s3, s26;
	[dreg:$0xd] =	wrdreg s25  }
0xf: {  	s11 =	sor.u32 $0x2000, s6;
	s8 =	sadd.s32 s3, s28;
	[dreg:$0xe] =	wrdreg s29  }
0x10: {  	s15 =	sor.u32 $0x2400, s6;
	s9 =	sadd.s32 s4, s28;
	[dreg:$0x10] =	wrdreg s8  }
0x11: {  	s16 =	sor.u32 $0x2800, s6;
	s12 =	sadd.s32 s3, s10;
	[dreg:$0x11] =	wrdreg s9  }
0x12: {  	s13 =	sadd.s32 s3, s11;
	s14 =	sadd.s32 s4, s11;
	[dreg:$0x12] =	wrdreg s12  }
0x13: {  	s17 =	sadd.s32 s3, s15;
	s2 =	sadd.s32 s4, s6;
	[dreg:$0x14] =	wrdreg s13  }
0x14: {  	s7 =	smax.u32 s7, $0x1;
	s11 =	simm.s32 $0x1AA80;
	[dreg:$0x15] =	wrdreg s14  }
0x15: {  	s0 =	sadd.s32 s4, s21;
	[dreg:$0x16] =	wrdreg s17;
	s18 =	sadd.s32 s3, s16  }
0x16: {  	s19 =	sadd.s32 s4, s16;
	s20 =	sor.u32 $0x2C00, s6;
	s21 =	sor.u32 $0x3000, s6  }
0x17: {  	s25 =	sor.u32 $0x3400, s6;
	s8 =	rddreg [dreg:$0x1];
	s29 =	sor.u32 $0x3C00, s6  }
0x18: {  	s9 =	simm.s32 $0x5;
	s12 =	simm.s32 $0x16A80;
	[dreg:$0xb] =	wrdreg s0  }
0x19: {  	s13 =	simm.s32 $0x1CA80;
	s14 =	simm.s32 $0x18A80;
	[dreg:$0x18] =	wrdreg s18  }
0x1a: {  	s16 =	simm.s32 $0x3;
	s0 =	sadd.s32 s4, s26;
	[dreg:$0x19] =	wrdreg s19  }
0x1b: {  	s17 =	simm.s32 $0x0;
	s22 =	sadd.s32 s3, s20;
	[dreg:$0xf] =	wrdreg s0  }
0x1c: {  	s23 =	sadd.s32 s3, s21;
	s24 =	sadd.s32 s4, s21;
	[dreg:$0x1a] =	wrdreg s22  }
0x1d: {  	s26 =	sor.u32 $0x3800, s6;
	s28 =	sadd.s32 s3, s25;
	[dreg:$0x1c] =	wrdreg s23  }
0x1e: {  	s5 =	sadd.s32 $0x800, s8;
	s0 =	sadd.s32 s4, s10;
	[dreg:$0x1d] =	wrdreg s24  }
0x1f: {  	[dreg:$0x1e] =	wrdreg s28;
	s31 =	sadd.s32 s3, s26;
	s30 =	sadd.s32 s4, s26  }
0x20: {  	s10 =	simm.s32 $0x1;
	[dreg:$0x13] =	wrdreg s0;
	s0 =	sadd.s32 s4, s15  }
0x21: {  	s15 =	simm.s32 $0x2;
	[dreg:$0x17] =	wrdreg s0;
	s0 =	sadd.s32 s4, s20  }
0x22: {  	[dreg:$0x1b] =	wrdreg s0;
	s0 =	sadd.s32 s4, s25;
	s4 =	sadd.s32 s4, s29  }
0x23: {  	v0 =	vlaneseq.u32;
	[dreg:$0x1f] =	wrdreg s0;
	s0 =	sadd.s32 s3, s6;
	s3 =	sadd.s32 s3, s29  }
0x24: {  	v1 =	vimm.f32 $0.0e+00;
	v2 =	vor.u32 $0x80, v0;
	v3 =	vor.u32 $0x100, v0;
	s6 =	sadd.s32 $0x16A6, s8;
	s8 =	simm.s32 $0x4;
	_ =	strace $0x80000047  }
.LBB2_1:
0x25: {  	s18 =	rddreg [dreg:$0x5];
	s19 =	simm.s32 $0xEA80  }
0x26: {  	[tilespmem:s19], [sflag:$0x1] =	stream.linear.gather [hbm4b:s18+s1], $0x8000, $0x38;
	[tilespmem:$0x1EA80] =	vst v63  }
0x27: {  	_ = 	snop  }
0x28: {  	[tilespmem:s1], [sflag:$0x4] =	stream.linear.gather [hbm4b:s5+s1], $0x7530, $0x38;
	[tilespmem:$0x1EA80] =	vst v63  }
0x29: {  	s29 =	simm.s32 $0x7530;
	s20 =	simm.s32 $0x16AC0  }
0x2a: {  	[tilespmem:s29], [sflag:$0x5] =	stream.linear.gather [hbm4b:s6+s1], $0x7530, $0x38;
	[tilespmem:$0x1EA80] =	vst v63  }
0x2b: {  	[tilespmem:s20+$0x30] =	vst v1  }
0x2c: {  	[tilespmem:s20+$0xFFFFFFE0] =	vst v1  }
0x2d: {  	[tilespmem:s20+$0xFFFFFFF0] =	vst v1  }
0x2e: {  	[tilespmem:s20+$0x0] =	vst v1  }
0x2f: {  	[tilespmem:s20+$0xFFFFFFC0] =	vst v1  }
0x30: {  	[tilespmem:s20+$0x10] =	vst v1  }
0x31: {  	[tilespmem:s20+$0x20] =	vst v1  }
0x32: {  	s19 =	simm.s32 $0x18AC0;
	[tilespmem:s20+$0xFFFFFFD0] =	vst v1  }
0x33: {  	[tilespmem:s19+$0x30] =	vst v1  }
0x34: {  	[tilespmem:s19+$0xFFFFFFC0] =	vst v1  }
0x35: {  	[tilespmem:s19+$0x10] =	vst v1  }
0x36: {  	[tilespmem:s19+$0xFFFFFFD0] =	vst v1  }
0x37: {  	[tilespmem:s19+$0x20] =	vst v1  }
0x38: {  	[tilespmem:s19+$0x0] =	vst v1  }
0x39: {  	s18 =	simm.s32 $0x1AAC0;
	[tilespmem:s19+$0xFFFFFFF0] =	vst v1  }
0x3a: {  	[tilespmem:s18+$0x30] =	vst v1  }
0x3b: {  	[tilespmem:s18+$0xFFFFFFC0] =	vst v1  }
0x3c: {  	[tilespmem:s18+$0x10] =	vst v1  }
0x3d: {  	[tilespmem:s18+$0xFFFFFFD0] =	vst v1  }
0x3e: {  	[tilespmem:s18+$0x20] =	vst v1  }
0x3f: {  	[tilespmem:s18+$0x0] =	vst v1  }
0x40: {  	s21 =	simm.s32 $0x1CAC0;
	[tilespmem:s18+$0xFFFFFFF0] =	vst v1  }
0x41: {  	[tilespmem:s21+$0x30] =	vst v1  }
0x42: {  	[tilespmem:s21+$0xFFFFFFC0] =	vst v1  }
0x43: {  	[tilespmem:s21+$0x10] =	vst v1  }
0x44: {  	[tilespmem:s21+$0xFFFFFFD0] =	vst v1  }
0x45: {  	s22 =	simm.s32 $0x0;
	s23 =	simm.s32 $0x1AB40;
	s24 =	simm.s32 $0x1CB40;
	[tilespmem:s21+$0x20] =	vst v1  }
.LBB2_2:
0x46: {  	s22 =	sadd.s32 $0x8, s22;
	[tilespmem:s19+$0xFFFFFFE0] =	vst v1;
	s20 =	sadd.s32 $0x80, s20;
	s19 =	sadd.s32 $0x80, s19  }
0x47: {  	[tilespmem:s20+$0x30] =	vst v1;
	p0 =	slt.u32 s22, $0x1F8  }
0x48: {  	[tilespmem:s19+$0x30] =	vst v1  }
0x49: {  	[tilespmem:s23+$0x30] =	vst v1  }
0x4a: {  	[tilespmem:s21+$0xFFFFFFF0] =	vst v1  }
0x4b: {  	[tilespmem:s21+$0x0] =	vst v1  }
0x4c: {  	[tilespmem:s18+$0xFFFFFFE0] =	vst v1;
	s18 =	smov.u32 s23  }
0x4d: {  	[tilespmem:s21+$0xFFFFFFE0] =	vst v1;
	s21 =	smov.u32 s24  }
0x4e: {  	[tilespmem:s24+$0x30] =	vst v1  }
0x4f: {  	[tilespmem:s20+$0xFFFFFFE0] =	vst v1  }
0x50: {  	[tilespmem:s20+$0xFFFFFFF0] =	vst v1  }
0x51: {  	[tilespmem:s20+$0x0] =	vst v1  }
0x52: {  	[tilespmem:s20+$0xFFFFFFC0] =	vst v1  }
0x53: {  	[tilespmem:s19+$0xFFFFFFC0] =	vst v1  }
0x54: {  	[tilespmem:s23+$0xFFFFFFC0] =	vst v1  }
0x55: {  	[tilespmem:s24+$0xFFFFFFC0] =	vst v1  }
0x56: {  	[tilespmem:s20+$0x10] =	vst v1  }
0x57: {  	[tilespmem:s19+$0x10] =	vst v1  }
0x58: {  	[tilespmem:s23+$0x10] =	vst v1  }
0x59: {  	[tilespmem:s24+$0x10] =	vst v1  }
0x5a: {  	[tilespmem:s20+$0x20] =	vst v1  }
0x5b: {  	[tilespmem:s20+$0xFFFFFFD0] =	vst v1  }
0x5c: {  	[tilespmem:s19+$0xFFFFFFD0] =	vst v1  }
0x5d: {  	[tilespmem:s23+$0xFFFFFFD0] =	vst v1  }
0x5e: {  	[tilespmem:s24+$0xFFFFFFD0] =	vst v1  }
0x5f: {  	[tilespmem:s19+$0x20] =	vst v1  }
0x60: {  	[tilespmem:s23+$0x20] =	vst v1  }
.Ltmp0:
0x61: {  	[tilespmem:s24+$0x20] =	vst v1;
	(pc) =	sbr.rel @p0 .LBB2_2-.Ltmp0, $4  }
0x62: {  	[tilespmem:s19+$0x0] =	vst v1  }
0x63: {  	[tilespmem:s23+$0x0] =	vst v1  }
0x64: {  	[tilespmem:s19+$0xFFFFFFF0] =	vst v1  }
0x65: {  	s24 =	sadd.s32 $0x80, s24;
	s23 =	sadd.s32 $0x80, s23;
	[tilespmem:s18+$0xFFFFFFF0] =	vst v1  }
0x66: {  	[tilespmem:s19+$0xFFFFFFE0] =	vst v1  }
0x67: {  	[tilespmem:s21+$0xFFFFFFF0] =	vst v1  }
0x68: {  	[tilespmem:s21+$0x0] =	vst v1  }
0x69: {  	[tilespmem:s18+$0xFFFFFFE0] =	vst v1  }
0x6a: {  	[tilespmem:s21+$0xFFFFFFE0] =	vst v1  }
0x6b: {  	_ =	swait.ge [sflag:s8], $0x7530  }
0x6c: {  	[sflag:s8] =	ssyncset.done $0x0  }
0x6d: {  	s19 =	simm.s32 $0x0;
	[sflag:s8] =	ssyncadd.s32 $0xFFFF8AD0  }
0x6e: {  	v4 =	vld [tilespmem:s19+$0x0]  }
0x6f: {  	v33 =	vld [tilespmem:s19+$0x4E50]  }
0x70: {  	v7 =	vld [tilespmem:s19+$0x2710]  }
0x71: {  	v34 =	vld [tilespmem:s19+$0x30]  }
0x72: {  	v36 =	vld [tilespmem:s19+$0x2740]  }
0x73: {  	v19 =	vld [tilespmem:s19+$0x10]  }
0x74: {  	v26 =	vld [tilespmem:s19+$0x2720]  }
0x75: {  	v62 =	vld [tilespmem:s19+$0x2730]  }
0x76: {  	v40 =	vld [tilespmem:s19+$0x20]  }
0x77: {  	v5 =	vld [tilespmem:s19+$0x4E20];
	v0 =	vmul.f32 v34, v34  }
0x78: {  	v22 =	vld [tilespmem:s19+$0x4E30];
	v1 =	vmul.f32 v36, v36;
	[tilespmem:$0x1FEE0] =	vst v4;
	v4 =	vmul.f32 v4, v4  }
0x79: {  	v6 =	vmul.f32 v33, v33;
	v39 =	vld [tilespmem:s19+$0x4E40];
	[tilespmem:$0x1FF00] =	vst v7;
	v7 =	vmul.f32 v7, v7  }
0x7a: {  	v8 =	vmul.f32 v26, v26;
	v9 =	vmul.f32 v62, v62;
	v0 =	vadd.f32 v1, v0  }
0x7b: {  	v1 =	vmul.f32 v19, v19;
	v4 =	vadd.f32 v7, v4;
	v7 =	vmul.f32 v40, v40  }
0x7c: {  	[tilespmem:$0x1FEF0] =	vst v5;
	v5 =	vmul.f32 v5, v5;
	v0 =	vadd.f32 v6, v0  }
0x7d: {  	s18 =	simm.s32 $0x40;
	v6 =	vmul.f32 v22, v22;
	v1 =	vadd.f32 v8, v1;
	v7 =	vadd.f32 v9, v7  }
0x7e: {  	v15 =	vld [tilespmem:s18+$0x30];
	v8 =	vshra.s32 v0, $0x1;
	v0 =	vmul.f32 $5.000000000e-01, v0;
	v10 =	vmul.f32 v39, v39  }
0x7f: {  	v25 =	vld [tilespmem:s18+$0x2740];
	v4 =	vadd.f32 v5, v4;
	v1 =	vadd.f32 v6, v1;
	v8 =	vsub.s32 $0x5F3759DF, v8  }
0x80: {  	v13 =	vld [tilespmem:s18+$0x0];
	v6 =	vmul.f32 v8, v0;
	v5 =	vadd.f32 v10, v7  }
0x81: {  	v23 =	vld [tilespmem:s18+$0x4E50];
	v38 =	vmul.f32 $5.000000000e-01, v4;
	v7 =	vshra.s32 v1, $0x1;
	v9 =	vmul.f32 $5.000000000e-01, v1  }
0x82: {  	v21 =	vld [tilespmem:s18+$0x4E30];
	v7 =	vsub.s32 $0x5F3759DF, v7;
	v1 =	vmul.f32 v8, v6;
	v6 =	vshra.s32 v5, $0x1  }
0x83: {  	v17 =	vld [tilespmem:s18+$0x10];
	v5 =	vmul.f32 $5.000000000e-01, v5;
	v10 =	vsub.s32 $0x5F3759DF, v6;
	v6 =	vmul.f32 v7, v9  }
0x84: {  	v35 =	vld [tilespmem:s18+$0x2720];
	[tilespmem:$0x1FF10] =	vst v15;
	v15 =	vmul.f32 v15, v15;
	v11 =	vsub.f32 $1.500000000e+00, v1;
	v1 =	vshra.s32 v4, $0x1  }
0x85: {  	v4 =	vmul.f32 v10, v5;
	v1 =	vsub.s32 $0x5F3759DF, v1;
	v6 =	vmul.f32 v7, v6  }
0x86: {  	v8 =	vmul.f32 v8, v11;
	v11 =	vmul.f32 v1, v38  }
0x87: {  	[tilespmem:$0x1FFF0] =	vst v21;
	v16 =	vmul.f32 v25, v25;
	v4 =	vmul.f32 v10, v4;
	v12 =	vsub.f32 $1.500000000e+00, v6  }
0x88: {  	v6 =	vld [tilespmem:s18+$0x4E20];
	v14 =	vmul.f32 v8, v0;
	v27 =	vmul.f32 v1, v11  }
0x89: {  	v16 =	vadd.f32 v16, v15;
	v11 =	vld [tilespmem:s18+$0x4E40];
	[tilespmem:$0x1FF20] =	vst v13;
	v7 =	vmul.f32 v7, v12;
	v12 =	vmul.f32 v23, v23  }
0x8a: {  	v30 =	vmul.f32 v13, v13;
	v15 =	vmovc v17;
	v4 =	vsub.f32 $1.500000000e+00, v4;
	v13 =	vld [tilespmem:s18+$0x2730];
	v14 =	vmul.f32 v14, v8  }
0x8b: {  	v20 =	vmul.f32 v35, v35;
	v18 =	vmul.f32 v15, v15;
	v29 =	vld [tilespmem:s18+$0x20];
	v12 =	vadd.f32 v12, v16  }
0x8c: {  	v24 =	vld [tilespmem:s18+$0x2710];
	v4 =	vmul.f32 v10, v4;
	v17 =	vmul.f32 v7, v9;
	v14 =	vsub.f32 $1.500000000e+00, v14  }
0x8d: {  	v16 =	vadd.f32 v20, v18;
	[tilespmem:$0x1FF30] =	vst v6;
	v41 =	vmul.f32 v6, v6;
	v37 =	vmul.f32 $5.000000000e-01, v12  }
0x8e: {  	v18 =	vshra.s32 v12, $0x1;
	v12 =	vmul.f32 v17, v7;
	[tilespmem:$0x1FF40] =	vst v11;
	v8 =	vmul.f32 v14, v8  }
0x8f: {  	s20 =	simm.s32 $0x80;
	v14 =	vmul.f32 v21, v21;
	v17 =	vsub.s32 $0x5F3759DF, v18;
	v18 =	vmul.f32 v11, v11;
	[tilespmem:$0x1FF50] =	vst v13  }
0x90: {  	v20 =	vmul.f32 v13, v13;
	v28 =	vmul.f32 v29, v29;
	v6 =	vld [tilespmem:s20+$0x0]  }
0x91: {  	v42 =	vmul.f32 v24, v24;
	v12 =	vsub.f32 $1.500000000e+00, v12;
	v13 =	vld [tilespmem:s20+$0x30];
	v14 =	vadd.f32 v14, v16  }
0x92: {  	v21 =	vld [tilespmem:s20+$0x4E50];
	v16 =	vmul.f32 v17, v37;
	v0 =	vmul.f32 v8, v0  }
0x93: {  	v11 =	vld [tilespmem:s20+$0x4E40];
	v7 =	vmul.f32 v12, v7;
	v31 =	vshra.s32 v14, $0x1;
	v48 =	vmul.f32 $5.000000000e-01, v14  }
0x94: {  	v14 =	vmul.f32 v17, v16;
	v16 =	vadd.f32 v20, v28;
	v0 =	vmul.f32 v0, v8  }
0x95: {  	v20 =	vsub.s32 $0x5F3759DF, v31;
	v31 =	vmul.f32 v4, v5;
	v9 =	vmul.f32 v7, v9  }
0x96: {  	v28 =	vmul.f32 v20, v48;
	v51 =	vmul.f32 v13, v13  }
0x97: {  	v14 =	vsub.f32 $1.500000000e+00, v14;
	v54 =	vmul.f32 v6, v6;
	v58 =	vmul.f32 v21, v21  }
0x98: {  	v10 =	vadd.f32 v18, v16;
	v63 =	vmul.f32 v11, v11;
	v50 =	vmul.f32 v31, v4  }
0x99: {  	v0 =	vsub.f32 $1.500000000e+00, v0;
	v9 =	vmul.f32 v9, v7;
	v16 =	vmul.f32 v20, v28  }
0x9a: {  	v18 =	vmul.f32 v17, v14;
	v12 =	vshra.s32 v10, $0x1;
	v46 =	vmul.f32 $5.000000000e-01, v10;
	v14 =	vld [tilespmem:s20+$0x2740]  }
0x9b: {  	v17 =	vld [tilespmem:s20+$0x2720];
	v0 =	vmul.f32 v0, v8;
	v43 =	vsub.s32 $0x5F3759DF, v12;
	v57 =	vsub.f32 $1.500000000e+00, v50  }
0x9c: {  	v9 =	vsub.f32 $1.500000000e+00, v9;
	v10 =	vsub.f32 $1.500000000e+00, v16;
	v12 =	vmul.f32 v18, v37  }
0x9d: {  	v28 =	vmul.f32 v43, v46;
	v16 =	vld [tilespmem:s20+$0x10];
	v4 =	vmul.f32 v57, v4  }
0x9e: {  	v7 =	vmul.f32 v9, v7;
	v44 =	vmul.f32 v20, v10;
	v10 =	vld [tilespmem:s20+$0x2710];
	[tilespmem:$0x1FF60] =	vst v13  }
0x9f: {  	v12 =	vmul.f32 v12, v18;
	v20 =	vmul.f32 v43, v28;
	[tilespmem:$0x1FF80] =	vst v6  }
0xa0: {  	[tilespmem:$0x1FF70] =	vst v14;
	v52 =	vmul.f32 v14, v14;
	v61 =	vmul.f32 v17, v17  }
0xa1: {  	v5 =	vmul.f32 v4, v5;
	v7 =	vmin.f32 v7, $9.999999950e+11;
	v49 =	vsub.f32 $1.500000000e+00, v12;
	v12 =	vld [tilespmem:s20+$0x2730]  }
0xa2: {  	v47 =	vmul.f32 v44, v48;
	v31 =	vld [tilespmem:s20+$0x4E30];
	v13 =	vmul.f32 v7, v19;
	v51 =	vadd.f32 v52, v51;
	[tilespmem:$0x1FF90] =	vst v16  }
0xa3: {  	v59 =	vsub.f32 $1.500000000e+00, v20;
	v53 =	vmul.f32 v16, v16;
	v5 =	vmul.f32 v5, v4;
	v20 =	vmovc v10;
	v10 =	vld [tilespmem:s20+$0x20]  }
0xa4: {  	v55 =	vmul.f32 v49, v18;
	v47 =	vmul.f32 v47, v44;
	v60 =	vadd.f32 v58, v51  }
0xa5: {  	v51 =	vmul.f32 v43, v59;
	v50 =	vadd.f32 v61, v53;
	v6 =	vmul.f32 v20, v20  }
0xa6: {  	v5 =	vsub.f32 $1.500000000e+00, v5;
	v49 =	vmul.f32 $5.000000000e-01, v60;
	v57 =	vmul.f32 v12, v12  }
0xa7: {  	v45 =	vshra.s32 v60, $0x1;
	[tilespmem:$0x1FFB0] =	vst v12;
	v58 =	vmul.f32 v31, v31;
	v12 =	vmul.f32 v7, v22  }
0xa8: {  	v52 =	vsub.s32 $0x5F3759DF, v45;
	v45 =	vsub.f32 $1.500000000e+00, v27;
	v60 =	vmul.f32 v10, v10  }
0xa9: {  	v47 =	vsub.f32 $1.500000000e+00, v47;
	v4 =	vmul.f32 v5, v4;
	v59 =	vmul.f32 v52, v49  }
0xaa: {  	v50 =	vadd.f32 v58, v50;
	v1 =	vmul.f32 v1, v45;
	v53 =	vadd.f32 v57, v60  }
0xab: {  	v4 =	vmin.f32 v4, $9.999999950e+11;
	v61 =	vmul.f32 v52, v59;
	v59 =	vmul.f32 v47, v44  }
0xac: {  	[tilespmem:$0x1FFA0] =	vst v11;
	v56 =	vmul.f32 $5.000000000e-01, v50;
	v43 =	vadd.f32 v63, v53;
	v63 =	vshra.s32 v50, $0x1  }
0xad: {  	s21 =	simm.s32 $0xC0;
	[tilespmem:$0x1FFC0] =	vst v10;
	v47 =	vmul.f32 v51, v46;
	v57 =	vsub.f32 $1.500000000e+00, v61;
	v8 =	vsub.s32 $0x5F3759DF, v63  }
0xae: {  	v62 =	vmul.f32 v4, v62;
	v11 =	vld [tilespmem:s21+$0x2740];
	v50 =	vmul.f32 v8, v56  }
0xaf: {  	v42 =	vadd.f32 v42, v30;
	v30 =	vld [tilespmem:s21+$0x4E50];
	v61 =	vmul.f32 v47, v51;
	v44 =	vmul.f32 v52, v57  }
0xb0: {  	v57 =	vmul.f32 v7, v26;
	v10 =	vmul.f32 v8, v50  }
0xb1: {  	v26 =	vld [tilespmem:s21+$0x2710];
	v63 =	vmul.f32 v1, v38;
	v9 =	vshra.s32 v43, $0x1;
	v43 =	vmul.f32 $5.000000000e-01, v43  }
0xb2: {  	v9 =	vsub.s32 $0x5F3759DF, v9;
	v52 =	vmul.f32 v44, v49;
	v60 =	vsub.f32 $1.500000000e+00, v10;
	v10 =	vld [tilespmem:s21+$0x30]  }
0xb3: {  	v27 =	vld [tilespmem:s21+$0x0];
	v53 =	vmul.f32 v11, v11;
	v50 =	vmul.f32 v9, v43  }
0xb4: {  	v0 =	vmin.f32 v0, $9.999999950e+11;
	v58 =	vmul.f32 v30, v30;
	v52 =	vmul.f32 v52, v44  }
0xb5: {  	v54 =	vadd.f32 v6, v54;
	v5 =	vmul.f32 v9, v50;
	v50 =	vmul.f32 v0, v36  }
0xb6: {  	v52 =	vsub.f32 $1.500000000e+00, v52;
	v8 =	vmul.f32 v8, v60;
	v60 =	vmul.f32 v0, v33;
	v33 =	vld [tilespmem:s20+$0x4E20]  }
0xb7: {  	v45 =	vsub.f32 $1.500000000e+00, v61;
	v61 =	vmul.f32 v26, v26;
	[tilespmem:$0x1FFE0] =	vst v11;
	v47 =	vmul.f32 v10, v10  }
0xb8: {  	v44 =	vmul.f32 v52, v44;
	v52 =	vadd.f32 v41, v42;
	v42 =	vmul.f32 v27, v27;
	[tilespmem:$0x1FFD0] =	vst v10  }
0xb9: {  	v10 =	vmul.f32 v0, v34;
	v0 =	vmul.f32 v63, v1;
	v34 =	vld [tilespmem:s21+$0x4E20];
	v41 =	vadd.f32 v53, v47  }
0xba: {  	v5 =	vsub.f32 $1.500000000e+00, v5;
	v63 =	vmul.f32 v45, v51;
	v51 =	vmul.f32 v55, v37  }
0xbb: {  	v0 =	vsub.f32 $1.500000000e+00, v0;
	v53 =	vmul.f32 v33, v33;
	v36 =	vadd.f32 v58, v41  }
0xbc: {  	v61 =	vadd.f32 v61, v42;
	v37 =	vld [tilespmem:s21+$0x2720];
	v47 =	vmul.f32 v9, v5;
	v5 =	vmul.f32 v8, v56  }
0xbd: {  	v41 =	vld [tilespmem:s21+$0x10];
	v1 =	vmul.f32 v0, v1;
	v0 =	vshra.s32 v36, $0x1;
	v42 =	vmul.f32 $5.000000000e-01, v36  }
0xbe: {  	v9 =	vmul.f32 v59, v48;
	v45 =	vmul.f32 v34, v34;
	v0 =	vsub.s32 $0x5F3759DF, v0  }
0xbf: {  	v54 =	vadd.f32 v53, v54;
	v5 =	vmul.f32 v5, v8;
	v58 =	vmul.f32 v0, v42  }
0xc0: {  	v9 =	vmul.f32 v9, v59;
	v45 =	vadd.f32 v45, v61;
	v61 =	vmul.f32 v51, v55  }
0xc1: {  	v5 =	vsub.f32 $1.500000000e+00, v5;
	v38 =	vmul.f32 v1, v38;
	v51 =	vmul.f32 v0, v58  }
0xc2: {  	v53 =	vmul.f32 v37, v37;
	v36 =	vsub.f32 $1.500000000e+00, v61;
	v58 =	vmul.f32 v41, v41  }
0xc3: {  	v48 =	vmul.f32 v5, v8;
	v61 =	vmul.f32 v38, v1;
	v38 =	vld [tilespmem:s21+$0x2730];
	v8 =	vsub.f32 $1.500000000e+00, v51  }
0xc4: {  	v5 =	vsub.f32 $1.500000000e+00, v9;
	v9 =	vadd.f32 v53, v58;
	v58 =	vmul.f32 v36, v55;
	v36 =	vld [tilespmem:s21+$0x20]  }
0xc5: {  	v51 =	vsub.f32 $1.500000000e+00, v61;
	v0 =	vmul.f32 v0, v8;
	v8 =	vmul.f32 v4, v40;
	v40 =	vld [tilespmem:s21+$0x4E30]  }
0xc6: {  	v11 =	vmul.f32 v4, v39;
	v39 =	vld [tilespmem:s21+$0x4E40];
	v4 =	vmul.f32 v63, v46  }
0xc7: {  	v53 =	vmul.f32 v5, v59;
	v55 =	vmul.f32 v51, v1  }
0xc8: {  	v1 =	vshra.s32 v54, $0x1;
	v46 =	vmul.f32 $5.000000000e-01, v54;
	v4 =	vmul.f32 v4, v63  }
0xc9: {  	v51 =	vsub.s32 $0x5F3759DF, v1;
	v1 =	vmul.f32 v38, v38;
	v54 =	vmul.f32 v36, v36  }
0xca: {  	[tilespmem:s19+$0x10] =	vst v13;
	v61 =	vshra.s32 v52, $0x1;
	v6 =	vsub.f32 $1.500000000e+00, v4;
	v4 =	vmul.f32 v40, v40  }
0xcb: {  	[tilespmem:s19+$0x2720] =	vst v57;
	v5 =	vmul.f32 v39, v39;
	v7 =	vmul.f32 v51, v46;
	v54 =	vadd.f32 v1, v54  }
0xcc: {  	[tilespmem:s19+$0x4E50] =	vst v60;
	v1 =	vmul.f32 v6, v63;
	v6 =	vmul.f32 v44, v49;
	v4 =	vadd.f32 v4, v9  }
0xcd: {  	[tilespmem:s19+$0x4E30] =	vst v12;
	v52 =	vmul.f32 $5.000000000e-01, v52;
	v61 =	vsub.s32 $0x5F3759DF, v61;
	v5 =	vadd.f32 v5, v54  }
0xce: {  	[tilespmem:s19+$0x2740] =	vst v50;
	v54 =	vmul.f32 v51, v7;
	v60 =	vmul.f32 v6, v44;
	v6 =	vshra.s32 v4, $0x1  }
0xcf: {  	[tilespmem:s19+$0x30] =	vst v10;
	v49 =	vmul.f32 $5.000000000e-01, v4;
	v7 =	vshra.s32 v5, $0x1;
	v50 =	vmul.f32 $5.000000000e-01, v5  }
0xd0: {  	[tilespmem:s19+$0x20] =	vst v8;
	v5 =	vmin.f32 v53, $9.999999950e+11;
	v4 =	vsub.s32 $0x5F3759DF, v6;
	v6 =	vshra.s32 v45, $0x1  }
0xd1: {  	v57 =	vsub.s32 $0x5F3759DF, v7;
	v7 =	vmul.f32 v4, v49;
	v53 =	vsub.s32 $0x5F3759DF, v6;
	v6 =	vld [tilespmem:$0x1FFF0]  }
0xd2: {  	v56 =	vmul.f32 v48, v56;
	v59 =	vmul.f32 v61, v52  }
0xd3: {  	v45 =	vmul.f32 $5.000000000e-01, v45;
	v8 =	vmul.f32 v4, v7  }
0xd4: {  	v63 =	vmul.f32 v47, v43;
	v9 =	vmul.f32 v61, v59  }
0xd5: {  	[tilespmem:s19+$0x2730] =	vst v62;
	v62 =	vmul.f32 v53, v45;
	v7 =	vmul.f32 v57, v50;
	v8 =	vsub.f32 $1.500000000e+00, v8  }
0xd6: {  	s22 =	simm.s32 $0xC;
	s23 =	simm.s32 $0x100;
	v32 =	vmovc v17;
	[tilespmem:s19+$0x4E40] =	vst v11;
	v59 =	vmul.f32 v5, v6;
	v6 =	vsub.f32 $1.500000000e+00, v9;
	v9 =	vmul.f32 v0, v42  }
.LBB2_4:
0xd7: {  	v11 =	vmul.f32 v5, v15;
	v15 =	vld [tilespmem:$0x1FF30]  }
0xd8: {  	v12 =	vmin.f32 v55, $9.999999950e+11;
	v55 =	vmin.f32 v1, $9.999999950e+11;
	v1 =	vld [tilespmem:$0x1FEF0];
	_ =	sdelay $0x3  }
0xd9: {  	v13 =	vld [tilespmem:$0x1FF90];
	v15 =	vmov v15  }
0xda: {  	v16 =	vmul.f32 v12, v1;
	[tilespmem:$0x1FEF0] =	vst v15;
	v15 =	vld [tilespmem:$0x1FF00];
	v1 =	vmov v24  }
0xdb: {  	[tilespmem:$0x1FF00] =	vst v1;
	v1 =	vld [tilespmem:$0x1FEE0];
	_ =	sdelay $0x2  }
0xdc: {  	v28 =	vmov v13;
	v13 =	vmov v41  }
0xdd: {  	[tilespmem:$0x1FF90] =	vst v13;
	v13 =	vld [tilespmem:s23+$0x4E20]  }
0xde: {  	v4 =	vmul.f32 v4, v8;
	[tilespmem:s19+$0x4E20] =	vst v16;
	v16 =	vmul.f32 v12, v1;
	v1 =	vld [tilespmem:$0x1FF20]  }
0xdf: {  	v10 =	vld [tilespmem:s23+$0x0];
	v5 =	vmul.f32 v5, v35  }
0xe0: {  	v24 =	vmul.f32 v4, v49;
	_ =	sdelay $0x1  }
0xe1: {  	v14 =	vmov v33;
	v33 =	vmov v34  }
0xe2: {  	v19 =	vld [tilespmem:$0x1FF10];
	v9 =	vmul.f32 v9, v0;
	[tilespmem:s18+$0x2720] =	vst v5;
	v5 =	vmovc v27;
	v34 =	vmul.f32 v12, v15;
	v12 =	vmov v1  }
0xe3: {  	v27 =	vmovc v10;
	[tilespmem:$0x1FEE0] =	vst v12;
	v12 =	vmul.f32 v10, v10;
	v10 =	vmul.f32 v24, v4;
	v24 =	vmov v20;
	v20 =	vld [tilespmem:$0x1FF60];
	_ =	sdelay $0x1  }
0xe4: {  	v9 =	vsub.f32 $1.500000000e+00, v9  }
0xe5: {  	v58 =	vmin.f32 v58, $9.999999950e+11  }
0xe6: {  	[tilespmem:$0x1FF30] =	vst v14;
	v14 =	vld [tilespmem:s23+$0x4E50];
	v25 =	vmul.f32 v58, v25;
	v0 =	vmul.f32 v9, v0  }
0xe7: {  	v9 =	vmul.f32 v58, v23;
	v58 =	vmul.f32 v58, v19;
	v19 =	vmov v20;
	v20 =	vld [tilespmem:$0x1FFD0]  }
0xe8: {  	v8 =	vld [tilespmem:s23+$0x2710];
	v6 =	vmul.f32 v61, v6  }
0xe9: {  	v18 =	vmul.f32 v63, v47;
	v61 =	vld [tilespmem:s23+$0x2740]  }
0xea: {  	v7 =	vmul.f32 v57, v7;
	[tilespmem:s18+$0x10] =	vst v11;
	v11 =	vsub.f32 $1.500000000e+00, v60;
	v60 =	vld [tilespmem:s23+$0x30];
	v63 =	vmul.f32 v6, v52  }
0xeb: {  	v17 =	vsub.f32 $1.500000000e+00, v18;
	v18 =	vld [tilespmem:s23+$0x2730]  }
0xec: {  	v7 =	vsub.f32 $1.500000000e+00, v7;
	v1 =	vld [tilespmem:$0x1FF80];
	[tilespmem:$0x1FF10] =	vst v19;
	v19 =	vmov v20;
	v20 =	vmul.f32 v63, v6  }
0xed: {  	[tilespmem:$0x1FF80] =	vst v5;
	v5 =	vld [tilespmem:s23+$0x2720]  }
0xee: {  	v17 =	vmul.f32 v17, v47;
	v47 =	vmul.f32 v57, v7;
	v7 =	vsub.f32 $1.500000000e+00, v20;
	v20 =	vld [tilespmem:$0x1FFE0]  }
0xef: {  	v41 =	vld [tilespmem:s23+$0x10];
	[tilespmem:s19+$0x2710] =	vst v34  }
0xf0: {  	v23 =	vmov v21;
	v21 =	vmov v26;
	v26 =	vmov v8;
	[tilespmem:s19+$0x0] =	vst v16;
	s19 =	smov.u32 s18;
	v16 =	vld [tilespmem:s23+$0x20]  }
0xf1: {  	v35 =	vmov v32;
	v32 =	vmov v37;
	v8 =	vmul.f32 v8, v26;
	[tilespmem:s19+$0x4E50] =	vst v9;
	v9 =	vld [tilespmem:s23+$0x4E30]  }
0xf2: {  	v29 =	vmul.f32 v55, v29;
	[tilespmem:s19+$0x30] =	vst v58;
	v15 =	vmovc v1;
	v58 =	vmul.f32 v5, v5;
	v37 =	vmov v5;
	v5 =	vld [tilespmem:$0x1FF70]  }
0xf3: {  	v22 =	vmovc v30;
	v8 =	vadd.f32 v8, v12;
	v12 =	vmul.f32 v61, v61;
	v1 =	vld [tilespmem:s23+$0x4E40];
	[tilespmem:$0x1FF20] =	vst v15;
	v20 =	vmov v20  }
0xf4: {  	v30 =	vmovc v14;
	v34 =	vmov v13;
	v15 =	vmul.f32 v60, v60;
	[tilespmem:$0x1FF70] =	vst v20;
	v20 =	vmul.f32 v7, v6;
	v6 =	vld [tilespmem:$0x1FFC0]  }
0xf5: {  	v14 =	vmul.f32 v14, v30;
	v13 =	vmul.f32 v13, v34;
	v10 =	vsub.f32 $1.500000000e+00, v10  }
0xf6: {  	v57 =	vmul.f32 v18, v18;
	[tilespmem:s19+$0x4E30] =	vst v59;
	v59 =	vmul.f32 v41, v41;
	v12 =	vadd.f32 v12, v15  }
0xf7: {  	[tilespmem:s19+$0x2740] =	vst v25;
	v10 =	vmul.f32 v10, v4;
	v25 =	vmov v5;
	v5 =	vadd.f32 v13, v8  }
0xf8: {  	[tilespmem:s19+$0x20] =	vst v29;
	v8 =	vmul.f32 v1, v1;
	v12 =	vadd.f32 v14, v12;
	v7 =	vmul.f32 v16, v16  }
0xf9: {  	v63 =	vmul.f32 v0, v42;
	v42 =	vmul.f32 v9, v9;
	[tilespmem:$0x1FF60] =	vst v19;
	v29 =	vmovc v6;
	v6 =	vmov v36  }
0xfa: {  	v19 =	vmov v60;
	v7 =	vadd.f32 v57, v7;
	[tilespmem:$0x1FFC0] =	vst v6;
	v6 =	vadd.f32 v58, v59  }
0xfb: {  	v4 =	vmul.f32 v56, v48;
	v14 =	vshra.s32 v12, $0x1;
	v60 =	vmul.f32 v63, v0  }
0xfc: {  	v7 =	vadd.f32 v8, v7;
	v8 =	vsub.s32 $0x5F3759DF, v14;
	v6 =	vadd.f32 v42, v6  }
0xfd: {  	[tilespmem:$0x1FFD0] =	vst v19;
	v19 =	vmovc v61;
	v14 =	vmul.f32 v20, v52;
	v42 =	vmul.f32 $5.000000000e-01, v12;
	v12 =	vsub.f32 $1.500000000e+00, v4  }
0xfe: {  	[tilespmem:$0x1FFE0] =	vst v19;
	v19 =	vshra.s32 v5, $0x1;
	v52 =	vmovc v46;
	v58 =	vmul.f32 v11, v44;
	v44 =	vmovc v0;
	v0 =	vmul.f32 $5.000000000e-01, v6  }
0xff: {  	v46 =	vmovc v45;
	v45 =	vmul.f32 $5.000000000e-01, v5;
	v4 =	vshra.s32 v6, $0x1;
	v5 =	vmul.f32 v12, v48;
	v48 =	vmovc v10  }
0x100: {  	v4 =	vsub.s32 $0x5F3759DF, v4;
	v56 =	vmul.f32 v48, v49;
	v49 =	vmov v0  }
0x101: {  	v0 =	vmul.f32 v4, v49  }
0x102: {  	v11 =	vmul.f32 v14, v20;
	v14 =	vld [tilespmem:$0x1FFB0]  }
0x103: {  	v10 =	vmul.f32 v8, v42;
	v12 =	vmul.f32 v4, v0;
	v0 =	vld [tilespmem:$0x1FF50]  }
0x104: {  	v6 =	vshra.s32 v7, $0x1  }
0x105: {  	v57 =	vsub.s32 $0x5F3759DF, v6;
	v6 =	vmul.f32 v8, v10  }
0x106: {  	v13 =	vmul.f32 v17, v43;
	v5 =	vmin.f32 v5, $9.999999950e+11  }
0x107: {  	v59 =	vmul.f32 v5, v31;
	v31 =	vmovc v40;
	v40 =	vmov v9;
	v9 =	vsub.f32 $1.500000000e+00, v6  }
0x108: {  	v10 =	vsub.f32 $1.500000000e+00, v11;
	v11 =	vmul.f32 v13, v17;
	v13 =	vmul.f32 v55, v0;
	v0 =	vmovc v14  }
0x109: {  	[tilespmem:$0x1FF50] =	vst v0;
	v0 =	vmul.f32 v8, v9;
	v9 =	vld [tilespmem:$0x1FFA0]  }
0x10a: {  	v8 =	vld [tilespmem:$0x1FF40];
	_ =	sdelay $0x1  }
0x10b: {  	s22 =	sadd.s32 $0x4, s22  }
0x10c: {  	p0 =	slt.u32 s22, $0x26C;
	v62 =	vmul.f32 v53, v62;
	v15 =	vmovc v28;
	v43 =	vmov v50;
	v50 =	vmul.f32 $5.000000000e-01, v7  }
.Ltmp1:
0x10d: {  	v63 =	vmul.f32 v47, v43;
	v61 =	vmovc v51;
	v51 =	vmovc v53;
	v53 =	vsub.s32 $0x5F3759DF, v19;
	[tilespmem:s19+$0x2730] =	vst v13;
	v9 =	vmov v9;
	(pc) =	sbr.rel @p0 .LBB2_4-.Ltmp1, $4  }
0x10e: {  	v36 =	vmovc v16;
	v7 =	vmul.f32 v57, v50;
	v14 =	vmul.f32 v55, v8;
	v8 =	vmov v39;
	[tilespmem:$0x1FF40] =	vst v9  }
0x10f: {  	v6 =	vsub.f32 $1.500000000e+00, v54;
	v54 =	vmovc v62;
	v11 =	vsub.f32 $1.500000000e+00, v11;
	v39 =	vmovc v1;
	v1 =	vmov v38;
	[tilespmem:$0x1FFA0] =	vst v8  }
0x110: {  	s18 =	smov.u32 s20;
	v62 =	vmul.f32 v53, v45;
	v55 =	vmul.f32 v10, v20;
	v20 =	vmovc v21;
	v21 =	vmov v22;
	[tilespmem:$0x1FFB0] =	vst v1  }
0x111: {  	s20 =	smov.u32 s21;
	s21 =	smov.u32 s23;
	s23 =	sadd.s32 $0x40, s23;
	v38 =	vmovc v18;
	v8 =	vsub.f32 $1.500000000e+00, v12;
	v9 =	vmul.f32 v0, v42;
	v1 =	vmul.f32 v11, v17;
	[tilespmem:s19+$0x4E40] =	vst v14  }
0x112: {  	v11 =	vld [tilespmem:$0x1FEF0];
	_ =	sdelay $0x1  }
0x113: {  	v6 =	vmul.f32 v61, v6;
	v12 =	vld [tilespmem:$0x1FF00];
	v9 =	vmul.f32 v9, v0  }
0x114: {  	v10 =	vmin.f32 v55, $9.999999950e+11;
	v13 =	vld [tilespmem:$0x1FEE0];
	v14 =	vmul.f32 v63, v47;
	v4 =	vmul.f32 v4, v8  }
0x115: {  	v8 =	vmul.f32 v5, v15;
	v5 =	vmul.f32 v5, v35;
	v9 =	vsub.f32 $1.500000000e+00, v9  }
0x116: {  	v18 =	vld [tilespmem:$0x1FF10];
	v15 =	vmul.f32 v4, v49;
	v11 =	vmul.f32 v10, v11  }
0x117: {  	v0 =	vmul.f32 v9, v0;
	v9 =	vmul.f32 v6, v52  }
0x118: {  	v12 =	vmul.f32 v10, v12;
	v15 =	vmul.f32 v15, v4  }
0x119: {  	v10 =	vmul.f32 v10, v13;
	v13 =	vmin.f32 v58, $9.999999950e+11;
	v9 =	vmul.f32 v9, v6  }
0x11a: {  	[tilespmem:s18+$0x10] =	vst v8;
	v16 =	vmul.f32 v13, v23;
	v17 =	vmul.f32 v13, v25;
	v15 =	vsub.f32 $1.500000000e+00, v15  }
0x11b: {  	[tilespmem:s18+$0x2720] =	vst v5;
	v13 =	vmul.f32 v13, v18;
	v18 =	vmul.f32 v56, v48;
	v9 =	vsub.f32 $1.500000000e+00, v9  }
0x11c: {  	v14 =	vsub.f32 $1.500000000e+00, v14;
	[tilespmem:s19+$0x4E20] =	vst v11;
	v4 =	vmul.f32 v15, v4  }
0x11d: {  	[tilespmem:s19+$0x2710] =	vst v12;
	v15 =	vsub.f32 $1.500000000e+00, v18;
	v6 =	vmul.f32 v9, v6;
	v9 =	vsub.f32 $1.500000000e+00, v60  }
0x11e: {  	v7 =	vmul.f32 v57, v7;
	v14 =	vmul.f32 v14, v47;
	v12 =	vld [tilespmem:$0x1FF50];
	[tilespmem:s19+$0x0] =	vst v10  }
0x11f: {  	v10 =	vld [tilespmem:$0x1FF40];
	[tilespmem:s18+$0x4E50] =	vst v16;
	v8 =	vmul.f32 v9, v44;
	v9 =	vmul.f32 v15, v48;
	v15 =	vsub.f32 $1.500000000e+00, v54  }
0x120: {  	v1 =	vmin.f32 v1, $9.999999950e+11;
	v18 =	vmul.f32 v14, v43;
	[tilespmem:s18+$0x4E30] =	vst v59;
	v19 =	vmul.f32 v6, v52  }
0x121: {  	[tilespmem:s18+$0x2740] =	vst v17;
	v5 =	vmul.f32 v51, v15;
	v15 =	vmul.f32 v1, v29  }
0x122: {  	v16 =	vld [tilespmem:$0x1FF90];
	v11 =	vmul.f32 v19, v6  }
0x123: {  	v7 =	vsub.f32 $1.500000000e+00, v7;
	v18 =	vmul.f32 v18, v14;
	[tilespmem:s18+$0x20] =	vst v15  }
0x124: {  	v11 =	vsub.f32 $1.500000000e+00, v11;
	v15 =	vld [tilespmem:$0x1FF30];
	[tilespmem:s18+$0x30] =	vst v13  }
0x125: {  	v7 =	vmul.f32 v57, v7;
	v12 =	vmul.f32 v1, v12;
	v18 =	vsub.f32 $1.500000000e+00, v18;
	v13 =	vld [tilespmem:$0x1FF20]  }
0x126: {  	v1 =	vmul.f32 v1, v10;
	v9 =	vmin.f32 v9, $9.999999950e+11;
	v6 =	vmul.f32 v11, v6  }
0x127: {  	v16 =	vmul.f32 v9, v16;
	v11 =	vmul.f32 v18, v14;
	[tilespmem:s18+$0x2730] =	vst v12  }
0x128: {  	v14 =	vmul.f32 v9, v31;
	v9 =	vmul.f32 v9, v32;
	[tilespmem:s18+$0x4E40] =	vst v1;
	v6 =	vmin.f32 v6, $9.999999950e+11  }
0x129: {  	[tilespmem:s20+$0x10] =	vst v16;
	v17 =	vmul.f32 v6, v24;
	v15 =	vmul.f32 v6, v15  }
0x12a: {  	v16 =	vld [tilespmem:$0x1FF70];
	[tilespmem:s20+$0x2720] =	vst v9;
	v6 =	vmul.f32 v6, v13;
	v13 =	vmul.f32 v7, v50  }
0x12b: {  	[tilespmem:s18+$0x4E20] =	vst v15  }
0x12c: {  	v8 =	vmin.f32 v8, $9.999999950e+11;
	v10 =	vmul.f32 v5, v46;
	v12 =	vmul.f32 v13, v7;
	v9 =	vld [tilespmem:$0x1FF60];
	[tilespmem:s18+$0x2710] =	vst v17  }
0x12d: {  	v13 =	vmul.f32 v8, v21;
	[tilespmem:s18+$0x0] =	vst v6  }
0x12e: {  	v10 =	vmul.f32 v10, v5;
	[tilespmem:s20+$0x4E30] =	vst v14;
	v12 =	vsub.f32 $1.500000000e+00, v12  }
0x12f: {  	[tilespmem:s20+$0x4E50] =	vst v13  }
0x130: {  	v10 =	vsub.f32 $1.500000000e+00, v10;
	v7 =	vmul.f32 v12, v7;
	v12 =	vld [tilespmem:$0x1FFC0];
	_ =	sdelay $0x1  }
0x131: {  	v5 =	vmul.f32 v10, v5  }
0x132: {  	v1 =	vmul.f32 v4, v49;
	v16 =	vmul.f32 v8, v16  }
0x133: {  	v11 =	vmin.f32 v11, $9.999999950e+11;
	v8 =	vmul.f32 v8, v9;
	v9 =	vmul.f32 v5, v46  }
0x134: {  	v1 =	vmul.f32 v1, v4;
	v12 =	vmul.f32 v11, v12  }
0x135: {  	v6 =	vmul.f32 v0, v42;
	[tilespmem:s20+$0x2740] =	vst v16;
	v9 =	vmul.f32 v9, v5  }
0x136: {  	v1 =	vsub.f32 $1.500000000e+00, v1;
	[tilespmem:s20+$0x20] =	vst v12  }
0x137: {  	v6 =	vmul.f32 v6, v0;
	v13 =	vmul.f32 v7, v50;
	v9 =	vsub.f32 $1.500000000e+00, v9;
	v12 =	vld [tilespmem:$0x1FFB0];
	[tilespmem:s20+$0x30] =	vst v8  }
0x138: {  	v10 =	vmul.f32 v53, v62;
	v1 =	vmul.f32 v1, v4;
	v8 =	vld [tilespmem:$0x1FFA0]  }
0x139: {  	v6 =	vsub.f32 $1.500000000e+00, v6;
	v5 =	vmul.f32 v9, v5;
	v9 =	vmul.f32 v13, v7  }
0x13a: {  	v10 =	vsub.f32 $1.500000000e+00, v10;
	v1 =	vmin.f32 v1, $9.999999950e+11  }
0x13b: {  	v0 =	vmul.f32 v6, v0;
	v6 =	vsub.f32 $1.500000000e+00, v9;
	v9 =	vmul.f32 v1, v37  }
0x13c: {  	v12 =	vmul.f32 v11, v12  }
0x13d: {  	v10 =	vmul.f32 v53, v10;
	[tilespmem:s21+$0x2720] =	vst v9;
	v8 =	vmul.f32 v11, v8  }
0x13e: {  	v5 =	vmin.f32 v5, $9.999999950e+11;
	v11 =	vmul.f32 v1, v41;
	[tilespmem:s20+$0x2730] =	vst v12  }
0x13f: {  	v4 =	vmul.f32 v10, v45;
	[tilespmem:s20+$0x4E40] =	vst v8;
	v8 =	vmul.f32 v5, v33  }
0x140: {  	[tilespmem:s21+$0x10] =	vst v11  }
0x141: {  	v4 =	vmul.f32 v4, v10;
	[tilespmem:s20+$0x4E20] =	vst v8  }
0x142: {  	v6 =	vmul.f32 v6, v7;
	v7 =	vld [tilespmem:$0x1FF80]  }
0x143: {  	v4 =	vsub.f32 $1.500000000e+00, v4;
	_ =	sdelay $0x1  }
0x144: {  	v4 =	vmul.f32 v4, v10  }
0x145: {  	v10 =	vmul.f32 v5, v20  }
0x146: {  	v0 =	vmin.f32 v0, $9.999999950e+11;
	v8 =	vmul.f32 v4, v45;
	v5 =	vmul.f32 v5, v7  }
0x147: {  	[tilespmem:s20+$0x2710] =	vst v10;
	v7 =	vmul.f32 v0, v30  }
0x148: {  	v1 =	vmul.f32 v1, v40;
	v8 =	vmul.f32 v8, v4;
	[tilespmem:s20+$0x0] =	vst v5  }
0x149: {  	[tilespmem:s21+$0x4E50] =	vst v7  }
0x14a: {  	v5 =	vmin.f32 v6, $9.999999950e+11;
	v7 =	vsub.f32 $1.500000000e+00, v8;
	v6 =	vld [tilespmem:$0x1FFE0];
	[tilespmem:s21+$0x4E30] =	vst v1  }
0x14b: {  	v1 =	vmul.f32 v5, v36;
	v8 =	vld [tilespmem:$0x1FFD0]  }
0x14c: {  	v4 =	vmul.f32 v7, v4  }
0x14d: {  	[tilespmem:s21+$0x20] =	vst v1;
	v1 =	vmul.f32 v5, v38  }
0x14e: {  	v4 =	vmin.f32 v4, $9.999999950e+11  }
0x14f: {  	[tilespmem:s21+$0x2730] =	vst v1;
	v1 =	vmul.f32 v4, v34  }
0x150: {  	v6 =	vmul.f32 v0, v6;
	v0 =	vmul.f32 v0, v8  }
0x151: {  	[tilespmem:s21+$0x4E20] =	vst v1  }
0x152: {  	[tilespmem:s21+$0x30] =	vst v0;
	v0 =	vmul.f32 v5, v39  }
0x153: {  	v1 =	vmul.f32 v4, v27;
	[tilespmem:s21+$0x2740] =	vst v6  }
0x154: {  	[tilespmem:s21+$0x4E40] =	vst v0;
	v0 =	vmul.f32 v4, v26  }
0x155: {  	[tilespmem:s21+$0x0] =	vst v1  }
0x156: {  	[tilespmem:s21+$0x2710] =	vst v0  }
0x157: {  	v0 =	vld [tilespmem:$0x2700]  }
0x158: {  	v1 =	vld [tilespmem:$0x4E10];
	_ =	sdelay $0x1  }
0x159: {  	v4 =	vld [tilespmem:$0x7520];
	_ =	sdelay $0x2  }
0x15a: {  	v5 =	vmul.f32 v0, v0;
	v6 =	vmul.f32 v1, v1;
	_ =	sdelay $0x1  }
0x15b: {  	v5 =	vadd.f32 v6, v5;
	v6 =	vmul.f32 v4, v4;
	_ =	sdelay $0x1  }
0x15c: {  	v5 =	vadd.f32 v6, v5;
	_ =	sdelay $0x1  }
0x15d: {  	v6 =	vshra.s32 v5, $0x1;
	v5 =	vmul.f32 $5.000000000e-01, v5  }
0x15e: {  	v6 =	vsub.s32 $0x5F3759DF, v6  }
0x15f: {  	v7 =	vmul.f32 v6, v5;
	_ =	sdelay $0x1  }
0x160: {  	v7 =	vmul.f32 v6, v7;
	_ =	sdelay $0x1  }
0x161: {  	v7 =	vsub.f32 $1.500000000e+00, v7;
	_ =	sdelay $0x1  }
0x162: {  	v6 =	vmul.f32 v6, v7;
	_ =	sdelay $0x1  }
0x163: {  	v7 =	vmul.f32 v6, v5;
	_ =	sdelay $0x1  }
0x164: {  	v7 =	vmul.f32 v7, v6;
	_ =	sdelay $0x1  }
0x165: {  	v7 =	vsub.f32 $1.500000000e+00, v7;
	_ =	sdelay $0x1  }
0x166: {  	v6 =	vmul.f32 v7, v6;
	_ =	sdelay $0x1  }
0x167: {  	v5 =	vmul.f32 v6, v5;
	_ =	sdelay $0x1  }
0x168: {  	v5 =	vmul.f32 v5, v6;
	_ =	sdelay $0x1  }
0x169: {  	v5 =	vsub.f32 $1.500000000e+00, v5;
	_ =	sdelay $0x1  }
0x16a: {  	v5 =	vmul.f32 v5, v6;
	_ =	sdelay $0x1  }
0x16b: {  	v5 =	vmin.f32 v5, $9.999999950e+11  }
0x16c: {  	v0 =	vmul.f32 v5, v0  }
0x16d: {  	v1 =	vmul.f32 v5, v1  }
0x16e: {  	[tilespmem:$0x2700] =	vst v0;
	v0 =	vmul.f32 v5, v4  }
0x16f: {  	[tilespmem:$0x4E10] =	vst v1  }
0x170: {  	[tilespmem:$0x7520] =	vst v0  }
0x171: {  	_ =	swait.ge [sflag:s9], $0x7530  }
0x172: {  	[sflag:s9] =	ssyncset.done $0x0  }
0x173: {  	[sflag:s9] =	ssyncadd.s32 $0xFFFF8AD0  }
0x174: {  	_ =	swait.ge [sflag:s10], $0x8000  }
0x175: {  	[sflag:s10] =	ssyncset.done $0x0  }
0x176: {  	s24 =	simm.s32 $0x0;
	[sflag:s10] =	ssyncadd.s32 $0xFFFF8000  }
0x177: {  	v0 =	vld [tilespmem:s24+$0xEAB0]  }
0x178: {  	v1 =	vld [tilespmem:s24+$0xEA90]  }
0x179: {  	v16 =	vld [tilespmem:s24+$0xEA80];
	_ =	sdelay $0x1  }
0x17a: {  	v17 =	vld [tilespmem:s24+$0xEAA0]  }
0x17b: {  	s25 =	simm.s32 $0x30;
	s26 =	simm.s32 $0x0  }
0x17c: {  	s28 =	simm.s32 $0x10;
	s19 =	sand.u32 $0x1E00, s26;
	s18 =	sand.u32 $0x70, s25  }
0x17d: {  	s29 =	simm.s32 $0x0;
	v52 =	vlaneseq.u32;
	s18 =	sor.u32 s19, s18;
	s20 =	sand.u32 $0x50, s28  }
0x17e: {  	v11 =	vor.u32 s18, v52;
	s20 =	sor.u32 s19, s20;
	s21 =	sand.u32 $0x40, s29;
	v4 =	vld.idx.msk [tilespmem:v0+s1+$0x0], $0xffff  }
0x17f: {  	s22 =	simm.s32 $0x20;
	v13 =	vor.u32 s20, v52;
	s21 =	sor.u32 s21, s19;
	v6 =	vadd.s32 $0x2710, v0;
	v5 =	vld.idx.msk [tilespmem:v1+s1+$0x0], $0xffff  }
0x180: {  	s22 =	sand.u32 $0x60, s22;
	v14 =	vor.u32 s21, v52;
	v8 =	vadd.s32 $0x2710, v1;
	v7 =	vld.idx.msk [tilespmem:v16+s1+$0x0], $0xffff  }
0x181: {  	s19 =	sor.u32 s19, s22;
	v9 =	vadd.s32 $0x2710, v16  }
0x182: {  	v15 =	vor.u32 s19, v52;
	v10 =	vld.idx.msk [tilespmem:v17+s1+$0x0], $0xffff  }
0x183: {  	[tilespmem:v11+s11+$0x0] =	vst.idx.msk $0xffff, v4;
	v4 =	vadd.s32 $0x2710, v17  }
0x184: {  	v18 =	vor.u32 s18, v2;
	[tilespmem:v13+s11+$0x0] =	vst.idx.msk $0xffff, v5;
	v5 =	vld.idx.msk [tilespmem:v6+s1+$0x0], $0xffff  }
0x185: {  	v19 =	vor.u32 s20, v2;
	[tilespmem:v14+s11+$0x0] =	vst.idx.msk $0xffff, v7;
	v7 =	vadd.s32 $0x4E20, v0;
	v6 =	vld.idx.msk [tilespmem:v8+s1+$0x0], $0xffff  }
0x186: {  	v20 =	vor.u32 s21, v2;
	v8 =	vld.idx.msk [tilespmem:v9+s1+$0x0], $0xffff;
	v9 =	vadd.s32 $0x4E20, v1  }
0x187: {  	[tilespmem:v15+s11+$0x0] =	vst.idx.msk $0xffff, v10;
	v10 =	vadd.s32 $0x4E20, v16  }
0x188: {  	v21 =	vor.u32 s19, v2;
	v4 =	vld.idx.msk [tilespmem:v4+s1+$0x0], $0xffff  }
0x189: {  	[tilespmem:v18+s11+$0x0] =	vst.idx.msk $0xffff, v5;
	v5 =	vadd.s32 $0x4E20, v17  }
0x18a: {  	[tilespmem:v19+s11+$0x0] =	vst.idx.msk $0xffff, v6;
	v12 =	vld.idx.msk [tilespmem:v7+s1+$0x0], $0xffff  }
0x18b: {  	v28 =	vor.u32 s18, v3;
	[tilespmem:v20+s11+$0x0] =	vst.idx.msk $0xffff, v8;
	v23 =	vld.idx.msk [tilespmem:v9+s1+$0x0], $0xffff  }
0x18c: {  	s22 =	simm.s32 $0x40;
	v22 =	vadd.s32 $0x7530, v0;
	v6 =	vor.u32 s20, v3;
	v24 =	vld.idx.msk [tilespmem:v10+s1+$0x0], $0xffff  }
0x18d: {  	v26 =	vadd.s32 $0x7530, v1;
	v9 =	vld [tilespmem:s22+$0xEAB0];
	[tilespmem:v21+s11+$0x0] =	vst.idx.msk $0xffff, v4;
	v4 =	vor.u32 s21, v3  }
0x18e: {  	v25 =	vld.idx.msk [tilespmem:v5+s1+$0x0], $0xffff;
	v5 =	vor.u32 s19, v3  }
0x18f: {  	v27 =	vadd.s32 $0x7530, v16;
	v7 =	vld [tilespmem:s22+$0xEA90]  }
0x190: {  	v10 =	vld [tilespmem:s22+$0xEA80];
	[tilespmem:v28+s11+$0x0] =	vst.idx.msk $0xffff, v12;
	v12 =	vadd.s32 $0x7530, v17  }
0x191: {  	[tilespmem:v6+s11+$0x0] =	vst.idx.msk $0xffff, v23;
	v22 =	vld.idx.msk [tilespmem:v22+s1+$0x0], $0xffff  }
0x192: {  	v23 =	vadd.s32 $0x9C40, v0;
	[tilespmem:v4+s11+$0x0] =	vst.idx.msk $0xffff, v24;
	v24 =	vld.idx.msk [tilespmem:v26+s1+$0x0], $0xffff  }
0x193: {  	s23 =	simm.s32 $0x100;
	s18 =	simm.s32 $0x70;
	v8 =	vld [tilespmem:s22+$0xEAA0];
	[tilespmem:v5+s11+$0x0] =	vst.idx.msk $0xffff, v25;
	v25 =	vadd.s32 $0x9C40, v1  }
0x194: {  	s24 =	sand.u32 $0x70, s18;
	s19 =	sand.u32 $0x1E00, s23;
	v26 =	vld.idx.msk [tilespmem:v27+s1+$0x0], $0xffff  }
0x195: {  	s26 =	sor.u32 s19, s24;
	v27 =	vld.idx.msk [tilespmem:v12+s1+$0x0], $0xffff  }
0x196: {  	v30 =	vld.idx.msk [tilespmem:v9+s1+$0x0], $0xffff;
	v12 =	vor.u32 s26, v52;
	[tilespmem:v11+s12+$0x0] =	vst.idx.msk $0xffff, v22  }
0x197: {  	s25 =	simm.s32 $0x50;
	v31 =	vadd.s32 $0x9C40, v16;
	v23 =	vld.idx.msk [tilespmem:v23+s1+$0x0], $0xffff;
	[tilespmem:v13+s12+$0x0] =	vst.idx.msk $0xffff, v24  }
0x198: {  	s28 =	sand.u32 $0x50, s25;
	s29 =	simm.s32 $0x40;
	v22 =	vadd.s32 $0x9C40, v17;
	v25 =	vld.idx.msk [tilespmem:v25+s1+$0x0], $0xffff  }
0x199: {  	s21 =	sand.u32 $0x40, s29;
	s23 =	simm.s32 $0x60;
	s20 =	sor.u32 s19, s28;
	v29 =	vld.idx.msk [tilespmem:v7+s1+$0x0], $0xffff;
	v24 =	vadd.s32 $0x2710, v9;
	[tilespmem:v14+s12+$0x0] =	vst.idx.msk $0xffff, v26  }
0x19a: {  	s24 =	sand.u32 $0x60, s23;
	s23 =	sor.u32 s21, s19;
	v0 =	vadd.s32 $0xC350, v0;
	v61 =	vld.idx.msk [tilespmem:v10+s1+$0x0], $0xffff;
	v11 =	vor.u32 s20, v52;
	[tilespmem:v15+s12+$0x0] =	vst.idx.msk $0xffff, v27  }
0x19b: {  	v26 =	vld.idx.msk [tilespmem:v8+s1+$0x0], $0xffff;
	v15 =	vor.u32 s23, v52;
	v27 =	vadd.s32 $0x2710, v7;
	[tilespmem:v12+s11+$0x0] =	vst.idx.msk $0xffff, v30  }
0x19c: {  	s19 =	sor.u32 s19, s24;
	v30 =	vld.idx.msk [tilespmem:v31+s1+$0x0], $0xffff;
	[tilespmem:v18+s12+$0x0] =	vst.idx.msk $0xffff, v23;
	v18 =	vadd.s32 $0x2710, v10  }
0x19d: {  	v13 =	vor.u32 s19, v52;
	v22 =	vld.idx.msk [tilespmem:v22+s1+$0x0], $0xffff;
	[tilespmem:v19+s12+$0x0] =	vst.idx.msk $0xffff, v25;
	v25 =	vadd.s32 $0xC350, v16  }
0x19e: {  	v1 =	vadd.s32 $0xC350, v1;
	v24 =	vld.idx.msk [tilespmem:v24+s1+$0x0], $0xffff  }
0x19f: {  	v14 =	vor.u32 s26, v2;
	[tilespmem:v11+s11+$0x0] =	vst.idx.msk $0xffff, v29;
	v29 =	vld.idx.msk [tilespmem:v0+s1+$0x0], $0xffff;
	v19 =	vadd.s32 $0x2710, v8  }
0x1a0: {  	v63 =	vadd.s32 $0xC350, v17;
	[tilespmem:v15+s11+$0x0] =	vst.idx.msk $0xffff, v61;
	v31 =	vld.idx.msk [tilespmem:v27+s1+$0x0], $0xffff  }
0x1a1: {  	v62 =	vadd.s32 $0x4E20, v9;
	v16 =	vor.u32 s20, v2;
	[tilespmem:v20+s12+$0x0] =	vst.idx.msk $0xffff, v30;
	v23 =	vld.idx.msk [tilespmem:v18+s1+$0x0], $0xffff  }
0x1a2: {  	[tilespmem:v13+s11+$0x0] =	vst.idx.msk $0xffff, v26;
	v26 =	vadd.s32 $0x4E20, v7;
	v0 =	vld.idx.msk [tilespmem:v25+s1+$0x0], $0xffff;
	v25 =	vor.u32 s23, v2  }
0x1a3: {  	v1 =	vld.idx.msk [tilespmem:v1+s1+$0x0], $0xffff;
	v27 =	vadd.s32 $0x4E20, v10;
	[tilespmem:v21+s12+$0x0] =	vst.idx.msk $0xffff, v22  }
0x1a4: {  	v18 =	vor.u32 s19, v2;
	[tilespmem:v14+s11+$0x0] =	vst.idx.msk $0xffff, v24;
	v22 =	vld.idx.msk [tilespmem:v19+s1+$0x0], $0xffff  }
0x1a5: {  	v21 =	vld.idx.msk [tilespmem:v63+s1+$0x0], $0xffff;
	[tilespmem:v28+s12+$0x0] =	vst.idx.msk $0xffff, v29;
	v28 =	vadd.s32 $0x4E20, v8  }
0x1a6: {  	s22 =	simm.s32 $0x200;
	s21 =	simm.s32 $0x4;
	v17 =	vor.u32 s26, v3;
	v20 =	vadd.s32 $0x7530, v9;
	v24 =	vld.idx.msk [tilespmem:v62+s1+$0x0], $0xffff;
	[tilespmem:v16+s11+$0x0] =	vst.idx.msk $0xffff, v31;
	v19 =	vmov v25  }
.LBB2_6:
0x1a7: {  	s24 =	sshra.s32 s22, $0x2;
	s21 =	sadd.s32 $0x4, s21;
	[tilespmem:v25+s11+$0x0] =	vst.idx.msk $0xffff, v23;
	v23 =	vld.idx.msk [tilespmem:v26+s1+$0x0], $0xffff  }
0x1a8: {  	p0 =	slt.u32 s21, $0x7C;
	v25 =	vld.idx.msk [tilespmem:v27+s1+$0x0], $0xffff;
	[tilespmem:v6+s12+$0x0] =	vst.idx.msk $0xffff, v1;
	v6 =	vor.u32 s20, v3  }
0x1a9: {  	v26 =	vor.u32 s23, v3;
	v1 =	vld [tilespmem:s24+$0xEA90];
	[tilespmem:v18+s11+$0x0] =	vst.idx.msk $0xffff, v22  }
0x1aa: {  	v22 =	vadd.s32 $0x7530, v10;
	v27 =	vld.idx.msk [tilespmem:v28+s1+$0x0], $0xffff;
	[tilespmem:v4+s12+$0x0] =	vst.idx.msk $0xffff, v0;
	v4 =	vmov v26  }
0x1ab: {  	v29 =	vor.u32 s19, v3;
	v28 =	vadd.s32 $0x7530, v7;
	v0 =	vld [tilespmem:s24+$0xEAB0];
	[tilespmem:v17+s11+$0x0] =	vst.idx.msk $0xffff, v24  }
0x1ac: {  	v24 =	vadd.s32 $0x7530, v8;
	v30 =	vld.idx.msk [tilespmem:v20+s1+$0x0], $0xffff;
	[tilespmem:v5+s12+$0x0] =	vst.idx.msk $0xffff, v21;
	v5 =	vmov v29  }
0x1ad: {  	s18 =	sadd.s32 $0x40, s18;
	v21 =	vld [tilespmem:s24+$0xEAA0];
	[tilespmem:v6+s11+$0x0] =	vst.idx.msk $0xffff, v23  }
0x1ae: {  	v23 =	vld [tilespmem:s24+$0xEA80];
	[tilespmem:v26+s11+$0x0] =	vst.idx.msk $0xffff, v25  }
0x1af: {  	v25 =	vadd.s32 $0x9C40, v9;
	v22 =	vld.idx.msk [tilespmem:v22+s1+$0x0], $0xffff  }
0x1b0: {  	s19 =	sadd.s32 $0xFFFFFFE0, s18;
	s20 =	sadd.s32 $0xFFFFFFF0, s18;
	v20 =	vadd.s32 $0x7530, v0;
	v26 =	vld.idx.msk [tilespmem:v28+s1+$0x0], $0xffff;
	[tilespmem:v29+s11+$0x0] =	vst.idx.msk $0xffff, v27  }
0x1b1: {  	s23 =	sand.u32 $0x1E00, s22;
	s19 =	sand.u32 $0x50, s19;
	s24 =	sand.u32 $0x60, s20;
	v24 =	vld.idx.msk [tilespmem:v24+s1+$0x0], $0xffff  }
0x1b2: {  	s20 =	sor.u32 s23, s19;
	s19 =	sor.u32 s23, s24;
	s24 =	sand.u32 $0x70, s18;
	v28 =	vadd.s32 $0x9C40, v7;
	v27 =	vld.idx.msk [tilespmem:v1+s1+$0x0], $0xffff;
	[tilespmem:v12+s12+$0x0] =	vst.idx.msk $0xffff, v30  }
0x1b3: {  	v31 =	vadd.s32 $0x9C40, v10;
	v32 =	vadd.s32 $0x9C40, v8;
	v29 =	vor.u32 s20, v52;
	s24 =	sor.u32 s23, s24;
	v30 =	vld.idx.msk [tilespmem:v0+s1+$0x0], $0xffff  }
0x1b4: {  	s25 =	sadd.s32 $0xFFFFFFD0, s18;
	v12 =	vor.u32 s24, v52;
	v25 =	vld.idx.msk [tilespmem:v25+s1+$0x0], $0xffff  }
0x1b5: {  	s25 =	sand.u32 $0x40, s25;
	v34 =	vadd.s32 $0x2710, v0;
	v33 =	vld.idx.msk [tilespmem:v21+s1+$0x0], $0xffff;
	[tilespmem:v15+s12+$0x0] =	vst.idx.msk $0xffff, v22  }
0x1b6: {  	s23 =	sor.u32 s25, s23;
	v35 =	vor.u32 s19, v52;
	v22 =	vld.idx.msk [tilespmem:v23+s1+$0x0], $0xffff;
	[tilespmem:v11+s12+$0x0] =	vst.idx.msk $0xffff, v26;
	v26 =	vadd.s32 $0xC350, v9;
	v9 =	vmovc v0;
	v11 =	vmov v29  }
0x1b7: {  	v15 =	vor.u32 s23, v52;
	v0 =	vadd.s32 $0x2710, v1;
	v28 =	vld.idx.msk [tilespmem:v28+s1+$0x0], $0xffff;
	[tilespmem:v13+s12+$0x0] =	vst.idx.msk $0xffff, v24;
	v13 =	vmov v35  }
0x1b8: {  	v24 =	vadd.s32 $0x2710, v23;
	[tilespmem:v29+s11+$0x0] =	vst.idx.msk $0xffff, v27;
	v27 =	vld.idx.msk [tilespmem:v32+s1+$0x0], $0xffff  }
0x1b9: {  	[tilespmem:v12+s11+$0x0] =	vst.idx.msk $0xffff, v30;
	v29 =	vld.idx.msk [tilespmem:v31+s1+$0x0], $0xffff;
	v30 =	vadd.s32 $0xC350, v7;
	v7 =	vmov v1  }
0x1ba: {  	v31 =	vadd.s32 $0x2710, v21;
	v32 =	vld.idx.msk [tilespmem:v34+s1+$0x0], $0xffff;
	[tilespmem:v14+s12+$0x0] =	vst.idx.msk $0xffff, v25  }
0x1bb: {  	v14 =	vor.u32 s24, v2;
	[tilespmem:v35+s11+$0x0] =	vst.idx.msk $0xffff, v33;
	v33 =	vadd.s32 $0xC350, v10;
	v34 =	vld.idx.msk [tilespmem:v26+s1+$0x0], $0xffff;
	v10 =	vmov v23  }
0x1bc: {  	v37 =	vadd.s32 $0xC350, v8;
	v8 =	vmov v21;
	v36 =	vadd.s32 $0x4E20, v9;
	[tilespmem:v15+s11+$0x0] =	vst.idx.msk $0xffff, v22;
	v35 =	vld.idx.msk [tilespmem:v0+s1+$0x0], $0xffff  }
0x1bd: {  	v23 =	vld.idx.msk [tilespmem:v24+s1+$0x0], $0xffff;
	[tilespmem:v16+s12+$0x0] =	vst.idx.msk $0xffff, v28;
	v16 =	vor.u32 s20, v2  }
.Ltmp2:
0x1be: {  	v25 =	vor.u32 s23, v2;
	v26 =	vadd.s32 $0x4E20, v7;
	v1 =	vld.idx.msk [tilespmem:v30+s1+$0x0], $0xffff;
	[tilespmem:v18+s12+$0x0] =	vst.idx.msk $0xffff, v27;
	(pc) =	sbr.rel @p0 .LBB2_6-.Ltmp2, $4  }
0x1bf: {  	v27 =	vadd.s32 $0x4E20, v10;
	v22 =	vld.idx.msk [tilespmem:v31+s1+$0x0], $0xffff;
	[tilespmem:v19+s12+$0x0] =	vst.idx.msk $0xffff, v29;
	v19 =	vmov v25  }
0x1c0: {  	v18 =	vor.u32 s19, v2;
	[tilespmem:v14+s11+$0x0] =	vst.idx.msk $0xffff, v32;
	v0 =	vld.idx.msk [tilespmem:v33+s1+$0x0], $0xffff  }
0x1c1: {  	v28 =	vadd.s32 $0x4E20, v8;
	v24 =	vld.idx.msk [tilespmem:v36+s1+$0x0], $0xffff;
	[tilespmem:v17+s12+$0x0] =	vst.idx.msk $0xffff, v34  }
0x1c2: {  	s22 =	sadd.s32 $0x100, s22;
	v17 =	vor.u32 s24, v3;
	[tilespmem:v16+s11+$0x0] =	vst.idx.msk $0xffff, v35;
	v21 =	vld.idx.msk [tilespmem:v37+s1+$0x0], $0xffff  }
0x1c3: {  	_ =	sdelay $0x3  }
0x1c4: {  	[tilespmem:v25+s11+$0x0] =	vst.idx.msk $0xffff, v23;
	v23 =	vld.idx.msk [tilespmem:v26+s1+$0x0], $0xffff;
	v25 =	vor.u32 s20, v3  }
0x1c5: {  	v26 =	vld.idx.msk [tilespmem:v27+s1+$0x0], $0xffff;
	v27 =	vor.u32 s23, v3;
	[tilespmem:v18+s11+$0x0] =	vst.idx.msk $0xffff, v22;
	v22 =	vadd.s32 $0x7530, v7  }
0x1c6: {  	v29 =	vadd.s32 $0x7530, v10;
	v30 =	vor.u32 s19, v3;
	v28 =	vld.idx.msk [tilespmem:v28+s1+$0x0], $0xffff  }
0x1c7: {  	v31 =	vadd.s32 $0x7530, v8  }
0x1c8: {  	[tilespmem:v17+s11+$0x0] =	vst.idx.msk $0xffff, v24  }
0x1c9: {  	v20 =	vld.idx.msk [tilespmem:v20+s1+$0x0], $0xffff;
	[tilespmem:v25+s11+$0x0] =	vst.idx.msk $0xffff, v23  }
0x1ca: {  	v23 =	vadd.s32 $0x9C40, v9;
	[tilespmem:v27+s11+$0x0] =	vst.idx.msk $0xffff, v26;
	v22 =	vld.idx.msk [tilespmem:v22+s1+$0x0], $0xffff  }
0x1cb: {  	v26 =	vadd.s32 $0x9C40, v7;
	v24 =	vld.idx.msk [tilespmem:v29+s1+$0x0], $0xffff;
	[tilespmem:v30+s11+$0x0] =	vst.idx.msk $0xffff, v28  }
0x1cc: {  	v29 =	vadd.s32 $0x9C40, v10;
	v28 =	vld.idx.msk [tilespmem:v31+s1+$0x0], $0xffff  }
0x1cd: {  	v31 =	vadd.s32 $0x9C40, v8  }
0x1ce: {  	[tilespmem:v12+s12+$0x0] =	vst.idx.msk $0xffff, v20  }
0x1cf: {  	v12 =	vld.idx.msk [tilespmem:v23+s1+$0x0], $0xffff;
	[tilespmem:v11+s12+$0x0] =	vst.idx.msk $0xffff, v22  }
0x1d0: {  	v9 =	vadd.s32 $0xC350, v9;
	[tilespmem:v15+s12+$0x0] =	vst.idx.msk $0xffff, v24;
	v11 =	vld.idx.msk [tilespmem:v26+s1+$0x0], $0xffff  }
0x1d1: {  	v7 =	vadd.s32 $0xC350, v7;
	[tilespmem:v13+s12+$0x0] =	vst.idx.msk $0xffff, v28;
	v13 =	vld.idx.msk [tilespmem:v29+s1+$0x0], $0xffff  }
0x1d2: {  	v10 =	vadd.s32 $0xC350, v10;
	v15 =	vld.idx.msk [tilespmem:v31+s1+$0x0], $0xffff  }
0x1d3: {  	[tilespmem:v6+s12+$0x0] =	vst.idx.msk $0xffff, v1;
	v1 =	vadd.s32 $0xC350, v8  }
0x1d4: {  	[tilespmem:v14+s12+$0x0] =	vst.idx.msk $0xffff, v12  }
0x1d5: {  	v6 =	vld.idx.msk [tilespmem:v9+s1+$0x0], $0xffff;
	[tilespmem:v16+s12+$0x0] =	vst.idx.msk $0xffff, v11  }
0x1d6: {  	v7 =	vld.idx.msk [tilespmem:v7+s1+$0x0], $0xffff;
	[tilespmem:v19+s12+$0x0] =	vst.idx.msk $0xffff, v13  }
0x1d7: {  	[tilespmem:v18+s12+$0x0] =	vst.idx.msk $0xffff, v15;
	v8 =	vld.idx.msk [tilespmem:v10+s1+$0x0], $0xffff  }
0x1d8: {  	[tilespmem:v4+s12+$0x0] =	vst.idx.msk $0xffff, v0;
	v0 =	vld.idx.msk [tilespmem:v1+s1+$0x0], $0xffff  }
0x1d9: {  	[tilespmem:v5+s12+$0x0] =	vst.idx.msk $0xffff, v21  }
0x1da: {  	[tilespmem:v17+s12+$0x0] =	vst.idx.msk $0xffff, v6  }
0x1db: {  	s18 =	simm.s32 $0x0;
	[tilespmem:v25+s12+$0x0] =	vst.idx.msk $0xffff, v7  }
0x1dc: {  	s22 =	sand.u32 $0x780, s18;
	s23 =	sand.u32 $0x40, s18;
	[tilespmem:v27+s12+$0x0] =	vst.idx.msk $0xffff, v8  }
0x1dd: {  	s19 =	sadd.s32 $0xF280, s22;
	s21 =	sor.u32 $0x30, s23;
	[tilespmem:v30+s12+$0x0] =	vst.idx.msk $0xffff, v0  }
0x1de: {  	[hbm4b:s0+s18] =	stream.linear.scatter [tilespmem:s12], [sflag:$0x2], $0x2000, $0x38;
	[tilespmem:$0x1EA80] =	vst v63  }
0x1df: {  	s22 =	sor.u32 s21, s19  }
0x1e0: {  	[hbm4b:s2+s18] =	stream.linear.scatter [tilespmem:s11], [sflag:$0x4], $0x2000, $0x38;
	[tilespmem:$0x1EA80] =	vst v63  }
0x1e1: {  	s29 =	sor.u32 $0x10, s23;
	s24 =	sor.u32 s23, s19;
	v0 =	vld [tilespmem:s22+$0x0]  }
0x1e2: {  	s25 =	sor.u32 $0x20, s23;
	s26 =	sor.u32 s29, s19;
	v1 =	vld [tilespmem:s24+$0x0]  }
0x1e3: {  	s19 =	sor.u32 s25, s19;
	v13 =	vld [tilespmem:s26+$0x0]  }
0x1e4: {  	v14 =	vld [tilespmem:s19+$0x0];
	_ =	sdelay $0x2  }
0x1e5: {  	s18 =	sand.u32 $0x1E00, s18  }
0x1e6: {  	s28 =	sor.u32 s18, s21  }
0x1e7: {  	s20 =	sor.u32 s23, s18;
	v9 =	vor.u32 s28, v52;
	v4 =	vld.idx.msk [tilespmem:v0+s1+$0x0], $0xffff  }
0x1e8: {  	s29 =	sor.u32 s18, s29;
	v10 =	vor.u32 s20, v52;
	v6 =	vadd.s32 $0x2710, v0;
	v5 =	vld.idx.msk [tilespmem:v1+s1+$0x0], $0xffff  }
0x1e9: {  	s18 =	sor.u32 s18, s25;
	v11 =	vor.u32 s29, v52;
	v7 =	vadd.s32 $0x2710, v1;
	v8 =	vld.idx.msk [tilespmem:v13+s1+$0x0], $0xffff  }
0x1ea: {  	v15 =	vor.u32 s18, v52;
	v12 =	vadd.s32 $0x2710, v13;
	v16 =	vld.idx.msk [tilespmem:v14+s1+$0x0], $0xffff  }
0x1eb: {  	v17 =	vadd.s32 $0x2710, v14  }
0x1ec: {  	[tilespmem:v9+s13+$0x0] =	vst.idx.msk $0xffff, v4  }
0x1ed: {  	s22 =	simm.s32 $0x40;
	v18 =	vor.u32 s28, v2;
	[tilespmem:v10+s13+$0x0] =	vst.idx.msk $0xffff, v5;
	v6 =	vld.idx.msk [tilespmem:v6+s1+$0x0], $0xffff  }
0x1ee: {  	v19 =	vor.u32 s20, v2;
	s23 =	sand.u32 $0x780, s22;
	[tilespmem:v11+s13+$0x0] =	vst.idx.msk $0xffff, v8;
	v5 =	vld.idx.msk [tilespmem:v7+s1+$0x0], $0xffff;
	v7 =	vadd.s32 $0x4E20, v0  }
0x1ef: {  	v21 =	vor.u32 s29, v2;
	s19 =	sand.u32 $0x40, s22;
	s22 =	sadd.s32 $0xF280, s23;
	v8 =	vadd.s32 $0x4E20, v1;
	[tilespmem:v15+s13+$0x0] =	vst.idx.msk $0xffff, v16;
	v12 =	vld.idx.msk [tilespmem:v12+s1+$0x0], $0xffff  }
0x1f0: {  	v23 =	vor.u32 s28, v3;
	s21 =	sor.u32 $0x20, s19;
	s28 =	sor.u32 s19, s22;
	v16 =	vadd.s32 $0x4E20, v13;
	v4 =	vor.u32 s18, v2;
	v17 =	vld.idx.msk [tilespmem:v17+s1+$0x0], $0xffff  }
0x1f1: {  	s25 =	sor.u32 s21, s22;
	v26 =	vld [tilespmem:s28+$0x0];
	v20 =	vadd.s32 $0x4E20, v14  }
0x1f2: {  	v36 =	vld [tilespmem:s25+$0x0];
	[tilespmem:v18+s13+$0x0] =	vst.idx.msk $0xffff, v6  }
0x1f3: {  	[tilespmem:v19+s13+$0x0] =	vst.idx.msk $0xffff, v5;
	v22 =	vld.idx.msk [tilespmem:v7+s1+$0x0], $0xffff  }
0x1f4: {  	[tilespmem:v21+s13+$0x0] =	vst.idx.msk $0xffff, v12;
	v24 =	vld.idx.msk [tilespmem:v8+s1+$0x0], $0xffff  }
0x1f5: {  	s24 =	sor.u32 $0x30, s19;
	v12 =	vadd.s32 $0x7530, v0;
	[tilespmem:v4+s13+$0x0] =	vst.idx.msk $0xffff, v17;
	v16 =	vld.idx.msk [tilespmem:v16+s1+$0x0], $0xffff;
	v7 =	vor.u32 s20, v3  }
0x1f6: {  	s26 =	sor.u32 s24, s22;
	v5 =	vor.u32 s29, v3;
	v17 =	vld.idx.msk [tilespmem:v20+s1+$0x0], $0xffff;
	v20 =	vadd.s32 $0x7530, v1  }
0x1f7: {  	v25 =	vadd.s32 $0x7530, v13;
	s29 =	sor.u32 $0x10, s19;
	v8 =	vld [tilespmem:s26+$0x0]  }
0x1f8: {  	s20 =	sor.u32 s29, s22  }
0x1f9: {  	v6 =	vor.u32 s18, v3;
	v29 =	vld [tilespmem:s20+$0x0];
	[tilespmem:v23+s13+$0x0] =	vst.idx.msk $0xffff, v22  }
0x1fa: {  	[tilespmem:v7+s13+$0x0] =	vst.idx.msk $0xffff, v24;
	v12 =	vld.idx.msk [tilespmem:v12+s1+$0x0], $0xffff  }
0x1fb: {  	s18 =	simm.s32 $0x100;
	v22 =	vadd.s32 $0x7530, v14;
	[tilespmem:v5+s13+$0x0] =	vst.idx.msk $0xffff, v16;
	v16 =	vld.idx.msk [tilespmem:v20+s1+$0x0], $0xffff  }
0x1fc: {  	s26 =	sand.u32 $0x1E00, s18;
	v20 =	vld.idx.msk [tilespmem:v25+s1+$0x0], $0xffff  }
0x1fd: {  	v28 =	vld.idx.msk [tilespmem:v26+s1+$0x0], $0xffff;
	s19 =	sor.u32 s19, s26;
	v24 =	vadd.s32 $0x9C40, v0  }
0x1fe: {  	v32 =	vld.idx.msk [tilespmem:v36+s1+$0x0], $0xffff;
	s28 =	sor.u32 s26, s24;
	[tilespmem:v6+s13+$0x0] =	vst.idx.msk $0xffff, v17;
	v17 =	vor.u32 s19, v52;
	v25 =	vadd.s32 $0x9C40, v1  }
0x1ff: {  	v27 =	vld.idx.msk [tilespmem:v8+s1+$0x0], $0xffff;
	[tilespmem:v9+s14+$0x0] =	vst.idx.msk $0xffff, v12;
	v12 =	vadd.s32 $0x9C40, v13;
	v9 =	vor.u32 s28, v52  }
0x200: {  	s21 =	sor.u32 s26, s21;
	v22 =	vld.idx.msk [tilespmem:v22+s1+$0x0], $0xffff;
	[tilespmem:v10+s14+$0x0] =	vst.idx.msk $0xffff, v16;
	v16 =	vadd.s32 $0x2710, v26  }
0x201: {  	v30 =	vadd.s32 $0x2710, v8;
	v31 =	vld.idx.msk [tilespmem:v29+s1+$0x0], $0xffff;
	[tilespmem:v11+s14+$0x0] =	vst.idx.msk $0xffff, v20;
	v11 =	vor.u32 s21, v52  }
0x202: {  	v33 =	vadd.s32 $0x9C40, v14;
	s29 =	sor.u32 s26, s29;
	v24 =	vld.idx.msk [tilespmem:v24+s1+$0x0], $0xffff  }
0x203: {  	v0 =	vadd.s32 $0xC350, v0;
	[tilespmem:v17+s13+$0x0] =	vst.idx.msk $0xffff, v28;
	v10 =	vor.u32 s29, v52;
	v25 =	vld.idx.msk [tilespmem:v25+s1+$0x0], $0xffff  }
0x204: {  	v20 =	vadd.s32 $0x2710, v29;
	[tilespmem:v9+s13+$0x0] =	vst.idx.msk $0xffff, v27;
	v27 =	vld.idx.msk [tilespmem:v12+s1+$0x0], $0xffff  }
0x205: {  	[tilespmem:v15+s14+$0x0] =	vst.idx.msk $0xffff, v22;
	v22 =	vadd.s32 $0x2710, v36;
	v38 =	vld.idx.msk [tilespmem:v16+s1+$0x0], $0xffff  }
0x206: {  	v1 =	vadd.s32 $0xC350, v1;
	v12 =	vor.u32 s28, v2;
	[tilespmem:v11+s13+$0x0] =	vst.idx.msk $0xffff, v32;
	v30 =	vld.idx.msk [tilespmem:v30+s1+$0x0], $0xffff  }
0x207: {  	v37 =	vadd.s32 $0xC350, v13;
	v13 =	vor.u32 s19, v2;
	v32 =	vld.idx.msk [tilespmem:v33+s1+$0x0], $0xffff;
	[tilespmem:v18+s14+$0x0] =	vst.idx.msk $0xffff, v24  }
0x208: {  	v41 =	vadd.s32 $0x4E20, v26;
	v40 =	vadd.s32 $0x4E20, v8;
	[tilespmem:v10+s13+$0x0] =	vst.idx.msk $0xffff, v31;
	v35 =	vld.idx.msk [tilespmem:v0+s1+$0x0], $0xffff  }
0x209: {  	v14 =	vadd.s32 $0xC350, v14;
	v28 =	vadd.s32 $0x4E20, v29;
	v15 =	vor.u32 s29, v2;
	v39 =	vld.idx.msk [tilespmem:v20+s1+$0x0], $0xffff;
	[tilespmem:v19+s14+$0x0] =	vst.idx.msk $0xffff, v25  }
0x20a: {  	v16 =	vadd.s32 $0xC350, v26;
	v20 =	vadd.s32 $0x7530, v26;
	v34 =	vld.idx.msk [tilespmem:v22+s1+$0x0], $0xffff;
	[tilespmem:v21+s14+$0x0] =	vst.idx.msk $0xffff, v27;
	v27 =	vor.u32 s21, v2  }
0x20b: {  	v18 =	vadd.s32 $0x9C40, v26;
	v24 =	vadd.s32 $0x7530, v29;
	v33 =	vld.idx.msk [tilespmem:v1+s1+$0x0], $0xffff;
	[tilespmem:v12+s13+$0x0] =	vst.idx.msk $0xffff, v30;
	v30 =	vadd.s32 $0x4E20, v36  }
0x20c: {  	v25 =	vor.u32 s29, v3;
	v26 =	vor.u32 s21, v3;
	v19 =	vadd.s32 $0xC350, v29;
	[tilespmem:v13+s13+$0x0] =	vst.idx.msk $0xffff, v38;
	v31 =	vld.idx.msk [tilespmem:v37+s1+$0x0], $0xffff  }
0x20d: {  	v0 =	vor.u32 s19, v3;
	v1 =	vadd.s32 $0x7530, v36;
	v22 =	vor.u32 s28, v3;
	[tilespmem:v23+s14+$0x0] =	vst.idx.msk $0xffff, v35;
	v35 =	vld.idx.msk [tilespmem:v40+s1+$0x0], $0xffff  }
0x20e: {  	s20 =	simm.s32 $0x80;
	s19 =	simm.s32 $0x4;
	v21 =	vadd.s32 $0x9C40, v29;
	v29 =	vadd.s32 $0xC350, v36;
	[tilespmem:v15+s13+$0x0] =	vst.idx.msk $0xffff, v39;
	v23 =	vadd.s32 $0x9C40, v36;
	v36 =	vld.idx.msk [tilespmem:v41+s1+$0x0], $0xffff  }
.LBB2_8:
0x20f: {  	s21 =	sand.u32 $0x780, s20;
	s22 =	sand.u32 $0x40, s20;
	v28 =	vld.idx.msk [tilespmem:v28+s1+$0x0], $0xffff;
	[tilespmem:v27+s13+$0x0] =	vst.idx.msk $0xffff, v34;
	v34 =	vadd.s32 $0x7530, v8  }
0x210: {  	s19 =	sadd.s32 $0x4, s19;
	s21 =	sadd.s32 $0xF280, s21;
	s23 =	sor.u32 $0x30, s22;
	v30 =	vld.idx.msk [tilespmem:v30+s1+$0x0], $0xffff;
	[tilespmem:v4+s14+$0x0] =	vst.idx.msk $0xffff, v32;
	v4 =	vmov v27  }
0x211: {  	s24 =	sor.u32 $0x10, s22;
	p0 =	slt.u32 s19, $0x7C;
	s25 =	sor.u32 s23, s21;
	[tilespmem:v7+s14+$0x0] =	vst.idx.msk $0xffff, v33;
	v27 =	vld.idx.msk [tilespmem:v14+s1+$0x0], $0xffff;
	v7 =	vmov v0;
	v14 =	vmov v29  }
0x212: {  	s29 =	sor.u32 $0x20, s22;
	s26 =	sor.u32 s22, s21;
	s28 =	sor.u32 s24, s21;
	v29 =	vld [tilespmem:s25+$0x0];
	[tilespmem:v5+s14+$0x0] =	vst.idx.msk $0xffff, v31;
	v5 =	vmov v25  }
0x213: {  	s21 =	sor.u32 s29, s21;
	v31 =	vld [tilespmem:s26+$0x0];
	[tilespmem:v22+s13+$0x0] =	vst.idx.msk $0xffff, v35  }
0x214: {  	[tilespmem:v0+s13+$0x0] =	vst.idx.msk $0xffff, v36;
	v0 =	vld.idx.msk [tilespmem:v34+s1+$0x0], $0xffff  }
0x215: {  	v32 =	vld [tilespmem:s28+$0x0];
	[tilespmem:v25+s13+$0x0] =	vst.idx.msk $0xffff, v28  }
0x216: {  	v25 =	vadd.s32 $0x9C40, v8;
	v33 =	vld [tilespmem:s21+$0x0];
	[tilespmem:v26+s13+$0x0] =	vst.idx.msk $0xffff, v30  }
0x217: {  	v30 =	vld.idx.msk [tilespmem:v20+s1+$0x0], $0xffff;
	[tilespmem:v6+s14+$0x0] =	vst.idx.msk $0xffff, v27;
	v6 =	vmov v26  }
0x218: {  	s18 =	sadd.s32 $0x100, s18;
	v34 =	vadd.s32 $0x2710, v31;
	v36 =	vadd.s32 $0x4E20, v31;
	v20 =	vadd.s32 $0x7530, v31;
	v26 =	vld.idx.msk [tilespmem:v24+s1+$0x0], $0xffff  }
0x219: {  	s25 =	sand.u32 $0x1E00, s18;
	v35 =	vadd.s32 $0x9C40, v31;
	v37 =	vadd.s32 $0xC350, v31;
	v38 =	vld.idx.msk [tilespmem:v1+s1+$0x0], $0xffff  }
0x21a: {  	s24 =	sor.u32 s25, s24;
	s26 =	sor.u32 s25, s29;
	s21 =	sor.u32 s25, s23;
	v39 =	vadd.s32 $0x2710, v32;
	v28 =	vadd.s32 $0x4E20, v32;
	v24 =	vadd.s32 $0x7530, v32;
	v40 =	vld.idx.msk [tilespmem:v29+s1+$0x0], $0xffff;
	[tilespmem:v9+s14+$0x0] =	vst.idx.msk $0xffff, v0  }
0x21b: {  	s22 =	sor.u32 s22, s25;
	v41 =	vor.u32 s26, v52;
	v0 =	vor.u32 s24, v52;
	v9 =	vor.u32 s21, v52;
	v42 =	vld.idx.msk [tilespmem:v25+s1+$0x0], $0xffff  }
0x21c: {  	v43 =	vor.u32 s22, v52;
	v45 =	vadd.s32 $0x2710, v29;
	v44 =	vadd.s32 $0x2710, v33;
	v31 =	vld.idx.msk [tilespmem:v31+s1+$0x0], $0xffff  }
0x21d: {  	v48 =	vadd.s32 $0xC350, v8;
	v46 =	vor.u32 s24, v2;
	v27 =	vor.u32 s26, v2;
	v8 =	vmovc v29;
	v47 =	vld.idx.msk [tilespmem:v32+s1+$0x0], $0xffff;
	[tilespmem:v17+s14+$0x0] =	vst.idx.msk $0xffff, v30  }
0x21e: {  	v49 =	vor.u32 s22, v2;
	v25 =	vor.u32 s24, v3;
	v30 =	vadd.s32 $0x4E20, v33;
	v50 =	vld.idx.msk [tilespmem:v33+s1+$0x0], $0xffff;
	[tilespmem:v10+s14+$0x0] =	vst.idx.msk $0xffff, v26;
	v10 =	vmovc v0  }
0x21f: {  	v1 =	vadd.s32 $0x7530, v33;
	v0 =	vor.u32 s22, v3;
	v26 =	vor.u32 s26, v3;
	v51 =	vld.idx.msk [tilespmem:v18+s1+$0x0], $0xffff;
	[tilespmem:v11+s14+$0x0] =	vst.idx.msk $0xffff, v38;
	v18 =	vmovc v35  }
0x220: {  	v35 =	vadd.s32 $0xC350, v32;
	v38 =	vadd.s32 $0x9C40, v33;
	v11 =	vmovc v41;
	[tilespmem:v9+s13+$0x0] =	vst.idx.msk $0xffff, v40;
	v40 =	vld.idx.msk [tilespmem:v21+s1+$0x0], $0xffff;
	v21 =	vadd.s32 $0x9C40, v32  }
0x221: {  	v29 =	vadd.s32 $0xC350, v33;
	v17 =	vmov v43;
	v33 =	vld.idx.msk [tilespmem:v45+s1+$0x0], $0xffff;
	[tilespmem:v12+s14+$0x0] =	vst.idx.msk $0xffff, v42  }
0x222: {  	v12 =	vor.u32 s21, v2;
	[tilespmem:v43+s13+$0x0] =	vst.idx.msk $0xffff, v31;
	v42 =	vld.idx.msk [tilespmem:v48+s1+$0x0], $0xffff  }
0x223: {  	v43 =	vld.idx.msk [tilespmem:v34+s1+$0x0], $0xffff;
	[tilespmem:v10+s13+$0x0] =	vst.idx.msk $0xffff, v47  }
0x224: {  	v39 =	vld.idx.msk [tilespmem:v39+s1+$0x0], $0xffff;
	[tilespmem:v41+s13+$0x0] =	vst.idx.msk $0xffff, v50;
	v41 =	vadd.s32 $0x4E20, v8  }
0x225: {  	v34 =	vld.idx.msk [tilespmem:v44+s1+$0x0], $0xffff;
	[tilespmem:v13+s14+$0x0] =	vst.idx.msk $0xffff, v51;
	v13 =	vmov v49  }
.Ltmp3:
0x226: {  	[tilespmem:v15+s14+$0x0] =	vst.idx.msk $0xffff, v40;
	v32 =	vld.idx.msk [tilespmem:v23+s1+$0x0], $0xffff;
	v15 =	vmov v46;
	v23 =	vmov v38;
	(pc) =	sbr.rel @p0 .LBB2_8-.Ltmp3, $4  }
0x227: {  	[tilespmem:v12+s13+$0x0] =	vst.idx.msk $0xffff, v33;
	v33 =	vld.idx.msk [tilespmem:v16+s1+$0x0], $0xffff;
	v16 =	vmov v37  }
0x228: {  	v31 =	vld.idx.msk [tilespmem:v19+s1+$0x0], $0xffff;
	[tilespmem:v22+s14+$0x0] =	vst.idx.msk $0xffff, v42;
	v19 =	vmov v35  }
0x229: {  	[tilespmem:v49+s13+$0x0] =	vst.idx.msk $0xffff, v43;
	v35 =	vld.idx.msk [tilespmem:v41+s1+$0x0], $0xffff  }
0x22a: {  	s20 =	sadd.s32 $0x40, s20;
	v22 =	vor.u32 s21, v3;
	v36 =	vld.idx.msk [tilespmem:v36+s1+$0x0], $0xffff;
	[tilespmem:v46+s13+$0x0] =	vst.idx.msk $0xffff, v39  }
0x22b: {  	_ =	sdelay $0x2  }
0x22c: {  	v37 =	vadd.s32 $0x7530, v8  }
0x22d: {  	v28 =	vld.idx.msk [tilespmem:v28+s1+$0x0], $0xffff;
	[tilespmem:v27+s13+$0x0] =	vst.idx.msk $0xffff, v34  }
0x22e: {  	v30 =	vld.idx.msk [tilespmem:v30+s1+$0x0], $0xffff;
	_ =	sdelay $0x1  }
0x22f: {  	[tilespmem:v22+s13+$0x0] =	vst.idx.msk $0xffff, v35  }
0x230: {  	[tilespmem:v0+s13+$0x0] =	vst.idx.msk $0xffff, v36;
	v58 =	vld.idx.msk [tilespmem:v37+s1+$0x0], $0xffff  }
0x231: {  	[tilespmem:v25+s13+$0x0] =	vst.idx.msk $0xffff, v28;
	v28 =	vadd.s32 $0x9C40, v8;
	v20 =	vld.idx.msk [tilespmem:v20+s1+$0x0], $0xffff  }
0x232: {  	[tilespmem:v26+s13+$0x0] =	vst.idx.msk $0xffff, v30;
	v24 =	vld.idx.msk [tilespmem:v24+s1+$0x0], $0xffff  }
0x233: {  	v1 =	vld.idx.msk [tilespmem:v1+s1+$0x0], $0xffff;
	_ =	sdelay $0x1  }
0x234: {  	[tilespmem:v9+s14+$0x0] =	vst.idx.msk $0xffff, v58  }
0x235: {  	[tilespmem:v17+s14+$0x0] =	vst.idx.msk $0xffff, v20;
	v9 =	vld.idx.msk [tilespmem:v28+s1+$0x0], $0xffff  }
0x236: {  	v8 =	vadd.s32 $0xC350, v8;
	[tilespmem:v10+s14+$0x0] =	vst.idx.msk $0xffff, v24;
	v10 =	vld.idx.msk [tilespmem:v18+s1+$0x0], $0xffff  }
0x237: {  	[tilespmem:v11+s14+$0x0] =	vst.idx.msk $0xffff, v1;
	v1 =	vld.idx.msk [tilespmem:v21+s1+$0x0], $0xffff  }
0x238: {  	[tilespmem:v4+s14+$0x0] =	vst.idx.msk $0xffff, v32;
	v4 =	vld.idx.msk [tilespmem:v23+s1+$0x0], $0xffff  }
0x239: {  	[tilespmem:v7+s14+$0x0] =	vst.idx.msk $0xffff, v33  }
0x23a: {  	v7 =	vld.idx.msk [tilespmem:v14+s1+$0x0], $0xffff;
	[tilespmem:v12+s14+$0x0] =	vst.idx.msk $0xffff, v9  }
0x23b: {  	[tilespmem:v13+s14+$0x0] =	vst.idx.msk $0xffff, v10;
	v8 =	vld.idx.msk [tilespmem:v8+s1+$0x0], $0xffff  }
0x23c: {  	[tilespmem:v15+s14+$0x0] =	vst.idx.msk $0xffff, v1;
	v1 =	vld.idx.msk [tilespmem:v16+s1+$0x0], $0xffff  }
0x23d: {  	v9 =	vld.idx.msk [tilespmem:v19+s1+$0x0], $0xffff;
	[tilespmem:v27+s14+$0x0] =	vst.idx.msk $0xffff, v4  }
0x23e: {  	[tilespmem:v5+s14+$0x0] =	vst.idx.msk $0xffff, v31;
	v4 =	vld.idx.msk [tilespmem:v29+s1+$0x0], $0xffff  }
0x23f: {  	[tilespmem:v6+s14+$0x0] =	vst.idx.msk $0xffff, v7  }
0x240: {  	[tilespmem:v22+s14+$0x0] =	vst.idx.msk $0xffff, v8  }
0x241: {  	[tilespmem:v0+s14+$0x0] =	vst.idx.msk $0xffff, v1  }
0x242: {  	[tilespmem:v25+s14+$0x0] =	vst.idx.msk $0xffff, v9  }
0x243: {  	[tilespmem:v26+s14+$0x0] =	vst.idx.msk $0xffff, v4  }
0x244: {  	s18 =	simm.s32 $0x0;
	s19 =	rddreg [dreg:$0x6]  }
0x245: {  	[hbm4b:s19+s18] =	stream.linear.scatter [tilespmem:s14], [sflag:$0x3], $0x2000, $0x38;
	[tilespmem:$0x1EA80] =	vst v63  }
0x246: {  	s24 =	rddreg [dreg:$0x7]  }
0x247: {  	[hbm4b:s24+s18] =	stream.linear.scatter [tilespmem:s13], [sflag:$0x5], $0x2000, $0x38;
	[tilespmem:$0x1EA80] =	vst v63  }
0x248: {  	_ =	swait.ge [sflag:s15], $0x2000  }
0x249: {  	[sflag:s15] =	ssyncset.done $0x0  }
0x24a: {  	[sflag:s15] =	ssyncadd.s32 $0xFFFFE000  }
0x24b: {  	s25 =	sand.u32 $0x780, s18;
	s20 =	sand.u32 $0x40, s18;
	_ =	swait.ge [sflag:s8], $0x2000  }
0x24c: {  	s21 =	sor.u32 $0x30, s20;
	s19 =	sadd.s32 $0xFA80, s25;
	[sflag:s8] =	ssyncset.done $0x0  }
0x24d: {  	s22 =	sor.u32 s21, s19;
	[sflag:s8] =	ssyncadd.s32 $0xFFFFE000  }
0x24e: {  	s23 =	sor.u32 $0x10, s20;
	s24 =	sor.u32 s20, s19;
	v0 =	vld [tilespmem:s22+$0x0]  }
0x24f: {  	s25 =	sor.u32 $0x20, s20;
	s26 =	sor.u32 s23, s19;
	v1 =	vld [tilespmem:s24+$0x0]  }
0x250: {  	s19 =	sor.u32 s25, s19;
	v13 =	vld [tilespmem:s26+$0x0]  }
0x251: {  	v14 =	vld [tilespmem:s19+$0x0];
	_ =	sdelay $0x2  }
0x252: {  	s18 =	sand.u32 $0x1E00, s18  }
0x253: {  	s28 =	sor.u32 s18, s21  }
0x254: {  	s20 =	sor.u32 s20, s18;
	v9 =	vor.u32 s28, v52;
	v4 =	vld.idx.msk [tilespmem:v0+s1+$0x0], $0xffff  }
0x255: {  	s29 =	sor.u32 s18, s23;
	v10 =	vor.u32 s20, v52;
	v6 =	vadd.s32 $0x2710, v0;
	v5 =	vld.idx.msk [tilespmem:v1+s1+$0x0], $0xffff  }
0x256: {  	s18 =	sor.u32 s18, s25;
	v11 =	vor.u32 s29, v52;
	v7 =	vadd.s32 $0x2710, v1;
	v8 =	vld.idx.msk [tilespmem:v13+s1+$0x0], $0xffff  }
0x257: {  	v15 =	vor.u32 s18, v52;
	v12 =	vadd.s32 $0x2710, v13;
	v16 =	vld.idx.msk [tilespmem:v14+s1+$0x0], $0xffff  }
0x258: {  	v17 =	vadd.s32 $0x2710, v14  }
0x259: {  	[tilespmem:v9+s11+$0x0] =	vst.idx.msk $0xffff, v4  }
0x25a: {  	v18 =	vor.u32 s28, v2;
	s22 =	simm.s32 $0x40;
	[tilespmem:v10+s11+$0x0] =	vst.idx.msk $0xffff, v5;
	v6 =	vld.idx.msk [tilespmem:v6+s1+$0x0], $0xffff  }
0x25b: {  	v19 =	vor.u32 s20, v2;
	s23 =	sand.u32 $0x780, s22;
	[tilespmem:v11+s11+$0x0] =	vst.idx.msk $0xffff, v8;
	v5 =	vld.idx.msk [tilespmem:v7+s1+$0x0], $0xffff;
	v7 =	vadd.s32 $0x4E20, v0  }
0x25c: {  	v21 =	vor.u32 s29, v2;
	s19 =	sand.u32 $0x40, s22;
	s22 =	sadd.s32 $0xFA80, s23;
	v8 =	vadd.s32 $0x4E20, v1;
	[tilespmem:v15+s11+$0x0] =	vst.idx.msk $0xffff, v16;
	v12 =	vld.idx.msk [tilespmem:v12+s1+$0x0], $0xffff  }
0x25d: {  	v23 =	vor.u32 s28, v3;
	s21 =	sor.u32 $0x20, s19;
	s28 =	sor.u32 s19, s22;
	v16 =	vadd.s32 $0x4E20, v13;
	v4 =	vor.u32 s18, v2;
	v17 =	vld.idx.msk [tilespmem:v17+s1+$0x0], $0xffff  }
0x25e: {  	s25 =	sor.u32 s21, s22;
	v26 =	vld [tilespmem:s28+$0x0];
	v20 =	vadd.s32 $0x4E20, v14  }
0x25f: {  	v59 =	vld [tilespmem:s25+$0x0];
	[tilespmem:v18+s11+$0x0] =	vst.idx.msk $0xffff, v6  }
0x260: {  	[tilespmem:v19+s11+$0x0] =	vst.idx.msk $0xffff, v5;
	v22 =	vld.idx.msk [tilespmem:v7+s1+$0x0], $0xffff  }
0x261: {  	[tilespmem:v21+s11+$0x0] =	vst.idx.msk $0xffff, v12;
	v24 =	vld.idx.msk [tilespmem:v8+s1+$0x0], $0xffff  }
0x262: {  	s24 =	sor.u32 $0x30, s19;
	v12 =	vadd.s32 $0x7530, v0;
	[tilespmem:v4+s11+$0x0] =	vst.idx.msk $0xffff, v17;
	v16 =	vld.idx.msk [tilespmem:v16+s1+$0x0], $0xffff;
	v7 =	vor.u32 s20, v3  }
0x263: {  	s26 =	sor.u32 s24, s22;
	v5 =	vor.u32 s29, v3;
	v17 =	vld.idx.msk [tilespmem:v20+s1+$0x0], $0xffff;
	v20 =	vadd.s32 $0x7530, v1  }
0x264: {  	s29 =	sor.u32 $0x10, s19;
	v8 =	vld [tilespmem:s26+$0x0]  }
0x265: {  	v25 =	vadd.s32 $0x7530, v13;
	s20 =	sor.u32 s29, s22  }
0x266: {  	v6 =	vor.u32 s18, v3;
	v29 =	vld [tilespmem:s20+$0x0];
	[tilespmem:v23+s11+$0x0] =	vst.idx.msk $0xffff, v22  }
0x267: {  	[tilespmem:v7+s11+$0x0] =	vst.idx.msk $0xffff, v24;
	v12 =	vld.idx.msk [tilespmem:v12+s1+$0x0], $0xffff  }
0x268: {  	s18 =	simm.s32 $0x100;
	v22 =	vadd.s32 $0x7530, v14;
	[tilespmem:v5+s11+$0x0] =	vst.idx.msk $0xffff, v16;
	v16 =	vld.idx.msk [tilespmem:v20+s1+$0x0], $0xffff  }
0x269: {  	v28 =	vld.idx.msk [tilespmem:v26+s1+$0x0], $0xffff;
	s26 =	sand.u32 $0x1E00, s18  }
0x26a: {  	s19 =	sor.u32 s19, s26;
	v24 =	vadd.s32 $0x9C40, v0;
	v20 =	vld.idx.msk [tilespmem:v25+s1+$0x0], $0xffff  }
0x26b: {  	v60 =	vld.idx.msk [tilespmem:v59+s1+$0x0], $0xffff;
	s28 =	sor.u32 s26, s24;
	[tilespmem:v6+s11+$0x0] =	vst.idx.msk $0xffff, v17;
	v17 =	vor.u32 s19, v52;
	v25 =	vadd.s32 $0x9C40, v1  }
0x26c: {  	v27 =	vld.idx.msk [tilespmem:v8+s1+$0x0], $0xffff;
	[tilespmem:v9+s12+$0x0] =	vst.idx.msk $0xffff, v12;
	v12 =	vadd.s32 $0x9C40, v13;
	v9 =	vor.u32 s28, v52  }
0x26d: {  	s29 =	sor.u32 s26, s29;
	v22 =	vld.idx.msk [tilespmem:v22+s1+$0x0], $0xffff;
	[tilespmem:v10+s12+$0x0] =	vst.idx.msk $0xffff, v16;
	v16 =	vadd.s32 $0x2710, v26  }
0x26e: {  	s21 =	sor.u32 s26, s21;
	v30 =	vadd.s32 $0x2710, v8;
	v31 =	vld.idx.msk [tilespmem:v29+s1+$0x0], $0xffff;
	v10 =	vor.u32 s29, v52  }
0x26f: {  	v61 =	vadd.s32 $0x9C40, v14;
	[tilespmem:v11+s12+$0x0] =	vst.idx.msk $0xffff, v20;
	v11 =	vor.u32 s21, v52;
	v24 =	vld.idx.msk [tilespmem:v24+s1+$0x0], $0xffff  }
0x270: {  	[tilespmem:v17+s11+$0x0] =	vst.idx.msk $0xffff, v28;
	v20 =	vadd.s32 $0x2710, v29;
	v25 =	vld.idx.msk [tilespmem:v25+s1+$0x0], $0xffff  }
0x271: {  	v0 =	vadd.s32 $0xC350, v0;
	[tilespmem:v9+s11+$0x0] =	vst.idx.msk $0xffff, v27;
	v27 =	vld.idx.msk [tilespmem:v12+s1+$0x0], $0xffff  }
0x272: {  	[tilespmem:v15+s12+$0x0] =	vst.idx.msk $0xffff, v22;
	v22 =	vadd.s32 $0x2710, v59;
	v38 =	vld.idx.msk [tilespmem:v16+s1+$0x0], $0xffff  }
0x273: {  	v1 =	vadd.s32 $0xC350, v1;
	v12 =	vor.u32 s28, v2;
	[tilespmem:v10+s11+$0x0] =	vst.idx.msk $0xffff, v31;
	v30 =	vld.idx.msk [tilespmem:v30+s1+$0x0], $0xffff  }
0x274: {  	v63 =	vadd.s32 $0xC350, v13;
	v13 =	vor.u32 s19, v2;
	[tilespmem:v11+s11+$0x0] =	vst.idx.msk $0xffff, v60;
	v32 =	vld.idx.msk [tilespmem:v61+s1+$0x0], $0xffff  }
0x275: {  	v41 =	vadd.s32 $0x4E20, v26;
	v15 =	vor.u32 s29, v2;
	[tilespmem:v18+s12+$0x0] =	vst.idx.msk $0xffff, v24;
	v39 =	vld.idx.msk [tilespmem:v20+s1+$0x0], $0xffff  }
0x276: {  	v14 =	vadd.s32 $0xC350, v14;
	v40 =	vadd.s32 $0x4E20, v8;
	v28 =	vadd.s32 $0x4E20, v29;
	[tilespmem:v19+s12+$0x0] =	vst.idx.msk $0xffff, v25;
	v62 =	vld.idx.msk [tilespmem:v0+s1+$0x0], $0xffff  }
0x277: {  	v16 =	vadd.s32 $0xC350, v26;
	v20 =	vadd.s32 $0x7530, v26;
	v34 =	vld.idx.msk [tilespmem:v22+s1+$0x0], $0xffff;
	[tilespmem:v21+s12+$0x0] =	vst.idx.msk $0xffff, v27;
	v27 =	vor.u32 s21, v2  }
0x278: {  	v18 =	vadd.s32 $0x9C40, v26;
	v24 =	vadd.s32 $0x7530, v29;
	v33 =	vld.idx.msk [tilespmem:v1+s1+$0x0], $0xffff;
	[tilespmem:v12+s11+$0x0] =	vst.idx.msk $0xffff, v30;
	v30 =	vadd.s32 $0x4E20, v59  }
0x279: {  	v25 =	vor.u32 s29, v3;
	v26 =	vor.u32 s21, v3;
	v19 =	vadd.s32 $0xC350, v29;
	[tilespmem:v13+s11+$0x0] =	vst.idx.msk $0xffff, v38;
	v31 =	vld.idx.msk [tilespmem:v63+s1+$0x0], $0xffff  }
0x27a: {  	v0 =	vor.u32 s19, v3;
	v1 =	vadd.s32 $0x7530, v59;
	v22 =	vor.u32 s28, v3;
	v36 =	vld.idx.msk [tilespmem:v41+s1+$0x0], $0xffff;
	[tilespmem:v15+s11+$0x0] =	vst.idx.msk $0xffff, v39  }
0x27b: {  	s20 =	simm.s32 $0x80;
	s19 =	simm.s32 $0x4;
	v21 =	vadd.s32 $0x9C40, v29;
	v29 =	vadd.s32 $0xC350, v59;
	[tilespmem:v23+s12+$0x0] =	vst.idx.msk $0xffff, v62;
	v35 =	vld.idx.msk [tilespmem:v40+s1+$0x0], $0xffff;
	v23 =	vadd.s32 $0x9C40, v59  }
.LBB2_10:
0x27c: {  	s21 =	sand.u32 $0x780, s20;
	s22 =	sand.u32 $0x40, s20;
	v28 =	vld.idx.msk [tilespmem:v28+s1+$0x0], $0xffff;
	[tilespmem:v27+s11+$0x0] =	vst.idx.msk $0xffff, v34;
	v34 =	vadd.s32 $0x7530, v8  }
0x27d: {  	s19 =	sadd.s32 $0x4, s19;
	s21 =	sadd.s32 $0xFA80, s21;
	s23 =	sor.u32 $0x30, s22;
	v30 =	vld.idx.msk [tilespmem:v30+s1+$0x0], $0xffff;
	[tilespmem:v4+s12+$0x0] =	vst.idx.msk $0xffff, v32;
	v4 =	vmov v27  }
0x27e: {  	s24 =	sor.u32 $0x10, s22;
	p0 =	slt.u32 s19, $0x7C;
	s25 =	sor.u32 s23, s21;
	[tilespmem:v7+s12+$0x0] =	vst.idx.msk $0xffff, v33;
	v27 =	vld.idx.msk [tilespmem:v14+s1+$0x0], $0xffff;
	v7 =	vmov v0;
	v14 =	vmov v29  }
0x27f: {  	s29 =	sor.u32 $0x20, s22;
	s26 =	sor.u32 s22, s21;
	s28 =	sor.u32 s24, s21;
	v29 =	vld [tilespmem:s25+$0x0];
	[tilespmem:v5+s12+$0x0] =	vst.idx.msk $0xffff, v31;
	v5 =	vmov v25  }
0x280: {  	s21 =	sor.u32 s29, s21;
	v31 =	vld [tilespmem:s26+$0x0];
	[tilespmem:v22+s11+$0x0] =	vst.idx.msk $0xffff, v35  }
0x281: {  	[tilespmem:v0+s11+$0x0] =	vst.idx.msk $0xffff, v36;
	v0 =	vld.idx.msk [tilespmem:v34+s1+$0x0], $0xffff  }
0x282: {  	v32 =	vld [tilespmem:s28+$0x0];
	[tilespmem:v25+s11+$0x0] =	vst.idx.msk $0xffff, v28  }
0x283: {  	v25 =	vadd.s32 $0x9C40, v8;
	v33 =	vld [tilespmem:s21+$0x0];
	[tilespmem:v26+s11+$0x0] =	vst.idx.msk $0xffff, v30  }
0x284: {  	v30 =	vld.idx.msk [tilespmem:v20+s1+$0x0], $0xffff;
	[tilespmem:v6+s12+$0x0] =	vst.idx.msk $0xffff, v27;
	v6 =	vmov v26  }
0x285: {  	s18 =	sadd.s32 $0x100, s18;
	v34 =	vadd.s32 $0x2710, v31;
	v36 =	vadd.s32 $0x4E20, v31;
	v20 =	vadd.s32 $0x7530, v31;
	v26 =	vld.idx.msk [tilespmem:v24+s1+$0x0], $0xffff  }
0x286: {  	s25 =	sand.u32 $0x1E00, s18;
	v35 =	vadd.s32 $0x9C40, v31;
	v37 =	vadd.s32 $0xC350, v31;
	v38 =	vld.idx.msk [tilespmem:v1+s1+$0x0], $0xffff  }
0x287: {  	s24 =	sor.u32 s25, s24;
	s26 =	sor.u32 s25, s29;
	s21 =	sor.u32 s25, s23;
	v39 =	vadd.s32 $0x2710, v32;
	v28 =	vadd.s32 $0x4E20, v32;
	v24 =	vadd.s32 $0x7530, v32;
	v40 =	vld.idx.msk [tilespmem:v29+s1+$0x0], $0xffff;
	[tilespmem:v9+s12+$0x0] =	vst.idx.msk $0xffff, v0  }
0x288: {  	s22 =	sor.u32 s22, s25;
	v41 =	vor.u32 s26, v52;
	v0 =	vor.u32 s24, v52;
	v9 =	vor.u32 s21, v52;
	v42 =	vld.idx.msk [tilespmem:v25+s1+$0x0], $0xffff  }
0x289: {  	v43 =	vor.u32 s22, v52;
	v45 =	vadd.s32 $0x2710, v29;
	v44 =	vadd.s32 $0x2710, v33;
	v31 =	vld.idx.msk [tilespmem:v31+s1+$0x0], $0xffff  }
0x28a: {  	v48 =	vadd.s32 $0xC350, v8;
	v46 =	vor.u32 s24, v2;
	v27 =	vor.u32 s26, v2;
	v8 =	vmovc v29;
	v47 =	vld.idx.msk [tilespmem:v32+s1+$0x0], $0xffff;
	[tilespmem:v17+s12+$0x0] =	vst.idx.msk $0xffff, v30  }
0x28b: {  	v49 =	vor.u32 s22, v2;
	v25 =	vor.u32 s24, v3;
	v30 =	vadd.s32 $0x4E20, v33;
	v50 =	vld.idx.msk [tilespmem:v33+s1+$0x0], $0xffff;
	[tilespmem:v10+s12+$0x0] =	vst.idx.msk $0xffff, v26;
	v10 =	vmovc v0  }
0x28c: {  	v1 =	vadd.s32 $0x7530, v33;
	v0 =	vor.u32 s22, v3;
	v26 =	vor.u32 s26, v3;
	v51 =	vld.idx.msk [tilespmem:v18+s1+$0x0], $0xffff;
	[tilespmem:v11+s12+$0x0] =	vst.idx.msk $0xffff, v38;
	v18 =	vmovc v35  }
0x28d: {  	v35 =	vadd.s32 $0xC350, v32;
	v38 =	vadd.s32 $0x9C40, v33;
	v11 =	vmovc v41;
	[tilespmem:v9+s11+$0x0] =	vst.idx.msk $0xffff, v40;
	v40 =	vld.idx.msk [tilespmem:v21+s1+$0x0], $0xffff;
	v21 =	vadd.s32 $0x9C40, v32  }
0x28e: {  	v29 =	vadd.s32 $0xC350, v33;
	v17 =	vmov v43;
	v33 =	vld.idx.msk [tilespmem:v45+s1+$0x0], $0xffff;
	[tilespmem:v12+s12+$0x0] =	vst.idx.msk $0xffff, v42  }
0x28f: {  	v12 =	vor.u32 s21, v2;
	[tilespmem:v43+s11+$0x0] =	vst.idx.msk $0xffff, v31;
	v42 =	vld.idx.msk [tilespmem:v48+s1+$0x0], $0xffff  }
0x290: {  	v43 =	vld.idx.msk [tilespmem:v34+s1+$0x0], $0xffff;
	[tilespmem:v10+s11+$0x0] =	vst.idx.msk $0xffff, v47  }
0x291: {  	v39 =	vld.idx.msk [tilespmem:v39+s1+$0x0], $0xffff;
	[tilespmem:v41+s11+$0x0] =	vst.idx.msk $0xffff, v50;
	v41 =	vadd.s32 $0x4E20, v8  }
0x292: {  	v34 =	vld.idx.msk [tilespmem:v44+s1+$0x0], $0xffff;
	[tilespmem:v13+s12+$0x0] =	vst.idx.msk $0xffff, v51;
	v13 =	vmov v49  }
.Ltmp4:
0x293: {  	[tilespmem:v15+s12+$0x0] =	vst.idx.msk $0xffff, v40;
	v32 =	vld.idx.msk [tilespmem:v23+s1+$0x0], $0xffff;
	v15 =	vmov v46;
	v23 =	vmov v38;
	(pc) =	sbr.rel @p0 .LBB2_10-.Ltmp4, $4  }
0x294: {  	[tilespmem:v12+s11+$0x0] =	vst.idx.msk $0xffff, v33;
	v33 =	vld.idx.msk [tilespmem:v16+s1+$0x0], $0xffff;
	v16 =	vmov v37  }
0x295: {  	v31 =	vld.idx.msk [tilespmem:v19+s1+$0x0], $0xffff;
	[tilespmem:v22+s12+$0x0] =	vst.idx.msk $0xffff, v42;
	v19 =	vmov v35  }
0x296: {  	[tilespmem:v49+s11+$0x0] =	vst.idx.msk $0xffff, v43;
	v35 =	vld.idx.msk [tilespmem:v41+s1+$0x0], $0xffff  }
0x297: {  	s20 =	sadd.s32 $0x40, s20;
	v22 =	vor.u32 s21, v3;
	v36 =	vld.idx.msk [tilespmem:v36+s1+$0x0], $0xffff;
	[tilespmem:v46+s11+$0x0] =	vst.idx.msk $0xffff, v39  }
0x298: {  	_ =	sdelay $0x2  }
0x299: {  	v37 =	vadd.s32 $0x7530, v8  }
0x29a: {  	v28 =	vld.idx.msk [tilespmem:v28+s1+$0x0], $0xffff;
	[tilespmem:v27+s11+$0x0] =	vst.idx.msk $0xffff, v34  }
0x29b: {  	v30 =	vld.idx.msk [tilespmem:v30+s1+$0x0], $0xffff;
	_ =	sdelay $0x1  }
0x29c: {  	[tilespmem:v22+s11+$0x0] =	vst.idx.msk $0xffff, v35  }
0x29d: {  	[tilespmem:v0+s11+$0x0] =	vst.idx.msk $0xffff, v36;
	v58 =	vld.idx.msk [tilespmem:v37+s1+$0x0], $0xffff  }
0x29e: {  	[tilespmem:v25+s11+$0x0] =	vst.idx.msk $0xffff, v28;
	v28 =	vadd.s32 $0x9C40, v8;
	v20 =	vld.idx.msk [tilespmem:v20+s1+$0x0], $0xffff  }
0x29f: {  	[tilespmem:v26+s11+$0x0] =	vst.idx.msk $0xffff, v30;
	v24 =	vld.idx.msk [tilespmem:v24+s1+$0x0], $0xffff  }
0x2a0: {  	v1 =	vld.idx.msk [tilespmem:v1+s1+$0x0], $0xffff;
	_ =	sdelay $0x1  }
0x2a1: {  	[tilespmem:v9+s12+$0x0] =	vst.idx.msk $0xffff, v58  }
0x2a2: {  	[tilespmem:v17+s12+$0x0] =	vst.idx.msk $0xffff, v20;
	v9 =	vld.idx.msk [tilespmem:v28+s1+$0x0], $0xffff  }
0x2a3: {  	v8 =	vadd.s32 $0xC350, v8;
	[tilespmem:v10+s12+$0x0] =	vst.idx.msk $0xffff, v24;
	v10 =	vld.idx.msk [tilespmem:v18+s1+$0x0], $0xffff  }
0x2a4: {  	[tilespmem:v11+s12+$0x0] =	vst.idx.msk $0xffff, v1;
	v1 =	vld.idx.msk [tilespmem:v21+s1+$0x0], $0xffff  }
0x2a5: {  	[tilespmem:v4+s12+$0x0] =	vst.idx.msk $0xffff, v32;
	v4 =	vld.idx.msk [tilespmem:v23+s1+$0x0], $0xffff  }
0x2a6: {  	[tilespmem:v7+s12+$0x0] =	vst.idx.msk $0xffff, v33  }
0x2a7: {  	v7 =	vld.idx.msk [tilespmem:v14+s1+$0x0], $0xffff;
	[tilespmem:v12+s12+$0x0] =	vst.idx.msk $0xffff, v9  }
0x2a8: {  	[tilespmem:v13+s12+$0x0] =	vst.idx.msk $0xffff, v10;
	v8 =	vld.idx.msk [tilespmem:v8+s1+$0x0], $0xffff  }
0x2a9: {  	[tilespmem:v15+s12+$0x0] =	vst.idx.msk $0xffff, v1;
	v1 =	vld.idx.msk [tilespmem:v16+s1+$0x0], $0xffff  }
0x2aa: {  	v9 =	vld.idx.msk [tilespmem:v19+s1+$0x0], $0xffff;
	[tilespmem:v27+s12+$0x0] =	vst.idx.msk $0xffff, v4  }
0x2ab: {  	[tilespmem:v5+s12+$0x0] =	vst.idx.msk $0xffff, v31;
	v4 =	vld.idx.msk [tilespmem:v29+s1+$0x0], $0xffff  }
0x2ac: {  	[tilespmem:v6+s12+$0x0] =	vst.idx.msk $0xffff, v7  }
0x2ad: {  	[tilespmem:v22+s12+$0x0] =	vst.idx.msk $0xffff, v8  }
0x2ae: {  	[tilespmem:v0+s12+$0x0] =	vst.idx.msk $0xffff, v1  }
0x2af: {  	[tilespmem:v25+s12+$0x0] =	vst.idx.msk $0xffff, v9  }
0x2b0: {  	[tilespmem:v26+s12+$0x0] =	vst.idx.msk $0xffff, v4  }
0x2b1: {  	s18 =	simm.s32 $0x0;
	s19 =	rddreg [dreg:$0x8]  }
0x2b2: {  	[hbm4b:s19+s18] =	stream.linear.scatter [tilespmem:s12], [sflag:$0x2], $0x2000, $0x38;
	[tilespmem:$0x1EA80] =	vst v63  }
0x2b3: {  	s24 =	rddreg [dreg:$0x9]  }
0x2b4: {  	[hbm4b:s24+s18] =	stream.linear.scatter [tilespmem:s11], [sflag:$0x4], $0x2000, $0x38;
	[tilespmem:$0x1EA80] =	vst v63  }
0x2b5: {  	_ =	swait.ge [sflag:s16], $0x2000  }
0x2b6: {  	[sflag:s16] =	ssyncset.done $0x0  }
0x2b7: {  	[sflag:s16] =	ssyncadd.s32 $0xFFFFE000  }
0x2b8: {  	s25 =	sand.u32 $0x780, s18;
	s20 =	sand.u32 $0x40, s18;
	_ =	swait.ge [sflag:s9], $0x2000  }
0x2b9: {  	s21 =	sor.u32 $0x30, s20;
	s19 =	sadd.s32 $0x10280, s25;
	[sflag:s9] =	ssyncset.done $0x0  }
0x2ba: {  	s22 =	sor.u32 s21, s19;
	[sflag:s9] =	ssyncadd.s32 $0xFFFFE000  }
0x2bb: {  	s23 =	sor.u32 $0x10, s20;
	s24 =	sor.u32 s20, s19;
	v0 =	vld [tilespmem:s22+$0x0]  }
0x2bc: {  	s25 =	sor.u32 $0x20, s20;
	s26 =	sor.u32 s23, s19;
	v1 =	vld [tilespmem:s24+$0x0]  }
0x2bd: {  	s19 =	sor.u32 s25, s19;
	v13 =	vld [tilespmem:s26+$0x0]  }
0x2be: {  	v14 =	vld [tilespmem:s19+$0x0];
	_ =	sdelay $0x2  }
0x2bf: {  	s18 =	sand.u32 $0x1E00, s18  }
0x2c0: {  	s28 =	sor.u32 s18, s21  }
0x2c1: {  	s20 =	sor.u32 s20, s18;
	v9 =	vor.u32 s28, v52;
	v4 =	vld.idx.msk [tilespmem:v0+s1+$0x0], $0xffff  }
0x2c2: {  	s29 =	sor.u32 s18, s23;
	v10 =	vor.u32 s20, v52;
	v6 =	vadd.s32 $0x2710, v0;
	v5 =	vld.idx.msk [tilespmem:v1+s1+$0x0], $0xffff  }
0x2c3: {  	s18 =	sor.u32 s18, s25;
	v11 =	vor.u32 s29, v52;
	v7 =	vadd.s32 $0x2710, v1;
	v8 =	vld.idx.msk [tilespmem:v13+s1+$0x0], $0xffff  }
0x2c4: {  	v15 =	vor.u32 s18, v52;
	v12 =	vadd.s32 $0x2710, v13;
	v16 =	vld.idx.msk [tilespmem:v14+s1+$0x0], $0xffff  }
0x2c5: {  	v17 =	vadd.s32 $0x2710, v14  }
0x2c6: {  	[tilespmem:v9+s13+$0x0] =	vst.idx.msk $0xffff, v4  }
0x2c7: {  	v18 =	vor.u32 s28, v2;
	s22 =	simm.s32 $0x40;
	[tilespmem:v10+s13+$0x0] =	vst.idx.msk $0xffff, v5;
	v6 =	vld.idx.msk [tilespmem:v6+s1+$0x0], $0xffff  }
0x2c8: {  	v19 =	vor.u32 s20, v2;
	s23 =	sand.u32 $0x780, s22;
	[tilespmem:v11+s13+$0x0] =	vst.idx.msk $0xffff, v8;
	v5 =	vld.idx.msk [tilespmem:v7+s1+$0x0], $0xffff;
	v7 =	vadd.s32 $0x4E20, v0  }
0x2c9: {  	v21 =	vor.u32 s29, v2;
	s19 =	sand.u32 $0x40, s22;
	s22 =	sadd.s32 $0x10280, s23;
	v8 =	vadd.s32 $0x4E20, v1;
	[tilespmem:v15+s13+$0x0] =	vst.idx.msk $0xffff, v16;
	v12 =	vld.idx.msk [tilespmem:v12+s1+$0x0], $0xffff  }
0x2ca: {  	v23 =	vor.u32 s28, v3;
	s21 =	sor.u32 $0x20, s19;
	s28 =	sor.u32 s19, s22;
	v16 =	vadd.s32 $0x4E20, v13;
	v4 =	vor.u32 s18, v2;
	v17 =	vld.idx.msk [tilespmem:v17+s1+$0x0], $0xffff  }
0x2cb: {  	s25 =	sor.u32 s21, s22;
	v26 =	vld [tilespmem:s28+$0x0];
	v20 =	vadd.s32 $0x4E20, v14  }
0x2cc: {  	v59 =	vld [tilespmem:s25+$0x0];
	[tilespmem:v18+s13+$0x0] =	vst.idx.msk $0xffff, v6  }
0x2cd: {  	[tilespmem:v19+s13+$0x0] =	vst.idx.msk $0xffff, v5;
	v22 =	vld.idx.msk [tilespmem:v7+s1+$0x0], $0xffff  }
0x2ce: {  	[tilespmem:v21+s13+$0x0] =	vst.idx.msk $0xffff, v12;
	v24 =	vld.idx.msk [tilespmem:v8+s1+$0x0], $0xffff  }
0x2cf: {  	s24 =	sor.u32 $0x30, s19;
	v12 =	vadd.s32 $0x7530, v0;
	[tilespmem:v4+s13+$0x0] =	vst.idx.msk $0xffff, v17;
	v16 =	vld.idx.msk [tilespmem:v16+s1+$0x0], $0xffff;
	v7 =	vor.u32 s20, v3  }
0x2d0: {  	s26 =	sor.u32 s24, s22;
	v5 =	vor.u32 s29, v3;
	v17 =	vld.idx.msk [tilespmem:v20+s1+$0x0], $0xffff;
	v20 =	vadd.s32 $0x7530, v1  }
0x2d1: {  	s29 =	sor.u32 $0x10, s19;
	v8 =	vld [tilespmem:s26+$0x0]  }
0x2d2: {  	v25 =	vadd.s32 $0x7530, v13;
	s20 =	sor.u32 s29, s22  }
0x2d3: {  	v6 =	vor.u32 s18, v3;
	v29 =	vld [tilespmem:s20+$0x0];
	[tilespmem:v23+s13+$0x0] =	vst.idx.msk $0xffff, v22  }
0x2d4: {  	[tilespmem:v7+s13+$0x0] =	vst.idx.msk $0xffff, v24;
	v12 =	vld.idx.msk [tilespmem:v12+s1+$0x0], $0xffff  }
0x2d5: {  	s18 =	simm.s32 $0x100;
	v22 =	vadd.s32 $0x7530, v14;
	[tilespmem:v5+s13+$0x0] =	vst.idx.msk $0xffff, v16;
	v16 =	vld.idx.msk [tilespmem:v20+s1+$0x0], $0xffff  }
0x2d6: {  	v28 =	vld.idx.msk [tilespmem:v26+s1+$0x0], $0xffff;
	s26 =	sand.u32 $0x1E00, s18  }
0x2d7: {  	s19 =	sor.u32 s19, s26;
	v24 =	vadd.s32 $0x9C40, v0;
	v20 =	vld.idx.msk [tilespmem:v25+s1+$0x0], $0xffff  }
0x2d8: {  	v60 =	vld.idx.msk [tilespmem:v59+s1+$0x0], $0xffff;
	s28 =	sor.u32 s26, s24;
	[tilespmem:v6+s13+$0x0] =	vst.idx.msk $0xffff, v17;
	v17 =	vor.u32 s19, v52;
	v25 =	vadd.s32 $0x9C40, v1  }
0x2d9: {  	v27 =	vld.idx.msk [tilespmem:v8+s1+$0x0], $0xffff;
	[tilespmem:v9+s14+$0x0] =	vst.idx.msk $0xffff, v12;
	v12 =	vadd.s32 $0x9C40, v13;
	v9 =	vor.u32 s28, v52  }
0x2da: {  	s29 =	sor.u32 s26, s29;
	v22 =	vld.idx.msk [tilespmem:v22+s1+$0x0], $0xffff;
	[tilespmem:v10+s14+$0x0] =	vst.idx.msk $0xffff, v16;
	v16 =	vadd.s32 $0x2710, v26  }
0x2db: {  	s21 =	sor.u32 s26, s21;
	v30 =	vadd.s32 $0x2710, v8;
	v31 =	vld.idx.msk [tilespmem:v29+s1+$0x0], $0xffff;
	v10 =	vor.u32 s29, v52  }
0x2dc: {  	v61 =	vadd.s32 $0x9C40, v14;
	[tilespmem:v11+s14+$0x0] =	vst.idx.msk $0xffff, v20;
	v11 =	vor.u32 s21, v52;
	v24 =	vld.idx.msk [tilespmem:v24+s1+$0x0], $0xffff  }
0x2dd: {  	[tilespmem:v17+s13+$0x0] =	vst.idx.msk $0xffff, v28;
	v20 =	vadd.s32 $0x2710, v29;
	v25 =	vld.idx.msk [tilespmem:v25+s1+$0x0], $0xffff  }
0x2de: {  	v0 =	vadd.s32 $0xC350, v0;
	[tilespmem:v9+s13+$0x0] =	vst.idx.msk $0xffff, v27;
	v27 =	vld.idx.msk [tilespmem:v12+s1+$0x0], $0xffff  }
0x2df: {  	[tilespmem:v15+s14+$0x0] =	vst.idx.msk $0xffff, v22;
	v22 =	vadd.s32 $0x2710, v59;
	v38 =	vld.idx.msk [tilespmem:v16+s1+$0x0], $0xffff  }
0x2e0: {  	v1 =	vadd.s32 $0xC350, v1;
	v12 =	vor.u32 s28, v2;
	[tilespmem:v10+s13+$0x0] =	vst.idx.msk $0xffff, v31;
	v30 =	vld.idx.msk [tilespmem:v30+s1+$0x0], $0xffff  }
0x2e1: {  	v63 =	vadd.s32 $0xC350, v13;
	v13 =	vor.u32 s19, v2;
	[tilespmem:v11+s13+$0x0] =	vst.idx.msk $0xffff, v60;
	v32 =	vld.idx.msk [tilespmem:v61+s1+$0x0], $0xffff  }
0x2e2: {  	v41 =	vadd.s32 $0x4E20, v26;
	v15 =	vor.u32 s29, v2;
	[tilespmem:v18+s14+$0x0] =	vst.idx.msk $0xffff, v24;
	v39 =	vld.idx.msk [tilespmem:v20+s1+$0x0], $0xffff  }
0x2e3: {  	v14 =	vadd.s32 $0xC350, v14;
	v40 =	vadd.s32 $0x4E20, v8;
	v28 =	vadd.s32 $0x4E20, v29;
	[tilespmem:v19+s14+$0x0] =	vst.idx.msk $0xffff, v25;
	v62 =	vld.idx.msk [tilespmem:v0+s1+$0x0], $0xffff  }
0x2e4: {  	v16 =	vadd.s32 $0xC350, v26;
	v20 =	vadd.s32 $0x7530, v26;
	v34 =	vld.idx.msk [tilespmem:v22+s1+$0x0], $0xffff;
	[tilespmem:v21+s14+$0x0] =	vst.idx.msk $0xffff, v27;
	v27 =	vor.u32 s21, v2  }
0x2e5: {  	v18 =	vadd.s32 $0x9C40, v26;
	v24 =	vadd.s32 $0x7530, v29;
	v33 =	vld.idx.msk [tilespmem:v1+s1+$0x0], $0xffff;
	[tilespmem:v12+s13+$0x0] =	vst.idx.msk $0xffff, v30;
	v30 =	vadd.s32 $0x4E20, v59  }
0x2e6: {  	v25 =	vor.u32 s29, v3;
	v26 =	vor.u32 s21, v3;
	v19 =	vadd.s32 $0xC350, v29;
	[tilespmem:v13+s13+$0x0] =	vst.idx.msk $0xffff, v38;
	v31 =	vld.idx.msk [tilespmem:v63+s1+$0x0], $0xffff  }
0x2e7: {  	v0 =	vor.u32 s19, v3;
	v1 =	vadd.s32 $0x7530, v59;
	v22 =	vor.u32 s28, v3;
	v36 =	vld.idx.msk [tilespmem:v41+s1+$0x0], $0xffff;
	[tilespmem:v15+s13+$0x0] =	vst.idx.msk $0xffff, v39  }
0x2e8: {  	s20 =	simm.s32 $0x80;
	s19 =	simm.s32 $0x4;
	v21 =	vadd.s32 $0x9C40, v29;
	v29 =	vadd.s32 $0xC350, v59;
	[tilespmem:v23+s14+$0x0] =	vst.idx.msk $0xffff, v62;
	v35 =	vld.idx.msk [tilespmem:v40+s1+$0x0], $0xffff;
	v23 =	vadd.s32 $0x9C40, v59  }
.LBB2_12:
0x2e9: {  	s21 =	sand.u32 $0x780, s20;
	s22 =	sand.u32 $0x40, s20;
	v28 =	vld.idx.msk [tilespmem:v28+s1+$0x0], $0xffff;
	[tilespmem:v27+s13+$0x0] =	vst.idx.msk $0xffff, v34;
	v34 =	vadd.s32 $0x7530, v8  }
0x2ea: {  	s19 =	sadd.s32 $0x4, s19;
	s21 =	sadd.s32 $0x10280, s21;
	s23 =	sor.u32 $0x30, s22;
	v30 =	vld.idx.msk [tilespmem:v30+s1+$0x0], $0xffff;
	[tilespmem:v4+s14+$0x0] =	vst.idx.msk $0xffff, v32;
	v4 =	vmov v27  }
0x2eb: {  	s24 =	sor.u32 $0x10, s22;
	p0 =	slt.u32 s19, $0x7C;
	s25 =	sor.u32 s23, s21;
	[tilespmem:v7+s14+$0x0] =	vst.idx.msk $0xffff, v33;
	v27 =	vld.idx.msk [tilespmem:v14+s1+$0x0], $0xffff;
	v7 =	vmov v0;
	v14 =	vmov v29  }
0x2ec: {  	s29 =	sor.u32 $0x20, s22;
	s26 =	sor.u32 s22, s21;
	s28 =	sor.u32 s24, s21;
	v29 =	vld [tilespmem:s25+$0x0];
	[tilespmem:v5+s14+$0x0] =	vst.idx.msk $0xffff, v31;
	v5 =	vmov v25  }
0x2ed: {  	s21 =	sor.u32 s29, s21;
	v31 =	vld [tilespmem:s26+$0x0];
	[tilespmem:v22+s13+$0x0] =	vst.idx.msk $0xffff, v35  }
0x2ee: {  	[tilespmem:v0+s13+$0x0] =	vst.idx.msk $0xffff, v36;
	v0 =	vld.idx.msk [tilespmem:v34+s1+$0x0], $0xffff  }
0x2ef: {  	v32 =	vld [tilespmem:s28+$0x0];
	[tilespmem:v25+s13+$0x0] =	vst.idx.msk $0xffff, v28  }
0x2f0: {  	v25 =	vadd.s32 $0x9C40, v8;
	v33 =	vld [tilespmem:s21+$0x0];
	[tilespmem:v26+s13+$0x0] =	vst.idx.msk $0xffff, v30  }
0x2f1: {  	v30 =	vld.idx.msk [tilespmem:v20+s1+$0x0], $0xffff;
	[tilespmem:v6+s14+$0x0] =	vst.idx.msk $0xffff, v27;
	v6 =	vmov v26  }
0x2f2: {  	s18 =	sadd.s32 $0x100, s18;
	v34 =	vadd.s32 $0x2710, v31;
	v36 =	vadd.s32 $0x4E20, v31;
	v20 =	vadd.s32 $0x7530, v31;
	v26 =	vld.idx.msk [tilespmem:v24+s1+$0x0], $0xffff  }
0x2f3: {  	s25 =	sand.u32 $0x1E00, s18;
	v35 =	vadd.s32 $0x9C40, v31;
	v37 =	vadd.s32 $0xC350, v31;
	v38 =	vld.idx.msk [tilespmem:v1+s1+$0x0], $0xffff  }
0x2f4: {  	s24 =	sor.u32 s25, s24;
	s26 =	sor.u32 s25, s29;
	s21 =	sor.u32 s25, s23;
	v39 =	vadd.s32 $0x2710, v32;
	v28 =	vadd.s32 $0x4E20, v32;
	v24 =	vadd.s32 $0x7530, v32;
	v40 =	vld.idx.msk [tilespmem:v29+s1+$0x0], $0xffff;
	[tilespmem:v9+s14+$0x0] =	vst.idx.msk $0xffff, v0  }
0x2f5: {  	s22 =	sor.u32 s22, s25;
	v41 =	vor.u32 s26, v52;
	v0 =	vor.u32 s24, v52;
	v9 =	vor.u32 s21, v52;
	v42 =	vld.idx.msk [tilespmem:v25+s1+$0x0], $0xffff  }
0x2f6: {  	v43 =	vor.u32 s22, v52;
	v45 =	vadd.s32 $0x2710, v29;
	v44 =	vadd.s32 $0x2710, v33;
	v31 =	vld.idx.msk [tilespmem:v31+s1+$0x0], $0xffff  }
0x2f7: {  	v48 =	vadd.s32 $0xC350, v8;
	v46 =	vor.u32 s24, v2;
	v27 =	vor.u32 s26, v2;
	v8 =	vmovc v29;
	v47 =	vld.idx.msk [tilespmem:v32+s1+$0x0], $0xffff;
	[tilespmem:v17+s14+$0x0] =	vst.idx.msk $0xffff, v30  }
0x2f8: {  	v49 =	vor.u32 s22, v2;
	v25 =	vor.u32 s24, v3;
	v30 =	vadd.s32 $0x4E20, v33;
	v50 =	vld.idx.msk [tilespmem:v33+s1+$0x0], $0xffff;
	[tilespmem:v10+s14+$0x0] =	vst.idx.msk $0xffff, v26;
	v10 =	vmovc v0  }
0x2f9: {  	v1 =	vadd.s32 $0x7530, v33;
	v0 =	vor.u32 s22, v3;
	v26 =	vor.u32 s26, v3;
	v51 =	vld.idx.msk [tilespmem:v18+s1+$0x0], $0xffff;
	[tilespmem:v11+s14+$0x0] =	vst.idx.msk $0xffff, v38;
	v18 =	vmovc v35  }
0x2fa: {  	v35 =	vadd.s32 $0xC350, v32;
	v38 =	vadd.s32 $0x9C40, v33;
	v11 =	vmovc v41;
	[tilespmem:v9+s13+$0x0] =	vst.idx.msk $0xffff, v40;
	v40 =	vld.idx.msk [tilespmem:v21+s1+$0x0], $0xffff;
	v21 =	vadd.s32 $0x9C40, v32  }
0x2fb: {  	v29 =	vadd.s32 $0xC350, v33;
	v17 =	vmov v43;
	v33 =	vld.idx.msk [tilespmem:v45+s1+$0x0], $0xffff;
	[tilespmem:v12+s14+$0x0] =	vst.idx.msk $0xffff, v42  }
0x2fc: {  	v12 =	vor.u32 s21, v2;
	[tilespmem:v43+s13+$0x0] =	vst.idx.msk $0xffff, v31;
	v42 =	vld.idx.msk [tilespmem:v48+s1+$0x0], $0xffff  }
0x2fd: {  	v43 =	vld.idx.msk [tilespmem:v34+s1+$0x0], $0xffff;
	[tilespmem:v10+s13+$0x0] =	vst.idx.msk $0xffff, v47  }
0x2fe: {  	v39 =	vld.idx.msk [tilespmem:v39+s1+$0x0], $0xffff;
	[tilespmem:v41+s13+$0x0] =	vst.idx.msk $0xffff, v50;
	v41 =	vadd.s32 $0x4E20, v8  }
0x2ff: {  	v34 =	vld.idx.msk [tilespmem:v44+s1+$0x0], $0xffff;
	[tilespmem:v13+s14+$0x0] =	vst.idx.msk $0xffff, v51;
	v13 =	vmov v49  }
.Ltmp5:
0x300: {  	[tilespmem:v15+s14+$0x0] =	vst.idx.msk $0xffff, v40;
	v32 =	vld.idx.msk [tilespmem:v23+s1+$0x0], $0xffff;
	v15 =	vmov v46;
	v23 =	vmov v38;
	(pc) =	sbr.rel @p0 .LBB2_12-.Ltmp5, $4  }
0x301: {  	[tilespmem:v12+s13+$0x0] =	vst.idx.msk $0xffff, v33;
	v33 =	vld.idx.msk [tilespmem:v16+s1+$0x0], $0xffff;
	v16 =	vmov v37  }
0x302: {  	v31 =	vld.idx.msk [tilespmem:v19+s1+$0x0], $0xffff;
	[tilespmem:v22+s14+$0x0] =	vst.idx.msk $0xffff, v42;
	v19 =	vmov v35  }
0x303: {  	[tilespmem:v49+s13+$0x0] =	vst.idx.msk $0xffff, v43;
	v35 =	vld.idx.msk [tilespmem:v41+s1+$0x0], $0xffff  }
0x304: {  	s20 =	sadd.s32 $0x40, s20;
	v22 =	vor.u32 s21, v3;
	v36 =	vld.idx.msk [tilespmem:v36+s1+$0x0], $0xffff;
	[tilespmem:v46+s13+$0x0] =	vst.idx.msk $0xffff, v39  }
0x305: {  	_ =	sdelay $0x2  }
0x306: {  	v37 =	vadd.s32 $0x7530, v8  }
0x307: {  	v28 =	vld.idx.msk [tilespmem:v28+s1+$0x0], $0xffff;
	[tilespmem:v27+s13+$0x0] =	vst.idx.msk $0xffff, v34  }
0x308: {  	v30 =	vld.idx.msk [tilespmem:v30+s1+$0x0], $0xffff;
	_ =	sdelay $0x1  }
0x309: {  	[tilespmem:v22+s13+$0x0] =	vst.idx.msk $0xffff, v35  }
0x30a: {  	[tilespmem:v0+s13+$0x0] =	vst.idx.msk $0xffff, v36;
	v58 =	vld.idx.msk [tilespmem:v37+s1+$0x0], $0xffff  }
0x30b: {  	[tilespmem:v25+s13+$0x0] =	vst.idx.msk $0xffff, v28;
	v28 =	vadd.s32 $0x9C40, v8;
	v20 =	vld.idx.msk [tilespmem:v20+s1+$0x0], $0xffff  }
0x30c: {  	[tilespmem:v26+s13+$0x0] =	vst.idx.msk $0xffff, v30;
	v24 =	vld.idx.msk [tilespmem:v24+s1+$0x0], $0xffff  }
0x30d: {  	v1 =	vld.idx.msk [tilespmem:v1+s1+$0x0], $0xffff;
	_ =	sdelay $0x1  }
0x30e: {  	[tilespmem:v9+s14+$0x0] =	vst.idx.msk $0xffff, v58  }
0x30f: {  	[tilespmem:v17+s14+$0x0] =	vst.idx.msk $0xffff, v20;
	v9 =	vld.idx.msk [tilespmem:v28+s1+$0x0], $0xffff  }
0x310: {  	v8 =	vadd.s32 $0xC350, v8;
	[tilespmem:v10+s14+$0x0] =	vst.idx.msk $0xffff, v24;
	v10 =	vld.idx.msk [tilespmem:v18+s1+$0x0], $0xffff  }
0x311: {  	[tilespmem:v11+s14+$0x0] =	vst.idx.msk $0xffff, v1;
	v1 =	vld.idx.msk [tilespmem:v21+s1+$0x0], $0xffff  }
0x312: {  	[tilespmem:v4+s14+$0x0] =	vst.idx.msk $0xffff, v32;
	v4 =	vld.idx.msk [tilespmem:v23+s1+$0x0], $0xffff  }
0x313: {  	[tilespmem:v7+s14+$0x0] =	vst.idx.msk $0xffff, v33  }
0x314: {  	v7 =	vld.idx.msk [tilespmem:v14+s1+$0x0], $0xffff;
	[tilespmem:v12+s14+$0x0] =	vst.idx.msk $0xffff, v9  }
0x315: {  	[tilespmem:v13+s14+$0x0] =	vst.idx.msk $0xffff, v10;
	v8 =	vld.idx.msk [tilespmem:v8+s1+$0x0], $0xffff  }
0x316: {  	[tilespmem:v15+s14+$0x0] =	vst.idx.msk $0xffff, v1;
	v1 =	vld.idx.msk [tilespmem:v16+s1+$0x0], $0xffff  }
0x317: {  	v9 =	vld.idx.msk [tilespmem:v19+s1+$0x0], $0xffff;
	[tilespmem:v27+s14+$0x0] =	vst.idx.msk $0xffff, v4  }
0x318: {  	[tilespmem:v5+s14+$0x0] =	vst.idx.msk $0xffff, v31;
	v4 =	vld.idx.msk [tilespmem:v29+s1+$0x0], $0xffff  }
0x319: {  	[tilespmem:v6+s14+$0x0] =	vst.idx.msk $0xffff, v7  }
0x31a: {  	[tilespmem:v22+s14+$0x0] =	vst.idx.msk $0xffff, v8  }
0x31b: {  	[tilespmem:v0+s14+$0x0] =	vst.idx.msk $0xffff, v1  }
0x31c: {  	[tilespmem:v25+s14+$0x0] =	vst.idx.msk $0xffff, v9  }
0x31d: {  	[tilespmem:v26+s14+$0x0] =	vst.idx.msk $0xffff, v4  }
0x31e: {  	s18 =	simm.s32 $0x0;
	s19 =	rddreg [dreg:$0xa]  }
0x31f: {  	[hbm4b:s19+s18] =	stream.linear.scatter [tilespmem:s14], [sflag:$0x3], $0x2000, $0x38;
	[tilespmem:$0x1EA80] =	vst v63  }
0x320: {  	s24 =	rddreg [dreg:$0xb]  }
0x321: {  	[hbm4b:s24+s18] =	stream.linear.scatter [tilespmem:s13], [sflag:$0x5], $0x2000, $0x38;
	[tilespmem:$0x1EA80] =	vst v63  }
0x322: {  	_ =	swait.ge [sflag:s15], $0x2000  }
0x323: {  	[sflag:s15] =	ssyncset.done $0x0  }
0x324: {  	[sflag:s15] =	ssyncadd.s32 $0xFFFFE000  }
0x325: {  	s25 =	sand.u32 $0x780, s18;
	s20 =	sand.u32 $0x40, s18;
	_ =	swait.ge [sflag:s8], $0x2000  }
0x326: {  	s21 =	sor.u32 $0x30, s20;
	s19 =	sadd.s32 $0x10A80, s25;
	[sflag:s8] =	ssyncset.done $0x0  }
0x327: {  	s22 =	sor.u32 s21, s19;
	[sflag:s8] =	ssyncadd.s32 $0xFFFFE000  }
0x328: {  	s23 =	sor.u32 $0x10, s20;
	s24 =	sor.u32 s20, s19;
	v0 =	vld [tilespmem:s22+$0x0]  }
0x329: {  	s25 =	sor.u32 $0x20, s20;
	s26 =	sor.u32 s23, s19;
	v1 =	vld [tilespmem:s24+$0x0]  }
0x32a: {  	s19 =	sor.u32 s25, s19;
	v13 =	vld [tilespmem:s26+$0x0]  }
0x32b: {  	v14 =	vld [tilespmem:s19+$0x0];
	_ =	sdelay $0x2  }
0x32c: {  	s18 =	sand.u32 $0x1E00, s18  }
0x32d: {  	s28 =	sor.u32 s18, s21  }
0x32e: {  	s20 =	sor.u32 s20, s18;
	v9 =	vor.u32 s28, v52;
	v4 =	vld.idx.msk [tilespmem:v0+s1+$0x0], $0xffff  }
0x32f: {  	s29 =	sor.u32 s18, s23;
	v10 =	vor.u32 s20, v52;
	v6 =	vadd.s32 $0x2710, v0;
	v5 =	vld.idx.msk [tilespmem:v1+s1+$0x0], $0xffff  }
0x330: {  	s18 =	sor.u32 s18, s25;
	v11 =	vor.u32 s29, v52;
	v7 =	vadd.s32 $0x2710, v1;
	v8 =	vld.idx.msk [tilespmem:v13+s1+$0x0], $0xffff  }
0x331: {  	v15 =	vor.u32 s18, v52;
	v12 =	vadd.s32 $0x2710, v13;
	v16 =	vld.idx.msk [tilespmem:v14+s1+$0x0], $0xffff  }
0x332: {  	v17 =	vadd.s32 $0x2710, v14  }
0x333: {  	[tilespmem:v9+s11+$0x0] =	vst.idx.msk $0xffff, v4  }
0x334: {  	v18 =	vor.u32 s28, v2;
	s22 =	simm.s32 $0x40;
	[tilespmem:v10+s11+$0x0] =	vst.idx.msk $0xffff, v5;
	v6 =	vld.idx.msk [tilespmem:v6+s1+$0x0], $0xffff  }
0x335: {  	v19 =	vor.u32 s20, v2;
	s23 =	sand.u32 $0x780, s22;
	[tilespmem:v11+s11+$0x0] =	vst.idx.msk $0xffff, v8;
	v5 =	vld.idx.msk [tilespmem:v7+s1+$0x0], $0xffff;
	v7 =	vadd.s32 $0x4E20, v0  }
0x336: {  	v21 =	vor.u32 s29, v2;
	s19 =	sand.u32 $0x40, s22;
	s22 =	sadd.s32 $0x10A80, s23;
	v8 =	vadd.s32 $0x4E20, v1;
	[tilespmem:v15+s11+$0x0] =	vst.idx.msk $0xffff, v16;
	v12 =	vld.idx.msk [tilespmem:v12+s1+$0x0], $0xffff  }
0x337: {  	v23 =	vor.u32 s28, v3;
	s21 =	sor.u32 $0x20, s19;
	s28 =	sor.u32 s19, s22;
	v16 =	vadd.s32 $0x4E20, v13;
	v4 =	vor.u32 s18, v2;
	v17 =	vld.idx.msk [tilespmem:v17+s1+$0x0], $0xffff  }
0x338: {  	s25 =	sor.u32 s21, s22;
	v26 =	vld [tilespmem:s28+$0x0];
	v20 =	vadd.s32 $0x4E20, v14  }
0x339: {  	v59 =	vld [tilespmem:s25+$0x0];
	[tilespmem:v18+s11+$0x0] =	vst.idx.msk $0xffff, v6  }
0x33a: {  	[tilespmem:v19+s11+$0x0] =	vst.idx.msk $0xffff, v5;
	v22 =	vld.idx.msk [tilespmem:v7+s1+$0x0], $0xffff  }
0x33b: {  	[tilespmem:v21+s11+$0x0] =	vst.idx.msk $0xffff, v12;
	v24 =	vld.idx.msk [tilespmem:v8+s1+$0x0], $0xffff  }
0x33c: {  	s24 =	sor.u32 $0x30, s19;
	v12 =	vadd.s32 $0x7530, v0;
	[tilespmem:v4+s11+$0x0] =	vst.idx.msk $0xffff, v17;
	v16 =	vld.idx.msk [tilespmem:v16+s1+$0x0], $0xffff;
	v7 =	vor.u32 s20, v3  }
0x33d: {  	s26 =	sor.u32 s24, s22;
	v5 =	vor.u32 s29, v3;
	v17 =	vld.idx.msk [tilespmem:v20+s1+$0x0], $0xffff;
	v20 =	vadd.s32 $0x7530, v1  }
0x33e: {  	s29 =	sor.u32 $0x10, s19;
	v8 =	vld [tilespmem:s26+$0x0]  }
0x33f: {  	v25 =	vadd.s32 $0x7530, v13;
	s20 =	sor.u32 s29, s22  }
0x340: {  	v6 =	vor.u32 s18, v3;
	v29 =	vld [tilespmem:s20+$0x0];
	[tilespmem:v23+s11+$0x0] =	vst.idx.msk $0xffff, v22  }
0x341: {  	[tilespmem:v7+s11+$0x0] =	vst.idx.msk $0xffff, v24;
	v12 =	vld.idx.msk [tilespmem:v12+s1+$0x0], $0xffff  }
0x342: {  	s18 =	simm.s32 $0x100;
	v22 =	vadd.s32 $0x7530, v14;
	[tilespmem:v5+s11+$0x0] =	vst.idx.msk $0xffff, v16;
	v16 =	vld.idx.msk [tilespmem:v20+s1+$0x0], $0xffff  }
0x343: {  	v28 =	vld.idx.msk [tilespmem:v26+s1+$0x0], $0xffff;
	s26 =	sand.u32 $0x1E00, s18  }
0x344: {  	s19 =	sor.u32 s19, s26;
	v24 =	vadd.s32 $0x9C40, v0;
	v20 =	vld.idx.msk [tilespmem:v25+s1+$0x0], $0xffff  }
0x345: {  	v60 =	vld.idx.msk [tilespmem:v59+s1+$0x0], $0xffff;
	s28 =	sor.u32 s26, s24;
	[tilespmem:v6+s11+$0x0] =	vst.idx.msk $0xffff, v17;
	v17 =	vor.u32 s19, v52;
	v25 =	vadd.s32 $0x9C40, v1  }
0x346: {  	v27 =	vld.idx.msk [tilespmem:v8+s1+$0x0], $0xffff;
	[tilespmem:v9+s12+$0x0] =	vst.idx.msk $0xffff, v12;
	v12 =	vadd.s32 $0x9C40, v13;
	v9 =	vor.u32 s28, v52  }
0x347: {  	s29 =	sor.u32 s26, s29;
	v22 =	vld.idx.msk [tilespmem:v22+s1+$0x0], $0xffff;
	[tilespmem:v10+s12+$0x0] =	vst.idx.msk $0xffff, v16;
	v16 =	vadd.s32 $0x2710, v26  }
0x348: {  	s21 =	sor.u32 s26, s21;
	v30 =	vadd.s32 $0x2710, v8;
	v31 =	vld.idx.msk [tilespmem:v29+s1+$0x0], $0xffff;
	v10 =	vor.u32 s29, v52  }
0x349: {  	v61 =	vadd.s32 $0x9C40, v14;
	[tilespmem:v11+s12+$0x0] =	vst.idx.msk $0xffff, v20;
	v11 =	vor.u32 s21, v52;
	v24 =	vld.idx.msk [tilespmem:v24+s1+$0x0], $0xffff  }
0x34a: {  	[tilespmem:v17+s11+$0x0] =	vst.idx.msk $0xffff, v28;
	v20 =	vadd.s32 $0x2710, v29;
	v25 =	vld.idx.msk [tilespmem:v25+s1+$0x0], $0xffff  }
0x34b: {  	v0 =	vadd.s32 $0xC350, v0;
	[tilespmem:v9+s11+$0x0] =	vst.idx.msk $0xffff, v27;
	v27 =	vld.idx.msk [tilespmem:v12+s1+$0x0], $0xffff  }
0x34c: {  	[tilespmem:v15+s12+$0x0] =	vst.idx.msk $0xffff, v22;
	v22 =	vadd.s32 $0x2710, v59;
	v38 =	vld.idx.msk [tilespmem:v16+s1+$0x0], $0xffff  }
0x34d: {  	v1 =	vadd.s32 $0xC350, v1;
	v12 =	vor.u32 s28, v2;
	[tilespmem:v10+s11+$0x0] =	vst.idx.msk $0xffff, v31;
	v30 =	vld.idx.msk [tilespmem:v30+s1+$0x0], $0xffff  }
0x34e: {  	v63 =	vadd.s32 $0xC350, v13;
	v13 =	vor.u32 s19, v2;
	[tilespmem:v11+s11+$0x0] =	vst.idx.msk $0xffff, v60;
	v32 =	vld.idx.msk [tilespmem:v61+s1+$0x0], $0xffff  }
0x34f: {  	v41 =	vadd.s32 $0x4E20, v26;
	v15 =	vor.u32 s29, v2;
	[tilespmem:v18+s12+$0x0] =	vst.idx.msk $0xffff, v24;
	v39 =	vld.idx.msk [tilespmem:v20+s1+$0x0], $0xffff  }
0x350: {  	v14 =	vadd.s32 $0xC350, v14;
	v40 =	vadd.s32 $0x4E20, v8;
	v28 =	vadd.s32 $0x4E20, v29;
	[tilespmem:v19+s12+$0x0] =	vst.idx.msk $0xffff, v25;
	v62 =	vld.idx.msk [tilespmem:v0+s1+$0x0], $0xffff  }
0x351: {  	v16 =	vadd.s32 $0xC350, v26;
	v20 =	vadd.s32 $0x7530, v26;
	v34 =	vld.idx.msk [tilespmem:v22+s1+$0x0], $0xffff;
	[tilespmem:v21+s12+$0x0] =	vst.idx.msk $0xffff, v27;
	v27 =	vor.u32 s21, v2  }
0x352: {  	v18 =	vadd.s32 $0x9C40, v26;
	v24 =	vadd.s32 $0x7530, v29;
	v33 =	vld.idx.msk [tilespmem:v1+s1+$0x0], $0xffff;
	[tilespmem:v12+s11+$0x0] =	vst.idx.msk $0xffff, v30;
	v30 =	vadd.s32 $0x4E20, v59  }
0x353: {  	v25 =	vor.u32 s29, v3;
	v26 =	vor.u32 s21, v3;
	v19 =	vadd.s32 $0xC350, v29;
	[tilespmem:v13+s11+$0x0] =	vst.idx.msk $0xffff, v38;
	v31 =	vld.idx.msk [tilespmem:v63+s1+$0x0], $0xffff  }
0x354: {  	v0 =	vor.u32 s19, v3;
	v1 =	vadd.s32 $0x7530, v59;
	v22 =	vor.u32 s28, v3;
	v36 =	vld.idx.msk [tilespmem:v41+s1+$0x0], $0xffff;
	[tilespmem:v15+s11+$0x0] =	vst.idx.msk $0xffff, v39  }
0x355: {  	s20 =	simm.s32 $0x80;
	s19 =	simm.s32 $0x4;
	v21 =	vadd.s32 $0x9C40, v29;
	v29 =	vadd.s32 $0xC350, v59;
	[tilespmem:v23+s12+$0x0] =	vst.idx.msk $0xffff, v62;
	v35 =	vld.idx.msk [tilespmem:v40+s1+$0x0], $0xffff;
	v23 =	vadd.s32 $0x9C40, v59  }
.LBB2_14:
0x356: {  	s21 =	sand.u32 $0x780, s20;
	s22 =	sand.u32 $0x40, s20;
	v28 =	vld.idx.msk [tilespmem:v28+s1+$0x0], $0xffff;
	[tilespmem:v27+s11+$0x0] =	vst.idx.msk $0xffff, v34;
	v34 =	vadd.s32 $0x7530, v8  }
0x357: {  	s19 =	sadd.s32 $0x4, s19;
	s21 =	sadd.s32 $0x10A80, s21;
	s23 =	sor.u32 $0x30, s22;
	v30 =	vld.idx.msk [tilespmem:v30+s1+$0x0], $0xffff;
	[tilespmem:v4+s12+$0x0] =	vst.idx.msk $0xffff, v32;
	v4 =	vmov v27  }
0x358: {  	s24 =	sor.u32 $0x10, s22;
	p0 =	slt.u32 s19, $0x7C;
	s25 =	sor.u32 s23, s21;
	[tilespmem:v7+s12+$0x0] =	vst.idx.msk $0xffff, v33;
	v27 =	vld.idx.msk [tilespmem:v14+s1+$0x0], $0xffff;
	v7 =	vmov v0;
	v14 =	vmov v29  }
0x359: {  	s29 =	sor.u32 $0x20, s22;
	s26 =	sor.u32 s22, s21;
	s28 =	sor.u32 s24, s21;
	v29 =	vld [tilespmem:s25+$0x0];
	[tilespmem:v5+s12+$0x0] =	vst.idx.msk $0xffff, v31;
	v5 =	vmov v25  }
0x35a: {  	s21 =	sor.u32 s29, s21;
	v31 =	vld [tilespmem:s26+$0x0];
	[tilespmem:v22+s11+$0x0] =	vst.idx.msk $0xffff, v35  }
0x35b: {  	[tilespmem:v0+s11+$0x0] =	vst.idx.msk $0xffff, v36;
	v0 =	vld.idx.msk [tilespmem:v34+s1+$0x0], $0xffff  }
0x35c: {  	v32 =	vld [tilespmem:s28+$0x0];
	[tilespmem:v25+s11+$0x0] =	vst.idx.msk $0xffff, v28  }
0x35d: {  	v25 =	vadd.s32 $0x9C40, v8;
	v33 =	vld [tilespmem:s21+$0x0];
	[tilespmem:v26+s11+$0x0] =	vst.idx.msk $0xffff, v30  }
0x35e: {  	v30 =	vld.idx.msk [tilespmem:v20+s1+$0x0], $0xffff;
	[tilespmem:v6+s12+$0x0] =	vst.idx.msk $0xffff, v27;
	v6 =	vmov v26  }
0x35f: {  	s18 =	sadd.s32 $0x100, s18;
	v34 =	vadd.s32 $0x2710, v31;
	v36 =	vadd.s32 $0x4E20, v31;
	v20 =	vadd.s32 $0x7530, v31;
	v26 =	vld.idx.msk [tilespmem:v24+s1+$0x0], $0xffff  }
0x360: {  	s25 =	sand.u32 $0x1E00, s18;
	v35 =	vadd.s32 $0x9C40, v31;
	v37 =	vadd.s32 $0xC350, v31;
	v38 =	vld.idx.msk [tilespmem:v1+s1+$0x0], $0xffff  }
0x361: {  	s24 =	sor.u32 s25, s24;
	s26 =	sor.u32 s25, s29;
	s21 =	sor.u32 s25, s23;
	v39 =	vadd.s32 $0x2710, v32;
	v28 =	vadd.s32 $0x4E20, v32;
	v24 =	vadd.s32 $0x7530, v32;
	v40 =	vld.idx.msk [tilespmem:v29+s1+$0x0], $0xffff;
	[tilespmem:v9+s12+$0x0] =	vst.idx.msk $0xffff, v0  }
0x362: {  	s22 =	sor.u32 s22, s25;
	v41 =	vor.u32 s26, v52;
	v0 =	vor.u32 s24, v52;
	v9 =	vor.u32 s21, v52;
	v42 =	vld.idx.msk [tilespmem:v25+s1+$0x0], $0xffff  }
0x363: {  	v43 =	vor.u32 s22, v52;
	v45 =	vadd.s32 $0x2710, v29;
	v44 =	vadd.s32 $0x2710, v33;
	v31 =	vld.idx.msk [tilespmem:v31+s1+$0x0], $0xffff  }
0x364: {  	v48 =	vadd.s32 $0xC350, v8;
	v46 =	vor.u32 s24, v2;
	v27 =	vor.u32 s26, v2;
	v8 =	vmovc v29;
	v47 =	vld.idx.msk [tilespmem:v32+s1+$0x0], $0xffff;
	[tilespmem:v17+s12+$0x0] =	vst.idx.msk $0xffff, v30  }
0x365: {  	v49 =	vor.u32 s22, v2;
	v25 =	vor.u32 s24, v3;
	v30 =	vadd.s32 $0x4E20, v33;
	v50 =	vld.idx.msk [tilespmem:v33+s1+$0x0], $0xffff;
	[tilespmem:v10+s12+$0x0] =	vst.idx.msk $0xffff, v26;
	v10 =	vmovc v0  }
0x366: {  	v1 =	vadd.s32 $0x7530, v33;
	v0 =	vor.u32 s22, v3;
	v26 =	vor.u32 s26, v3;
	v51 =	vld.idx.msk [tilespmem:v18+s1+$0x0], $0xffff;
	[tilespmem:v11+s12+$0x0] =	vst.idx.msk $0xffff, v38;
	v18 =	vmovc v35  }
0x367: {  	v35 =	vadd.s32 $0xC350, v32;
	v38 =	vadd.s32 $0x9C40, v33;
	v11 =	vmovc v41;
	[tilespmem:v9+s11+$0x0] =	vst.idx.msk $0xffff, v40;
	v40 =	vld.idx.msk [tilespmem:v21+s1+$0x0], $0xffff;
	v21 =	vadd.s32 $0x9C40, v32  }
0x368: {  	v29 =	vadd.s32 $0xC350, v33;
	v17 =	vmov v43;
	v33 =	vld.idx.msk [tilespmem:v45+s1+$0x0], $0xffff;
	[tilespmem:v12+s12+$0x0] =	vst.idx.msk $0xffff, v42  }
0x369: {  	v12 =	vor.u32 s21, v2;
	[tilespmem:v43+s11+$0x0] =	vst.idx.msk $0xffff, v31;
	v42 =	vld.idx.msk [tilespmem:v48+s1+$0x0], $0xffff  }
0x36a: {  	v43 =	vld.idx.msk [tilespmem:v34+s1+$0x0], $0xffff;
	[tilespmem:v10+s11+$0x0] =	vst.idx.msk $0xffff, v47  }
0x36b: {  	v39 =	vld.idx.msk [tilespmem:v39+s1+$0x0], $0xffff;
	[tilespmem:v41+s11+$0x0] =	vst.idx.msk $0xffff, v50;
	v41 =	vadd.s32 $0x4E20, v8  }
0x36c: {  	v34 =	vld.idx.msk [tilespmem:v44+s1+$0x0], $0xffff;
	[tilespmem:v13+s12+$0x0] =	vst.idx.msk $0xffff, v51;
	v13 =	vmov v49  }
.Ltmp6:
0x36d: {  	[tilespmem:v15+s12+$0x0] =	vst.idx.msk $0xffff, v40;
	v32 =	vld.idx.msk [tilespmem:v23+s1+$0x0], $0xffff;
	v15 =	vmov v46;
	v23 =	vmov v38;
	(pc) =	sbr.rel @p0 .LBB2_14-.Ltmp6, $4  }
0x36e: {  	[tilespmem:v12+s11+$0x0] =	vst.idx.msk $0xffff, v33;
	v33 =	vld.idx.msk [tilespmem:v16+s1+$0x0], $0xffff;
	v16 =	vmov v37  }
0x36f: {  	v31 =	vld.idx.msk [tilespmem:v19+s1+$0x0], $0xffff;
	[tilespmem:v22+s12+$0x0] =	vst.idx.msk $0xffff, v42;
	v19 =	vmov v35  }
0x370: {  	[tilespmem:v49+s11+$0x0] =	vst.idx.msk $0xffff, v43;
	v35 =	vld.idx.msk [tilespmem:v41+s1+$0x0], $0xffff  }
0x371: {  	s20 =	sadd.s32 $0x40, s20;
	v22 =	vor.u32 s21, v3;
	v36 =	vld.idx.msk [tilespmem:v36+s1+$0x0], $0xffff;
	[tilespmem:v46+s11+$0x0] =	vst.idx.msk $0xffff, v39  }
0x372: {  	_ =	sdelay $0x2  }
0x373: {  	v37 =	vadd.s32 $0x7530, v8  }
0x374: {  	v28 =	vld.idx.msk [tilespmem:v28+s1+$0x0], $0xffff;
	[tilespmem:v27+s11+$0x0] =	vst.idx.msk $0xffff, v34  }
0x375: {  	v30 =	vld.idx.msk [tilespmem:v30+s1+$0x0], $0xffff;
	_ =	sdelay $0x1  }
0x376: {  	[tilespmem:v22+s11+$0x0] =	vst.idx.msk $0xffff, v35  }
0x377: {  	[tilespmem:v0+s11+$0x0] =	vst.idx.msk $0xffff, v36;
	v58 =	vld.idx.msk [tilespmem:v37+s1+$0x0], $0xffff  }
0x378: {  	[tilespmem:v25+s11+$0x0] =	vst.idx.msk $0xffff, v28;
	v28 =	vadd.s32 $0x9C40, v8;
	v20 =	vld.idx.msk [tilespmem:v20+s1+$0x0], $0xffff  }
0x379: {  	[tilespmem:v26+s11+$0x0] =	vst.idx.msk $0xffff, v30;
	v24 =	vld.idx.msk [tilespmem:v24+s1+$0x0], $0xffff  }
0x37a: {  	v1 =	vld.idx.msk [tilespmem:v1+s1+$0x0], $0xffff;
	_ =	sdelay $0x1  }
0x37b: {  	[tilespmem:v9+s12+$0x0] =	vst.idx.msk $0xffff, v58  }
0x37c: {  	[tilespmem:v17+s12+$0x0] =	vst.idx.msk $0xffff, v20;
	v9 =	vld.idx.msk [tilespmem:v28+s1+$0x0], $0xffff  }
0x37d: {  	v8 =	vadd.s32 $0xC350, v8;
	[tilespmem:v10+s12+$0x0] =	vst.idx.msk $0xffff, v24;
	v10 =	vld.idx.msk [tilespmem:v18+s1+$0x0], $0xffff  }
0x37e: {  	[tilespmem:v11+s12+$0x0] =	vst.idx.msk $0xffff, v1;
	v1 =	vld.idx.msk [tilespmem:v21+s1+$0x0], $0xffff  }
0x37f: {  	[tilespmem:v4+s12+$0x0] =	vst.idx.msk $0xffff, v32;
	v4 =	vld.idx.msk [tilespmem:v23+s1+$0x0], $0xffff  }
0x380: {  	[tilespmem:v7+s12+$0x0] =	vst.idx.msk $0xffff, v33  }
0x381: {  	v7 =	vld.idx.msk [tilespmem:v14+s1+$0x0], $0xffff;
	[tilespmem:v12+s12+$0x0] =	vst.idx.msk $0xffff, v9  }
0x382: {  	[tilespmem:v13+s12+$0x0] =	vst.idx.msk $0xffff, v10;
	v8 =	vld.idx.msk [tilespmem:v8+s1+$0x0], $0xffff  }
0x383: {  	[tilespmem:v15+s12+$0x0] =	vst.idx.msk $0xffff, v1;
	v1 =	vld.idx.msk [tilespmem:v16+s1+$0x0], $0xffff  }
0x384: {  	v9 =	vld.idx.msk [tilespmem:v19+s1+$0x0], $0xffff;
	[tilespmem:v27+s12+$0x0] =	vst.idx.msk $0xffff, v4  }
0x385: {  	[tilespmem:v5+s12+$0x0] =	vst.idx.msk $0xffff, v31;
	v4 =	vld.idx.msk [tilespmem:v29+s1+$0x0], $0xffff  }
0x386: {  	[tilespmem:v6+s12+$0x0] =	vst.idx.msk $0xffff, v7  }
0x387: {  	[tilespmem:v22+s12+$0x0] =	vst.idx.msk $0xffff, v8  }
0x388: {  	[tilespmem:v0+s12+$0x0] =	vst.idx.msk $0xffff, v1  }
0x389: {  	[tilespmem:v25+s12+$0x0] =	vst.idx.msk $0xffff, v9  }
0x38a: {  	[tilespmem:v26+s12+$0x0] =	vst.idx.msk $0xffff, v4  }
0x38b: {  	s18 =	simm.s32 $0x0;
	s19 =	rddreg [dreg:$0xc]  }
0x38c: {  	[hbm4b:s19+s18] =	stream.linear.scatter [tilespmem:s12], [sflag:$0x2], $0x2000, $0x38;
	[tilespmem:$0x1EA80] =	vst v63  }
0x38d: {  	s24 =	rddreg [dreg:$0xd]  }
0x38e: {  	[hbm4b:s24+s18] =	stream.linear.scatter [tilespmem:s11], [sflag:$0x4], $0x2000, $0x38;
	[tilespmem:$0x1EA80] =	vst v63  }
0x38f: {  	_ =	swait.ge [sflag:s16], $0x2000  }
0x390: {  	[sflag:s16] =	ssyncset.done $0x0  }
0x391: {  	[sflag:s16] =	ssyncadd.s32 $0xFFFFE000  }
0x392: {  	s25 =	sand.u32 $0x780, s18;
	s20 =	sand.u32 $0x40, s18;
	_ =	swait.ge [sflag:s9], $0x2000  }
0x393: {  	s21 =	sor.u32 $0x30, s20;
	s19 =	sadd.s32 $0x11280, s25;
	[sflag:s9] =	ssyncset.done $0x0  }
0x394: {  	s22 =	sor.u32 s21, s19;
	[sflag:s9] =	ssyncadd.s32 $0xFFFFE000  }
0x395: {  	s23 =	sor.u32 $0x10, s20;
	s24 =	sor.u32 s20, s19;
	v0 =	vld [tilespmem:s22+$0x0]  }
0x396: {  	s25 =	sor.u32 $0x20, s20;
	s26 =	sor.u32 s23, s19;
	v1 =	vld [tilespmem:s24+$0x0]  }
0x397: {  	s19 =	sor.u32 s25, s19;
	v13 =	vld [tilespmem:s26+$0x0]  }
0x398: {  	v14 =	vld [tilespmem:s19+$0x0];
	_ =	sdelay $0x2  }
0x399: {  	s18 =	sand.u32 $0x1E00, s18  }
0x39a: {  	s28 =	sor.u32 s18, s21  }
0x39b: {  	s20 =	sor.u32 s20, s18;
	v9 =	vor.u32 s28, v52;
	v4 =	vld.idx.msk [tilespmem:v0+s1+$0x0], $0xffff  }
0x39c: {  	s29 =	sor.u32 s18, s23;
	v10 =	vor.u32 s20, v52;
	v6 =	vadd.s32 $0x2710, v0;
	v5 =	vld.idx.msk [tilespmem:v1+s1+$0x0], $0xffff  }
0x39d: {  	s18 =	sor.u32 s18, s25;
	v11 =	vor.u32 s29, v52;
	v7 =	vadd.s32 $0x2710, v1;
	v8 =	vld.idx.msk [tilespmem:v13+s1+$0x0], $0xffff  }
0x39e: {  	v15 =	vor.u32 s18, v52;
	v12 =	vadd.s32 $0x2710, v13;
	v16 =	vld.idx.msk [tilespmem:v14+s1+$0x0], $0xffff  }
0x39f: {  	v17 =	vadd.s32 $0x2710, v14  }
0x3a0: {  	[tilespmem:v9+s13+$0x0] =	vst.idx.msk $0xffff, v4  }
0x3a1: {  	v18 =	vor.u32 s28, v2;
	s22 =	simm.s32 $0x40;
	[tilespmem:v10+s13+$0x0] =	vst.idx.msk $0xffff, v5;
	v6 =	vld.idx.msk [tilespmem:v6+s1+$0x0], $0xffff  }
0x3a2: {  	v19 =	vor.u32 s20, v2;
	s23 =	sand.u32 $0x780, s22;
	[tilespmem:v11+s13+$0x0] =	vst.idx.msk $0xffff, v8;
	v5 =	vld.idx.msk [tilespmem:v7+s1+$0x0], $0xffff;
	v7 =	vadd.s32 $0x4E20, v0  }
0x3a3: {  	v21 =	vor.u32 s29, v2;
	s19 =	sand.u32 $0x40, s22;
	s22 =	sadd.s32 $0x11280, s23;
	v8 =	vadd.s32 $0x4E20, v1;
	[tilespmem:v15+s13+$0x0] =	vst.idx.msk $0xffff, v16;
	v12 =	vld.idx.msk [tilespmem:v12+s1+$0x0], $0xffff  }
0x3a4: {  	v23 =	vor.u32 s28, v3;
	s21 =	sor.u32 $0x20, s19;
	s28 =	sor.u32 s19, s22;
	v16 =	vadd.s32 $0x4E20, v13;
	v4 =	vor.u32 s18, v2;
	v17 =	vld.idx.msk [tilespmem:v17+s1+$0x0], $0xffff  }
0x3a5: {  	s25 =	sor.u32 s21, s22;
	v26 =	vld [tilespmem:s28+$0x0];
	v20 =	vadd.s32 $0x4E20, v14  }
0x3a6: {  	v59 =	vld [tilespmem:s25+$0x0];
	[tilespmem:v18+s13+$0x0] =	vst.idx.msk $0xffff, v6  }
0x3a7: {  	[tilespmem:v19+s13+$0x0] =	vst.idx.msk $0xffff, v5;
	v22 =	vld.idx.msk [tilespmem:v7+s1+$0x0], $0xffff  }
0x3a8: {  	[tilespmem:v21+s13+$0x0] =	vst.idx.msk $0xffff, v12;
	v24 =	vld.idx.msk [tilespmem:v8+s1+$0x0], $0xffff  }
0x3a9: {  	s24 =	sor.u32 $0x30, s19;
	v12 =	vadd.s32 $0x7530, v0;
	[tilespmem:v4+s13+$0x0] =	vst.idx.msk $0xffff, v17;
	v16 =	vld.idx.msk [tilespmem:v16+s1+$0x0], $0xffff;
	v7 =	vor.u32 s20, v3  }
0x3aa: {  	s26 =	sor.u32 s24, s22;
	v5 =	vor.u32 s29, v3;
	v17 =	vld.idx.msk [tilespmem:v20+s1+$0x0], $0xffff;
	v20 =	vadd.s32 $0x7530, v1  }
0x3ab: {  	s29 =	sor.u32 $0x10, s19;
	v8 =	vld [tilespmem:s26+$0x0]  }
0x3ac: {  	v25 =	vadd.s32 $0x7530, v13;
	s20 =	sor.u32 s29, s22  }
0x3ad: {  	v6 =	vor.u32 s18, v3;
	v29 =	vld [tilespmem:s20+$0x0];
	[tilespmem:v23+s13+$0x0] =	vst.idx.msk $0xffff, v22  }
0x3ae: {  	[tilespmem:v7+s13+$0x0] =	vst.idx.msk $0xffff, v24;
	v12 =	vld.idx.msk [tilespmem:v12+s1+$0x0], $0xffff  }
0x3af: {  	s18 =	simm.s32 $0x100;
	v22 =	vadd.s32 $0x7530, v14;
	[tilespmem:v5+s13+$0x0] =	vst.idx.msk $0xffff, v16;
	v16 =	vld.idx.msk [tilespmem:v20+s1+$0x0], $0xffff  }
0x3b0: {  	v28 =	vld.idx.msk [tilespmem:v26+s1+$0x0], $0xffff;
	s26 =	sand.u32 $0x1E00, s18  }
0x3b1: {  	s19 =	sor.u32 s19, s26;
	v24 =	vadd.s32 $0x9C40, v0;
	v20 =	vld.idx.msk [tilespmem:v25+s1+$0x0], $0xffff  }
0x3b2: {  	v60 =	vld.idx.msk [tilespmem:v59+s1+$0x0], $0xffff;
	s28 =	sor.u32 s26, s24;
	[tilespmem:v6+s13+$0x0] =	vst.idx.msk $0xffff, v17;
	v17 =	vor.u32 s19, v52;
	v25 =	vadd.s32 $0x9C40, v1  }
0x3b3: {  	v27 =	vld.idx.msk [tilespmem:v8+s1+$0x0], $0xffff;
	[tilespmem:v9+s14+$0x0] =	vst.idx.msk $0xffff, v12;
	v12 =	vadd.s32 $0x9C40, v13;
	v9 =	vor.u32 s28, v52  }
0x3b4: {  	s29 =	sor.u32 s26, s29;
	v22 =	vld.idx.msk [tilespmem:v22+s1+$0x0], $0xffff;
	[tilespmem:v10+s14+$0x0] =	vst.idx.msk $0xffff, v16;
	v16 =	vadd.s32 $0x2710, v26  }
0x3b5: {  	s21 =	sor.u32 s26, s21;
	v30 =	vadd.s32 $0x2710, v8;
	v31 =	vld.idx.msk [tilespmem:v29+s1+$0x0], $0xffff;
	v10 =	vor.u32 s29, v52  }
0x3b6: {  	v61 =	vadd.s32 $0x9C40, v14;
	[tilespmem:v11+s14+$0x0] =	vst.idx.msk $0xffff, v20;
	v11 =	vor.u32 s21, v52;
	v24 =	vld.idx.msk [tilespmem:v24+s1+$0x0], $0xffff  }
0x3b7: {  	[tilespmem:v17+s13+$0x0] =	vst.idx.msk $0xffff, v28;
	v20 =	vadd.s32 $0x2710, v29;
	v25 =	vld.idx.msk [tilespmem:v25+s1+$0x0], $0xffff  }
0x3b8: {  	v0 =	vadd.s32 $0xC350, v0;
	[tilespmem:v9+s13+$0x0] =	vst.idx.msk $0xffff, v27;
	v27 =	vld.idx.msk [tilespmem:v12+s1+$0x0], $0xffff  }
0x3b9: {  	[tilespmem:v15+s14+$0x0] =	vst.idx.msk $0xffff, v22;
	v22 =	vadd.s32 $0x2710, v59;
	v38 =	vld.idx.msk [tilespmem:v16+s1+$0x0], $0xffff  }
0x3ba: {  	v1 =	vadd.s32 $0xC350, v1;
	v12 =	vor.u32 s28, v2;
	[tilespmem:v10+s13+$0x0] =	vst.idx.msk $0xffff, v31;
	v30 =	vld.idx.msk [tilespmem:v30+s1+$0x0], $0xffff  }
0x3bb: {  	v63 =	vadd.s32 $0xC350, v13;
	v13 =	vor.u32 s19, v2;
	[tilespmem:v11+s13+$0x0] =	vst.idx.msk $0xffff, v60;
	v32 =	vld.idx.msk [tilespmem:v61+s1+$0x0], $0xffff  }
0x3bc: {  	v41 =	vadd.s32 $0x4E20, v26;
	v15 =	vor.u32 s29, v2;
	[tilespmem:v18+s14+$0x0] =	vst.idx.msk $0xffff, v24;
	v39 =	vld.idx.msk [tilespmem:v20+s1+$0x0], $0xffff  }
0x3bd: {  	v14 =	vadd.s32 $0xC350, v14;
	v40 =	vadd.s32 $0x4E20, v8;
	v28 =	vadd.s32 $0x4E20, v29;
	[tilespmem:v19+s14+$0x0] =	vst.idx.msk $0xffff, v25;
	v62 =	vld.idx.msk [tilespmem:v0+s1+$0x0], $0xffff  }
0x3be: {  	v16 =	vadd.s32 $0xC350, v26;
	v20 =	vadd.s32 $0x7530, v26;
	v34 =	vld.idx.msk [tilespmem:v22+s1+$0x0], $0xffff;
	[tilespmem:v21+s14+$0x0] =	vst.idx.msk $0xffff, v27;
	v27 =	vor.u32 s21, v2  }
0x3bf: {  	v18 =	vadd.s32 $0x9C40, v26;
	v24 =	vadd.s32 $0x7530, v29;
	v33 =	vld.idx.msk [tilespmem:v1+s1+$0x0], $0xffff;
	[tilespmem:v12+s13+$0x0] =	vst.idx.msk $0xffff, v30;
	v30 =	vadd.s32 $0x4E20, v59  }
0x3c0: {  	v25 =	vor.u32 s29, v3;
	v26 =	vor.u32 s21, v3;
	v19 =	vadd.s32 $0xC350, v29;
	[tilespmem:v13+s13+$0x0] =	vst.idx.msk $0xffff, v38;
	v31 =	vld.idx.msk [tilespmem:v63+s1+$0x0], $0xffff  }
0x3c1: {  	v0 =	vor.u32 s19, v3;
	v1 =	vadd.s32 $0x7530, v59;
	v22 =	vor.u32 s28, v3;
	v36 =	vld.idx.msk [tilespmem:v41+s1+$0x0], $0xffff;
	[tilespmem:v15+s13+$0x0] =	vst.idx.msk $0xffff, v39  }
0x3c2: {  	s20 =	simm.s32 $0x80;
	s19 =	simm.s32 $0x4;
	v21 =	vadd.s32 $0x9C40, v29;
	v29 =	vadd.s32 $0xC350, v59;
	[tilespmem:v23+s14+$0x0] =	vst.idx.msk $0xffff, v62;
	v35 =	vld.idx.msk [tilespmem:v40+s1+$0x0], $0xffff;
	v23 =	vadd.s32 $0x9C40, v59  }
.LBB2_16:
0x3c3: {  	s21 =	sand.u32 $0x780, s20;
	s22 =	sand.u32 $0x40, s20;
	v28 =	vld.idx.msk [tilespmem:v28+s1+$0x0], $0xffff;
	[tilespmem:v27+s13+$0x0] =	vst.idx.msk $0xffff, v34;
	v34 =	vadd.s32 $0x7530, v8  }
0x3c4: {  	s19 =	sadd.s32 $0x4, s19;
	s21 =	sadd.s32 $0x11280, s21;
	s23 =	sor.u32 $0x30, s22;
	v30 =	vld.idx.msk [tilespmem:v30+s1+$0x0], $0xffff;
	[tilespmem:v4+s14+$0x0] =	vst.idx.msk $0xffff, v32;
	v4 =	vmov v27  }
0x3c5: {  	s24 =	sor.u32 $0x10, s22;
	p0 =	slt.u32 s19, $0x7C;
	s25 =	sor.u32 s23, s21;
	[tilespmem:v7+s14+$0x0] =	vst.idx.msk $0xffff, v33;
	v27 =	vld.idx.msk [tilespmem:v14+s1+$0x0], $0xffff;
	v7 =	vmov v0;
	v14 =	vmov v29  }
0x3c6: {  	s29 =	sor.u32 $0x20, s22;
	s26 =	sor.u32 s22, s21;
	s28 =	sor.u32 s24, s21;
	v29 =	vld [tilespmem:s25+$0x0];
	[tilespmem:v5+s14+$0x0] =	vst.idx.msk $0xffff, v31;
	v5 =	vmov v25  }
0x3c7: {  	s21 =	sor.u32 s29, s21;
	v31 =	vld [tilespmem:s26+$0x0];
	[tilespmem:v22+s13+$0x0] =	vst.idx.msk $0xffff, v35  }
0x3c8: {  	[tilespmem:v0+s13+$0x0] =	vst.idx.msk $0xffff, v36;
	v0 =	vld.idx.msk [tilespmem:v34+s1+$0x0], $0xffff  }
0x3c9: {  	v32 =	vld [tilespmem:s28+$0x0];
	[tilespmem:v25+s13+$0x0] =	vst.idx.msk $0xffff, v28  }
0x3ca: {  	v25 =	vadd.s32 $0x9C40, v8;
	v33 =	vld [tilespmem:s21+$0x0];
	[tilespmem:v26+s13+$0x0] =	vst.idx.msk $0xffff, v30  }
0x3cb: {  	v30 =	vld.idx.msk [tilespmem:v20+s1+$0x0], $0xffff;
	[tilespmem:v6+s14+$0x0] =	vst.idx.msk $0xffff, v27;
	v6 =	vmov v26  }
0x3cc: {  	s18 =	sadd.s32 $0x100, s18;
	v34 =	vadd.s32 $0x2710, v31;
	v36 =	vadd.s32 $0x4E20, v31;
	v20 =	vadd.s32 $0x7530, v31;
	v26 =	vld.idx.msk [tilespmem:v24+s1+$0x0], $0xffff  }
0x3cd: {  	s25 =	sand.u32 $0x1E00, s18;
	v35 =	vadd.s32 $0x9C40, v31;
	v37 =	vadd.s32 $0xC350, v31;
	v38 =	vld.idx.msk [tilespmem:v1+s1+$0x0], $0xffff  }
0x3ce: {  	s24 =	sor.u32 s25, s24;
	s26 =	sor.u32 s25, s29;
	s21 =	sor.u32 s25, s23;
	v39 =	vadd.s32 $0x2710, v32;
	v28 =	vadd.s32 $0x4E20, v32;
	v24 =	vadd.s32 $0x7530, v32;
	v40 =	vld.idx.msk [tilespmem:v29+s1+$0x0], $0xffff;
	[tilespmem:v9+s14+$0x0] =	vst.idx.msk $0xffff, v0  }
0x3cf: {  	s22 =	sor.u32 s22, s25;
	v41 =	vor.u32 s26, v52;
	v0 =	vor.u32 s24, v52;
	v9 =	vor.u32 s21, v52;
	v42 =	vld.idx.msk [tilespmem:v25+s1+$0x0], $0xffff  }
0x3d0: {  	v43 =	vor.u32 s22, v52;
	v45 =	vadd.s32 $0x2710, v29;
	v44 =	vadd.s32 $0x2710, v33;
	v31 =	vld.idx.msk [tilespmem:v31+s1+$0x0], $0xffff  }
0x3d1: {  	v48 =	vadd.s32 $0xC350, v8;
	v46 =	vor.u32 s24, v2;
	v27 =	vor.u32 s26, v2;
	v8 =	vmovc v29;
	v47 =	vld.idx.msk [tilespmem:v32+s1+$0x0], $0xffff;
	[tilespmem:v17+s14+$0x0] =	vst.idx.msk $0xffff, v30  }
0x3d2: {  	v49 =	vor.u32 s22, v2;
	v25 =	vor.u32 s24, v3;
	v30 =	vadd.s32 $0x4E20, v33;
	v50 =	vld.idx.msk [tilespmem:v33+s1+$0x0], $0xffff;
	[tilespmem:v10+s14+$0x0] =	vst.idx.msk $0xffff, v26;
	v10 =	vmovc v0  }
0x3d3: {  	v1 =	vadd.s32 $0x7530, v33;
	v0 =	vor.u32 s22, v3;
	v26 =	vor.u32 s26, v3;
	v51 =	vld.idx.msk [tilespmem:v18+s1+$0x0], $0xffff;
	[tilespmem:v11+s14+$0x0] =	vst.idx.msk $0xffff, v38;
	v18 =	vmovc v35  }
0x3d4: {  	v35 =	vadd.s32 $0xC350, v32;
	v38 =	vadd.s32 $0x9C40, v33;
	v11 =	vmovc v41;
	[tilespmem:v9+s13+$0x0] =	vst.idx.msk $0xffff, v40;
	v40 =	vld.idx.msk [tilespmem:v21+s1+$0x0], $0xffff;
	v21 =	vadd.s32 $0x9C40, v32  }
0x3d5: {  	v29 =	vadd.s32 $0xC350, v33;
	v17 =	vmov v43;
	v33 =	vld.idx.msk [tilespmem:v45+s1+$0x0], $0xffff;
	[tilespmem:v12+s14+$0x0] =	vst.idx.msk $0xffff, v42  }
0x3d6: {  	v12 =	vor.u32 s21, v2;
	[tilespmem:v43+s13+$0x0] =	vst.idx.msk $0xffff, v31;
	v42 =	vld.idx.msk [tilespmem:v48+s1+$0x0], $0xffff  }
0x3d7: {  	v43 =	vld.idx.msk [tilespmem:v34+s1+$0x0], $0xffff;
	[tilespmem:v10+s13+$0x0] =	vst.idx.msk $0xffff, v47  }
0x3d8: {  	v39 =	vld.idx.msk [tilespmem:v39+s1+$0x0], $0xffff;
	[tilespmem:v41+s13+$0x0] =	vst.idx.msk $0xffff, v50;
	v41 =	vadd.s32 $0x4E20, v8  }
0x3d9: {  	v34 =	vld.idx.msk [tilespmem:v44+s1+$0x0], $0xffff;
	[tilespmem:v13+s14+$0x0] =	vst.idx.msk $0xffff, v51;
	v13 =	vmov v49  }
.Ltmp7:
0x3da: {  	[tilespmem:v15+s14+$0x0] =	vst.idx.msk $0xffff, v40;
	v32 =	vld.idx.msk [tilespmem:v23+s1+$0x0], $0xffff;
	v15 =	vmov v46;
	v23 =	vmov v38;
	(pc) =	sbr.rel @p0 .LBB2_16-.Ltmp7, $4  }
0x3db: {  	[tilespmem:v12+s13+$0x0] =	vst.idx.msk $0xffff, v33;
	v33 =	vld.idx.msk [tilespmem:v16+s1+$0x0], $0xffff;
	v16 =	vmov v37  }
0x3dc: {  	v31 =	vld.idx.msk [tilespmem:v19+s1+$0x0], $0xffff;
	[tilespmem:v22+s14+$0x0] =	vst.idx.msk $0xffff, v42;
	v19 =	vmov v35  }
0x3dd: {  	[tilespmem:v49+s13+$0x0] =	vst.idx.msk $0xffff, v43;
	v35 =	vld.idx.msk [tilespmem:v41+s1+$0x0], $0xffff  }
0x3de: {  	s20 =	sadd.s32 $0x40, s20;
	v22 =	vor.u32 s21, v3;
	v36 =	vld.idx.msk [tilespmem:v36+s1+$0x0], $0xffff;
	[tilespmem:v46+s13+$0x0] =	vst.idx.msk $0xffff, v39  }
0x3df: {  	_ =	sdelay $0x2  }
0x3e0: {  	v37 =	vadd.s32 $0x7530, v8  }
0x3e1: {  	v28 =	vld.idx.msk [tilespmem:v28+s1+$0x0], $0xffff;
	[tilespmem:v27+s13+$0x0] =	vst.idx.msk $0xffff, v34  }
0x3e2: {  	v30 =	vld.idx.msk [tilespmem:v30+s1+$0x0], $0xffff;
	_ =	sdelay $0x1  }
0x3e3: {  	[tilespmem:v22+s13+$0x0] =	vst.idx.msk $0xffff, v35  }
0x3e4: {  	[tilespmem:v0+s13+$0x0] =	vst.idx.msk $0xffff, v36;
	v58 =	vld.idx.msk [tilespmem:v37+s1+$0x0], $0xffff  }
0x3e5: {  	[tilespmem:v25+s13+$0x0] =	vst.idx.msk $0xffff, v28;
	v28 =	vadd.s32 $0x9C40, v8;
	v20 =	vld.idx.msk [tilespmem:v20+s1+$0x0], $0xffff  }
0x3e6: {  	[tilespmem:v26+s13+$0x0] =	vst.idx.msk $0xffff, v30;
	v24 =	vld.idx.msk [tilespmem:v24+s1+$0x0], $0xffff  }
0x3e7: {  	v1 =	vld.idx.msk [tilespmem:v1+s1+$0x0], $0xffff;
	_ =	sdelay $0x1  }
0x3e8: {  	[tilespmem:v9+s14+$0x0] =	vst.idx.msk $0xffff, v58  }
0x3e9: {  	[tilespmem:v17+s14+$0x0] =	vst.idx.msk $0xffff, v20;
	v9 =	vld.idx.msk [tilespmem:v28+s1+$0x0], $0xffff  }
0x3ea: {  	v8 =	vadd.s32 $0xC350, v8;
	[tilespmem:v10+s14+$0x0] =	vst.idx.msk $0xffff, v24;
	v10 =	vld.idx.msk [tilespmem:v18+s1+$0x0], $0xffff  }
0x3eb: {  	[tilespmem:v11+s14+$0x0] =	vst.idx.msk $0xffff, v1;
	v1 =	vld.idx.msk [tilespmem:v21+s1+$0x0], $0xffff  }
0x3ec: {  	[tilespmem:v4+s14+$0x0] =	vst.idx.msk $0xffff, v32;
	v4 =	vld.idx.msk [tilespmem:v23+s1+$0x0], $0xffff  }
0x3ed: {  	[tilespmem:v7+s14+$0x0] =	vst.idx.msk $0xffff, v33  }
0x3ee: {  	v7 =	vld.idx.msk [tilespmem:v14+s1+$0x0], $0xffff;
	[tilespmem:v12+s14+$0x0] =	vst.idx.msk $0xffff, v9  }
0x3ef: {  	[tilespmem:v13+s14+$0x0] =	vst.idx.msk $0xffff, v10;
	v8 =	vld.idx.msk [tilespmem:v8+s1+$0x0], $0xffff  }
0x3f0: {  	[tilespmem:v15+s14+$0x0] =	vst.idx.msk $0xffff, v1;
	v1 =	vld.idx.msk [tilespmem:v16+s1+$0x0], $0xffff  }
0x3f1: {  	v9 =	vld.idx.msk [tilespmem:v19+s1+$0x0], $0xffff;
	[tilespmem:v27+s14+$0x0] =	vst.idx.msk $0xffff, v4  }
0x3f2: {  	[tilespmem:v5+s14+$0x0] =	vst.idx.msk $0xffff, v31;
	v4 =	vld.idx.msk [tilespmem:v29+s1+$0x0], $0xffff  }
0x3f3: {  	[tilespmem:v6+s14+$0x0] =	vst.idx.msk $0xffff, v7  }
0x3f4: {  	[tilespmem:v22+s14+$0x0] =	vst.idx.msk $0xffff, v8  }
0x3f5: {  	[tilespmem:v0+s14+$0x0] =	vst.idx.msk $0xffff, v1  }
0x3f6: {  	[tilespmem:v25+s14+$0x0] =	vst.idx.msk $0xffff, v9  }
0x3f7: {  	[tilespmem:v26+s14+$0x0] =	vst.idx.msk $0xffff, v4  }
0x3f8: {  	s18 =	simm.s32 $0x0;
	s19 =	rddreg [dreg:$0xe]  }
0x3f9: {  	[hbm4b:s19+s18] =	stream.linear.scatter [tilespmem:s14], [sflag:$0x3], $0x2000, $0x38;
	[tilespmem:$0x1EA80] =	vst v63  }
0x3fa: {  	s24 =	rddreg [dreg:$0xf]  }
0x3fb: {  	[hbm4b:s24+s18] =	stream.linear.scatter [tilespmem:s13], [sflag:$0x5], $0x2000, $0x38;
	[tilespmem:$0x1EA80] =	vst v63  }
0x3fc: {  	_ =	swait.ge [sflag:s15], $0x2000  }
0x3fd: {  	[sflag:s15] =	ssyncset.done $0x0  }
0x3fe: {  	[sflag:s15] =	ssyncadd.s32 $0xFFFFE000  }
0x3ff: {  	s25 =	sand.u32 $0x780, s18;
	s20 =	sand.u32 $0x40, s18;
	_ =	swait.ge [sflag:s8], $0x2000  }
0x400: {  	s21 =	sor.u32 $0x30, s20;
	s19 =	sadd.s32 $0x11A80, s25;
	[sflag:s8] =	ssyncset.done $0x0  }
0x401: {  	s22 =	sor.u32 s21, s19;
	[sflag:s8] =	ssyncadd.s32 $0xFFFFE000  }
0x402: {  	s23 =	sor.u32 $0x10, s20;
	s24 =	sor.u32 s20, s19;
	v0 =	vld [tilespmem:s22+$0x0]  }
0x403: {  	s25 =	sor.u32 $0x20, s20;
	s26 =	sor.u32 s23, s19;
	v1 =	vld [tilespmem:s24+$0x0]  }
0x404: {  	s19 =	sor.u32 s25, s19;
	v13 =	vld [tilespmem:s26+$0x0]  }
0x405: {  	v14 =	vld [tilespmem:s19+$0x0];
	_ =	sdelay $0x2  }
0x406: {  	s18 =	sand.u32 $0x1E00, s18  }
0x407: {  	s28 =	sor.u32 s18, s21  }
0x408: {  	s20 =	sor.u32 s20, s18;
	v9 =	vor.u32 s28, v52;
	v4 =	vld.idx.msk [tilespmem:v0+s1+$0x0], $0xffff  }
0x409: {  	s29 =	sor.u32 s18, s23;
	v10 =	vor.u32 s20, v52;
	v6 =	vadd.s32 $0x2710, v0;
	v5 =	vld.idx.msk [tilespmem:v1+s1+$0x0], $0xffff  }
0x40a: {  	s18 =	sor.u32 s18, s25;
	v11 =	vor.u32 s29, v52;
	v7 =	vadd.s32 $0x2710, v1;
	v8 =	vld.idx.msk [tilespmem:v13+s1+$0x0], $0xffff  }
0x40b: {  	v15 =	vor.u32 s18, v52;
	v12 =	vadd.s32 $0x2710, v13;
	v16 =	vld.idx.msk [tilespmem:v14+s1+$0x0], $0xffff  }
0x40c: {  	v17 =	vadd.s32 $0x2710, v14  }
0x40d: {  	[tilespmem:v9+s11+$0x0] =	vst.idx.msk $0xffff, v4  }
0x40e: {  	v18 =	vor.u32 s28, v2;
	s22 =	simm.s32 $0x40;
	[tilespmem:v10+s11+$0x0] =	vst.idx.msk $0xffff, v5;
	v6 =	vld.idx.msk [tilespmem:v6+s1+$0x0], $0xffff  }
0x40f: {  	v19 =	vor.u32 s20, v2;
	s23 =	sand.u32 $0x780, s22;
	[tilespmem:v11+s11+$0x0] =	vst.idx.msk $0xffff, v8;
	v5 =	vld.idx.msk [tilespmem:v7+s1+$0x0], $0xffff;
	v7 =	vadd.s32 $0x4E20, v0  }
0x410: {  	v21 =	vor.u32 s29, v2;
	s19 =	sand.u32 $0x40, s22;
	s22 =	sadd.s32 $0x11A80, s23;
	v8 =	vadd.s32 $0x4E20, v1;
	[tilespmem:v15+s11+$0x0] =	vst.idx.msk $0xffff, v16;
	v12 =	vld.idx.msk [tilespmem:v12+s1+$0x0], $0xffff  }
0x411: {  	v23 =	vor.u32 s28, v3;
	s21 =	sor.u32 $0x20, s19;
	s28 =	sor.u32 s19, s22;
	v16 =	vadd.s32 $0x4E20, v13;
	v4 =	vor.u32 s18, v2;
	v17 =	vld.idx.msk [tilespmem:v17+s1+$0x0], $0xffff  }
0x412: {  	s25 =	sor.u32 s21, s22;
	v26 =	vld [tilespmem:s28+$0x0];
	v20 =	vadd.s32 $0x4E20, v14  }
0x413: {  	v59 =	vld [tilespmem:s25+$0x0];
	[tilespmem:v18+s11+$0x0] =	vst.idx.msk $0xffff, v6  }
0x414: {  	[tilespmem:v19+s11+$0x0] =	vst.idx.msk $0xffff, v5;
	v22 =	vld.idx.msk [tilespmem:v7+s1+$0x0], $0xffff  }
0x415: {  	[tilespmem:v21+s11+$0x0] =	vst.idx.msk $0xffff, v12;
	v24 =	vld.idx.msk [tilespmem:v8+s1+$0x0], $0xffff  }
0x416: {  	s24 =	sor.u32 $0x30, s19;
	v12 =	vadd.s32 $0x7530, v0;
	[tilespmem:v4+s11+$0x0] =	vst.idx.msk $0xffff, v17;
	v16 =	vld.idx.msk [tilespmem:v16+s1+$0x0], $0xffff;
	v7 =	vor.u32 s20, v3  }
0x417: {  	s26 =	sor.u32 s24, s22;
	v5 =	vor.u32 s29, v3;
	v17 =	vld.idx.msk [tilespmem:v20+s1+$0x0], $0xffff;
	v20 =	vadd.s32 $0x7530, v1  }
0x418: {  	s29 =	sor.u32 $0x10, s19;
	v8 =	vld [tilespmem:s26+$0x0]  }
0x419: {  	v25 =	vadd.s32 $0x7530, v13;
	s20 =	sor.u32 s29, s22  }
0x41a: {  	v6 =	vor.u32 s18, v3;
	v29 =	vld [tilespmem:s20+$0x0];
	[tilespmem:v23+s11+$0x0] =	vst.idx.msk $0xffff, v22  }
0x41b: {  	[tilespmem:v7+s11+$0x0] =	vst.idx.msk $0xffff, v24;
	v12 =	vld.idx.msk [tilespmem:v12+s1+$0x0], $0xffff  }
0x41c: {  	s18 =	simm.s32 $0x100;
	v22 =	vadd.s32 $0x7530, v14;
	[tilespmem:v5+s11+$0x0] =	vst.idx.msk $0xffff, v16;
	v16 =	vld.idx.msk [tilespmem:v20+s1+$0x0], $0xffff  }
0x41d: {  	v28 =	vld.idx.msk [tilespmem:v26+s1+$0x0], $0xffff;
	s26 =	sand.u32 $0x1E00, s18  }
0x41e: {  	s19 =	sor.u32 s19, s26;
	v24 =	vadd.s32 $0x9C40, v0;
	v20 =	vld.idx.msk [tilespmem:v25+s1+$0x0], $0xffff  }
0x41f: {  	v60 =	vld.idx.msk [tilespmem:v59+s1+$0x0], $0xffff;
	s28 =	sor.u32 s26, s24;
	[tilespmem:v6+s11+$0x0] =	vst.idx.msk $0xffff, v17;
	v17 =	vor.u32 s19, v52;
	v25 =	vadd.s32 $0x9C40, v1  }
0x420: {  	v27 =	vld.idx.msk [tilespmem:v8+s1+$0x0], $0xffff;
	[tilespmem:v9+s12+$0x0] =	vst.idx.msk $0xffff, v12;
	v12 =	vadd.s32 $0x9C40, v13;
	v9 =	vor.u32 s28, v52  }
0x421: {  	s29 =	sor.u32 s26, s29;
	v22 =	vld.idx.msk [tilespmem:v22+s1+$0x0], $0xffff;
	[tilespmem:v10+s12+$0x0] =	vst.idx.msk $0xffff, v16;
	v16 =	vadd.s32 $0x2710, v26  }
0x422: {  	s21 =	sor.u32 s26, s21;
	v30 =	vadd.s32 $0x2710, v8;
	v31 =	vld.idx.msk [tilespmem:v29+s1+$0x0], $0xffff;
	v10 =	vor.u32 s29, v52  }
0x423: {  	v61 =	vadd.s32 $0x9C40, v14;
	[tilespmem:v11+s12+$0x0] =	vst.idx.msk $0xffff, v20;
	v11 =	vor.u32 s21, v52;
	v24 =	vld.idx.msk [tilespmem:v24+s1+$0x0], $0xffff  }
0x424: {  	[tilespmem:v17+s11+$0x0] =	vst.idx.msk $0xffff, v28;
	v20 =	vadd.s32 $0x2710, v29;
	v25 =	vld.idx.msk [tilespmem:v25+s1+$0x0], $0xffff  }
0x425: {  	v0 =	vadd.s32 $0xC350, v0;
	[tilespmem:v9+s11+$0x0] =	vst.idx.msk $0xffff, v27;
	v27 =	vld.idx.msk [tilespmem:v12+s1+$0x0], $0xffff  }
0x426: {  	[tilespmem:v15+s12+$0x0] =	vst.idx.msk $0xffff, v22;
	v22 =	vadd.s32 $0x2710, v59;
	v38 =	vld.idx.msk [tilespmem:v16+s1+$0x0], $0xffff  }
0x427: {  	v1 =	vadd.s32 $0xC350, v1;
	v12 =	vor.u32 s28, v2;
	[tilespmem:v10+s11+$0x0] =	vst.idx.msk $0xffff, v31;
	v30 =	vld.idx.msk [tilespmem:v30+s1+$0x0], $0xffff  }
0x428: {  	v63 =	vadd.s32 $0xC350, v13;
	v13 =	vor.u32 s19, v2;
	[tilespmem:v11+s11+$0x0] =	vst.idx.msk $0xffff, v60;
	v32 =	vld.idx.msk [tilespmem:v61+s1+$0x0], $0xffff  }
0x429: {  	v41 =	vadd.s32 $0x4E20, v26;
	v15 =	vor.u32 s29, v2;
	[tilespmem:v18+s12+$0x0] =	vst.idx.msk $0xffff, v24;
	v39 =	vld.idx.msk [tilespmem:v20+s1+$0x0], $0xffff  }
0x42a: {  	v14 =	vadd.s32 $0xC350, v14;
	v40 =	vadd.s32 $0x4E20, v8;
	v28 =	vadd.s32 $0x4E20, v29;
	[tilespmem:v19+s12+$0x0] =	vst.idx.msk $0xffff, v25;
	v62 =	vld.idx.msk [tilespmem:v0+s1+$0x0], $0xffff  }
0x42b: {  	v16 =	vadd.s32 $0xC350, v26;
	v20 =	vadd.s32 $0x7530, v26;
	v34 =	vld.idx.msk [tilespmem:v22+s1+$0x0], $0xffff;
	[tilespmem:v21+s12+$0x0] =	vst.idx.msk $0xffff, v27;
	v27 =	vor.u32 s21, v2  }
0x42c: {  	v18 =	vadd.s32 $0x9C40, v26;
	v24 =	vadd.s32 $0x7530, v29;
	v33 =	vld.idx.msk [tilespmem:v1+s1+$0x0], $0xffff;
	[tilespmem:v12+s11+$0x0] =	vst.idx.msk $0xffff, v30;
	v30 =	vadd.s32 $0x4E20, v59  }
0x42d: {  	v25 =	vor.u32 s29, v3;
	v26 =	vor.u32 s21, v3;
	v19 =	vadd.s32 $0xC350, v29;
	[tilespmem:v13+s11+$0x0] =	vst.idx.msk $0xffff, v38;
	v31 =	vld.idx.msk [tilespmem:v63+s1+$0x0], $0xffff  }
0x42e: {  	v0 =	vor.u32 s19, v3;
	v1 =	vadd.s32 $0x7530, v59;
	v22 =	vor.u32 s28, v3;
	v36 =	vld.idx.msk [tilespmem:v41+s1+$0x0], $0xffff;
	[tilespmem:v15+s11+$0x0] =	vst.idx.msk $0xffff, v39  }
0x42f: {  	s20 =	simm.s32 $0x80;
	s19 =	simm.s32 $0x4;
	v21 =	vadd.s32 $0x9C40, v29;
	v29 =	vadd.s32 $0xC350, v59;
	[tilespmem:v23+s12+$0x0] =	vst.idx.msk $0xffff, v62;
	v35 =	vld.idx.msk [tilespmem:v40+s1+$0x0], $0xffff;
	v23 =	vadd.s32 $0x9C40, v59  }
.LBB2_18:
0x430: {  	s21 =	sand.u32 $0x780, s20;
	s22 =	sand.u32 $0x40, s20;
	v28 =	vld.idx.msk [tilespmem:v28+s1+$0x0], $0xffff;
	[tilespmem:v27+s11+$0x0] =	vst.idx.msk $0xffff, v34;
	v34 =	vadd.s32 $0x7530, v8  }
0x431: {  	s19 =	sadd.s32 $0x4, s19;
	s21 =	sadd.s32 $0x11A80, s21;
	s23 =	sor.u32 $0x30, s22;
	v30 =	vld.idx.msk [tilespmem:v30+s1+$0x0], $0xffff;
	[tilespmem:v4+s12+$0x0] =	vst.idx.msk $0xffff, v32;
	v4 =	vmov v27  }
0x432: {  	s24 =	sor.u32 $0x10, s22;
	p0 =	slt.u32 s19, $0x7C;
	s25 =	sor.u32 s23, s21;
	[tilespmem:v7+s12+$0x0] =	vst.idx.msk $0xffff, v33;
	v27 =	vld.idx.msk [tilespmem:v14+s1+$0x0], $0xffff;
	v7 =	vmov v0;
	v14 =	vmov v29  }
0x433: {  	s29 =	sor.u32 $0x20, s22;
	s26 =	sor.u32 s22, s21;
	s28 =	sor.u32 s24, s21;
	v29 =	vld [tilespmem:s25+$0x0];
	[tilespmem:v5+s12+$0x0] =	vst.idx.msk $0xffff, v31;
	v5 =	vmov v25  }
0x434: {  	s21 =	sor.u32 s29, s21;
	v31 =	vld [tilespmem:s26+$0x0];
	[tilespmem:v22+s11+$0x0] =	vst.idx.msk $0xffff, v35  }
0x435: {  	[tilespmem:v0+s11+$0x0] =	vst.idx.msk $0xffff, v36;
	v0 =	vld.idx.msk [tilespmem:v34+s1+$0x0], $0xffff  }
0x436: {  	v32 =	vld [tilespmem:s28+$0x0];
	[tilespmem:v25+s11+$0x0] =	vst.idx.msk $0xffff, v28  }
0x437: {  	v25 =	vadd.s32 $0x9C40, v8;
	v33 =	vld [tilespmem:s21+$0x0];
	[tilespmem:v26+s11+$0x0] =	vst.idx.msk $0xffff, v30  }
0x438: {  	v30 =	vld.idx.msk [tilespmem:v20+s1+$0x0], $0xffff;
	[tilespmem:v6+s12+$0x0] =	vst.idx.msk $0xffff, v27;
	v6 =	vmov v26  }
0x439: {  	s18 =	sadd.s32 $0x100, s18;
	v34 =	vadd.s32 $0x2710, v31;
	v36 =	vadd.s32 $0x4E20, v31;
	v20 =	vadd.s32 $0x7530, v31;
	v26 =	vld.idx.msk [tilespmem:v24+s1+$0x0], $0xffff  }
0x43a: {  	s25 =	sand.u32 $0x1E00, s18;
	v35 =	vadd.s32 $0x9C40, v31;
	v37 =	vadd.s32 $0xC350, v31;
	v38 =	vld.idx.msk [tilespmem:v1+s1+$0x0], $0xffff  }
0x43b: {  	s24 =	sor.u32 s25, s24;
	s26 =	sor.u32 s25, s29;
	s21 =	sor.u32 s25, s23;
	v39 =	vadd.s32 $0x2710, v32;
	v28 =	vadd.s32 $0x4E20, v32;
	v24 =	vadd.s32 $0x7530, v32;
	v40 =	vld.idx.msk [tilespmem:v29+s1+$0x0], $0xffff;
	[tilespmem:v9+s12+$0x0] =	vst.idx.msk $0xffff, v0  }
0x43c: {  	s22 =	sor.u32 s22, s25;
	v41 =	vor.u32 s26, v52;
	v0 =	vor.u32 s24, v52;
	v9 =	vor.u32 s21, v52;
	v42 =	vld.idx.msk [tilespmem:v25+s1+$0x0], $0xffff  }
0x43d: {  	v43 =	vor.u32 s22, v52;
	v45 =	vadd.s32 $0x2710, v29;
	v44 =	vadd.s32 $0x2710, v33;
	v31 =	vld.idx.msk [tilespmem:v31+s1+$0x0], $0xffff  }
0x43e: {  	v48 =	vadd.s32 $0xC350, v8;
	v46 =	vor.u32 s24, v2;
	v27 =	vor.u32 s26, v2;
	v8 =	vmovc v29;
	v47 =	vld.idx.msk [tilespmem:v32+s1+$0x0], $0xffff;
	[tilespmem:v17+s12+$0x0] =	vst.idx.msk $0xffff, v30  }
0x43f: {  	v49 =	vor.u32 s22, v2;
	v25 =	vor.u32 s24, v3;
	v30 =	vadd.s32 $0x4E20, v33;
	v50 =	vld.idx.msk [tilespmem:v33+s1+$0x0], $0xffff;
	[tilespmem:v10+s12+$0x0] =	vst.idx.msk $0xffff, v26;
	v10 =	vmovc v0  }
0x440: {  	v1 =	vadd.s32 $0x7530, v33;
	v0 =	vor.u32 s22, v3;
	v26 =	vor.u32 s26, v3;
	v51 =	vld.idx.msk [tilespmem:v18+s1+$0x0], $0xffff;
	[tilespmem:v11+s12+$0x0] =	vst.idx.msk $0xffff, v38;
	v18 =	vmovc v35  }
0x441: {  	v35 =	vadd.s32 $0xC350, v32;
	v38 =	vadd.s32 $0x9C40, v33;
	v11 =	vmovc v41;
	[tilespmem:v9+s11+$0x0] =	vst.idx.msk $0xffff, v40;
	v40 =	vld.idx.msk [tilespmem:v21+s1+$0x0], $0xffff;
	v21 =	vadd.s32 $0x9C40, v32  }
0x442: {  	v29 =	vadd.s32 $0xC350, v33;
	v17 =	vmov v43;
	v33 =	vld.idx.msk [tilespmem:v45+s1+$0x0], $0xffff;
	[tilespmem:v12+s12+$0x0] =	vst.idx.msk $0xffff, v42  }
0x443: {  	v12 =	vor.u32 s21, v2;
	[tilespmem:v43+s11+$0x0] =	vst.idx.msk $0xffff, v31;
	v42 =	vld.idx.msk [tilespmem:v48+s1+$0x0], $0xffff  }
0x444: {  	v43 =	vld.idx.msk [tilespmem:v34+s1+$0x0], $0xffff;
	[tilespmem:v10+s11+$0x0] =	vst.idx.msk $0xffff, v47  }
0x445: {  	v39 =	vld.idx.msk [tilespmem:v39+s1+$0x0], $0xffff;
	[tilespmem:v41+s11+$0x0] =	vst.idx.msk $0xffff, v50;
	v41 =	vadd.s32 $0x4E20, v8  }
0x446: {  	v34 =	vld.idx.msk [tilespmem:v44+s1+$0x0], $0xffff;
	[tilespmem:v13+s12+$0x0] =	vst.idx.msk $0xffff, v51;
	v13 =	vmov v49  }
.Ltmp8:
0x447: {  	[tilespmem:v15+s12+$0x0] =	vst.idx.msk $0xffff, v40;
	v32 =	vld.idx.msk [tilespmem:v23+s1+$0x0], $0xffff;
	v15 =	vmov v46;
	v23 =	vmov v38;
	(pc) =	sbr.rel @p0 .LBB2_18-.Ltmp8, $4  }
0x448: {  	[tilespmem:v12+s11+$0x0] =	vst.idx.msk $0xffff, v33;
	v33 =	vld.idx.msk [tilespmem:v16+s1+$0x0], $0xffff;
	v16 =	vmov v37  }
0x449: {  	v31 =	vld.idx.msk [tilespmem:v19+s1+$0x0], $0xffff;
	[tilespmem:v22+s12+$0x0] =	vst.idx.msk $0xffff, v42;
	v19 =	vmov v35  }
0x44a: {  	[tilespmem:v49+s11+$0x0] =	vst.idx.msk $0xffff, v43;
	v35 =	vld.idx.msk [tilespmem:v41+s1+$0x0], $0xffff  }
0x44b: {  	s20 =	sadd.s32 $0x40, s20;
	v22 =	vor.u32 s21, v3;
	v36 =	vld.idx.msk [tilespmem:v36+s1+$0x0], $0xffff;
	[tilespmem:v46+s11+$0x0] =	vst.idx.msk $0xffff, v39  }
0x44c: {  	_ =	sdelay $0x2  }
0x44d: {  	v37 =	vadd.s32 $0x7530, v8  }
0x44e: {  	v28 =	vld.idx.msk [tilespmem:v28+s1+$0x0], $0xffff;
	[tilespmem:v27+s11+$0x0] =	vst.idx.msk $0xffff, v34  }
0x44f: {  	v30 =	vld.idx.msk [tilespmem:v30+s1+$0x0], $0xffff;
	_ =	sdelay $0x1  }
0x450: {  	[tilespmem:v22+s11+$0x0] =	vst.idx.msk $0xffff, v35  }
0x451: {  	[tilespmem:v0+s11+$0x0] =	vst.idx.msk $0xffff, v36;
	v58 =	vld.idx.msk [tilespmem:v37+s1+$0x0], $0xffff  }
0x452: {  	[tilespmem:v25+s11+$0x0] =	vst.idx.msk $0xffff, v28;
	v28 =	vadd.s32 $0x9C40, v8;
	v20 =	vld.idx.msk [tilespmem:v20+s1+$0x0], $0xffff  }
0x453: {  	[tilespmem:v26+s11+$0x0] =	vst.idx.msk $0xffff, v30;
	v24 =	vld.idx.msk [tilespmem:v24+s1+$0x0], $0xffff  }
0x454: {  	v1 =	vld.idx.msk [tilespmem:v1+s1+$0x0], $0xffff;
	_ =	sdelay $0x1  }
0x455: {  	[tilespmem:v9+s12+$0x0] =	vst.idx.msk $0xffff, v58  }
0x456: {  	[tilespmem:v17+s12+$0x0] =	vst.idx.msk $0xffff, v20;
	v9 =	vld.idx.msk [tilespmem:v28+s1+$0x0], $0xffff  }
0x457: {  	v8 =	vadd.s32 $0xC350, v8;
	[tilespmem:v10+s12+$0x0] =	vst.idx.msk $0xffff, v24;
	v10 =	vld.idx.msk [tilespmem:v18+s1+$0x0], $0xffff  }
0x458: {  	[tilespmem:v11+s12+$0x0] =	vst.idx.msk $0xffff, v1;
	v1 =	vld.idx.msk [tilespmem:v21+s1+$0x0], $0xffff  }
0x459: {  	[tilespmem:v4+s12+$0x0] =	vst.idx.msk $0xffff, v32;
	v4 =	vld.idx.msk [tilespmem:v23+s1+$0x0], $0xffff  }
0x45a: {  	[tilespmem:v7+s12+$0x0] =	vst.idx.msk $0xffff, v33  }
0x45b: {  	v7 =	vld.idx.msk [tilespmem:v14+s1+$0x0], $0xffff;
	[tilespmem:v12+s12+$0x0] =	vst.idx.msk $0xffff, v9  }
0x45c: {  	[tilespmem:v13+s12+$0x0] =	vst.idx.msk $0xffff, v10;
	v8 =	vld.idx.msk [tilespmem:v8+s1+$0x0], $0xffff  }
0x45d: {  	[tilespmem:v15+s12+$0x0] =	vst.idx.msk $0xffff, v1;
	v1 =	vld.idx.msk [tilespmem:v16+s1+$0x0], $0xffff  }
0x45e: {  	v9 =	vld.idx.msk [tilespmem:v19+s1+$0x0], $0xffff;
	[tilespmem:v27+s12+$0x0] =	vst.idx.msk $0xffff, v4  }
0x45f: {  	[tilespmem:v5+s12+$0x0] =	vst.idx.msk $0xffff, v31;
	v4 =	vld.idx.msk [tilespmem:v29+s1+$0x0], $0xffff  }
0x460: {  	[tilespmem:v6+s12+$0x0] =	vst.idx.msk $0xffff, v7  }
0x461: {  	[tilespmem:v22+s12+$0x0] =	vst.idx.msk $0xffff, v8  }
0x462: {  	[tilespmem:v0+s12+$0x0] =	vst.idx.msk $0xffff, v1  }
0x463: {  	[tilespmem:v25+s12+$0x0] =	vst.idx.msk $0xffff, v9  }
0x464: {  	[tilespmem:v26+s12+$0x0] =	vst.idx.msk $0xffff, v4  }
0x465: {  	s18 =	simm.s32 $0x0;
	s19 =	rddreg [dreg:$0x10]  }
0x466: {  	[hbm4b:s19+s18] =	stream.linear.scatter [tilespmem:s12], [sflag:$0x2], $0x2000, $0x38;
	[tilespmem:$0x1EA80] =	vst v63  }
0x467: {  	s24 =	rddreg [dreg:$0x11]  }
0x468: {  	[hbm4b:s24+s18] =	stream.linear.scatter [tilespmem:s11], [sflag:$0x4], $0x2000, $0x38;
	[tilespmem:$0x1EA80] =	vst v63  }
0x469: {  	_ =	swait.ge [sflag:s16], $0x2000  }
0x46a: {  	[sflag:s16] =	ssyncset.done $0x0  }
0x46b: {  	[sflag:s16] =	ssyncadd.s32 $0xFFFFE000  }
0x46c: {  	s25 =	sand.u32 $0x780, s18;
	s20 =	sand.u32 $0x40, s18;
	_ =	swait.ge [sflag:s9], $0x2000  }
0x46d: {  	s21 =	sor.u32 $0x30, s20;
	s19 =	sadd.s32 $0x12280, s25;
	[sflag:s9] =	ssyncset.done $0x0  }
0x46e: {  	s22 =	sor.u32 s21, s19;
	[sflag:s9] =	ssyncadd.s32 $0xFFFFE000  }
0x46f: {  	s23 =	sor.u32 $0x10, s20;
	s24 =	sor.u32 s20, s19;
	v0 =	vld [tilespmem:s22+$0x0]  }
0x470: {  	s25 =	sor.u32 $0x20, s20;
	s26 =	sor.u32 s23, s19;
	v1 =	vld [tilespmem:s24+$0x0]  }
0x471: {  	s19 =	sor.u32 s25, s19;
	v13 =	vld [tilespmem:s26+$0x0]  }
0x472: {  	v14 =	vld [tilespmem:s19+$0x0];
	_ =	sdelay $0x2  }
0x473: {  	s18 =	sand.u32 $0x1E00, s18  }
0x474: {  	s28 =	sor.u32 s18, s21  }
0x475: {  	s20 =	sor.u32 s20, s18;
	v9 =	vor.u32 s28, v52;
	v4 =	vld.idx.msk [tilespmem:v0+s1+$0x0], $0xffff  }
0x476: {  	s29 =	sor.u32 s18, s23;
	v10 =	vor.u32 s20, v52;
	v6 =	vadd.s32 $0x2710, v0;
	v5 =	vld.idx.msk [tilespmem:v1+s1+$0x0], $0xffff  }
0x477: {  	s18 =	sor.u32 s18, s25;
	v11 =	vor.u32 s29, v52;
	v7 =	vadd.s32 $0x2710, v1;
	v8 =	vld.idx.msk [tilespmem:v13+s1+$0x0], $0xffff  }
0x478: {  	v15 =	vor.u32 s18, v52;
	v12 =	vadd.s32 $0x2710, v13;
	v16 =	vld.idx.msk [tilespmem:v14+s1+$0x0], $0xffff  }
0x479: {  	v17 =	vadd.s32 $0x2710, v14  }
0x47a: {  	[tilespmem:v9+s13+$0x0] =	vst.idx.msk $0xffff, v4  }
0x47b: {  	v18 =	vor.u32 s28, v2;
	s22 =	simm.s32 $0x40;
	[tilespmem:v10+s13+$0x0] =	vst.idx.msk $0xffff, v5;
	v6 =	vld.idx.msk [tilespmem:v6+s1+$0x0], $0xffff  }
0x47c: {  	v19 =	vor.u32 s20, v2;
	s23 =	sand.u32 $0x780, s22;
	[tilespmem:v11+s13+$0x0] =	vst.idx.msk $0xffff, v8;
	v5 =	vld.idx.msk [tilespmem:v7+s1+$0x0], $0xffff;
	v7 =	vadd.s32 $0x4E20, v0  }
0x47d: {  	v21 =	vor.u32 s29, v2;
	s19 =	sand.u32 $0x40, s22;
	s22 =	sadd.s32 $0x12280, s23;
	v8 =	vadd.s32 $0x4E20, v1;
	[tilespmem:v15+s13+$0x0] =	vst.idx.msk $0xffff, v16;
	v12 =	vld.idx.msk [tilespmem:v12+s1+$0x0], $0xffff  }
0x47e: {  	v23 =	vor.u32 s28, v3;
	s21 =	sor.u32 $0x20, s19;
	s28 =	sor.u32 s19, s22;
	v16 =	vadd.s32 $0x4E20, v13;
	v4 =	vor.u32 s18, v2;
	v17 =	vld.idx.msk [tilespmem:v17+s1+$0x0], $0xffff  }
0x47f: {  	s25 =	sor.u32 s21, s22;
	v26 =	vld [tilespmem:s28+$0x0];
	v20 =	vadd.s32 $0x4E20, v14  }
0x480: {  	v59 =	vld [tilespmem:s25+$0x0];
	[tilespmem:v18+s13+$0x0] =	vst.idx.msk $0xffff, v6  }
0x481: {  	[tilespmem:v19+s13+$0x0] =	vst.idx.msk $0xffff, v5;
	v22 =	vld.idx.msk [tilespmem:v7+s1+$0x0], $0xffff  }
0x482: {  	[tilespmem:v21+s13+$0x0] =	vst.idx.msk $0xffff, v12;
	v24 =	vld.idx.msk [tilespmem:v8+s1+$0x0], $0xffff  }
0x483: {  	s24 =	sor.u32 $0x30, s19;
	v12 =	vadd.s32 $0x7530, v0;
	[tilespmem:v4+s13+$0x0] =	vst.idx.msk $0xffff, v17;
	v16 =	vld.idx.msk [tilespmem:v16+s1+$0x0], $0xffff;
	v7 =	vor.u32 s20, v3  }
0x484: {  	s26 =	sor.u32 s24, s22;
	v5 =	vor.u32 s29, v3;
	v17 =	vld.idx.msk [tilespmem:v20+s1+$0x0], $0xffff;
	v20 =	vadd.s32 $0x7530, v1  }
0x485: {  	s29 =	sor.u32 $0x10, s19;
	v8 =	vld [tilespmem:s26+$0x0]  }
0x486: {  	v25 =	vadd.s32 $0x7530, v13;
	s20 =	sor.u32 s29, s22  }
0x487: {  	v6 =	vor.u32 s18, v3;
	v29 =	vld [tilespmem:s20+$0x0];
	[tilespmem:v23+s13+$0x0] =	vst.idx.msk $0xffff, v22  }
0x488: {  	[tilespmem:v7+s13+$0x0] =	vst.idx.msk $0xffff, v24;
	v12 =	vld.idx.msk [tilespmem:v12+s1+$0x0], $0xffff  }
0x489: {  	s18 =	simm.s32 $0x100;
	v22 =	vadd.s32 $0x7530, v14;
	[tilespmem:v5+s13+$0x0] =	vst.idx.msk $0xffff, v16;
	v16 =	vld.idx.msk [tilespmem:v20+s1+$0x0], $0xffff  }
0x48a: {  	v28 =	vld.idx.msk [tilespmem:v26+s1+$0x0], $0xffff;
	s26 =	sand.u32 $0x1E00, s18  }
0x48b: {  	s19 =	sor.u32 s19, s26;
	v24 =	vadd.s32 $0x9C40, v0;
	v20 =	vld.idx.msk [tilespmem:v25+s1+$0x0], $0xffff  }
0x48c: {  	v60 =	vld.idx.msk [tilespmem:v59+s1+$0x0], $0xffff;
	s28 =	sor.u32 s26, s24;
	[tilespmem:v6+s13+$0x0] =	vst.idx.msk $0xffff, v17;
	v17 =	vor.u32 s19, v52;
	v25 =	vadd.s32 $0x9C40, v1  }
0x48d: {  	v27 =	vld.idx.msk [tilespmem:v8+s1+$0x0], $0xffff;
	[tilespmem:v9+s14+$0x0] =	vst.idx.msk $0xffff, v12;
	v12 =	vadd.s32 $0x9C40, v13;
	v9 =	vor.u32 s28, v52  }
0x48e: {  	s29 =	sor.u32 s26, s29;
	v22 =	vld.idx.msk [tilespmem:v22+s1+$0x0], $0xffff;
	[tilespmem:v10+s14+$0x0] =	vst.idx.msk $0xffff, v16;
	v16 =	vadd.s32 $0x2710, v26  }
0x48f: {  	s21 =	sor.u32 s26, s21;
	v30 =	vadd.s32 $0x2710, v8;
	v31 =	vld.idx.msk [tilespmem:v29+s1+$0x0], $0xffff;
	v10 =	vor.u32 s29, v52  }
0x490: {  	v61 =	vadd.s32 $0x9C40, v14;
	[tilespmem:v11+s14+$0x0] =	vst.idx.msk $0xffff, v20;
	v11 =	vor.u32 s21, v52;
	v24 =	vld.idx.msk [tilespmem:v24+s1+$0x0], $0xffff  }
0x491: {  	[tilespmem:v17+s13+$0x0] =	vst.idx.msk $0xffff, v28;
	v20 =	vadd.s32 $0x2710, v29;
	v25 =	vld.idx.msk [tilespmem:v25+s1+$0x0], $0xffff  }
0x492: {  	v0 =	vadd.s32 $0xC350, v0;
	[tilespmem:v9+s13+$0x0] =	vst.idx.msk $0xffff, v27;
	v27 =	vld.idx.msk [tilespmem:v12+s1+$0x0], $0xffff  }
0x493: {  	[tilespmem:v15+s14+$0x0] =	vst.idx.msk $0xffff, v22;
	v22 =	vadd.s32 $0x2710, v59;
	v38 =	vld.idx.msk [tilespmem:v16+s1+$0x0], $0xffff  }
0x494: {  	v1 =	vadd.s32 $0xC350, v1;
	v12 =	vor.u32 s28, v2;
	[tilespmem:v10+s13+$0x0] =	vst.idx.msk $0xffff, v31;
	v30 =	vld.idx.msk [tilespmem:v30+s1+$0x0], $0xffff  }
0x495: {  	v63 =	vadd.s32 $0xC350, v13;
	v13 =	vor.u32 s19, v2;
	[tilespmem:v11+s13+$0x0] =	vst.idx.msk $0xffff, v60;
	v32 =	vld.idx.msk [tilespmem:v61+s1+$0x0], $0xffff  }
0x496: {  	v41 =	vadd.s32 $0x4E20, v26;
	v15 =	vor.u32 s29, v2;
	[tilespmem:v18+s14+$0x0] =	vst.idx.msk $0xffff, v24;
	v39 =	vld.idx.msk [tilespmem:v20+s1+$0x0], $0xffff  }
0x497: {  	v14 =	vadd.s32 $0xC350, v14;
	v40 =	vadd.s32 $0x4E20, v8;
	v28 =	vadd.s32 $0x4E20, v29;
	[tilespmem:v19+s14+$0x0] =	vst.idx.msk $0xffff, v25;
	v62 =	vld.idx.msk [tilespmem:v0+s1+$0x0], $0xffff  }
0x498: {  	v16 =	vadd.s32 $0xC350, v26;
	v20 =	vadd.s32 $0x7530, v26;
	v34 =	vld.idx.msk [tilespmem:v22+s1+$0x0], $0xffff;
	[tilespmem:v21+s14+$0x0] =	vst.idx.msk $0xffff, v27;
	v27 =	vor.u32 s21, v2  }
0x499: {  	v18 =	vadd.s32 $0x9C40, v26;
	v24 =	vadd.s32 $0x7530, v29;
	v33 =	vld.idx.msk [tilespmem:v1+s1+$0x0], $0xffff;
	[tilespmem:v12+s13+$0x0] =	vst.idx.msk $0xffff, v30;
	v30 =	vadd.s32 $0x4E20, v59  }
0x49a: {  	v25 =	vor.u32 s29, v3;
	v26 =	vor.u32 s21, v3;
	v19 =	vadd.s32 $0xC350, v29;
	[tilespmem:v13+s13+$0x0] =	vst.idx.msk $0xffff, v38;
	v31 =	vld.idx.msk [tilespmem:v63+s1+$0x0], $0xffff  }
0x49b: {  	v0 =	vor.u32 s19, v3;
	v1 =	vadd.s32 $0x7530, v59;
	v22 =	vor.u32 s28, v3;
	v36 =	vld.idx.msk [tilespmem:v41+s1+$0x0], $0xffff;
	[tilespmem:v15+s13+$0x0] =	vst.idx.msk $0xffff, v39  }
0x49c: {  	s20 =	simm.s32 $0x80;
	s19 =	simm.s32 $0x4;
	v21 =	vadd.s32 $0x9C40, v29;
	v29 =	vadd.s32 $0xC350, v59;
	[tilespmem:v23+s14+$0x0] =	vst.idx.msk $0xffff, v62;
	v35 =	vld.idx.msk [tilespmem:v40+s1+$0x0], $0xffff;
	v23 =	vadd.s32 $0x9C40, v59  }
.LBB2_20:
0x49d: {  	s21 =	sand.u32 $0x780, s20;
	s22 =	sand.u32 $0x40, s20;
	v28 =	vld.idx.msk [tilespmem:v28+s1+$0x0], $0xffff;
	[tilespmem:v27+s13+$0x0] =	vst.idx.msk $0xffff, v34;
	v34 =	vadd.s32 $0x7530, v8  }
0x49e: {  	s19 =	sadd.s32 $0x4, s19;
	s21 =	sadd.s32 $0x12280, s21;
	s23 =	sor.u32 $0x30, s22;
	v30 =	vld.idx.msk [tilespmem:v30+s1+$0x0], $0xffff;
	[tilespmem:v4+s14+$0x0] =	vst.idx.msk $0xffff, v32;
	v4 =	vmov v27  }
0x49f: {  	s24 =	sor.u32 $0x10, s22;
	p0 =	slt.u32 s19, $0x7C;
	s25 =	sor.u32 s23, s21;
	[tilespmem:v7+s14+$0x0] =	vst.idx.msk $0xffff, v33;
	v27 =	vld.idx.msk [tilespmem:v14+s1+$0x0], $0xffff;
	v7 =	vmov v0;
	v14 =	vmov v29  }
0x4a0: {  	s29 =	sor.u32 $0x20, s22;
	s26 =	sor.u32 s22, s21;
	s28 =	sor.u32 s24, s21;
	v29 =	vld [tilespmem:s25+$0x0];
	[tilespmem:v5+s14+$0x0] =	vst.idx.msk $0xffff, v31;
	v5 =	vmov v25  }
0x4a1: {  	s21 =	sor.u32 s29, s21;
	v31 =	vld [tilespmem:s26+$0x0];
	[tilespmem:v22+s13+$0x0] =	vst.idx.msk $0xffff, v35  }
0x4a2: {  	[tilespmem:v0+s13+$0x0] =	vst.idx.msk $0xffff, v36;
	v0 =	vld.idx.msk [tilespmem:v34+s1+$0x0], $0xffff  }
0x4a3: {  	v32 =	vld [tilespmem:s28+$0x0];
	[tilespmem:v25+s13+$0x0] =	vst.idx.msk $0xffff, v28  }
0x4a4: {  	v25 =	vadd.s32 $0x9C40, v8;
	v33 =	vld [tilespmem:s21+$0x0];
	[tilespmem:v26+s13+$0x0] =	vst.idx.msk $0xffff, v30  }
0x4a5: {  	v30 =	vld.idx.msk [tilespmem:v20+s1+$0x0], $0xffff;
	[tilespmem:v6+s14+$0x0] =	vst.idx.msk $0xffff, v27;
	v6 =	vmov v26  }
0x4a6: {  	s18 =	sadd.s32 $0x100, s18;
	v34 =	vadd.s32 $0x2710, v31;
	v36 =	vadd.s32 $0x4E20, v31;
	v20 =	vadd.s32 $0x7530, v31;
	v26 =	vld.idx.msk [tilespmem:v24+s1+$0x0], $0xffff  }
0x4a7: {  	s25 =	sand.u32 $0x1E00, s18;
	v35 =	vadd.s32 $0x9C40, v31;
	v37 =	vadd.s32 $0xC350, v31;
	v38 =	vld.idx.msk [tilespmem:v1+s1+$0x0], $0xffff  }
0x4a8: {  	s24 =	sor.u32 s25, s24;
	s26 =	sor.u32 s25, s29;
	s21 =	sor.u32 s25, s23;
	v39 =	vadd.s32 $0x2710, v32;
	v28 =	vadd.s32 $0x4E20, v32;
	v24 =	vadd.s32 $0x7530, v32;
	v40 =	vld.idx.msk [tilespmem:v29+s1+$0x0], $0xffff;
	[tilespmem:v9+s14+$0x0] =	vst.idx.msk $0xffff, v0  }
0x4a9: {  	s22 =	sor.u32 s22, s25;
	v41 =	vor.u32 s26, v52;
	v0 =	vor.u32 s24, v52;
	v9 =	vor.u32 s21, v52;
	v42 =	vld.idx.msk [tilespmem:v25+s1+$0x0], $0xffff  }
0x4aa: {  	v43 =	vor.u32 s22, v52;
	v45 =	vadd.s32 $0x2710, v29;
	v44 =	vadd.s32 $0x2710, v33;
	v31 =	vld.idx.msk [tilespmem:v31+s1+$0x0], $0xffff  }
0x4ab: {  	v48 =	vadd.s32 $0xC350, v8;
	v46 =	vor.u32 s24, v2;
	v27 =	vor.u32 s26, v2;
	v8 =	vmovc v29;
	v47 =	vld.idx.msk [tilespmem:v32+s1+$0x0], $0xffff;
	[tilespmem:v17+s14+$0x0] =	vst.idx.msk $0xffff, v30  }
0x4ac: {  	v49 =	vor.u32 s22, v2;
	v25 =	vor.u32 s24, v3;
	v30 =	vadd.s32 $0x4E20, v33;
	v50 =	vld.idx.msk [tilespmem:v33+s1+$0x0], $0xffff;
	[tilespmem:v10+s14+$0x0] =	vst.idx.msk $0xffff, v26;
	v10 =	vmovc v0  }
0x4ad: {  	v1 =	vadd.s32 $0x7530, v33;
	v0 =	vor.u32 s22, v3;
	v26 =	vor.u32 s26, v3;
	v51 =	vld.idx.msk [tilespmem:v18+s1+$0x0], $0xffff;
	[tilespmem:v11+s14+$0x0] =	vst.idx.msk $0xffff, v38;
	v18 =	vmovc v35  }
0x4ae: {  	v35 =	vadd.s32 $0xC350, v32;
	v38 =	vadd.s32 $0x9C40, v33;
	v11 =	vmovc v41;
	[tilespmem:v9+s13+$0x0] =	vst.idx.msk $0xffff, v40;
	v40 =	vld.idx.msk [tilespmem:v21+s1+$0x0], $0xffff;
	v21 =	vadd.s32 $0x9C40, v32  }
0x4af: {  	v29 =	vadd.s32 $0xC350, v33;
	v17 =	vmov v43;
	v33 =	vld.idx.msk [tilespmem:v45+s1+$0x0], $0xffff;
	[tilespmem:v12+s14+$0x0] =	vst.idx.msk $0xffff, v42  }
0x4b0: {  	v12 =	vor.u32 s21, v2;
	[tilespmem:v43+s13+$0x0] =	vst.idx.msk $0xffff, v31;
	v42 =	vld.idx.msk [tilespmem:v48+s1+$0x0], $0xffff  }
0x4b1: {  	v43 =	vld.idx.msk [tilespmem:v34+s1+$0x0], $0xffff;
	[tilespmem:v10+s13+$0x0] =	vst.idx.msk $0xffff, v47  }
0x4b2: {  	v39 =	vld.idx.msk [tilespmem:v39+s1+$0x0], $0xffff;
	[tilespmem:v41+s13+$0x0] =	vst.idx.msk $0xffff, v50;
	v41 =	vadd.s32 $0x4E20, v8  }
0x4b3: {  	v34 =	vld.idx.msk [tilespmem:v44+s1+$0x0], $0xffff;
	[tilespmem:v13+s14+$0x0] =	vst.idx.msk $0xffff, v51;
	v13 =	vmov v49  }
.Ltmp9:
0x4b4: {  	[tilespmem:v15+s14+$0x0] =	vst.idx.msk $0xffff, v40;
	v32 =	vld.idx.msk [tilespmem:v23+s1+$0x0], $0xffff;
	v15 =	vmov v46;
	v23 =	vmov v38;
	(pc) =	sbr.rel @p0 .LBB2_20-.Ltmp9, $4  }
0x4b5: {  	[tilespmem:v12+s13+$0x0] =	vst.idx.msk $0xffff, v33;
	v33 =	vld.idx.msk [tilespmem:v16+s1+$0x0], $0xffff;
	v16 =	vmov v37  }
0x4b6: {  	v31 =	vld.idx.msk [tilespmem:v19+s1+$0x0], $0xffff;
	[tilespmem:v22+s14+$0x0] =	vst.idx.msk $0xffff, v42;
	v19 =	vmov v35  }
0x4b7: {  	[tilespmem:v49+s13+$0x0] =	vst.idx.msk $0xffff, v43;
	v35 =	vld.idx.msk [tilespmem:v41+s1+$0x0], $0xffff  }
0x4b8: {  	s20 =	sadd.s32 $0x40, s20;
	v22 =	vor.u32 s21, v3;
	v36 =	vld.idx.msk [tilespmem:v36+s1+$0x0], $0xffff;
	[tilespmem:v46+s13+$0x0] =	vst.idx.msk $0xffff, v39  }
0x4b9: {  	_ =	sdelay $0x2  }
0x4ba: {  	v37 =	vadd.s32 $0x7530, v8  }
0x4bb: {  	v28 =	vld.idx.msk [tilespmem:v28+s1+$0x0], $0xffff;
	[tilespmem:v27+s13+$0x0] =	vst.idx.msk $0xffff, v34  }
0x4bc: {  	v30 =	vld.idx.msk [tilespmem:v30+s1+$0x0], $0xffff;
	_ =	sdelay $0x1  }
0x4bd: {  	[tilespmem:v22+s13+$0x0] =	vst.idx.msk $0xffff, v35  }
0x4be: {  	[tilespmem:v0+s13+$0x0] =	vst.idx.msk $0xffff, v36;
	v58 =	vld.idx.msk [tilespmem:v37+s1+$0x0], $0xffff  }
0x4bf: {  	[tilespmem:v25+s13+$0x0] =	vst.idx.msk $0xffff, v28;
	v28 =	vadd.s32 $0x9C40, v8;
	v20 =	vld.idx.msk [tilespmem:v20+s1+$0x0], $0xffff  }
0x4c0: {  	[tilespmem:v26+s13+$0x0] =	vst.idx.msk $0xffff, v30;
	v24 =	vld.idx.msk [tilespmem:v24+s1+$0x0], $0xffff  }
0x4c1: {  	v1 =	vld.idx.msk [tilespmem:v1+s1+$0x0], $0xffff;
	_ =	sdelay $0x1  }
0x4c2: {  	[tilespmem:v9+s14+$0x0] =	vst.idx.msk $0xffff, v58  }
0x4c3: {  	[tilespmem:v17+s14+$0x0] =	vst.idx.msk $0xffff, v20;
	v9 =	vld.idx.msk [tilespmem:v28+s1+$0x0], $0xffff  }
0x4c4: {  	v8 =	vadd.s32 $0xC350, v8;
	[tilespmem:v10+s14+$0x0] =	vst.idx.msk $0xffff, v24;
	v10 =	vld.idx.msk [tilespmem:v18+s1+$0x0], $0xffff  }
0x4c5: {  	[tilespmem:v11+s14+$0x0] =	vst.idx.msk $0xffff, v1;
	v1 =	vld.idx.msk [tilespmem:v21+s1+$0x0], $0xffff  }
0x4c6: {  	[tilespmem:v4+s14+$0x0] =	vst.idx.msk $0xffff, v32;
	v4 =	vld.idx.msk [tilespmem:v23+s1+$0x0], $0xffff  }
0x4c7: {  	[tilespmem:v7+s14+$0x0] =	vst.idx.msk $0xffff, v33  }
0x4c8: {  	v7 =	vld.idx.msk [tilespmem:v14+s1+$0x0], $0xffff;
	[tilespmem:v12+s14+$0x0] =	vst.idx.msk $0xffff, v9  }
0x4c9: {  	[tilespmem:v13+s14+$0x0] =	vst.idx.msk $0xffff, v10;
	v8 =	vld.idx.msk [tilespmem:v8+s1+$0x0], $0xffff  }
0x4ca: {  	[tilespmem:v15+s14+$0x0] =	vst.idx.msk $0xffff, v1;
	v1 =	vld.idx.msk [tilespmem:v16+s1+$0x0], $0xffff  }
0x4cb: {  	v9 =	vld.idx.msk [tilespmem:v19+s1+$0x0], $0xffff;
	[tilespmem:v27+s14+$0x0] =	vst.idx.msk $0xffff, v4  }
0x4cc: {  	[tilespmem:v5+s14+$0x0] =	vst.idx.msk $0xffff, v31;
	v4 =	vld.idx.msk [tilespmem:v29+s1+$0x0], $0xffff  }
0x4cd: {  	[tilespmem:v6+s14+$0x0] =	vst.idx.msk $0xffff, v7  }
0x4ce: {  	[tilespmem:v22+s14+$0x0] =	vst.idx.msk $0xffff, v8  }
0x4cf: {  	[tilespmem:v0+s14+$0x0] =	vst.idx.msk $0xffff, v1  }
0x4d0: {  	[tilespmem:v25+s14+$0x0] =	vst.idx.msk $0xffff, v9  }
0x4d1: {  	[tilespmem:v26+s14+$0x0] =	vst.idx.msk $0xffff, v4  }
0x4d2: {  	s18 =	simm.s32 $0x0;
	s19 =	rddreg [dreg:$0x12]  }
0x4d3: {  	[hbm4b:s19+s18] =	stream.linear.scatter [tilespmem:s14], [sflag:$0x3], $0x2000, $0x38;
	[tilespmem:$0x1EA80] =	vst v63  }
0x4d4: {  	s24 =	rddreg [dreg:$0x13]  }
0x4d5: {  	[hbm4b:s24+s18] =	stream.linear.scatter [tilespmem:s13], [sflag:$0x5], $0x2000, $0x38;
	[tilespmem:$0x1EA80] =	vst v63  }
0x4d6: {  	_ =	swait.ge [sflag:s15], $0x2000  }
0x4d7: {  	[sflag:s15] =	ssyncset.done $0x0  }
0x4d8: {  	[sflag:s15] =	ssyncadd.s32 $0xFFFFE000  }
0x4d9: {  	s25 =	sand.u32 $0x780, s18;
	s20 =	sand.u32 $0x40, s18;
	_ =	swait.ge [sflag:s8], $0x2000  }
0x4da: {  	s21 =	sor.u32 $0x30, s20;
	s19 =	sadd.s32 $0x12A80, s25;
	[sflag:s8] =	ssyncset.done $0x0  }
0x4db: {  	s22 =	sor.u32 s21, s19;
	[sflag:s8] =	ssyncadd.s32 $0xFFFFE000  }
0x4dc: {  	s23 =	sor.u32 $0x10, s20;
	s24 =	sor.u32 s20, s19;
	v0 =	vld [tilespmem:s22+$0x0]  }
0x4dd: {  	s25 =	sor.u32 $0x20, s20;
	s26 =	sor.u32 s23, s19;
	v1 =	vld [tilespmem:s24+$0x0]  }
0x4de: {  	s19 =	sor.u32 s25, s19;
	v13 =	vld [tilespmem:s26+$0x0]  }
0x4df: {  	v14 =	vld [tilespmem:s19+$0x0];
	_ =	sdelay $0x2  }
0x4e0: {  	s18 =	sand.u32 $0x1E00, s18  }
0x4e1: {  	s28 =	sor.u32 s18, s21  }
0x4e2: {  	s20 =	sor.u32 s20, s18;
	v9 =	vor.u32 s28, v52;
	v4 =	vld.idx.msk [tilespmem:v0+s1+$0x0], $0xffff  }
0x4e3: {  	s29 =	sor.u32 s18, s23;
	v10 =	vor.u32 s20, v52;
	v6 =	vadd.s32 $0x2710, v0;
	v5 =	vld.idx.msk [tilespmem:v1+s1+$0x0], $0xffff  }
0x4e4: {  	s18 =	sor.u32 s18, s25;
	v11 =	vor.u32 s29, v52;
	v7 =	vadd.s32 $0x2710, v1;
	v8 =	vld.idx.msk [tilespmem:v13+s1+$0x0], $0xffff  }
0x4e5: {  	v15 =	vor.u32 s18, v52;
	v12 =	vadd.s32 $0x2710, v13;
	v16 =	vld.idx.msk [tilespmem:v14+s1+$0x0], $0xffff  }
0x4e6: {  	v17 =	vadd.s32 $0x2710, v14  }
0x4e7: {  	[tilespmem:v9+s11+$0x0] =	vst.idx.msk $0xffff, v4  }
0x4e8: {  	v18 =	vor.u32 s28, v2;
	s22 =	simm.s32 $0x40;
	[tilespmem:v10+s11+$0x0] =	vst.idx.msk $0xffff, v5;
	v6 =	vld.idx.msk [tilespmem:v6+s1+$0x0], $0xffff  }
0x4e9: {  	v19 =	vor.u32 s20, v2;
	s23 =	sand.u32 $0x780, s22;
	[tilespmem:v11+s11+$0x0] =	vst.idx.msk $0xffff, v8;
	v5 =	vld.idx.msk [tilespmem:v7+s1+$0x0], $0xffff;
	v7 =	vadd.s32 $0x4E20, v0  }
0x4ea: {  	v21 =	vor.u32 s29, v2;
	s19 =	sand.u32 $0x40, s22;
	s22 =	sadd.s32 $0x12A80, s23;
	v8 =	vadd.s32 $0x4E20, v1;
	[tilespmem:v15+s11+$0x0] =	vst.idx.msk $0xffff, v16;
	v12 =	vld.idx.msk [tilespmem:v12+s1+$0x0], $0xffff  }
0x4eb: {  	v23 =	vor.u32 s28, v3;
	s21 =	sor.u32 $0x20, s19;
	s28 =	sor.u32 s19, s22;
	v16 =	vadd.s32 $0x4E20, v13;
	v4 =	vor.u32 s18, v2;
	v17 =	vld.idx.msk [tilespmem:v17+s1+$0x0], $0xffff  }
0x4ec: {  	s25 =	sor.u32 s21, s22;
	v26 =	vld [tilespmem:s28+$0x0];
	v20 =	vadd.s32 $0x4E20, v14  }
0x4ed: {  	v59 =	vld [tilespmem:s25+$0x0];
	[tilespmem:v18+s11+$0x0] =	vst.idx.msk $0xffff, v6  }
0x4ee: {  	[tilespmem:v19+s11+$0x0] =	vst.idx.msk $0xffff, v5;
	v22 =	vld.idx.msk [tilespmem:v7+s1+$0x0], $0xffff  }
0x4ef: {  	[tilespmem:v21+s11+$0x0] =	vst.idx.msk $0xffff, v12;
	v24 =	vld.idx.msk [tilespmem:v8+s1+$0x0], $0xffff  }
0x4f0: {  	s24 =	sor.u32 $0x30, s19;
	v12 =	vadd.s32 $0x7530, v0;
	[tilespmem:v4+s11+$0x0] =	vst.idx.msk $0xffff, v17;
	v16 =	vld.idx.msk [tilespmem:v16+s1+$0x0], $0xffff;
	v7 =	vor.u32 s20, v3  }
0x4f1: {  	s26 =	sor.u32 s24, s22;
	v5 =	vor.u32 s29, v3;
	v17 =	vld.idx.msk [tilespmem:v20+s1+$0x0], $0xffff;
	v20 =	vadd.s32 $0x7530, v1  }
0x4f2: {  	s29 =	sor.u32 $0x10, s19;
	v8 =	vld [tilespmem:s26+$0x0]  }
0x4f3: {  	v25 =	vadd.s32 $0x7530, v13;
	s20 =	sor.u32 s29, s22  }
0x4f4: {  	v6 =	vor.u32 s18, v3;
	v29 =	vld [tilespmem:s20+$0x0];
	[tilespmem:v23+s11+$0x0] =	vst.idx.msk $0xffff, v22  }
0x4f5: {  	[tilespmem:v7+s11+$0x0] =	vst.idx.msk $0xffff, v24;
	v12 =	vld.idx.msk [tilespmem:v12+s1+$0x0], $0xffff  }
0x4f6: {  	s18 =	simm.s32 $0x100;
	v22 =	vadd.s32 $0x7530, v14;
	[tilespmem:v5+s11+$0x0] =	vst.idx.msk $0xffff, v16;
	v16 =	vld.idx.msk [tilespmem:v20+s1+$0x0], $0xffff  }
0x4f7: {  	v28 =	vld.idx.msk [tilespmem:v26+s1+$0x0], $0xffff;
	s26 =	sand.u32 $0x1E00, s18  }
0x4f8: {  	s19 =	sor.u32 s19, s26;
	v24 =	vadd.s32 $0x9C40, v0;
	v20 =	vld.idx.msk [tilespmem:v25+s1+$0x0], $0xffff  }
0x4f9: {  	v60 =	vld.idx.msk [tilespmem:v59+s1+$0x0], $0xffff;
	s28 =	sor.u32 s26, s24;
	[tilespmem:v6+s11+$0x0] =	vst.idx.msk $0xffff, v17;
	v17 =	vor.u32 s19, v52;
	v25 =	vadd.s32 $0x9C40, v1  }
0x4fa: {  	v27 =	vld.idx.msk [tilespmem:v8+s1+$0x0], $0xffff;
	[tilespmem:v9+s12+$0x0] =	vst.idx.msk $0xffff, v12;
	v12 =	vadd.s32 $0x9C40, v13;
	v9 =	vor.u32 s28, v52  }
0x4fb: {  	s29 =	sor.u32 s26, s29;
	v22 =	vld.idx.msk [tilespmem:v22+s1+$0x0], $0xffff;
	[tilespmem:v10+s12+$0x0] =	vst.idx.msk $0xffff, v16;
	v16 =	vadd.s32 $0x2710, v26  }
0x4fc: {  	s21 =	sor.u32 s26, s21;
	v30 =	vadd.s32 $0x2710, v8;
	v31 =	vld.idx.msk [tilespmem:v29+s1+$0x0], $0xffff;
	v10 =	vor.u32 s29, v52  }
0x4fd: {  	v61 =	vadd.s32 $0x9C40, v14;
	[tilespmem:v11+s12+$0x0] =	vst.idx.msk $0xffff, v20;
	v11 =	vor.u32 s21, v52;
	v24 =	vld.idx.msk [tilespmem:v24+s1+$0x0], $0xffff  }
0x4fe: {  	[tilespmem:v17+s11+$0x0] =	vst.idx.msk $0xffff, v28;
	v20 =	vadd.s32 $0x2710, v29;
	v25 =	vld.idx.msk [tilespmem:v25+s1+$0x0], $0xffff  }
0x4ff: {  	v0 =	vadd.s32 $0xC350, v0;
	[tilespmem:v9+s11+$0x0] =	vst.idx.msk $0xffff, v27;
	v27 =	vld.idx.msk [tilespmem:v12+s1+$0x0], $0xffff  }
0x500: {  	[tilespmem:v15+s12+$0x0] =	vst.idx.msk $0xffff, v22;
	v22 =	vadd.s32 $0x2710, v59;
	v38 =	vld.idx.msk [tilespmem:v16+s1+$0x0], $0xffff  }
0x501: {  	v1 =	vadd.s32 $0xC350, v1;
	v12 =	vor.u32 s28, v2;
	[tilespmem:v10+s11+$0x0] =	vst.idx.msk $0xffff, v31;
	v30 =	vld.idx.msk [tilespmem:v30+s1+$0x0], $0xffff  }
0x502: {  	v63 =	vadd.s32 $0xC350, v13;
	v13 =	vor.u32 s19, v2;
	[tilespmem:v11+s11+$0x0] =	vst.idx.msk $0xffff, v60;
	v32 =	vld.idx.msk [tilespmem:v61+s1+$0x0], $0xffff  }
0x503: {  	v41 =	vadd.s32 $0x4E20, v26;
	v15 =	vor.u32 s29, v2;
	[tilespmem:v18+s12+$0x0] =	vst.idx.msk $0xffff, v24;
	v39 =	vld.idx.msk [tilespmem:v20+s1+$0x0], $0xffff  }
0x504: {  	v14 =	vadd.s32 $0xC350, v14;
	v40 =	vadd.s32 $0x4E20, v8;
	v28 =	vadd.s32 $0x4E20, v29;
	[tilespmem:v19+s12+$0x0] =	vst.idx.msk $0xffff, v25;
	v62 =	vld.idx.msk [tilespmem:v0+s1+$0x0], $0xffff  }
0x505: {  	v16 =	vadd.s32 $0xC350, v26;
	v20 =	vadd.s32 $0x7530, v26;
	v34 =	vld.idx.msk [tilespmem:v22+s1+$0x0], $0xffff;
	[tilespmem:v21+s12+$0x0] =	vst.idx.msk $0xffff, v27;
	v27 =	vor.u32 s21, v2  }
0x506: {  	v18 =	vadd.s32 $0x9C40, v26;
	v24 =	vadd.s32 $0x7530, v29;
	v33 =	vld.idx.msk [tilespmem:v1+s1+$0x0], $0xffff;
	[tilespmem:v12+s11+$0x0] =	vst.idx.msk $0xffff, v30;
	v30 =	vadd.s32 $0x4E20, v59  }
0x507: {  	v25 =	vor.u32 s29, v3;
	v26 =	vor.u32 s21, v3;
	v19 =	vadd.s32 $0xC350, v29;
	[tilespmem:v13+s11+$0x0] =	vst.idx.msk $0xffff, v38;
	v31 =	vld.idx.msk [tilespmem:v63+s1+$0x0], $0xffff  }
0x508: {  	v0 =	vor.u32 s19, v3;
	v1 =	vadd.s32 $0x7530, v59;
	v22 =	vor.u32 s28, v3;
	v36 =	vld.idx.msk [tilespmem:v41+s1+$0x0], $0xffff;
	[tilespmem:v15+s11+$0x0] =	vst.idx.msk $0xffff, v39  }
0x509: {  	s20 =	simm.s32 $0x80;
	s19 =	simm.s32 $0x4;
	v21 =	vadd.s32 $0x9C40, v29;
	v29 =	vadd.s32 $0xC350, v59;
	[tilespmem:v23+s12+$0x0] =	vst.idx.msk $0xffff, v62;
	v35 =	vld.idx.msk [tilespmem:v40+s1+$0x0], $0xffff;
	v23 =	vadd.s32 $0x9C40, v59  }
.LBB2_22:
0x50a: {  	s21 =	sand.u32 $0x780, s20;
	s22 =	sand.u32 $0x40, s20;
	v28 =	vld.idx.msk [tilespmem:v28+s1+$0x0], $0xffff;
	[tilespmem:v27+s11+$0x0] =	vst.idx.msk $0xffff, v34;
	v34 =	vadd.s32 $0x7530, v8  }
0x50b: {  	s19 =	sadd.s32 $0x4, s19;
	s21 =	sadd.s32 $0x12A80, s21;
	s23 =	sor.u32 $0x30, s22;
	v30 =	vld.idx.msk [tilespmem:v30+s1+$0x0], $0xffff;
	[tilespmem:v4+s12+$0x0] =	vst.idx.msk $0xffff, v32;
	v4 =	vmov v27  }
0x50c: {  	s24 =	sor.u32 $0x10, s22;
	p0 =	slt.u32 s19, $0x7C;
	s25 =	sor.u32 s23, s21;
	[tilespmem:v7+s12+$0x0] =	vst.idx.msk $0xffff, v33;
	v27 =	vld.idx.msk [tilespmem:v14+s1+$0x0], $0xffff;
	v7 =	vmov v0;
	v14 =	vmov v29  }
0x50d: {  	s29 =	sor.u32 $0x20, s22;
	s26 =	sor.u32 s22, s21;
	s28 =	sor.u32 s24, s21;
	v29 =	vld [tilespmem:s25+$0x0];
	[tilespmem:v5+s12+$0x0] =	vst.idx.msk $0xffff, v31;
	v5 =	vmov v25  }
0x50e: {  	s21 =	sor.u32 s29, s21;
	v31 =	vld [tilespmem:s26+$0x0];
	[tilespmem:v22+s11+$0x0] =	vst.idx.msk $0xffff, v35  }
0x50f: {  	[tilespmem:v0+s11+$0x0] =	vst.idx.msk $0xffff, v36;
	v0 =	vld.idx.msk [tilespmem:v34+s1+$0x0], $0xffff  }
0x510: {  	v32 =	vld [tilespmem:s28+$0x0];
	[tilespmem:v25+s11+$0x0] =	vst.idx.msk $0xffff, v28  }
0x511: {  	v25 =	vadd.s32 $0x9C40, v8;
	v33 =	vld [tilespmem:s21+$0x0];
	[tilespmem:v26+s11+$0x0] =	vst.idx.msk $0xffff, v30  }
0x512: {  	v30 =	vld.idx.msk [tilespmem:v20+s1+$0x0], $0xffff;
	[tilespmem:v6+s12+$0x0] =	vst.idx.msk $0xffff, v27;
	v6 =	vmov v26  }
0x513: {  	s18 =	sadd.s32 $0x100, s18;
	v34 =	vadd.s32 $0x2710, v31;
	v36 =	vadd.s32 $0x4E20, v31;
	v20 =	vadd.s32 $0x7530, v31;
	v26 =	vld.idx.msk [tilespmem:v24+s1+$0x0], $0xffff  }
0x514: {  	s25 =	sand.u32 $0x1E00, s18;
	v35 =	vadd.s32 $0x9C40, v31;
	v37 =	vadd.s32 $0xC350, v31;
	v38 =	vld.idx.msk [tilespmem:v1+s1+$0x0], $0xffff  }
0x515: {  	s24 =	sor.u32 s25, s24;
	s26 =	sor.u32 s25, s29;
	s21 =	sor.u32 s25, s23;
	v39 =	vadd.s32 $0x2710, v32;
	v28 =	vadd.s32 $0x4E20, v32;
	v24 =	vadd.s32 $0x7530, v32;
	v40 =	vld.idx.msk [tilespmem:v29+s1+$0x0], $0xffff;
	[tilespmem:v9+s12+$0x0] =	vst.idx.msk $0xffff, v0  }
0x516: {  	s22 =	sor.u32 s22, s25;
	v41 =	vor.u32 s26, v52;
	v0 =	vor.u32 s24, v52;
	v9 =	vor.u32 s21, v52;
	v42 =	vld.idx.msk [tilespmem:v25+s1+$0x0], $0xffff  }
0x517: {  	v43 =	vor.u32 s22, v52;
	v45 =	vadd.s32 $0x2710, v29;
	v44 =	vadd.s32 $0x2710, v33;
	v31 =	vld.idx.msk [tilespmem:v31+s1+$0x0], $0xffff  }
0x518: {  	v48 =	vadd.s32 $0xC350, v8;
	v46 =	vor.u32 s24, v2;
	v27 =	vor.u32 s26, v2;
	v8 =	vmovc v29;
	v47 =	vld.idx.msk [tilespmem:v32+s1+$0x0], $0xffff;
	[tilespmem:v17+s12+$0x0] =	vst.idx.msk $0xffff, v30  }
0x519: {  	v49 =	vor.u32 s22, v2;
	v25 =	vor.u32 s24, v3;
	v30 =	vadd.s32 $0x4E20, v33;
	v50 =	vld.idx.msk [tilespmem:v33+s1+$0x0], $0xffff;
	[tilespmem:v10+s12+$0x0] =	vst.idx.msk $0xffff, v26;
	v10 =	vmovc v0  }
0x51a: {  	v1 =	vadd.s32 $0x7530, v33;
	v0 =	vor.u32 s22, v3;
	v26 =	vor.u32 s26, v3;
	v51 =	vld.idx.msk [tilespmem:v18+s1+$0x0], $0xffff;
	[tilespmem:v11+s12+$0x0] =	vst.idx.msk $0xffff, v38;
	v18 =	vmovc v35  }
0x51b: {  	v35 =	vadd.s32 $0xC350, v32;
	v38 =	vadd.s32 $0x9C40, v33;
	v11 =	vmovc v41;
	[tilespmem:v9+s11+$0x0] =	vst.idx.msk $0xffff, v40;
	v40 =	vld.idx.msk [tilespmem:v21+s1+$0x0], $0xffff;
	v21 =	vadd.s32 $0x9C40, v32  }
0x51c: {  	v29 =	vadd.s32 $0xC350, v33;
	v17 =	vmov v43;
	v33 =	vld.idx.msk [tilespmem:v45+s1+$0x0], $0xffff;
	[tilespmem:v12+s12+$0x0] =	vst.idx.msk $0xffff, v42  }
0x51d: {  	v12 =	vor.u32 s21, v2;
	[tilespmem:v43+s11+$0x0] =	vst.idx.msk $0xffff, v31;
	v42 =	vld.idx.msk [tilespmem:v48+s1+$0x0], $0xffff  }
0x51e: {  	v43 =	vld.idx.msk [tilespmem:v34+s1+$0x0], $0xffff;
	[tilespmem:v10+s11+$0x0] =	vst.idx.msk $0xffff, v47  }
0x51f: {  	v39 =	vld.idx.msk [tilespmem:v39+s1+$0x0], $0xffff;
	[tilespmem:v41+s11+$0x0] =	vst.idx.msk $0xffff, v50;
	v41 =	vadd.s32 $0x4E20, v8  }
0x520: {  	v34 =	vld.idx.msk [tilespmem:v44+s1+$0x0], $0xffff;
	[tilespmem:v13+s12+$0x0] =	vst.idx.msk $0xffff, v51;
	v13 =	vmov v49  }
.Ltmp10:
0x521: {  	[tilespmem:v15+s12+$0x0] =	vst.idx.msk $0xffff, v40;
	v32 =	vld.idx.msk [tilespmem:v23+s1+$0x0], $0xffff;
	v15 =	vmov v46;
	v23 =	vmov v38;
	(pc) =	sbr.rel @p0 .LBB2_22-.Ltmp10, $4  }
0x522: {  	[tilespmem:v12+s11+$0x0] =	vst.idx.msk $0xffff, v33;
	v33 =	vld.idx.msk [tilespmem:v16+s1+$0x0], $0xffff;
	v16 =	vmov v37  }
0x523: {  	v31 =	vld.idx.msk [tilespmem:v19+s1+$0x0], $0xffff;
	[tilespmem:v22+s12+$0x0] =	vst.idx.msk $0xffff, v42;
	v19 =	vmov v35  }
0x524: {  	[tilespmem:v49+s11+$0x0] =	vst.idx.msk $0xffff, v43;
	v35 =	vld.idx.msk [tilespmem:v41+s1+$0x0], $0xffff  }
0x525: {  	s20 =	sadd.s32 $0x40, s20;
	v22 =	vor.u32 s21, v3;
	v36 =	vld.idx.msk [tilespmem:v36+s1+$0x0], $0xffff;
	[tilespmem:v46+s11+$0x0] =	vst.idx.msk $0xffff, v39  }
0x526: {  	_ =	sdelay $0x2  }
0x527: {  	v37 =	vadd.s32 $0x7530, v8  }
0x528: {  	v28 =	vld.idx.msk [tilespmem:v28+s1+$0x0], $0xffff;
	[tilespmem:v27+s11+$0x0] =	vst.idx.msk $0xffff, v34  }
0x529: {  	v30 =	vld.idx.msk [tilespmem:v30+s1+$0x0], $0xffff;
	_ =	sdelay $0x1  }
0x52a: {  	[tilespmem:v22+s11+$0x0] =	vst.idx.msk $0xffff, v35  }
0x52b: {  	[tilespmem:v0+s11+$0x0] =	vst.idx.msk $0xffff, v36;
	v58 =	vld.idx.msk [tilespmem:v37+s1+$0x0], $0xffff  }
0x52c: {  	[tilespmem:v25+s11+$0x0] =	vst.idx.msk $0xffff, v28;
	v28 =	vadd.s32 $0x9C40, v8;
	v20 =	vld.idx.msk [tilespmem:v20+s1+$0x0], $0xffff  }
0x52d: {  	[tilespmem:v26+s11+$0x0] =	vst.idx.msk $0xffff, v30;
	v24 =	vld.idx.msk [tilespmem:v24+s1+$0x0], $0xffff  }
0x52e: {  	v1 =	vld.idx.msk [tilespmem:v1+s1+$0x0], $0xffff;
	_ =	sdelay $0x1  }
0x52f: {  	[tilespmem:v9+s12+$0x0] =	vst.idx.msk $0xffff, v58  }
0x530: {  	[tilespmem:v17+s12+$0x0] =	vst.idx.msk $0xffff, v20;
	v9 =	vld.idx.msk [tilespmem:v28+s1+$0x0], $0xffff  }
0x531: {  	v8 =	vadd.s32 $0xC350, v8;
	[tilespmem:v10+s12+$0x0] =	vst.idx.msk $0xffff, v24;
	v10 =	vld.idx.msk [tilespmem:v18+s1+$0x0], $0xffff  }
0x532: {  	[tilespmem:v11+s12+$0x0] =	vst.idx.msk $0xffff, v1;
	v1 =	vld.idx.msk [tilespmem:v21+s1+$0x0], $0xffff  }
0x533: {  	[tilespmem:v4+s12+$0x0] =	vst.idx.msk $0xffff, v32;
	v4 =	vld.idx.msk [tilespmem:v23+s1+$0x0], $0xffff  }
0x534: {  	[tilespmem:v7+s12+$0x0] =	vst.idx.msk $0xffff, v33  }
0x535: {  	v7 =	vld.idx.msk [tilespmem:v14+s1+$0x0], $0xffff;
	[tilespmem:v12+s12+$0x0] =	vst.idx.msk $0xffff, v9  }
0x536: {  	[tilespmem:v13+s12+$0x0] =	vst.idx.msk $0xffff, v10;
	v8 =	vld.idx.msk [tilespmem:v8+s1+$0x0], $0xffff  }
0x537: {  	[tilespmem:v15+s12+$0x0] =	vst.idx.msk $0xffff, v1;
	v1 =	vld.idx.msk [tilespmem:v16+s1+$0x0], $0xffff  }
0x538: {  	v9 =	vld.idx.msk [tilespmem:v19+s1+$0x0], $0xffff;
	[tilespmem:v27+s12+$0x0] =	vst.idx.msk $0xffff, v4  }
0x539: {  	[tilespmem:v5+s12+$0x0] =	vst.idx.msk $0xffff, v31;
	v4 =	vld.idx.msk [tilespmem:v29+s1+$0x0], $0xffff  }
0x53a: {  	[tilespmem:v6+s12+$0x0] =	vst.idx.msk $0xffff, v7  }
0x53b: {  	[tilespmem:v22+s12+$0x0] =	vst.idx.msk $0xffff, v8  }
0x53c: {  	[tilespmem:v0+s12+$0x0] =	vst.idx.msk $0xffff, v1  }
0x53d: {  	[tilespmem:v25+s12+$0x0] =	vst.idx.msk $0xffff, v9  }
0x53e: {  	[tilespmem:v26+s12+$0x0] =	vst.idx.msk $0xffff, v4  }
0x53f: {  	s18 =	simm.s32 $0x0;
	s19 =	rddreg [dreg:$0x14]  }
0x540: {  	[hbm4b:s19+s18] =	stream.linear.scatter [tilespmem:s12], [sflag:$0x2], $0x2000, $0x38;
	[tilespmem:$0x1EA80] =	vst v63  }
0x541: {  	s24 =	rddreg [dreg:$0x15]  }
0x542: {  	[hbm4b:s24+s18] =	stream.linear.scatter [tilespmem:s11], [sflag:$0x4], $0x2000, $0x38;
	[tilespmem:$0x1EA80] =	vst v63  }
0x543: {  	_ =	swait.ge [sflag:s16], $0x2000  }
0x544: {  	[sflag:s16] =	ssyncset.done $0x0  }
0x545: {  	[sflag:s16] =	ssyncadd.s32 $0xFFFFE000  }
0x546: {  	s25 =	sand.u32 $0x780, s18;
	s20 =	sand.u32 $0x40, s18;
	_ =	swait.ge [sflag:s9], $0x2000  }
0x547: {  	s21 =	sor.u32 $0x30, s20;
	s19 =	sadd.s32 $0x13280, s25;
	[sflag:s9] =	ssyncset.done $0x0  }
0x548: {  	s22 =	sor.u32 s21, s19;
	[sflag:s9] =	ssyncadd.s32 $0xFFFFE000  }
0x549: {  	s23 =	sor.u32 $0x10, s20;
	s24 =	sor.u32 s20, s19;
	v0 =	vld [tilespmem:s22+$0x0]  }
0x54a: {  	s25 =	sor.u32 $0x20, s20;
	s26 =	sor.u32 s23, s19;
	v1 =	vld [tilespmem:s24+$0x0]  }
0x54b: {  	s19 =	sor.u32 s25, s19;
	v13 =	vld [tilespmem:s26+$0x0]  }
0x54c: {  	v14 =	vld [tilespmem:s19+$0x0];
	_ =	sdelay $0x2  }
0x54d: {  	s18 =	sand.u32 $0x1E00, s18  }
0x54e: {  	s28 =	sor.u32 s18, s21  }
0x54f: {  	s20 =	sor.u32 s20, s18;
	v9 =	vor.u32 s28, v52;
	v4 =	vld.idx.msk [tilespmem:v0+s1+$0x0], $0xffff  }
0x550: {  	s29 =	sor.u32 s18, s23;
	v10 =	vor.u32 s20, v52;
	v6 =	vadd.s32 $0x2710, v0;
	v5 =	vld.idx.msk [tilespmem:v1+s1+$0x0], $0xffff  }
0x551: {  	s18 =	sor.u32 s18, s25;
	v11 =	vor.u32 s29, v52;
	v7 =	vadd.s32 $0x2710, v1;
	v8 =	vld.idx.msk [tilespmem:v13+s1+$0x0], $0xffff  }
0x552: {  	v15 =	vor.u32 s18, v52;
	v12 =	vadd.s32 $0x2710, v13;
	v16 =	vld.idx.msk [tilespmem:v14+s1+$0x0], $0xffff  }
0x553: {  	v17 =	vadd.s32 $0x2710, v14  }
0x554: {  	[tilespmem:v9+s13+$0x0] =	vst.idx.msk $0xffff, v4  }
0x555: {  	v18 =	vor.u32 s28, v2;
	s22 =	simm.s32 $0x40;
	[tilespmem:v10+s13+$0x0] =	vst.idx.msk $0xffff, v5;
	v6 =	vld.idx.msk [tilespmem:v6+s1+$0x0], $0xffff  }
0x556: {  	v19 =	vor.u32 s20, v2;
	s23 =	sand.u32 $0x780, s22;
	[tilespmem:v11+s13+$0x0] =	vst.idx.msk $0xffff, v8;
	v5 =	vld.idx.msk [tilespmem:v7+s1+$0x0], $0xffff;
	v7 =	vadd.s32 $0x4E20, v0  }
0x557: {  	v21 =	vor.u32 s29, v2;
	s19 =	sand.u32 $0x40, s22;
	s22 =	sadd.s32 $0x13280, s23;
	v8 =	vadd.s32 $0x4E20, v1;
	[tilespmem:v15+s13+$0x0] =	vst.idx.msk $0xffff, v16;
	v12 =	vld.idx.msk [tilespmem:v12+s1+$0x0], $0xffff  }
0x558: {  	v23 =	vor.u32 s28, v3;
	s21 =	sor.u32 $0x20, s19;
	s28 =	sor.u32 s19, s22;
	v16 =	vadd.s32 $0x4E20, v13;
	v4 =	vor.u32 s18, v2;
	v17 =	vld.idx.msk [tilespmem:v17+s1+$0x0], $0xffff  }
0x559: {  	s25 =	sor.u32 s21, s22;
	v26 =	vld [tilespmem:s28+$0x0];
	v20 =	vadd.s32 $0x4E20, v14  }
0x55a: {  	v59 =	vld [tilespmem:s25+$0x0];
	[tilespmem:v18+s13+$0x0] =	vst.idx.msk $0xffff, v6  }
0x55b: {  	[tilespmem:v19+s13+$0x0] =	vst.idx.msk $0xffff, v5;
	v22 =	vld.idx.msk [tilespmem:v7+s1+$0x0], $0xffff  }
0x55c: {  	[tilespmem:v21+s13+$0x0] =	vst.idx.msk $0xffff, v12;
	v24 =	vld.idx.msk [tilespmem:v8+s1+$0x0], $0xffff  }
0x55d: {  	s24 =	sor.u32 $0x30, s19;
	v12 =	vadd.s32 $0x7530, v0;
	[tilespmem:v4+s13+$0x0] =	vst.idx.msk $0xffff, v17;
	v16 =	vld.idx.msk [tilespmem:v16+s1+$0x0], $0xffff;
	v7 =	vor.u32 s20, v3  }
0x55e: {  	s26 =	sor.u32 s24, s22;
	v5 =	vor.u32 s29, v3;
	v17 =	vld.idx.msk [tilespmem:v20+s1+$0x0], $0xffff;
	v20 =	vadd.s32 $0x7530, v1  }
0x55f: {  	s29 =	sor.u32 $0x10, s19;
	v8 =	vld [tilespmem:s26+$0x0]  }
0x560: {  	v25 =	vadd.s32 $0x7530, v13;
	s20 =	sor.u32 s29, s22  }
0x561: {  	v6 =	vor.u32 s18, v3;
	v29 =	vld [tilespmem:s20+$0x0];
	[tilespmem:v23+s13+$0x0] =	vst.idx.msk $0xffff, v22  }
0x562: {  	[tilespmem:v7+s13+$0x0] =	vst.idx.msk $0xffff, v24;
	v12 =	vld.idx.msk [tilespmem:v12+s1+$0x0], $0xffff  }
0x563: {  	s18 =	simm.s32 $0x100;
	v22 =	vadd.s32 $0x7530, v14;
	[tilespmem:v5+s13+$0x0] =	vst.idx.msk $0xffff, v16;
	v16 =	vld.idx.msk [tilespmem:v20+s1+$0x0], $0xffff  }
0x564: {  	v28 =	vld.idx.msk [tilespmem:v26+s1+$0x0], $0xffff;
	s26 =	sand.u32 $0x1E00, s18  }
0x565: {  	s19 =	sor.u32 s19, s26;
	v24 =	vadd.s32 $0x9C40, v0;
	v20 =	vld.idx.msk [tilespmem:v25+s1+$0x0], $0xffff  }
0x566: {  	v60 =	vld.idx.msk [tilespmem:v59+s1+$0x0], $0xffff;
	s28 =	sor.u32 s26, s24;
	[tilespmem:v6+s13+$0x0] =	vst.idx.msk $0xffff, v17;
	v17 =	vor.u32 s19, v52;
	v25 =	vadd.s32 $0x9C40, v1  }
0x567: {  	v27 =	vld.idx.msk [tilespmem:v8+s1+$0x0], $0xffff;
	[tilespmem:v9+s14+$0x0] =	vst.idx.msk $0xffff, v12;
	v12 =	vadd.s32 $0x9C40, v13;
	v9 =	vor.u32 s28, v52  }
0x568: {  	s29 =	sor.u32 s26, s29;
	v22 =	vld.idx.msk [tilespmem:v22+s1+$0x0], $0xffff;
	[tilespmem:v10+s14+$0x0] =	vst.idx.msk $0xffff, v16;
	v16 =	vadd.s32 $0x2710, v26  }
0x569: {  	s21 =	sor.u32 s26, s21;
	v30 =	vadd.s32 $0x2710, v8;
	v31 =	vld.idx.msk [tilespmem:v29+s1+$0x0], $0xffff;
	v10 =	vor.u32 s29, v52  }
0x56a: {  	v61 =	vadd.s32 $0x9C40, v14;
	[tilespmem:v11+s14+$0x0] =	vst.idx.msk $0xffff, v20;
	v11 =	vor.u32 s21, v52;
	v24 =	vld.idx.msk [tilespmem:v24+s1+$0x0], $0xffff  }
0x56b: {  	[tilespmem:v17+s13+$0x0] =	vst.idx.msk $0xffff, v28;
	v20 =	vadd.s32 $0x2710, v29;
	v25 =	vld.idx.msk [tilespmem:v25+s1+$0x0], $0xffff  }
0x56c: {  	v0 =	vadd.s32 $0xC350, v0;
	[tilespmem:v9+s13+$0x0] =	vst.idx.msk $0xffff, v27;
	v27 =	vld.idx.msk [tilespmem:v12+s1+$0x0], $0xffff  }
0x56d: {  	[tilespmem:v15+s14+$0x0] =	vst.idx.msk $0xffff, v22;
	v22 =	vadd.s32 $0x2710, v59;
	v38 =	vld.idx.msk [tilespmem:v16+s1+$0x0], $0xffff  }
0x56e: {  	v1 =	vadd.s32 $0xC350, v1;
	v12 =	vor.u32 s28, v2;
	[tilespmem:v10+s13+$0x0] =	vst.idx.msk $0xffff, v31;
	v30 =	vld.idx.msk [tilespmem:v30+s1+$0x0], $0xffff  }
0x56f: {  	v63 =	vadd.s32 $0xC350, v13;
	v13 =	vor.u32 s19, v2;
	[tilespmem:v11+s13+$0x0] =	vst.idx.msk $0xffff, v60;
	v32 =	vld.idx.msk [tilespmem:v61+s1+$0x0], $0xffff  }
0x570: {  	v41 =	vadd.s32 $0x4E20, v26;
	v15 =	vor.u32 s29, v2;
	[tilespmem:v18+s14+$0x0] =	vst.idx.msk $0xffff, v24;
	v39 =	vld.idx.msk [tilespmem:v20+s1+$0x0], $0xffff  }
0x571: {  	v14 =	vadd.s32 $0xC350, v14;
	v40 =	vadd.s32 $0x4E20, v8;
	v28 =	vadd.s32 $0x4E20, v29;
	[tilespmem:v19+s14+$0x0] =	vst.idx.msk $0xffff, v25;
	v62 =	vld.idx.msk [tilespmem:v0+s1+$0x0], $0xffff  }
0x572: {  	v16 =	vadd.s32 $0xC350, v26;
	v20 =	vadd.s32 $0x7530, v26;
	v34 =	vld.idx.msk [tilespmem:v22+s1+$0x0], $0xffff;
	[tilespmem:v21+s14+$0x0] =	vst.idx.msk $0xffff, v27;
	v27 =	vor.u32 s21, v2  }
0x573: {  	v18 =	vadd.s32 $0x9C40, v26;
	v24 =	vadd.s32 $0x7530, v29;
	v33 =	vld.idx.msk [tilespmem:v1+s1+$0x0], $0xffff;
	[tilespmem:v12+s13+$0x0] =	vst.idx.msk $0xffff, v30;
	v30 =	vadd.s32 $0x4E20, v59  }
0x574: {  	v25 =	vor.u32 s29, v3;
	v26 =	vor.u32 s21, v3;
	v19 =	vadd.s32 $0xC350, v29;
	[tilespmem:v13+s13+$0x0] =	vst.idx.msk $0xffff, v38;
	v31 =	vld.idx.msk [tilespmem:v63+s1+$0x0], $0xffff  }
0x575: {  	v0 =	vor.u32 s19, v3;
	v1 =	vadd.s32 $0x7530, v59;
	v22 =	vor.u32 s28, v3;
	v36 =	vld.idx.msk [tilespmem:v41+s1+$0x0], $0xffff;
	[tilespmem:v15+s13+$0x0] =	vst.idx.msk $0xffff, v39  }
0x576: {  	s20 =	simm.s32 $0x80;
	s19 =	simm.s32 $0x4;
	v21 =	vadd.s32 $0x9C40, v29;
	v29 =	vadd.s32 $0xC350, v59;
	[tilespmem:v23+s14+$0x0] =	vst.idx.msk $0xffff, v62;
	v35 =	vld.idx.msk [tilespmem:v40+s1+$0x0], $0xffff;
	v23 =	vadd.s32 $0x9C40, v59  }
.LBB2_24:
0x577: {  	s21 =	sand.u32 $0x780, s20;
	s22 =	sand.u32 $0x40, s20;
	v28 =	vld.idx.msk [tilespmem:v28+s1+$0x0], $0xffff;
	[tilespmem:v27+s13+$0x0] =	vst.idx.msk $0xffff, v34;
	v34 =	vadd.s32 $0x7530, v8  }
0x578: {  	s19 =	sadd.s32 $0x4, s19;
	s21 =	sadd.s32 $0x13280, s21;
	s23 =	sor.u32 $0x30, s22;
	v30 =	vld.idx.msk [tilespmem:v30+s1+$0x0], $0xffff;
	[tilespmem:v4+s14+$0x0] =	vst.idx.msk $0xffff, v32;
	v4 =	vmov v27  }
0x579: {  	s24 =	sor.u32 $0x10, s22;
	p0 =	slt.u32 s19, $0x7C;
	s25 =	sor.u32 s23, s21;
	[tilespmem:v7+s14+$0x0] =	vst.idx.msk $0xffff, v33;
	v27 =	vld.idx.msk [tilespmem:v14+s1+$0x0], $0xffff;
	v7 =	vmov v0;
	v14 =	vmov v29  }
0x57a: {  	s29 =	sor.u32 $0x20, s22;
	s26 =	sor.u32 s22, s21;
	s28 =	sor.u32 s24, s21;
	v29 =	vld [tilespmem:s25+$0x0];
	[tilespmem:v5+s14+$0x0] =	vst.idx.msk $0xffff, v31;
	v5 =	vmov v25  }
0x57b: {  	s21 =	sor.u32 s29, s21;
	v31 =	vld [tilespmem:s26+$0x0];
	[tilespmem:v22+s13+$0x0] =	vst.idx.msk $0xffff, v35  }
0x57c: {  	[tilespmem:v0+s13+$0x0] =	vst.idx.msk $0xffff, v36;
	v0 =	vld.idx.msk [tilespmem:v34+s1+$0x0], $0xffff  }
0x57d: {  	v32 =	vld [tilespmem:s28+$0x0];
	[tilespmem:v25+s13+$0x0] =	vst.idx.msk $0xffff, v28  }
0x57e: {  	v25 =	vadd.s32 $0x9C40, v8;
	v33 =	vld [tilespmem:s21+$0x0];
	[tilespmem:v26+s13+$0x0] =	vst.idx.msk $0xffff, v30  }
0x57f: {  	v30 =	vld.idx.msk [tilespmem:v20+s1+$0x0], $0xffff;
	[tilespmem:v6+s14+$0x0] =	vst.idx.msk $0xffff, v27;
	v6 =	vmov v26  }
0x580: {  	s18 =	sadd.s32 $0x100, s18;
	v34 =	vadd.s32 $0x2710, v31;
	v36 =	vadd.s32 $0x4E20, v31;
	v20 =	vadd.s32 $0x7530, v31;
	v26 =	vld.idx.msk [tilespmem:v24+s1+$0x0], $0xffff  }
0x581: {  	s25 =	sand.u32 $0x1E00, s18;
	v35 =	vadd.s32 $0x9C40, v31;
	v37 =	vadd.s32 $0xC350, v31;
	v38 =	vld.idx.msk [tilespmem:v1+s1+$0x0], $0xffff  }
0x582: {  	s24 =	sor.u32 s25, s24;
	s26 =	sor.u32 s25, s29;
	s21 =	sor.u32 s25, s23;
	v39 =	vadd.s32 $0x2710, v32;
	v28 =	vadd.s32 $0x4E20, v32;
	v24 =	vadd.s32 $0x7530, v32;
	v40 =	vld.idx.msk [tilespmem:v29+s1+$0x0], $0xffff;
	[tilespmem:v9+s14+$0x0] =	vst.idx.msk $0xffff, v0  }
0x583: {  	s22 =	sor.u32 s22, s25;
	v41 =	vor.u32 s26, v52;
	v0 =	vor.u32 s24, v52;
	v9 =	vor.u32 s21, v52;
	v42 =	vld.idx.msk [tilespmem:v25+s1+$0x0], $0xffff  }
0x584: {  	v43 =	vor.u32 s22, v52;
	v45 =	vadd.s32 $0x2710, v29;
	v44 =	vadd.s32 $0x2710, v33;
	v31 =	vld.idx.msk [tilespmem:v31+s1+$0x0], $0xffff  }
0x585: {  	v48 =	vadd.s32 $0xC350, v8;
	v46 =	vor.u32 s24, v2;
	v27 =	vor.u32 s26, v2;
	v8 =	vmovc v29;
	v47 =	vld.idx.msk [tilespmem:v32+s1+$0x0], $0xffff;
	[tilespmem:v17+s14+$0x0] =	vst.idx.msk $0xffff, v30  }
0x586: {  	v49 =	vor.u32 s22, v2;
	v25 =	vor.u32 s24, v3;
	v30 =	vadd.s32 $0x4E20, v33;
	v50 =	vld.idx.msk [tilespmem:v33+s1+$0x0], $0xffff;
	[tilespmem:v10+s14+$0x0] =	vst.idx.msk $0xffff, v26;
	v10 =	vmovc v0  }
0x587: {  	v1 =	vadd.s32 $0x7530, v33;
	v0 =	vor.u32 s22, v3;
	v26 =	vor.u32 s26, v3;
	v51 =	vld.idx.msk [tilespmem:v18+s1+$0x0], $0xffff;
	[tilespmem:v11+s14+$0x0] =	vst.idx.msk $0xffff, v38;
	v18 =	vmovc v35  }
0x588: {  	v35 =	vadd.s32 $0xC350, v32;
	v38 =	vadd.s32 $0x9C40, v33;
	v11 =	vmovc v41;
	[tilespmem:v9+s13+$0x0] =	vst.idx.msk $0xffff, v40;
	v40 =	vld.idx.msk [tilespmem:v21+s1+$0x0], $0xffff;
	v21 =	vadd.s32 $0x9C40, v32  }
0x589: {  	v29 =	vadd.s32 $0xC350, v33;
	v17 =	vmov v43;
	v33 =	vld.idx.msk [tilespmem:v45+s1+$0x0], $0xffff;
	[tilespmem:v12+s14+$0x0] =	vst.idx.msk $0xffff, v42  }
0x58a: {  	v12 =	vor.u32 s21, v2;
	[tilespmem:v43+s13+$0x0] =	vst.idx.msk $0xffff, v31;
	v42 =	vld.idx.msk [tilespmem:v48+s1+$0x0], $0xffff  }
0x58b: {  	v43 =	vld.idx.msk [tilespmem:v34+s1+$0x0], $0xffff;
	[tilespmem:v10+s13+$0x0] =	vst.idx.msk $0xffff, v47  }
0x58c: {  	v39 =	vld.idx.msk [tilespmem:v39+s1+$0x0], $0xffff;
	[tilespmem:v41+s13+$0x0] =	vst.idx.msk $0xffff, v50;
	v41 =	vadd.s32 $0x4E20, v8  }
0x58d: {  	v34 =	vld.idx.msk [tilespmem:v44+s1+$0x0], $0xffff;
	[tilespmem:v13+s14+$0x0] =	vst.idx.msk $0xffff, v51;
	v13 =	vmov v49  }
.Ltmp11:
0x58e: {  	[tilespmem:v15+s14+$0x0] =	vst.idx.msk $0xffff, v40;
	v32 =	vld.idx.msk [tilespmem:v23+s1+$0x0], $0xffff;
	v15 =	vmov v46;
	v23 =	vmov v38;
	(pc) =	sbr.rel @p0 .LBB2_24-.Ltmp11, $4  }
0x58f: {  	[tilespmem:v12+s13+$0x0] =	vst.idx.msk $0xffff, v33;
	v33 =	vld.idx.msk [tilespmem:v16+s1+$0x0], $0xffff;
	v16 =	vmov v37  }
0x590: {  	v31 =	vld.idx.msk [tilespmem:v19+s1+$0x0], $0xffff;
	[tilespmem:v22+s14+$0x0] =	vst.idx.msk $0xffff, v42;
	v19 =	vmov v35  }
0x591: {  	[tilespmem:v49+s13+$0x0] =	vst.idx.msk $0xffff, v43;
	v35 =	vld.idx.msk [tilespmem:v41+s1+$0x0], $0xffff  }
0x592: {  	s20 =	sadd.s32 $0x40, s20;
	v22 =	vor.u32 s21, v3;
	v36 =	vld.idx.msk [tilespmem:v36+s1+$0x0], $0xffff;
	[tilespmem:v46+s13+$0x0] =	vst.idx.msk $0xffff, v39  }
0x593: {  	_ =	sdelay $0x2  }
0x594: {  	v37 =	vadd.s32 $0x7530, v8  }
0x595: {  	v28 =	vld.idx.msk [tilespmem:v28+s1+$0x0], $0xffff;
	[tilespmem:v27+s13+$0x0] =	vst.idx.msk $0xffff, v34  }
0x596: {  	v30 =	vld.idx.msk [tilespmem:v30+s1+$0x0], $0xffff;
	_ =	sdelay $0x1  }
0x597: {  	[tilespmem:v22+s13+$0x0] =	vst.idx.msk $0xffff, v35  }
0x598: {  	[tilespmem:v0+s13+$0x0] =	vst.idx.msk $0xffff, v36;
	v58 =	vld.idx.msk [tilespmem:v37+s1+$0x0], $0xffff  }
0x599: {  	[tilespmem:v25+s13+$0x0] =	vst.idx.msk $0xffff, v28;
	v28 =	vadd.s32 $0x9C40, v8;
	v20 =	vld.idx.msk [tilespmem:v20+s1+$0x0], $0xffff  }
0x59a: {  	[tilespmem:v26+s13+$0x0] =	vst.idx.msk $0xffff, v30;
	v24 =	vld.idx.msk [tilespmem:v24+s1+$0x0], $0xffff  }
0x59b: {  	v1 =	vld.idx.msk [tilespmem:v1+s1+$0x0], $0xffff;
	_ =	sdelay $0x1  }
0x59c: {  	[tilespmem:v9+s14+$0x0] =	vst.idx.msk $0xffff, v58  }
0x59d: {  	[tilespmem:v17+s14+$0x0] =	vst.idx.msk $0xffff, v20;
	v9 =	vld.idx.msk [tilespmem:v28+s1+$0x0], $0xffff  }
0x59e: {  	v8 =	vadd.s32 $0xC350, v8;
	[tilespmem:v10+s14+$0x0] =	vst.idx.msk $0xffff, v24;
	v10 =	vld.idx.msk [tilespmem:v18+s1+$0x0], $0xffff  }
0x59f: {  	[tilespmem:v11+s14+$0x0] =	vst.idx.msk $0xffff, v1;
	v1 =	vld.idx.msk [tilespmem:v21+s1+$0x0], $0xffff  }
0x5a0: {  	[tilespmem:v4+s14+$0x0] =	vst.idx.msk $0xffff, v32;
	v4 =	vld.idx.msk [tilespmem:v23+s1+$0x0], $0xffff  }
0x5a1: {  	[tilespmem:v7+s14+$0x0] =	vst.idx.msk $0xffff, v33  }
0x5a2: {  	v7 =	vld.idx.msk [tilespmem:v14+s1+$0x0], $0xffff;
	[tilespmem:v12+s14+$0x0] =	vst.idx.msk $0xffff, v9  }
0x5a3: {  	[tilespmem:v13+s14+$0x0] =	vst.idx.msk $0xffff, v10;
	v8 =	vld.idx.msk [tilespmem:v8+s1+$0x0], $0xffff  }
0x5a4: {  	[tilespmem:v15+s14+$0x0] =	vst.idx.msk $0xffff, v1;
	v1 =	vld.idx.msk [tilespmem:v16+s1+$0x0], $0xffff  }
0x5a5: {  	v9 =	vld.idx.msk [tilespmem:v19+s1+$0x0], $0xffff;
	[tilespmem:v27+s14+$0x0] =	vst.idx.msk $0xffff, v4  }
0x5a6: {  	[tilespmem:v5+s14+$0x0] =	vst.idx.msk $0xffff, v31;
	v4 =	vld.idx.msk [tilespmem:v29+s1+$0x0], $0xffff  }
0x5a7: {  	[tilespmem:v6+s14+$0x0] =	vst.idx.msk $0xffff, v7  }
0x5a8: {  	[tilespmem:v22+s14+$0x0] =	vst.idx.msk $0xffff, v8  }
0x5a9: {  	[tilespmem:v0+s14+$0x0] =	vst.idx.msk $0xffff, v1  }
0x5aa: {  	[tilespmem:v25+s14+$0x0] =	vst.idx.msk $0xffff, v9  }
0x5ab: {  	[tilespmem:v26+s14+$0x0] =	vst.idx.msk $0xffff, v4  }
0x5ac: {  	s18 =	simm.s32 $0x0;
	s19 =	rddreg [dreg:$0x16]  }
0x5ad: {  	[hbm4b:s19+s18] =	stream.linear.scatter [tilespmem:s14], [sflag:$0x3], $0x2000, $0x38;
	[tilespmem:$0x1EA80] =	vst v63  }
0x5ae: {  	s24 =	rddreg [dreg:$0x17]  }
0x5af: {  	[hbm4b:s24+s18] =	stream.linear.scatter [tilespmem:s13], [sflag:$0x5], $0x2000, $0x38;
	[tilespmem:$0x1EA80] =	vst v63  }
0x5b0: {  	_ =	swait.ge [sflag:s15], $0x2000  }
0x5b1: {  	[sflag:s15] =	ssyncset.done $0x0  }
0x5b2: {  	[sflag:s15] =	ssyncadd.s32 $0xFFFFE000  }
0x5b3: {  	s25 =	sand.u32 $0x780, s18;
	s20 =	sand.u32 $0x40, s18;
	_ =	swait.ge [sflag:s8], $0x2000  }
0x5b4: {  	s21 =	sor.u32 $0x30, s20;
	s19 =	sadd.s32 $0x13A80, s25;
	[sflag:s8] =	ssyncset.done $0x0  }
0x5b5: {  	s22 =	sor.u32 s21, s19;
	[sflag:s8] =	ssyncadd.s32 $0xFFFFE000  }
0x5b6: {  	s23 =	sor.u32 $0x10, s20;
	s24 =	sor.u32 s20, s19;
	v0 =	vld [tilespmem:s22+$0x0]  }
0x5b7: {  	s25 =	sor.u32 $0x20, s20;
	s26 =	sor.u32 s23, s19;
	v1 =	vld [tilespmem:s24+$0x0]  }
0x5b8: {  	s19 =	sor.u32 s25, s19;
	v13 =	vld [tilespmem:s26+$0x0]  }
0x5b9: {  	v14 =	vld [tilespmem:s19+$0x0];
	_ =	sdelay $0x2  }
0x5ba: {  	s18 =	sand.u32 $0x1E00, s18  }
0x5bb: {  	s28 =	sor.u32 s18, s21  }
0x5bc: {  	s20 =	sor.u32 s20, s18;
	v9 =	vor.u32 s28, v52;
	v4 =	vld.idx.msk [tilespmem:v0+s1+$0x0], $0xffff  }
0x5bd: {  	s29 =	sor.u32 s18, s23;
	v10 =	vor.u32 s20, v52;
	v6 =	vadd.s32 $0x2710, v0;
	v5 =	vld.idx.msk [tilespmem:v1+s1+$0x0], $0xffff  }
0x5be: {  	s18 =	sor.u32 s18, s25;
	v11 =	vor.u32 s29, v52;
	v7 =	vadd.s32 $0x2710, v1;
	v8 =	vld.idx.msk [tilespmem:v13+s1+$0x0], $0xffff  }
0x5bf: {  	v15 =	vor.u32 s18, v52;
	v12 =	vadd.s32 $0x2710, v13;
	v16 =	vld.idx.msk [tilespmem:v14+s1+$0x0], $0xffff  }
0x5c0: {  	v17 =	vadd.s32 $0x2710, v14  }
0x5c1: {  	[tilespmem:v9+s11+$0x0] =	vst.idx.msk $0xffff, v4  }
0x5c2: {  	v18 =	vor.u32 s28, v2;
	s22 =	simm.s32 $0x40;
	[tilespmem:v10+s11+$0x0] =	vst.idx.msk $0xffff, v5;
	v6 =	vld.idx.msk [tilespmem:v6+s1+$0x0], $0xffff  }
0x5c3: {  	v19 =	vor.u32 s20, v2;
	s23 =	sand.u32 $0x780, s22;
	[tilespmem:v11+s11+$0x0] =	vst.idx.msk $0xffff, v8;
	v5 =	vld.idx.msk [tilespmem:v7+s1+$0x0], $0xffff;
	v7 =	vadd.s32 $0x4E20, v0  }
0x5c4: {  	v21 =	vor.u32 s29, v2;
	s19 =	sand.u32 $0x40, s22;
	s22 =	sadd.s32 $0x13A80, s23;
	v8 =	vadd.s32 $0x4E20, v1;
	[tilespmem:v15+s11+$0x0] =	vst.idx.msk $0xffff, v16;
	v12 =	vld.idx.msk [tilespmem:v12+s1+$0x0], $0xffff  }
0x5c5: {  	v23 =	vor.u32 s28, v3;
	s21 =	sor.u32 $0x20, s19;
	s28 =	sor.u32 s19, s22;
	v16 =	vadd.s32 $0x4E20, v13;
	v4 =	vor.u32 s18, v2;
	v17 =	vld.idx.msk [tilespmem:v17+s1+$0x0], $0xffff  }
0x5c6: {  	s25 =	sor.u32 s21, s22;
	v26 =	vld [tilespmem:s28+$0x0];
	v20 =	vadd.s32 $0x4E20, v14  }
0x5c7: {  	v59 =	vld [tilespmem:s25+$0x0];
	[tilespmem:v18+s11+$0x0] =	vst.idx.msk $0xffff, v6  }
0x5c8: {  	[tilespmem:v19+s11+$0x0] =	vst.idx.msk $0xffff, v5;
	v22 =	vld.idx.msk [tilespmem:v7+s1+$0x0], $0xffff  }
0x5c9: {  	[tilespmem:v21+s11+$0x0] =	vst.idx.msk $0xffff, v12;
	v24 =	vld.idx.msk [tilespmem:v8+s1+$0x0], $0xffff  }
0x5ca: {  	s24 =	sor.u32 $0x30, s19;
	v12 =	vadd.s32 $0x7530, v0;
	[tilespmem:v4+s11+$0x0] =	vst.idx.msk $0xffff, v17;
	v16 =	vld.idx.msk [tilespmem:v16+s1+$0x0], $0xffff;
	v7 =	vor.u32 s20, v3  }
0x5cb: {  	s26 =	sor.u32 s24, s22;
	v5 =	vor.u32 s29, v3;
	v17 =	vld.idx.msk [tilespmem:v20+s1+$0x0], $0xffff;
	v20 =	vadd.s32 $0x7530, v1  }
0x5cc: {  	s29 =	sor.u32 $0x10, s19;
	v8 =	vld [tilespmem:s26+$0x0]  }
0x5cd: {  	v25 =	vadd.s32 $0x7530, v13;
	s20 =	sor.u32 s29, s22  }
0x5ce: {  	v6 =	vor.u32 s18, v3;
	v29 =	vld [tilespmem:s20+$0x0];
	[tilespmem:v23+s11+$0x0] =	vst.idx.msk $0xffff, v22  }
0x5cf: {  	[tilespmem:v7+s11+$0x0] =	vst.idx.msk $0xffff, v24;
	v12 =	vld.idx.msk [tilespmem:v12+s1+$0x0], $0xffff  }
0x5d0: {  	s18 =	simm.s32 $0x100;
	v22 =	vadd.s32 $0x7530, v14;
	[tilespmem:v5+s11+$0x0] =	vst.idx.msk $0xffff, v16;
	v16 =	vld.idx.msk [tilespmem:v20+s1+$0x0], $0xffff  }
0x5d1: {  	v28 =	vld.idx.msk [tilespmem:v26+s1+$0x0], $0xffff;
	s26 =	sand.u32 $0x1E00, s18  }
0x5d2: {  	s19 =	sor.u32 s19, s26;
	v24 =	vadd.s32 $0x9C40, v0;
	v20 =	vld.idx.msk [tilespmem:v25+s1+$0x0], $0xffff  }
0x5d3: {  	v60 =	vld.idx.msk [tilespmem:v59+s1+$0x0], $0xffff;
	s28 =	sor.u32 s26, s24;
	[tilespmem:v6+s11+$0x0] =	vst.idx.msk $0xffff, v17;
	v17 =	vor.u32 s19, v52;
	v25 =	vadd.s32 $0x9C40, v1  }
0x5d4: {  	v27 =	vld.idx.msk [tilespmem:v8+s1+$0x0], $0xffff;
	[tilespmem:v9+s12+$0x0] =	vst.idx.msk $0xffff, v12;
	v12 =	vadd.s32 $0x9C40, v13;
	v9 =	vor.u32 s28, v52  }
0x5d5: {  	s29 =	sor.u32 s26, s29;
	v22 =	vld.idx.msk [tilespmem:v22+s1+$0x0], $0xffff;
	[tilespmem:v10+s12+$0x0] =	vst.idx.msk $0xffff, v16;
	v16 =	vadd.s32 $0x2710, v26  }
0x5d6: {  	s21 =	sor.u32 s26, s21;
	v30 =	vadd.s32 $0x2710, v8;
	v31 =	vld.idx.msk [tilespmem:v29+s1+$0x0], $0xffff;
	v10 =	vor.u32 s29, v52  }
0x5d7: {  	v61 =	vadd.s32 $0x9C40, v14;
	[tilespmem:v11+s12+$0x0] =	vst.idx.msk $0xffff, v20;
	v11 =	vor.u32 s21, v52;
	v24 =	vld.idx.msk [tilespmem:v24+s1+$0x0], $0xffff  }
0x5d8: {  	[tilespmem:v17+s11+$0x0] =	vst.idx.msk $0xffff, v28;
	v20 =	vadd.s32 $0x2710, v29;
	v25 =	vld.idx.msk [tilespmem:v25+s1+$0x0], $0xffff  }
0x5d9: {  	v0 =	vadd.s32 $0xC350, v0;
	[tilespmem:v9+s11+$0x0] =	vst.idx.msk $0xffff, v27;
	v27 =	vld.idx.msk [tilespmem:v12+s1+$0x0], $0xffff  }
0x5da: {  	[tilespmem:v15+s12+$0x0] =	vst.idx.msk $0xffff, v22;
	v22 =	vadd.s32 $0x2710, v59;
	v38 =	vld.idx.msk [tilespmem:v16+s1+$0x0], $0xffff  }
0x5db: {  	v1 =	vadd.s32 $0xC350, v1;
	v12 =	vor.u32 s28, v2;
	[tilespmem:v10+s11+$0x0] =	vst.idx.msk $0xffff, v31;
	v30 =	vld.idx.msk [tilespmem:v30+s1+$0x0], $0xffff  }
0x5dc: {  	v63 =	vadd.s32 $0xC350, v13;
	v13 =	vor.u32 s19, v2;
	[tilespmem:v11+s11+$0x0] =	vst.idx.msk $0xffff, v60;
	v32 =	vld.idx.msk [tilespmem:v61+s1+$0x0], $0xffff  }
0x5dd: {  	v41 =	vadd.s32 $0x4E20, v26;
	v15 =	vor.u32 s29, v2;
	[tilespmem:v18+s12+$0x0] =	vst.idx.msk $0xffff, v24;
	v39 =	vld.idx.msk [tilespmem:v20+s1+$0x0], $0xffff  }
0x5de: {  	v14 =	vadd.s32 $0xC350, v14;
	v40 =	vadd.s32 $0x4E20, v8;
	v28 =	vadd.s32 $0x4E20, v29;
	[tilespmem:v19+s12+$0x0] =	vst.idx.msk $0xffff, v25;
	v62 =	vld.idx.msk [tilespmem:v0+s1+$0x0], $0xffff  }
0x5df: {  	v16 =	vadd.s32 $0xC350, v26;
	v20 =	vadd.s32 $0x7530, v26;
	v34 =	vld.idx.msk [tilespmem:v22+s1+$0x0], $0xffff;
	[tilespmem:v21+s12+$0x0] =	vst.idx.msk $0xffff, v27;
	v27 =	vor.u32 s21, v2  }
0x5e0: {  	v18 =	vadd.s32 $0x9C40, v26;
	v24 =	vadd.s32 $0x7530, v29;
	v33 =	vld.idx.msk [tilespmem:v1+s1+$0x0], $0xffff;
	[tilespmem:v12+s11+$0x0] =	vst.idx.msk $0xffff, v30;
	v30 =	vadd.s32 $0x4E20, v59  }
0x5e1: {  	v25 =	vor.u32 s29, v3;
	v26 =	vor.u32 s21, v3;
	v19 =	vadd.s32 $0xC350, v29;
	[tilespmem:v13+s11+$0x0] =	vst.idx.msk $0xffff, v38;
	v31 =	vld.idx.msk [tilespmem:v63+s1+$0x0], $0xffff  }
0x5e2: {  	v0 =	vor.u32 s19, v3;
	v1 =	vadd.s32 $0x7530, v59;
	v22 =	vor.u32 s28, v3;
	v36 =	vld.idx.msk [tilespmem:v41+s1+$0x0], $0xffff;
	[tilespmem:v15+s11+$0x0] =	vst.idx.msk $0xffff, v39  }
0x5e3: {  	s20 =	simm.s32 $0x80;
	s19 =	simm.s32 $0x4;
	v21 =	vadd.s32 $0x9C40, v29;
	v29 =	vadd.s32 $0xC350, v59;
	[tilespmem:v23+s12+$0x0] =	vst.idx.msk $0xffff, v62;
	v35 =	vld.idx.msk [tilespmem:v40+s1+$0x0], $0xffff;
	v23 =	vadd.s32 $0x9C40, v59  }
.LBB2_26:
0x5e4: {  	s21 =	sand.u32 $0x780, s20;
	s22 =	sand.u32 $0x40, s20;
	v28 =	vld.idx.msk [tilespmem:v28+s1+$0x0], $0xffff;
	[tilespmem:v27+s11+$0x0] =	vst.idx.msk $0xffff, v34;
	v34 =	vadd.s32 $0x7530, v8  }
0x5e5: {  	s19 =	sadd.s32 $0x4, s19;
	s21 =	sadd.s32 $0x13A80, s21;
	s23 =	sor.u32 $0x30, s22;
	v30 =	vld.idx.msk [tilespmem:v30+s1+$0x0], $0xffff;
	[tilespmem:v4+s12+$0x0] =	vst.idx.msk $0xffff, v32;
	v4 =	vmov v27  }
0x5e6: {  	s24 =	sor.u32 $0x10, s22;
	p0 =	slt.u32 s19, $0x7C;
	s25 =	sor.u32 s23, s21;
	[tilespmem:v7+s12+$0x0] =	vst.idx.msk $0xffff, v33;
	v27 =	vld.idx.msk [tilespmem:v14+s1+$0x0], $0xffff;
	v7 =	vmov v0;
	v14 =	vmov v29  }
0x5e7: {  	s29 =	sor.u32 $0x20, s22;
	s26 =	sor.u32 s22, s21;
	s28 =	sor.u32 s24, s21;
	v29 =	vld [tilespmem:s25+$0x0];
	[tilespmem:v5+s12+$0x0] =	vst.idx.msk $0xffff, v31;
	v5 =	vmov v25  }
0x5e8: {  	s21 =	sor.u32 s29, s21;
	v31 =	vld [tilespmem:s26+$0x0];
	[tilespmem:v22+s11+$0x0] =	vst.idx.msk $0xffff, v35  }
0x5e9: {  	[tilespmem:v0+s11+$0x0] =	vst.idx.msk $0xffff, v36;
	v0 =	vld.idx.msk [tilespmem:v34+s1+$0x0], $0xffff  }
0x5ea: {  	v32 =	vld [tilespmem:s28+$0x0];
	[tilespmem:v25+s11+$0x0] =	vst.idx.msk $0xffff, v28  }
0x5eb: {  	v25 =	vadd.s32 $0x9C40, v8;
	v33 =	vld [tilespmem:s21+$0x0];
	[tilespmem:v26+s11+$0x0] =	vst.idx.msk $0xffff, v30  }
0x5ec: {  	v30 =	vld.idx.msk [tilespmem:v20+s1+$0x0], $0xffff;
	[tilespmem:v6+s12+$0x0] =	vst.idx.msk $0xffff, v27;
	v6 =	vmov v26  }
0x5ed: {  	s18 =	sadd.s32 $0x100, s18;
	v34 =	vadd.s32 $0x2710, v31;
	v36 =	vadd.s32 $0x4E20, v31;
	v20 =	vadd.s32 $0x7530, v31;
	v26 =	vld.idx.msk [tilespmem:v24+s1+$0x0], $0xffff  }
0x5ee: {  	s25 =	sand.u32 $0x1E00, s18;
	v35 =	vadd.s32 $0x9C40, v31;
	v37 =	vadd.s32 $0xC350, v31;
	v38 =	vld.idx.msk [tilespmem:v1+s1+$0x0], $0xffff  }
0x5ef: {  	s24 =	sor.u32 s25, s24;
	s26 =	sor.u32 s25, s29;
	s21 =	sor.u32 s25, s23;
	v39 =	vadd.s32 $0x2710, v32;
	v28 =	vadd.s32 $0x4E20, v32;
	v24 =	vadd.s32 $0x7530, v32;
	v40 =	vld.idx.msk [tilespmem:v29+s1+$0x0], $0xffff;
	[tilespmem:v9+s12+$0x0] =	vst.idx.msk $0xffff, v0  }
0x5f0: {  	s22 =	sor.u32 s22, s25;
	v41 =	vor.u32 s26, v52;
	v0 =	vor.u32 s24, v52;
	v9 =	vor.u32 s21, v52;
	v42 =	vld.idx.msk [tilespmem:v25+s1+$0x0], $0xffff  }
0x5f1: {  	v43 =	vor.u32 s22, v52;
	v45 =	vadd.s32 $0x2710, v29;
	v44 =	vadd.s32 $0x2710, v33;
	v31 =	vld.idx.msk [tilespmem:v31+s1+$0x0], $0xffff  }
0x5f2: {  	v48 =	vadd.s32 $0xC350, v8;
	v46 =	vor.u32 s24, v2;
	v27 =	vor.u32 s26, v2;
	v8 =	vmovc v29;
	v47 =	vld.idx.msk [tilespmem:v32+s1+$0x0], $0xffff;
	[tilespmem:v17+s12+$0x0] =	vst.idx.msk $0xffff, v30  }
0x5f3: {  	v49 =	vor.u32 s22, v2;
	v25 =	vor.u32 s24, v3;
	v30 =	vadd.s32 $0x4E20, v33;
	v50 =	vld.idx.msk [tilespmem:v33+s1+$0x0], $0xffff;
	[tilespmem:v10+s12+$0x0] =	vst.idx.msk $0xffff, v26;
	v10 =	vmovc v0  }
0x5f4: {  	v1 =	vadd.s32 $0x7530, v33;
	v0 =	vor.u32 s22, v3;
	v26 =	vor.u32 s26, v3;
	v51 =	vld.idx.msk [tilespmem:v18+s1+$0x0], $0xffff;
	[tilespmem:v11+s12+$0x0] =	vst.idx.msk $0xffff, v38;
	v18 =	vmovc v35  }
0x5f5: {  	v35 =	vadd.s32 $0xC350, v32;
	v38 =	vadd.s32 $0x9C40, v33;
	v11 =	vmovc v41;
	[tilespmem:v9+s11+$0x0] =	vst.idx.msk $0xffff, v40;
	v40 =	vld.idx.msk [tilespmem:v21+s1+$0x0], $0xffff;
	v21 =	vadd.s32 $0x9C40, v32  }
0x5f6: {  	v29 =	vadd.s32 $0xC350, v33;
	v17 =	vmov v43;
	v33 =	vld.idx.msk [tilespmem:v45+s1+$0x0], $0xffff;
	[tilespmem:v12+s12+$0x0] =	vst.idx.msk $0xffff, v42  }
0x5f7: {  	v12 =	vor.u32 s21, v2;
	[tilespmem:v43+s11+$0x0] =	vst.idx.msk $0xffff, v31;
	v42 =	vld.idx.msk [tilespmem:v48+s1+$0x0], $0xffff  }
0x5f8: {  	v43 =	vld.idx.msk [tilespmem:v34+s1+$0x0], $0xffff;
	[tilespmem:v10+s11+$0x0] =	vst.idx.msk $0xffff, v47  }
0x5f9: {  	v39 =	vld.idx.msk [tilespmem:v39+s1+$0x0], $0xffff;
	[tilespmem:v41+s11+$0x0] =	vst.idx.msk $0xffff, v50;
	v41 =	vadd.s32 $0x4E20, v8  }
0x5fa: {  	v34 =	vld.idx.msk [tilespmem:v44+s1+$0x0], $0xffff;
	[tilespmem:v13+s12+$0x0] =	vst.idx.msk $0xffff, v51;
	v13 =	vmov v49  }
.Ltmp12:
0x5fb: {  	[tilespmem:v15+s12+$0x0] =	vst.idx.msk $0xffff, v40;
	v32 =	vld.idx.msk [tilespmem:v23+s1+$0x0], $0xffff;
	v15 =	vmov v46;
	v23 =	vmov v38;
	(pc) =	sbr.rel @p0 .LBB2_26-.Ltmp12, $4  }
0x5fc: {  	[tilespmem:v12+s11+$0x0] =	vst.idx.msk $0xffff, v33;
	v33 =	vld.idx.msk [tilespmem:v16+s1+$0x0], $0xffff;
	v16 =	vmov v37  }
0x5fd: {  	v31 =	vld.idx.msk [tilespmem:v19+s1+$0x0], $0xffff;
	[tilespmem:v22+s12+$0x0] =	vst.idx.msk $0xffff, v42;
	v19 =	vmov v35  }
0x5fe: {  	[tilespmem:v49+s11+$0x0] =	vst.idx.msk $0xffff, v43;
	v35 =	vld.idx.msk [tilespmem:v41+s1+$0x0], $0xffff  }
0x5ff: {  	s20 =	sadd.s32 $0x40, s20;
	v22 =	vor.u32 s21, v3;
	v36 =	vld.idx.msk [tilespmem:v36+s1+$0x0], $0xffff;
	[tilespmem:v46+s11+$0x0] =	vst.idx.msk $0xffff, v39  }
0x600: {  	_ =	sdelay $0x2  }
0x601: {  	v37 =	vadd.s32 $0x7530, v8  }
0x602: {  	v28 =	vld.idx.msk [tilespmem:v28+s1+$0x0], $0xffff;
	[tilespmem:v27+s11+$0x0] =	vst.idx.msk $0xffff, v34  }
0x603: {  	v30 =	vld.idx.msk [tilespmem:v30+s1+$0x0], $0xffff;
	_ =	sdelay $0x1  }
0x604: {  	[tilespmem:v22+s11+$0x0] =	vst.idx.msk $0xffff, v35  }
0x605: {  	[tilespmem:v0+s11+$0x0] =	vst.idx.msk $0xffff, v36;
	v58 =	vld.idx.msk [tilespmem:v37+s1+$0x0], $0xffff  }
0x606: {  	[tilespmem:v25+s11+$0x0] =	vst.idx.msk $0xffff, v28;
	v28 =	vadd.s32 $0x9C40, v8;
	v20 =	vld.idx.msk [tilespmem:v20+s1+$0x0], $0xffff  }
0x607: {  	[tilespmem:v26+s11+$0x0] =	vst.idx.msk $0xffff, v30;
	v24 =	vld.idx.msk [tilespmem:v24+s1+$0x0], $0xffff  }
0x608: {  	v1 =	vld.idx.msk [tilespmem:v1+s1+$0x0], $0xffff;
	_ =	sdelay $0x1  }
0x609: {  	[tilespmem:v9+s12+$0x0] =	vst.idx.msk $0xffff, v58  }
0x60a: {  	[tilespmem:v17+s12+$0x0] =	vst.idx.msk $0xffff, v20;
	v9 =	vld.idx.msk [tilespmem:v28+s1+$0x0], $0xffff  }
0x60b: {  	v8 =	vadd.s32 $0xC350, v8;
	[tilespmem:v10+s12+$0x0] =	vst.idx.msk $0xffff, v24;
	v10 =	vld.idx.msk [tilespmem:v18+s1+$0x0], $0xffff  }
0x60c: {  	[tilespmem:v11+s12+$0x0] =	vst.idx.msk $0xffff, v1;
	v1 =	vld.idx.msk [tilespmem:v21+s1+$0x0], $0xffff  }
0x60d: {  	[tilespmem:v4+s12+$0x0] =	vst.idx.msk $0xffff, v32;
	v4 =	vld.idx.msk [tilespmem:v23+s1+$0x0], $0xffff  }
0x60e: {  	[tilespmem:v7+s12+$0x0] =	vst.idx.msk $0xffff, v33  }
0x60f: {  	v7 =	vld.idx.msk [tilespmem:v14+s1+$0x0], $0xffff;
	[tilespmem:v12+s12+$0x0] =	vst.idx.msk $0xffff, v9  }
0x610: {  	[tilespmem:v13+s12+$0x0] =	vst.idx.msk $0xffff, v10;
	v8 =	vld.idx.msk [tilespmem:v8+s1+$0x0], $0xffff  }
0x611: {  	[tilespmem:v15+s12+$0x0] =	vst.idx.msk $0xffff, v1;
	v1 =	vld.idx.msk [tilespmem:v16+s1+$0x0], $0xffff  }
0x612: {  	v9 =	vld.idx.msk [tilespmem:v19+s1+$0x0], $0xffff;
	[tilespmem:v27+s12+$0x0] =	vst.idx.msk $0xffff, v4  }
0x613: {  	[tilespmem:v5+s12+$0x0] =	vst.idx.msk $0xffff, v31;
	v4 =	vld.idx.msk [tilespmem:v29+s1+$0x0], $0xffff  }
0x614: {  	[tilespmem:v6+s12+$0x0] =	vst.idx.msk $0xffff, v7  }
0x615: {  	[tilespmem:v22+s12+$0x0] =	vst.idx.msk $0xffff, v8  }
0x616: {  	[tilespmem:v0+s12+$0x0] =	vst.idx.msk $0xffff, v1  }
0x617: {  	[tilespmem:v25+s12+$0x0] =	vst.idx.msk $0xffff, v9  }
0x618: {  	[tilespmem:v26+s12+$0x0] =	vst.idx.msk $0xffff, v4  }
0x619: {  	s18 =	simm.s32 $0x0;
	s19 =	rddreg [dreg:$0x18]  }
0x61a: {  	[hbm4b:s19+s18] =	stream.linear.scatter [tilespmem:s12], [sflag:$0x2], $0x2000, $0x38;
	[tilespmem:$0x1EA80] =	vst v63  }
0x61b: {  	s24 =	rddreg [dreg:$0x19]  }
0x61c: {  	[hbm4b:s24+s18] =	stream.linear.scatter [tilespmem:s11], [sflag:$0x4], $0x2000, $0x38;
	[tilespmem:$0x1EA80] =	vst v63  }
0x61d: {  	_ =	swait.ge [sflag:s16], $0x2000  }
0x61e: {  	[sflag:s16] =	ssyncset.done $0x0  }
0x61f: {  	[sflag:s16] =	ssyncadd.s32 $0xFFFFE000  }
0x620: {  	s25 =	sand.u32 $0x780, s18;
	s20 =	sand.u32 $0x40, s18;
	_ =	swait.ge [sflag:s9], $0x2000  }
0x621: {  	s21 =	sor.u32 $0x30, s20;
	s19 =	sadd.s32 $0x14280, s25;
	[sflag:s9] =	ssyncset.done $0x0  }
0x622: {  	s22 =	sor.u32 s21, s19;
	[sflag:s9] =	ssyncadd.s32 $0xFFFFE000  }
0x623: {  	s23 =	sor.u32 $0x10, s20;
	s24 =	sor.u32 s20, s19;
	v0 =	vld [tilespmem:s22+$0x0]  }
0x624: {  	s25 =	sor.u32 $0x20, s20;
	s26 =	sor.u32 s23, s19;
	v1 =	vld [tilespmem:s24+$0x0]  }
0x625: {  	s19 =	sor.u32 s25, s19;
	v13 =	vld [tilespmem:s26+$0x0]  }
0x626: {  	v14 =	vld [tilespmem:s19+$0x0];
	_ =	sdelay $0x2  }
0x627: {  	s18 =	sand.u32 $0x1E00, s18  }
0x628: {  	s28 =	sor.u32 s18, s21  }
0x629: {  	s20 =	sor.u32 s20, s18;
	v9 =	vor.u32 s28, v52;
	v4 =	vld.idx.msk [tilespmem:v0+s1+$0x0], $0xffff  }
0x62a: {  	s29 =	sor.u32 s18, s23;
	v10 =	vor.u32 s20, v52;
	v6 =	vadd.s32 $0x2710, v0;
	v5 =	vld.idx.msk [tilespmem:v1+s1+$0x0], $0xffff  }
0x62b: {  	s18 =	sor.u32 s18, s25;
	v11 =	vor.u32 s29, v52;
	v7 =	vadd.s32 $0x2710, v1;
	v8 =	vld.idx.msk [tilespmem:v13+s1+$0x0], $0xffff  }
0x62c: {  	v15 =	vor.u32 s18, v52;
	v12 =	vadd.s32 $0x2710, v13;
	v16 =	vld.idx.msk [tilespmem:v14+s1+$0x0], $0xffff  }
0x62d: {  	v17 =	vadd.s32 $0x2710, v14  }
0x62e: {  	[tilespmem:v9+s13+$0x0] =	vst.idx.msk $0xffff, v4  }
0x62f: {  	v18 =	vor.u32 s28, v2;
	s22 =	simm.s32 $0x40;
	[tilespmem:v10+s13+$0x0] =	vst.idx.msk $0xffff, v5;
	v6 =	vld.idx.msk [tilespmem:v6+s1+$0x0], $0xffff  }
0x630: {  	v19 =	vor.u32 s20, v2;
	s23 =	sand.u32 $0x780, s22;
	[tilespmem:v11+s13+$0x0] =	vst.idx.msk $0xffff, v8;
	v5 =	vld.idx.msk [tilespmem:v7+s1+$0x0], $0xffff;
	v7 =	vadd.s32 $0x4E20, v0  }
0x631: {  	v21 =	vor.u32 s29, v2;
	s19 =	sand.u32 $0x40, s22;
	s22 =	sadd.s32 $0x14280, s23;
	v8 =	vadd.s32 $0x4E20, v1;
	[tilespmem:v15+s13+$0x0] =	vst.idx.msk $0xffff, v16;
	v12 =	vld.idx.msk [tilespmem:v12+s1+$0x0], $0xffff  }
0x632: {  	v23 =	vor.u32 s28, v3;
	s21 =	sor.u32 $0x20, s19;
	s28 =	sor.u32 s19, s22;
	v16 =	vadd.s32 $0x4E20, v13;
	v4 =	vor.u32 s18, v2;
	v17 =	vld.idx.msk [tilespmem:v17+s1+$0x0], $0xffff  }
0x633: {  	s25 =	sor.u32 s21, s22;
	v26 =	vld [tilespmem:s28+$0x0];
	v20 =	vadd.s32 $0x4E20, v14  }
0x634: {  	v59 =	vld [tilespmem:s25+$0x0];
	[tilespmem:v18+s13+$0x0] =	vst.idx.msk $0xffff, v6  }
0x635: {  	[tilespmem:v19+s13+$0x0] =	vst.idx.msk $0xffff, v5;
	v22 =	vld.idx.msk [tilespmem:v7+s1+$0x0], $0xffff  }
0x636: {  	[tilespmem:v21+s13+$0x0] =	vst.idx.msk $0xffff, v12;
	v24 =	vld.idx.msk [tilespmem:v8+s1+$0x0], $0xffff  }
0x637: {  	s24 =	sor.u32 $0x30, s19;
	v12 =	vadd.s32 $0x7530, v0;
	[tilespmem:v4+s13+$0x0] =	vst.idx.msk $0xffff, v17;
	v16 =	vld.idx.msk [tilespmem:v16+s1+$0x0], $0xffff;
	v7 =	vor.u32 s20, v3  }
0x638: {  	s26 =	sor.u32 s24, s22;
	v5 =	vor.u32 s29, v3;
	v17 =	vld.idx.msk [tilespmem:v20+s1+$0x0], $0xffff;
	v20 =	vadd.s32 $0x7530, v1  }
0x639: {  	s29 =	sor.u32 $0x10, s19;
	v8 =	vld [tilespmem:s26+$0x0]  }
0x63a: {  	v25 =	vadd.s32 $0x7530, v13;
	s20 =	sor.u32 s29, s22  }
0x63b: {  	v6 =	vor.u32 s18, v3;
	v29 =	vld [tilespmem:s20+$0x0];
	[tilespmem:v23+s13+$0x0] =	vst.idx.msk $0xffff, v22  }
0x63c: {  	[tilespmem:v7+s13+$0x0] =	vst.idx.msk $0xffff, v24;
	v12 =	vld.idx.msk [tilespmem:v12+s1+$0x0], $0xffff  }
0x63d: {  	s18 =	simm.s32 $0x100;
	v22 =	vadd.s32 $0x7530, v14;
	[tilespmem:v5+s13+$0x0] =	vst.idx.msk $0xffff, v16;
	v16 =	vld.idx.msk [tilespmem:v20+s1+$0x0], $0xffff  }
0x63e: {  	v28 =	vld.idx.msk [tilespmem:v26+s1+$0x0], $0xffff;
	s26 =	sand.u32 $0x1E00, s18  }
0x63f: {  	s19 =	sor.u32 s19, s26;
	v24 =	vadd.s32 $0x9C40, v0;
	v20 =	vld.idx.msk [tilespmem:v25+s1+$0x0], $0xffff  }
0x640: {  	v60 =	vld.idx.msk [tilespmem:v59+s1+$0x0], $0xffff;
	s28 =	sor.u32 s26, s24;
	[tilespmem:v6+s13+$0x0] =	vst.idx.msk $0xffff, v17;
	v17 =	vor.u32 s19, v52;
	v25 =	vadd.s32 $0x9C40, v1  }
0x641: {  	v27 =	vld.idx.msk [tilespmem:v8+s1+$0x0], $0xffff;
	[tilespmem:v9+s14+$0x0] =	vst.idx.msk $0xffff, v12;
	v12 =	vadd.s32 $0x9C40, v13;
	v9 =	vor.u32 s28, v52  }
0x642: {  	s29 =	sor.u32 s26, s29;
	v22 =	vld.idx.msk [tilespmem:v22+s1+$0x0], $0xffff;
	[tilespmem:v10+s14+$0x0] =	vst.idx.msk $0xffff, v16;
	v16 =	vadd.s32 $0x2710, v26  }
0x643: {  	s21 =	sor.u32 s26, s21;
	v30 =	vadd.s32 $0x2710, v8;
	v31 =	vld.idx.msk [tilespmem:v29+s1+$0x0], $0xffff;
	v10 =	vor.u32 s29, v52  }
0x644: {  	v61 =	vadd.s32 $0x9C40, v14;
	[tilespmem:v11+s14+$0x0] =	vst.idx.msk $0xffff, v20;
	v11 =	vor.u32 s21, v52;
	v24 =	vld.idx.msk [tilespmem:v24+s1+$0x0], $0xffff  }
0x645: {  	[tilespmem:v17+s13+$0x0] =	vst.idx.msk $0xffff, v28;
	v20 =	vadd.s32 $0x2710, v29;
	v25 =	vld.idx.msk [tilespmem:v25+s1+$0x0], $0xffff  }
0x646: {  	v0 =	vadd.s32 $0xC350, v0;
	[tilespmem:v9+s13+$0x0] =	vst.idx.msk $0xffff, v27;
	v27 =	vld.idx.msk [tilespmem:v12+s1+$0x0], $0xffff  }
0x647: {  	[tilespmem:v15+s14+$0x0] =	vst.idx.msk $0xffff, v22;
	v22 =	vadd.s32 $0x2710, v59;
	v38 =	vld.idx.msk [tilespmem:v16+s1+$0x0], $0xffff  }
0x648: {  	v1 =	vadd.s32 $0xC350, v1;
	v12 =	vor.u32 s28, v2;
	[tilespmem:v10+s13+$0x0] =	vst.idx.msk $0xffff, v31;
	v30 =	vld.idx.msk [tilespmem:v30+s1+$0x0], $0xffff  }
0x649: {  	v63 =	vadd.s32 $0xC350, v13;
	v13 =	vor.u32 s19, v2;
	[tilespmem:v11+s13+$0x0] =	vst.idx.msk $0xffff, v60;
	v32 =	vld.idx.msk [tilespmem:v61+s1+$0x0], $0xffff  }
0x64a: {  	v41 =	vadd.s32 $0x4E20, v26;
	v15 =	vor.u32 s29, v2;
	[tilespmem:v18+s14+$0x0] =	vst.idx.msk $0xffff, v24;
	v39 =	vld.idx.msk [tilespmem:v20+s1+$0x0], $0xffff  }
0x64b: {  	v14 =	vadd.s32 $0xC350, v14;
	v40 =	vadd.s32 $0x4E20, v8;
	v28 =	vadd.s32 $0x4E20, v29;
	[tilespmem:v19+s14+$0x0] =	vst.idx.msk $0xffff, v25;
	v62 =	vld.idx.msk [tilespmem:v0+s1+$0x0], $0xffff  }
0x64c: {  	v16 =	vadd.s32 $0xC350, v26;
	v20 =	vadd.s32 $0x7530, v26;
	v34 =	vld.idx.msk [tilespmem:v22+s1+$0x0], $0xffff;
	[tilespmem:v21+s14+$0x0] =	vst.idx.msk $0xffff, v27;
	v27 =	vor.u32 s21, v2  }
0x64d: {  	v18 =	vadd.s32 $0x9C40, v26;
	v24 =	vadd.s32 $0x7530, v29;
	v33 =	vld.idx.msk [tilespmem:v1+s1+$0x0], $0xffff;
	[tilespmem:v12+s13+$0x0] =	vst.idx.msk $0xffff, v30;
	v30 =	vadd.s32 $0x4E20, v59  }
0x64e: {  	v25 =	vor.u32 s29, v3;
	v26 =	vor.u32 s21, v3;
	v19 =	vadd.s32 $0xC350, v29;
	[tilespmem:v13+s13+$0x0] =	vst.idx.msk $0xffff, v38;
	v31 =	vld.idx.msk [tilespmem:v63+s1+$0x0], $0xffff  }
0x64f: {  	v0 =	vor.u32 s19, v3;
	v1 =	vadd.s32 $0x7530, v59;
	v22 =	vor.u32 s28, v3;
	v36 =	vld.idx.msk [tilespmem:v41+s1+$0x0], $0xffff;
	[tilespmem:v15+s13+$0x0] =	vst.idx.msk $0xffff, v39  }
0x650: {  	s20 =	simm.s32 $0x80;
	s19 =	simm.s32 $0x4;
	v21 =	vadd.s32 $0x9C40, v29;
	v29 =	vadd.s32 $0xC350, v59;
	[tilespmem:v23+s14+$0x0] =	vst.idx.msk $0xffff, v62;
	v35 =	vld.idx.msk [tilespmem:v40+s1+$0x0], $0xffff;
	v23 =	vadd.s32 $0x9C40, v59  }
.LBB2_28:
0x651: {  	s21 =	sand.u32 $0x780, s20;
	s22 =	sand.u32 $0x40, s20;
	v28 =	vld.idx.msk [tilespmem:v28+s1+$0x0], $0xffff;
	[tilespmem:v27+s13+$0x0] =	vst.idx.msk $0xffff, v34;
	v34 =	vadd.s32 $0x7530, v8  }
0x652: {  	s19 =	sadd.s32 $0x4, s19;
	s21 =	sadd.s32 $0x14280, s21;
	s23 =	sor.u32 $0x30, s22;
	v30 =	vld.idx.msk [tilespmem:v30+s1+$0x0], $0xffff;
	[tilespmem:v4+s14+$0x0] =	vst.idx.msk $0xffff, v32;
	v4 =	vmov v27  }
0x653: {  	s24 =	sor.u32 $0x10, s22;
	p0 =	slt.u32 s19, $0x7C;
	s25 =	sor.u32 s23, s21;
	[tilespmem:v7+s14+$0x0] =	vst.idx.msk $0xffff, v33;
	v27 =	vld.idx.msk [tilespmem:v14+s1+$0x0], $0xffff;
	v7 =	vmov v0;
	v14 =	vmov v29  }
0x654: {  	s29 =	sor.u32 $0x20, s22;
	s26 =	sor.u32 s22, s21;
	s28 =	sor.u32 s24, s21;
	v29 =	vld [tilespmem:s25+$0x0];
	[tilespmem:v5+s14+$0x0] =	vst.idx.msk $0xffff, v31;
	v5 =	vmov v25  }
0x655: {  	s21 =	sor.u32 s29, s21;
	v31 =	vld [tilespmem:s26+$0x0];
	[tilespmem:v22+s13+$0x0] =	vst.idx.msk $0xffff, v35  }
0x656: {  	[tilespmem:v0+s13+$0x0] =	vst.idx.msk $0xffff, v36;
	v0 =	vld.idx.msk [tilespmem:v34+s1+$0x0], $0xffff  }
0x657: {  	v32 =	vld [tilespmem:s28+$0x0];
	[tilespmem:v25+s13+$0x0] =	vst.idx.msk $0xffff, v28  }
0x658: {  	v25 =	vadd.s32 $0x9C40, v8;
	v33 =	vld [tilespmem:s21+$0x0];
	[tilespmem:v26+s13+$0x0] =	vst.idx.msk $0xffff, v30  }
0x659: {  	v30 =	vld.idx.msk [tilespmem:v20+s1+$0x0], $0xffff;
	[tilespmem:v6+s14+$0x0] =	vst.idx.msk $0xffff, v27;
	v6 =	vmov v26  }
0x65a: {  	s18 =	sadd.s32 $0x100, s18;
	v34 =	vadd.s32 $0x2710, v31;
	v36 =	vadd.s32 $0x4E20, v31;
	v20 =	vadd.s32 $0x7530, v31;
	v26 =	vld.idx.msk [tilespmem:v24+s1+$0x0], $0xffff  }
0x65b: {  	s25 =	sand.u32 $0x1E00, s18;
	v35 =	vadd.s32 $0x9C40, v31;
	v37 =	vadd.s32 $0xC350, v31;
	v38 =	vld.idx.msk [tilespmem:v1+s1+$0x0], $0xffff  }
0x65c: {  	s24 =	sor.u32 s25, s24;
	s26 =	sor.u32 s25, s29;
	s21 =	sor.u32 s25, s23;
	v39 =	vadd.s32 $0x2710, v32;
	v28 =	vadd.s32 $0x4E20, v32;
	v24 =	vadd.s32 $0x7530, v32;
	v40 =	vld.idx.msk [tilespmem:v29+s1+$0x0], $0xffff;
	[tilespmem:v9+s14+$0x0] =	vst.idx.msk $0xffff, v0  }
0x65d: {  	s22 =	sor.u32 s22, s25;
	v41 =	vor.u32 s26, v52;
	v0 =	vor.u32 s24, v52;
	v9 =	vor.u32 s21, v52;
	v42 =	vld.idx.msk [tilespmem:v25+s1+$0x0], $0xffff  }
0x65e: {  	v43 =	vor.u32 s22, v52;
	v45 =	vadd.s32 $0x2710, v29;
	v44 =	vadd.s32 $0x2710, v33;
	v31 =	vld.idx.msk [tilespmem:v31+s1+$0x0], $0xffff  }
0x65f: {  	v48 =	vadd.s32 $0xC350, v8;
	v46 =	vor.u32 s24, v2;
	v27 =	vor.u32 s26, v2;
	v8 =	vmovc v29;
	v47 =	vld.idx.msk [tilespmem:v32+s1+$0x0], $0xffff;
	[tilespmem:v17+s14+$0x0] =	vst.idx.msk $0xffff, v30  }
0x660: {  	v49 =	vor.u32 s22, v2;
	v25 =	vor.u32 s24, v3;
	v30 =	vadd.s32 $0x4E20, v33;
	v50 =	vld.idx.msk [tilespmem:v33+s1+$0x0], $0xffff;
	[tilespmem:v10+s14+$0x0] =	vst.idx.msk $0xffff, v26;
	v10 =	vmovc v0  }
0x661: {  	v1 =	vadd.s32 $0x7530, v33;
	v0 =	vor.u32 s22, v3;
	v26 =	vor.u32 s26, v3;
	v51 =	vld.idx.msk [tilespmem:v18+s1+$0x0], $0xffff;
	[tilespmem:v11+s14+$0x0] =	vst.idx.msk $0xffff, v38;
	v18 =	vmovc v35  }
0x662: {  	v35 =	vadd.s32 $0xC350, v32;
	v38 =	vadd.s32 $0x9C40, v33;
	v11 =	vmovc v41;
	[tilespmem:v9+s13+$0x0] =	vst.idx.msk $0xffff, v40;
	v40 =	vld.idx.msk [tilespmem:v21+s1+$0x0], $0xffff;
	v21 =	vadd.s32 $0x9C40, v32  }
0x663: {  	v29 =	vadd.s32 $0xC350, v33;
	v17 =	vmov v43;
	v33 =	vld.idx.msk [tilespmem:v45+s1+$0x0], $0xffff;
	[tilespmem:v12+s14+$0x0] =	vst.idx.msk $0xffff, v42  }
0x664: {  	v12 =	vor.u32 s21, v2;
	[tilespmem:v43+s13+$0x0] =	vst.idx.msk $0xffff, v31;
	v42 =	vld.idx.msk [tilespmem:v48+s1+$0x0], $0xffff  }
0x665: {  	v43 =	vld.idx.msk [tilespmem:v34+s1+$0x0], $0xffff;
	[tilespmem:v10+s13+$0x0] =	vst.idx.msk $0xffff, v47  }
0x666: {  	v39 =	vld.idx.msk [tilespmem:v39+s1+$0x0], $0xffff;
	[tilespmem:v41+s13+$0x0] =	vst.idx.msk $0xffff, v50;
	v41 =	vadd.s32 $0x4E20, v8  }
0x667: {  	v34 =	vld.idx.msk [tilespmem:v44+s1+$0x0], $0xffff;
	[tilespmem:v13+s14+$0x0] =	vst.idx.msk $0xffff, v51;
	v13 =	vmov v49  }
.Ltmp13:
0x668: {  	[tilespmem:v15+s14+$0x0] =	vst.idx.msk $0xffff, v40;
	v32 =	vld.idx.msk [tilespmem:v23+s1+$0x0], $0xffff;
	v15 =	vmov v46;
	v23 =	vmov v38;
	(pc) =	sbr.rel @p0 .LBB2_28-.Ltmp13, $4  }
0x669: {  	[tilespmem:v12+s13+$0x0] =	vst.idx.msk $0xffff, v33;
	v33 =	vld.idx.msk [tilespmem:v16+s1+$0x0], $0xffff;
	v16 =	vmov v37  }
0x66a: {  	v31 =	vld.idx.msk [tilespmem:v19+s1+$0x0], $0xffff;
	[tilespmem:v22+s14+$0x0] =	vst.idx.msk $0xffff, v42;
	v19 =	vmov v35  }
0x66b: {  	[tilespmem:v49+s13+$0x0] =	vst.idx.msk $0xffff, v43;
	v35 =	vld.idx.msk [tilespmem:v41+s1+$0x0], $0xffff  }
0x66c: {  	s20 =	sadd.s32 $0x40, s20;
	v22 =	vor.u32 s21, v3;
	v36 =	vld.idx.msk [tilespmem:v36+s1+$0x0], $0xffff;
	[tilespmem:v46+s13+$0x0] =	vst.idx.msk $0xffff, v39  }
0x66d: {  	_ =	sdelay $0x2  }
0x66e: {  	v37 =	vadd.s32 $0x7530, v8  }
0x66f: {  	v28 =	vld.idx.msk [tilespmem:v28+s1+$0x0], $0xffff;
	[tilespmem:v27+s13+$0x0] =	vst.idx.msk $0xffff, v34  }
0x670: {  	v30 =	vld.idx.msk [tilespmem:v30+s1+$0x0], $0xffff;
	_ =	sdelay $0x1  }
0x671: {  	[tilespmem:v22+s13+$0x0] =	vst.idx.msk $0xffff, v35  }
0x672: {  	[tilespmem:v0+s13+$0x0] =	vst.idx.msk $0xffff, v36;
	v58 =	vld.idx.msk [tilespmem:v37+s1+$0x0], $0xffff  }
0x673: {  	[tilespmem:v25+s13+$0x0] =	vst.idx.msk $0xffff, v28;
	v28 =	vadd.s32 $0x9C40, v8;
	v20 =	vld.idx.msk [tilespmem:v20+s1+$0x0], $0xffff  }
0x674: {  	[tilespmem:v26+s13+$0x0] =	vst.idx.msk $0xffff, v30;
	v24 =	vld.idx.msk [tilespmem:v24+s1+$0x0], $0xffff  }
0x675: {  	v1 =	vld.idx.msk [tilespmem:v1+s1+$0x0], $0xffff;
	_ =	sdelay $0x1  }
0x676: {  	[tilespmem:v9+s14+$0x0] =	vst.idx.msk $0xffff, v58  }
0x677: {  	[tilespmem:v17+s14+$0x0] =	vst.idx.msk $0xffff, v20;
	v9 =	vld.idx.msk [tilespmem:v28+s1+$0x0], $0xffff  }
0x678: {  	v8 =	vadd.s32 $0xC350, v8;
	[tilespmem:v10+s14+$0x0] =	vst.idx.msk $0xffff, v24;
	v10 =	vld.idx.msk [tilespmem:v18+s1+$0x0], $0xffff  }
0x679: {  	[tilespmem:v11+s14+$0x0] =	vst.idx.msk $0xffff, v1;
	v1 =	vld.idx.msk [tilespmem:v21+s1+$0x0], $0xffff  }
0x67a: {  	[tilespmem:v4+s14+$0x0] =	vst.idx.msk $0xffff, v32;
	v4 =	vld.idx.msk [tilespmem:v23+s1+$0x0], $0xffff  }
0x67b: {  	[tilespmem:v7+s14+$0x0] =	vst.idx.msk $0xffff, v33  }
0x67c: {  	v7 =	vld.idx.msk [tilespmem:v14+s1+$0x0], $0xffff;
	[tilespmem:v12+s14+$0x0] =	vst.idx.msk $0xffff, v9  }
0x67d: {  	[tilespmem:v13+s14+$0x0] =	vst.idx.msk $0xffff, v10;
	v8 =	vld.idx.msk [tilespmem:v8+s1+$0x0], $0xffff  }
0x67e: {  	[tilespmem:v15+s14+$0x0] =	vst.idx.msk $0xffff, v1;
	v1 =	vld.idx.msk [tilespmem:v16+s1+$0x0], $0xffff  }
0x67f: {  	v9 =	vld.idx.msk [tilespmem:v19+s1+$0x0], $0xffff;
	[tilespmem:v27+s14+$0x0] =	vst.idx.msk $0xffff, v4  }
0x680: {  	[tilespmem:v5+s14+$0x0] =	vst.idx.msk $0xffff, v31;
	v4 =	vld.idx.msk [tilespmem:v29+s1+$0x0], $0xffff  }
0x681: {  	[tilespmem:v6+s14+$0x0] =	vst.idx.msk $0xffff, v7  }
0x682: {  	[tilespmem:v22+s14+$0x0] =	vst.idx.msk $0xffff, v8  }
0x683: {  	[tilespmem:v0+s14+$0x0] =	vst.idx.msk $0xffff, v1  }
0x684: {  	[tilespmem:v25+s14+$0x0] =	vst.idx.msk $0xffff, v9  }
0x685: {  	[tilespmem:v26+s14+$0x0] =	vst.idx.msk $0xffff, v4  }
0x686: {  	s18 =	simm.s32 $0x0;
	s19 =	rddreg [dreg:$0x1a]  }
0x687: {  	[hbm4b:s19+s18] =	stream.linear.scatter [tilespmem:s14], [sflag:$0x3], $0x2000, $0x38;
	[tilespmem:$0x1EA80] =	vst v63  }
0x688: {  	s24 =	rddreg [dreg:$0x1b]  }
0x689: {  	[hbm4b:s24+s18] =	stream.linear.scatter [tilespmem:s13], [sflag:$0x5], $0x2000, $0x38;
	[tilespmem:$0x1EA80] =	vst v63  }
0x68a: {  	_ =	swait.ge [sflag:s15], $0x2000  }
0x68b: {  	[sflag:s15] =	ssyncset.done $0x0  }
0x68c: {  	[sflag:s15] =	ssyncadd.s32 $0xFFFFE000  }
0x68d: {  	s25 =	sand.u32 $0x780, s18;
	s20 =	sand.u32 $0x40, s18;
	_ =	swait.ge [sflag:s8], $0x2000  }
0x68e: {  	s21 =	sor.u32 $0x30, s20;
	s19 =	sadd.s32 $0x14A80, s25;
	[sflag:s8] =	ssyncset.done $0x0  }
0x68f: {  	s22 =	sor.u32 s21, s19;
	[sflag:s8] =	ssyncadd.s32 $0xFFFFE000  }
0x690: {  	s23 =	sor.u32 $0x10, s20;
	s24 =	sor.u32 s20, s19;
	v0 =	vld [tilespmem:s22+$0x0]  }
0x691: {  	s25 =	sor.u32 $0x20, s20;
	s26 =	sor.u32 s23, s19;
	v1 =	vld [tilespmem:s24+$0x0]  }
0x692: {  	s19 =	sor.u32 s25, s19;
	v13 =	vld [tilespmem:s26+$0x0]  }
0x693: {  	v14 =	vld [tilespmem:s19+$0x0];
	_ =	sdelay $0x2  }
0x694: {  	s18 =	sand.u32 $0x1E00, s18  }
0x695: {  	s28 =	sor.u32 s18, s21  }
0x696: {  	s20 =	sor.u32 s20, s18;
	v9 =	vor.u32 s28, v52;
	v4 =	vld.idx.msk [tilespmem:v0+s1+$0x0], $0xffff  }
0x697: {  	s29 =	sor.u32 s18, s23;
	v10 =	vor.u32 s20, v52;
	v6 =	vadd.s32 $0x2710, v0;
	v5 =	vld.idx.msk [tilespmem:v1+s1+$0x0], $0xffff  }
0x698: {  	s18 =	sor.u32 s18, s25;
	v11 =	vor.u32 s29, v52;
	v7 =	vadd.s32 $0x2710, v1;
	v8 =	vld.idx.msk [tilespmem:v13+s1+$0x0], $0xffff  }
0x699: {  	v15 =	vor.u32 s18, v52;
	v12 =	vadd.s32 $0x2710, v13;
	v16 =	vld.idx.msk [tilespmem:v14+s1+$0x0], $0xffff  }
0x69a: {  	v17 =	vadd.s32 $0x2710, v14  }
0x69b: {  	[tilespmem:v9+s11+$0x0] =	vst.idx.msk $0xffff, v4  }
0x69c: {  	v18 =	vor.u32 s28, v2;
	s22 =	simm.s32 $0x40;
	[tilespmem:v10+s11+$0x0] =	vst.idx.msk $0xffff, v5;
	v6 =	vld.idx.msk [tilespmem:v6+s1+$0x0], $0xffff  }
0x69d: {  	v19 =	vor.u32 s20, v2;
	s23 =	sand.u32 $0x780, s22;
	[tilespmem:v11+s11+$0x0] =	vst.idx.msk $0xffff, v8;
	v5 =	vld.idx.msk [tilespmem:v7+s1+$0x0], $0xffff;
	v7 =	vadd.s32 $0x4E20, v0  }
0x69e: {  	v21 =	vor.u32 s29, v2;
	s19 =	sand.u32 $0x40, s22;
	s22 =	sadd.s32 $0x14A80, s23;
	v8 =	vadd.s32 $0x4E20, v1;
	[tilespmem:v15+s11+$0x0] =	vst.idx.msk $0xffff, v16;
	v12 =	vld.idx.msk [tilespmem:v12+s1+$0x0], $0xffff  }
0x69f: {  	v23 =	vor.u32 s28, v3;
	s21 =	sor.u32 $0x20, s19;
	s28 =	sor.u32 s19, s22;
	v16 =	vadd.s32 $0x4E20, v13;
	v4 =	vor.u32 s18, v2;
	v17 =	vld.idx.msk [tilespmem:v17+s1+$0x0], $0xffff  }
0x6a0: {  	s25 =	sor.u32 s21, s22;
	v26 =	vld [tilespmem:s28+$0x0];
	v20 =	vadd.s32 $0x4E20, v14  }
0x6a1: {  	v59 =	vld [tilespmem:s25+$0x0];
	[tilespmem:v18+s11+$0x0] =	vst.idx.msk $0xffff, v6  }
0x6a2: {  	[tilespmem:v19+s11+$0x0] =	vst.idx.msk $0xffff, v5;
	v22 =	vld.idx.msk [tilespmem:v7+s1+$0x0], $0xffff  }
0x6a3: {  	[tilespmem:v21+s11+$0x0] =	vst.idx.msk $0xffff, v12;
	v24 =	vld.idx.msk [tilespmem:v8+s1+$0x0], $0xffff  }
0x6a4: {  	s24 =	sor.u32 $0x30, s19;
	v12 =	vadd.s32 $0x7530, v0;
	[tilespmem:v4+s11+$0x0] =	vst.idx.msk $0xffff, v17;
	v16 =	vld.idx.msk [tilespmem:v16+s1+$0x0], $0xffff;
	v7 =	vor.u32 s20, v3  }
0x6a5: {  	s26 =	sor.u32 s24, s22;
	v5 =	vor.u32 s29, v3;
	v17 =	vld.idx.msk [tilespmem:v20+s1+$0x0], $0xffff;
	v20 =	vadd.s32 $0x7530, v1  }
0x6a6: {  	s29 =	sor.u32 $0x10, s19;
	v8 =	vld [tilespmem:s26+$0x0]  }
0x6a7: {  	v25 =	vadd.s32 $0x7530, v13;
	s20 =	sor.u32 s29, s22  }
0x6a8: {  	v6 =	vor.u32 s18, v3;
	v29 =	vld [tilespmem:s20+$0x0];
	[tilespmem:v23+s11+$0x0] =	vst.idx.msk $0xffff, v22  }
0x6a9: {  	[tilespmem:v7+s11+$0x0] =	vst.idx.msk $0xffff, v24;
	v12 =	vld.idx.msk [tilespmem:v12+s1+$0x0], $0xffff  }
0x6aa: {  	s18 =	simm.s32 $0x100;
	v22 =	vadd.s32 $0x7530, v14;
	[tilespmem:v5+s11+$0x0] =	vst.idx.msk $0xffff, v16;
	v16 =	vld.idx.msk [tilespmem:v20+s1+$0x0], $0xffff  }
0x6ab: {  	v28 =	vld.idx.msk [tilespmem:v26+s1+$0x0], $0xffff;
	s26 =	sand.u32 $0x1E00, s18  }
0x6ac: {  	s19 =	sor.u32 s19, s26;
	v24 =	vadd.s32 $0x9C40, v0;
	v20 =	vld.idx.msk [tilespmem:v25+s1+$0x0], $0xffff  }
0x6ad: {  	v60 =	vld.idx.msk [tilespmem:v59+s1+$0x0], $0xffff;
	s28 =	sor.u32 s26, s24;
	[tilespmem:v6+s11+$0x0] =	vst.idx.msk $0xffff, v17;
	v17 =	vor.u32 s19, v52;
	v25 =	vadd.s32 $0x9C40, v1  }
0x6ae: {  	v27 =	vld.idx.msk [tilespmem:v8+s1+$0x0], $0xffff;
	[tilespmem:v9+s12+$0x0] =	vst.idx.msk $0xffff, v12;
	v12 =	vadd.s32 $0x9C40, v13;
	v9 =	vor.u32 s28, v52  }
0x6af: {  	s29 =	sor.u32 s26, s29;
	v22 =	vld.idx.msk [tilespmem:v22+s1+$0x0], $0xffff;
	[tilespmem:v10+s12+$0x0] =	vst.idx.msk $0xffff, v16;
	v16 =	vadd.s32 $0x2710, v26  }
0x6b0: {  	s21 =	sor.u32 s26, s21;
	v30 =	vadd.s32 $0x2710, v8;
	v31 =	vld.idx.msk [tilespmem:v29+s1+$0x0], $0xffff;
	v10 =	vor.u32 s29, v52  }
0x6b1: {  	v61 =	vadd.s32 $0x9C40, v14;
	[tilespmem:v11+s12+$0x0] =	vst.idx.msk $0xffff, v20;
	v11 =	vor.u32 s21, v52;
	v24 =	vld.idx.msk [tilespmem:v24+s1+$0x0], $0xffff  }
0x6b2: {  	[tilespmem:v17+s11+$0x0] =	vst.idx.msk $0xffff, v28;
	v20 =	vadd.s32 $0x2710, v29;
	v25 =	vld.idx.msk [tilespmem:v25+s1+$0x0], $0xffff  }
0x6b3: {  	v0 =	vadd.s32 $0xC350, v0;
	[tilespmem:v9+s11+$0x0] =	vst.idx.msk $0xffff, v27;
	v27 =	vld.idx.msk [tilespmem:v12+s1+$0x0], $0xffff  }
0x6b4: {  	[tilespmem:v15+s12+$0x0] =	vst.idx.msk $0xffff, v22;
	v22 =	vadd.s32 $0x2710, v59;
	v38 =	vld.idx.msk [tilespmem:v16+s1+$0x0], $0xffff  }
0x6b5: {  	v1 =	vadd.s32 $0xC350, v1;
	v12 =	vor.u32 s28, v2;
	[tilespmem:v10+s11+$0x0] =	vst.idx.msk $0xffff, v31;
	v30 =	vld.idx.msk [tilespmem:v30+s1+$0x0], $0xffff  }
0x6b6: {  	v63 =	vadd.s32 $0xC350, v13;
	v13 =	vor.u32 s19, v2;
	[tilespmem:v11+s11+$0x0] =	vst.idx.msk $0xffff, v60;
	v32 =	vld.idx.msk [tilespmem:v61+s1+$0x0], $0xffff  }
0x6b7: {  	v41 =	vadd.s32 $0x4E20, v26;
	v15 =	vor.u32 s29, v2;
	[tilespmem:v18+s12+$0x0] =	vst.idx.msk $0xffff, v24;
	v39 =	vld.idx.msk [tilespmem:v20+s1+$0x0], $0xffff  }
0x6b8: {  	v14 =	vadd.s32 $0xC350, v14;
	v40 =	vadd.s32 $0x4E20, v8;
	v28 =	vadd.s32 $0x4E20, v29;
	[tilespmem:v19+s12+$0x0] =	vst.idx.msk $0xffff, v25;
	v62 =	vld.idx.msk [tilespmem:v0+s1+$0x0], $0xffff  }
0x6b9: {  	v16 =	vadd.s32 $0xC350, v26;
	v20 =	vadd.s32 $0x7530, v26;
	v34 =	vld.idx.msk [tilespmem:v22+s1+$0x0], $0xffff;
	[tilespmem:v21+s12+$0x0] =	vst.idx.msk $0xffff, v27;
	v27 =	vor.u32 s21, v2  }
0x6ba: {  	v18 =	vadd.s32 $0x9C40, v26;
	v24 =	vadd.s32 $0x7530, v29;
	v33 =	vld.idx.msk [tilespmem:v1+s1+$0x0], $0xffff;
	[tilespmem:v12+s11+$0x0] =	vst.idx.msk $0xffff, v30;
	v30 =	vadd.s32 $0x4E20, v59  }
0x6bb: {  	v25 =	vor.u32 s29, v3;
	v26 =	vor.u32 s21, v3;
	v19 =	vadd.s32 $0xC350, v29;
	[tilespmem:v13+s11+$0x0] =	vst.idx.msk $0xffff, v38;
	v31 =	vld.idx.msk [tilespmem:v63+s1+$0x0], $0xffff  }
0x6bc: {  	v0 =	vor.u32 s19, v3;
	v1 =	vadd.s32 $0x7530, v59;
	v22 =	vor.u32 s28, v3;
	v36 =	vld.idx.msk [tilespmem:v41+s1+$0x0], $0xffff;
	[tilespmem:v15+s11+$0x0] =	vst.idx.msk $0xffff, v39  }
0x6bd: {  	s20 =	simm.s32 $0x80;
	s19 =	simm.s32 $0x4;
	v21 =	vadd.s32 $0x9C40, v29;
	v29 =	vadd.s32 $0xC350, v59;
	[tilespmem:v23+s12+$0x0] =	vst.idx.msk $0xffff, v62;
	v35 =	vld.idx.msk [tilespmem:v40+s1+$0x0], $0xffff;
	v23 =	vadd.s32 $0x9C40, v59  }
.LBB2_30:
0x6be: {  	s21 =	sand.u32 $0x780, s20;
	s22 =	sand.u32 $0x40, s20;
	v28 =	vld.idx.msk [tilespmem:v28+s1+$0x0], $0xffff;
	[tilespmem:v27+s11+$0x0] =	vst.idx.msk $0xffff, v34;
	v34 =	vadd.s32 $0x7530, v8  }
0x6bf: {  	s19 =	sadd.s32 $0x4, s19;
	s21 =	sadd.s32 $0x14A80, s21;
	s23 =	sor.u32 $0x30, s22;
	v30 =	vld.idx.msk [tilespmem:v30+s1+$0x0], $0xffff;
	[tilespmem:v4+s12+$0x0] =	vst.idx.msk $0xffff, v32;
	v4 =	vmov v27  }
0x6c0: {  	s24 =	sor.u32 $0x10, s22;
	p0 =	slt.u32 s19, $0x7C;
	s25 =	sor.u32 s23, s21;
	[tilespmem:v7+s12+$0x0] =	vst.idx.msk $0xffff, v33;
	v27 =	vld.idx.msk [tilespmem:v14+s1+$0x0], $0xffff;
	v7 =	vmov v0;
	v14 =	vmov v29  }
0x6c1: {  	s29 =	sor.u32 $0x20, s22;
	s26 =	sor.u32 s22, s21;
	s28 =	sor.u32 s24, s21;
	v29 =	vld [tilespmem:s25+$0x0];
	[tilespmem:v5+s12+$0x0] =	vst.idx.msk $0xffff, v31;
	v5 =	vmov v25  }
0x6c2: {  	s21 =	sor.u32 s29, s21;
	v31 =	vld [tilespmem:s26+$0x0];
	[tilespmem:v22+s11+$0x0] =	vst.idx.msk $0xffff, v35  }
0x6c3: {  	[tilespmem:v0+s11+$0x0] =	vst.idx.msk $0xffff, v36;
	v0 =	vld.idx.msk [tilespmem:v34+s1+$0x0], $0xffff  }
0x6c4: {  	v32 =	vld [tilespmem:s28+$0x0];
	[tilespmem:v25+s11+$0x0] =	vst.idx.msk $0xffff, v28  }
0x6c5: {  	v25 =	vadd.s32 $0x9C40, v8;
	v33 =	vld [tilespmem:s21+$0x0];
	[tilespmem:v26+s11+$0x0] =	vst.idx.msk $0xffff, v30  }
0x6c6: {  	v30 =	vld.idx.msk [tilespmem:v20+s1+$0x0], $0xffff;
	[tilespmem:v6+s12+$0x0] =	vst.idx.msk $0xffff, v27;
	v6 =	vmov v26  }
0x6c7: {  	s18 =	sadd.s32 $0x100, s18;
	v34 =	vadd.s32 $0x2710, v31;
	v36 =	vadd.s32 $0x4E20, v31;
	v20 =	vadd.s32 $0x7530, v31;
	v26 =	vld.idx.msk [tilespmem:v24+s1+$0x0], $0xffff  }
0x6c8: {  	s25 =	sand.u32 $0x1E00, s18;
	v35 =	vadd.s32 $0x9C40, v31;
	v37 =	vadd.s32 $0xC350, v31;
	v38 =	vld.idx.msk [tilespmem:v1+s1+$0x0], $0xffff  }
0x6c9: {  	s24 =	sor.u32 s25, s24;
	s26 =	sor.u32 s25, s29;
	s21 =	sor.u32 s25, s23;
	v39 =	vadd.s32 $0x2710, v32;
	v28 =	vadd.s32 $0x4E20, v32;
	v24 =	vadd.s32 $0x7530, v32;
	v40 =	vld.idx.msk [tilespmem:v29+s1+$0x0], $0xffff;
	[tilespmem:v9+s12+$0x0] =	vst.idx.msk $0xffff, v0  }
0x6ca: {  	s22 =	sor.u32 s22, s25;
	v41 =	vor.u32 s26, v52;
	v0 =	vor.u32 s24, v52;
	v9 =	vor.u32 s21, v52;
	v42 =	vld.idx.msk [tilespmem:v25+s1+$0x0], $0xffff  }
0x6cb: {  	v43 =	vor.u32 s22, v52;
	v45 =	vadd.s32 $0x2710, v29;
	v44 =	vadd.s32 $0x2710, v33;
	v31 =	vld.idx.msk [tilespmem:v31+s1+$0x0], $0xffff  }
0x6cc: {  	v48 =	vadd.s32 $0xC350, v8;
	v46 =	vor.u32 s24, v2;
	v27 =	vor.u32 s26, v2;
	v8 =	vmovc v29;
	v47 =	vld.idx.msk [tilespmem:v32+s1+$0x0], $0xffff;
	[tilespmem:v17+s12+$0x0] =	vst.idx.msk $0xffff, v30  }
0x6cd: {  	v49 =	vor.u32 s22, v2;
	v25 =	vor.u32 s24, v3;
	v30 =	vadd.s32 $0x4E20, v33;
	v50 =	vld.idx.msk [tilespmem:v33+s1+$0x0], $0xffff;
	[tilespmem:v10+s12+$0x0] =	vst.idx.msk $0xffff, v26;
	v10 =	vmovc v0  }
0x6ce: {  	v1 =	vadd.s32 $0x7530, v33;
	v0 =	vor.u32 s22, v3;
	v26 =	vor.u32 s26, v3;
	v51 =	vld.idx.msk [tilespmem:v18+s1+$0x0], $0xffff;
	[tilespmem:v11+s12+$0x0] =	vst.idx.msk $0xffff, v38;
	v18 =	vmovc v35  }
0x6cf: {  	v35 =	vadd.s32 $0xC350, v32;
	v38 =	vadd.s32 $0x9C40, v33;
	v11 =	vmovc v41;
	[tilespmem:v9+s11+$0x0] =	vst.idx.msk $0xffff, v40;
	v40 =	vld.idx.msk [tilespmem:v21+s1+$0x0], $0xffff;
	v21 =	vadd.s32 $0x9C40, v32  }
0x6d0: {  	v29 =	vadd.s32 $0xC350, v33;
	v17 =	vmov v43;
	v33 =	vld.idx.msk [tilespmem:v45+s1+$0x0], $0xffff;
	[tilespmem:v12+s12+$0x0] =	vst.idx.msk $0xffff, v42  }
0x6d1: {  	v12 =	vor.u32 s21, v2;
	[tilespmem:v43+s11+$0x0] =	vst.idx.msk $0xffff, v31;
	v42 =	vld.idx.msk [tilespmem:v48+s1+$0x0], $0xffff  }
0x6d2: {  	v43 =	vld.idx.msk [tilespmem:v34+s1+$0x0], $0xffff;
	[tilespmem:v10+s11+$0x0] =	vst.idx.msk $0xffff, v47  }
0x6d3: {  	v39 =	vld.idx.msk [tilespmem:v39+s1+$0x0], $0xffff;
	[tilespmem:v41+s11+$0x0] =	vst.idx.msk $0xffff, v50;
	v41 =	vadd.s32 $0x4E20, v8  }
0x6d4: {  	v34 =	vld.idx.msk [tilespmem:v44+s1+$0x0], $0xffff;
	[tilespmem:v13+s12+$0x0] =	vst.idx.msk $0xffff, v51;
	v13 =	vmov v49  }
.Ltmp14:
0x6d5: {  	[tilespmem:v15+s12+$0x0] =	vst.idx.msk $0xffff, v40;
	v32 =	vld.idx.msk [tilespmem:v23+s1+$0x0], $0xffff;
	v15 =	vmov v46;
	v23 =	vmov v38;
	(pc) =	sbr.rel @p0 .LBB2_30-.Ltmp14, $4  }
0x6d6: {  	[tilespmem:v12+s11+$0x0] =	vst.idx.msk $0xffff, v33;
	v33 =	vld.idx.msk [tilespmem:v16+s1+$0x0], $0xffff;
	v16 =	vmov v37  }
0x6d7: {  	v31 =	vld.idx.msk [tilespmem:v19+s1+$0x0], $0xffff;
	[tilespmem:v22+s12+$0x0] =	vst.idx.msk $0xffff, v42;
	v19 =	vmov v35  }
0x6d8: {  	[tilespmem:v49+s11+$0x0] =	vst.idx.msk $0xffff, v43;
	v35 =	vld.idx.msk [tilespmem:v41+s1+$0x0], $0xffff  }
0x6d9: {  	s20 =	sadd.s32 $0x40, s20;
	v22 =	vor.u32 s21, v3;
	v36 =	vld.idx.msk [tilespmem:v36+s1+$0x0], $0xffff;
	[tilespmem:v46+s11+$0x0] =	vst.idx.msk $0xffff, v39  }
0x6da: {  	_ =	sdelay $0x2  }
0x6db: {  	v37 =	vadd.s32 $0x7530, v8  }
0x6dc: {  	v28 =	vld.idx.msk [tilespmem:v28+s1+$0x0], $0xffff;
	[tilespmem:v27+s11+$0x0] =	vst.idx.msk $0xffff, v34  }
0x6dd: {  	v30 =	vld.idx.msk [tilespmem:v30+s1+$0x0], $0xffff;
	_ =	sdelay $0x1  }
0x6de: {  	[tilespmem:v22+s11+$0x0] =	vst.idx.msk $0xffff, v35  }
0x6df: {  	[tilespmem:v0+s11+$0x0] =	vst.idx.msk $0xffff, v36;
	v58 =	vld.idx.msk [tilespmem:v37+s1+$0x0], $0xffff  }
0x6e0: {  	[tilespmem:v25+s11+$0x0] =	vst.idx.msk $0xffff, v28;
	v28 =	vadd.s32 $0x9C40, v8;
	v20 =	vld.idx.msk [tilespmem:v20+s1+$0x0], $0xffff  }
0x6e1: {  	[tilespmem:v26+s11+$0x0] =	vst.idx.msk $0xffff, v30;
	v24 =	vld.idx.msk [tilespmem:v24+s1+$0x0], $0xffff  }
0x6e2: {  	v1 =	vld.idx.msk [tilespmem:v1+s1+$0x0], $0xffff;
	_ =	sdelay $0x1  }
0x6e3: {  	[tilespmem:v9+s12+$0x0] =	vst.idx.msk $0xffff, v58  }
0x6e4: {  	[tilespmem:v17+s12+$0x0] =	vst.idx.msk $0xffff, v20;
	v9 =	vld.idx.msk [tilespmem:v28+s1+$0x0], $0xffff  }
0x6e5: {  	v8 =	vadd.s32 $0xC350, v8;
	[tilespmem:v10+s12+$0x0] =	vst.idx.msk $0xffff, v24;
	v10 =	vld.idx.msk [tilespmem:v18+s1+$0x0], $0xffff  }
0x6e6: {  	[tilespmem:v11+s12+$0x0] =	vst.idx.msk $0xffff, v1;
	v1 =	vld.idx.msk [tilespmem:v21+s1+$0x0], $0xffff  }
0x6e7: {  	[tilespmem:v4+s12+$0x0] =	vst.idx.msk $0xffff, v32;
	v4 =	vld.idx.msk [tilespmem:v23+s1+$0x0], $0xffff  }
0x6e8: {  	[tilespmem:v7+s12+$0x0] =	vst.idx.msk $0xffff, v33  }
0x6e9: {  	v7 =	vld.idx.msk [tilespmem:v14+s1+$0x0], $0xffff;
	[tilespmem:v12+s12+$0x0] =	vst.idx.msk $0xffff, v9  }
0x6ea: {  	[tilespmem:v13+s12+$0x0] =	vst.idx.msk $0xffff, v10;
	v8 =	vld.idx.msk [tilespmem:v8+s1+$0x0], $0xffff  }
0x6eb: {  	[tilespmem:v15+s12+$0x0] =	vst.idx.msk $0xffff, v1;
	v1 =	vld.idx.msk [tilespmem:v16+s1+$0x0], $0xffff  }
0x6ec: {  	v9 =	vld.idx.msk [tilespmem:v19+s1+$0x0], $0xffff;
	[tilespmem:v27+s12+$0x0] =	vst.idx.msk $0xffff, v4  }
0x6ed: {  	[tilespmem:v5+s12+$0x0] =	vst.idx.msk $0xffff, v31;
	v4 =	vld.idx.msk [tilespmem:v29+s1+$0x0], $0xffff  }
0x6ee: {  	[tilespmem:v6+s12+$0x0] =	vst.idx.msk $0xffff, v7  }
0x6ef: {  	[tilespmem:v22+s12+$0x0] =	vst.idx.msk $0xffff, v8  }
0x6f0: {  	[tilespmem:v0+s12+$0x0] =	vst.idx.msk $0xffff, v1  }
0x6f1: {  	[tilespmem:v25+s12+$0x0] =	vst.idx.msk $0xffff, v9  }
0x6f2: {  	[tilespmem:v26+s12+$0x0] =	vst.idx.msk $0xffff, v4  }
0x6f3: {  	s18 =	simm.s32 $0x0;
	s19 =	rddreg [dreg:$0x1c]  }
0x6f4: {  	[hbm4b:s19+s18] =	stream.linear.scatter [tilespmem:s12], [sflag:$0x2], $0x2000, $0x38;
	[tilespmem:$0x1EA80] =	vst v63  }
0x6f5: {  	s24 =	rddreg [dreg:$0x1d]  }
0x6f6: {  	[hbm4b:s24+s18] =	stream.linear.scatter [tilespmem:s11], [sflag:$0x4], $0x2000, $0x38;
	[tilespmem:$0x1EA80] =	vst v63  }
0x6f7: {  	_ =	swait.ge [sflag:s16], $0x2000  }
0x6f8: {  	[sflag:s16] =	ssyncset.done $0x0  }
0x6f9: {  	[sflag:s16] =	ssyncadd.s32 $0xFFFFE000  }
0x6fa: {  	s25 =	sand.u32 $0x780, s18;
	s20 =	sand.u32 $0x40, s18;
	_ =	swait.ge [sflag:s9], $0x2000  }
0x6fb: {  	s21 =	sor.u32 $0x30, s20;
	s19 =	sadd.s32 $0x15280, s25;
	[sflag:s9] =	ssyncset.done $0x0  }
0x6fc: {  	s22 =	sor.u32 s21, s19;
	[sflag:s9] =	ssyncadd.s32 $0xFFFFE000  }
0x6fd: {  	s23 =	sor.u32 $0x10, s20;
	s24 =	sor.u32 s20, s19;
	v0 =	vld [tilespmem:s22+$0x0]  }
0x6fe: {  	s25 =	sor.u32 $0x20, s20;
	s26 =	sor.u32 s23, s19;
	v1 =	vld [tilespmem:s24+$0x0]  }
0x6ff: {  	s19 =	sor.u32 s25, s19;
	v13 =	vld [tilespmem:s26+$0x0]  }
0x700: {  	v14 =	vld [tilespmem:s19+$0x0];
	_ =	sdelay $0x2  }
0x701: {  	s18 =	sand.u32 $0x1E00, s18  }
0x702: {  	s28 =	sor.u32 s18, s21  }
0x703: {  	s20 =	sor.u32 s20, s18;
	v9 =	vor.u32 s28, v52;
	v4 =	vld.idx.msk [tilespmem:v0+s1+$0x0], $0xffff  }
0x704: {  	s29 =	sor.u32 s18, s23;
	v10 =	vor.u32 s20, v52;
	v6 =	vadd.s32 $0x2710, v0;
	v5 =	vld.idx.msk [tilespmem:v1+s1+$0x0], $0xffff  }
0x705: {  	s18 =	sor.u32 s18, s25;
	v11 =	vor.u32 s29, v52;
	v7 =	vadd.s32 $0x2710, v1;
	v8 =	vld.idx.msk [tilespmem:v13+s1+$0x0], $0xffff  }
0x706: {  	v15 =	vor.u32 s18, v52;
	v12 =	vadd.s32 $0x2710, v13;
	v16 =	vld.idx.msk [tilespmem:v14+s1+$0x0], $0xffff  }
0x707: {  	v17 =	vadd.s32 $0x2710, v14  }
0x708: {  	[tilespmem:v9+s13+$0x0] =	vst.idx.msk $0xffff, v4  }
0x709: {  	v18 =	vor.u32 s28, v2;
	s22 =	simm.s32 $0x40;
	[tilespmem:v10+s13+$0x0] =	vst.idx.msk $0xffff, v5;
	v6 =	vld.idx.msk [tilespmem:v6+s1+$0x0], $0xffff  }
0x70a: {  	v19 =	vor.u32 s20, v2;
	s23 =	sand.u32 $0x780, s22;
	[tilespmem:v11+s13+$0x0] =	vst.idx.msk $0xffff, v8;
	v5 =	vld.idx.msk [tilespmem:v7+s1+$0x0], $0xffff;
	v7 =	vadd.s32 $0x4E20, v0  }
0x70b: {  	v21 =	vor.u32 s29, v2;
	s19 =	sand.u32 $0x40, s22;
	s22 =	sadd.s32 $0x15280, s23;
	v8 =	vadd.s32 $0x4E20, v1;
	[tilespmem:v15+s13+$0x0] =	vst.idx.msk $0xffff, v16;
	v12 =	vld.idx.msk [tilespmem:v12+s1+$0x0], $0xffff  }
0x70c: {  	v23 =	vor.u32 s28, v3;
	s21 =	sor.u32 $0x20, s19;
	s28 =	sor.u32 s19, s22;
	v16 =	vadd.s32 $0x4E20, v13;
	v4 =	vor.u32 s18, v2;
	v17 =	vld.idx.msk [tilespmem:v17+s1+$0x0], $0xffff  }
0x70d: {  	s25 =	sor.u32 s21, s22;
	v26 =	vld [tilespmem:s28+$0x0];
	v20 =	vadd.s32 $0x4E20, v14  }
0x70e: {  	v59 =	vld [tilespmem:s25+$0x0];
	[tilespmem:v18+s13+$0x0] =	vst.idx.msk $0xffff, v6  }
0x70f: {  	[tilespmem:v19+s13+$0x0] =	vst.idx.msk $0xffff, v5;
	v22 =	vld.idx.msk [tilespmem:v7+s1+$0x0], $0xffff  }
0x710: {  	[tilespmem:v21+s13+$0x0] =	vst.idx.msk $0xffff, v12;
	v24 =	vld.idx.msk [tilespmem:v8+s1+$0x0], $0xffff  }
0x711: {  	s24 =	sor.u32 $0x30, s19;
	v12 =	vadd.s32 $0x7530, v0;
	[tilespmem:v4+s13+$0x0] =	vst.idx.msk $0xffff, v17;
	v16 =	vld.idx.msk [tilespmem:v16+s1+$0x0], $0xffff;
	v7 =	vor.u32 s20, v3  }
0x712: {  	s26 =	sor.u32 s24, s22;
	v5 =	vor.u32 s29, v3;
	v17 =	vld.idx.msk [tilespmem:v20+s1+$0x0], $0xffff;
	v20 =	vadd.s32 $0x7530, v1  }
0x713: {  	s29 =	sor.u32 $0x10, s19;
	v8 =	vld [tilespmem:s26+$0x0]  }
0x714: {  	v25 =	vadd.s32 $0x7530, v13;
	s20 =	sor.u32 s29, s22  }
0x715: {  	v6 =	vor.u32 s18, v3;
	v29 =	vld [tilespmem:s20+$0x0];
	[tilespmem:v23+s13+$0x0] =	vst.idx.msk $0xffff, v22  }
0x716: {  	[tilespmem:v7+s13+$0x0] =	vst.idx.msk $0xffff, v24;
	v12 =	vld.idx.msk [tilespmem:v12+s1+$0x0], $0xffff  }
0x717: {  	s18 =	simm.s32 $0x100;
	v22 =	vadd.s32 $0x7530, v14;
	[tilespmem:v5+s13+$0x0] =	vst.idx.msk $0xffff, v16;
	v16 =	vld.idx.msk [tilespmem:v20+s1+$0x0], $0xffff  }
0x718: {  	v28 =	vld.idx.msk [tilespmem:v26+s1+$0x0], $0xffff;
	s26 =	sand.u32 $0x1E00, s18  }
0x719: {  	s19 =	sor.u32 s19, s26;
	v24 =	vadd.s32 $0x9C40, v0;
	v20 =	vld.idx.msk [tilespmem:v25+s1+$0x0], $0xffff  }
0x71a: {  	v60 =	vld.idx.msk [tilespmem:v59+s1+$0x0], $0xffff;
	s28 =	sor.u32 s26, s24;
	[tilespmem:v6+s13+$0x0] =	vst.idx.msk $0xffff, v17;
	v17 =	vor.u32 s19, v52;
	v25 =	vadd.s32 $0x9C40, v1  }
0x71b: {  	v27 =	vld.idx.msk [tilespmem:v8+s1+$0x0], $0xffff;
	[tilespmem:v9+s14+$0x0] =	vst.idx.msk $0xffff, v12;
	v12 =	vadd.s32 $0x9C40, v13;
	v9 =	vor.u32 s28, v52  }
0x71c: {  	s29 =	sor.u32 s26, s29;
	v22 =	vld.idx.msk [tilespmem:v22+s1+$0x0], $0xffff;
	[tilespmem:v10+s14+$0x0] =	vst.idx.msk $0xffff, v16;
	v16 =	vadd.s32 $0x2710, v26  }
0x71d: {  	s21 =	sor.u32 s26, s21;
	v30 =	vadd.s32 $0x2710, v8;
	v31 =	vld.idx.msk [tilespmem:v29+s1+$0x0], $0xffff;
	v10 =	vor.u32 s29, v52  }
0x71e: {  	v61 =	vadd.s32 $0x9C40, v14;
	[tilespmem:v11+s14+$0x0] =	vst.idx.msk $0xffff, v20;
	v11 =	vor.u32 s21, v52;
	v24 =	vld.idx.msk [tilespmem:v24+s1+$0x0], $0xffff  }
0x71f: {  	[tilespmem:v17+s13+$0x0] =	vst.idx.msk $0xffff, v28;
	v20 =	vadd.s32 $0x2710, v29;
	v25 =	vld.idx.msk [tilespmem:v25+s1+$0x0], $0xffff  }
0x720: {  	v0 =	vadd.s32 $0xC350, v0;
	[tilespmem:v9+s13+$0x0] =	vst.idx.msk $0xffff, v27;
	v27 =	vld.idx.msk [tilespmem:v12+s1+$0x0], $0xffff  }
0x721: {  	[tilespmem:v15+s14+$0x0] =	vst.idx.msk $0xffff, v22;
	v22 =	vadd.s32 $0x2710, v59;
	v38 =	vld.idx.msk [tilespmem:v16+s1+$0x0], $0xffff  }
0x722: {  	v1 =	vadd.s32 $0xC350, v1;
	v12 =	vor.u32 s28, v2;
	[tilespmem:v10+s13+$0x0] =	vst.idx.msk $0xffff, v31;
	v30 =	vld.idx.msk [tilespmem:v30+s1+$0x0], $0xffff  }
0x723: {  	v63 =	vadd.s32 $0xC350, v13;
	v13 =	vor.u32 s19, v2;
	[tilespmem:v11+s13+$0x0] =	vst.idx.msk $0xffff, v60;
	v32 =	vld.idx.msk [tilespmem:v61+s1+$0x0], $0xffff  }
0x724: {  	v41 =	vadd.s32 $0x4E20, v26;
	v15 =	vor.u32 s29, v2;
	[tilespmem:v18+s14+$0x0] =	vst.idx.msk $0xffff, v24;
	v39 =	vld.idx.msk [tilespmem:v20+s1+$0x0], $0xffff  }
0x725: {  	v14 =	vadd.s32 $0xC350, v14;
	v40 =	vadd.s32 $0x4E20, v8;
	v28 =	vadd.s32 $0x4E20, v29;
	[tilespmem:v19+s14+$0x0] =	vst.idx.msk $0xffff, v25;
	v62 =	vld.idx.msk [tilespmem:v0+s1+$0x0], $0xffff  }
0x726: {  	v16 =	vadd.s32 $0xC350, v26;
	v20 =	vadd.s32 $0x7530, v26;
	v34 =	vld.idx.msk [tilespmem:v22+s1+$0x0], $0xffff;
	[tilespmem:v21+s14+$0x0] =	vst.idx.msk $0xffff, v27;
	v27 =	vor.u32 s21, v2  }
0x727: {  	v18 =	vadd.s32 $0x9C40, v26;
	v24 =	vadd.s32 $0x7530, v29;
	v33 =	vld.idx.msk [tilespmem:v1+s1+$0x0], $0xffff;
	[tilespmem:v12+s13+$0x0] =	vst.idx.msk $0xffff, v30;
	v30 =	vadd.s32 $0x4E20, v59  }
0x728: {  	v25 =	vor.u32 s29, v3;
	v26 =	vor.u32 s21, v3;
	v19 =	vadd.s32 $0xC350, v29;
	[tilespmem:v13+s13+$0x0] =	vst.idx.msk $0xffff, v38;
	v31 =	vld.idx.msk [tilespmem:v63+s1+$0x0], $0xffff  }
0x729: {  	v0 =	vor.u32 s19, v3;
	v1 =	vadd.s32 $0x7530, v59;
	v22 =	vor.u32 s28, v3;
	v36 =	vld.idx.msk [tilespmem:v41+s1+$0x0], $0xffff;
	[tilespmem:v15+s13+$0x0] =	vst.idx.msk $0xffff, v39  }
0x72a: {  	s20 =	simm.s32 $0x80;
	s19 =	simm.s32 $0x4;
	v21 =	vadd.s32 $0x9C40, v29;
	v29 =	vadd.s32 $0xC350, v59;
	[tilespmem:v23+s14+$0x0] =	vst.idx.msk $0xffff, v62;
	v35 =	vld.idx.msk [tilespmem:v40+s1+$0x0], $0xffff;
	v23 =	vadd.s32 $0x9C40, v59  }
.LBB2_32:
0x72b: {  	s21 =	sand.u32 $0x780, s20;
	s22 =	sand.u32 $0x40, s20;
	v28 =	vld.idx.msk [tilespmem:v28+s1+$0x0], $0xffff;
	[tilespmem:v27+s13+$0x0] =	vst.idx.msk $0xffff, v34;
	v34 =	vadd.s32 $0x7530, v8  }
0x72c: {  	s19 =	sadd.s32 $0x4, s19;
	s21 =	sadd.s32 $0x15280, s21;
	s23 =	sor.u32 $0x30, s22;
	v30 =	vld.idx.msk [tilespmem:v30+s1+$0x0], $0xffff;
	[tilespmem:v4+s14+$0x0] =	vst.idx.msk $0xffff, v32;
	v4 =	vmov v27  }
0x72d: {  	s24 =	sor.u32 $0x10, s22;
	p0 =	slt.u32 s19, $0x7C;
	s25 =	sor.u32 s23, s21;
	[tilespmem:v7+s14+$0x0] =	vst.idx.msk $0xffff, v33;
	v27 =	vld.idx.msk [tilespmem:v14+s1+$0x0], $0xffff;
	v7 =	vmov v0;
	v14 =	vmov v29  }
0x72e: {  	s29 =	sor.u32 $0x20, s22;
	s26 =	sor.u32 s22, s21;
	s28 =	sor.u32 s24, s21;
	v29 =	vld [tilespmem:s25+$0x0];
	[tilespmem:v5+s14+$0x0] =	vst.idx.msk $0xffff, v31;
	v5 =	vmov v25  }
0x72f: {  	s21 =	sor.u32 s29, s21;
	v31 =	vld [tilespmem:s26+$0x0];
	[tilespmem:v22+s13+$0x0] =	vst.idx.msk $0xffff, v35  }
0x730: {  	[tilespmem:v0+s13+$0x0] =	vst.idx.msk $0xffff, v36;
	v0 =	vld.idx.msk [tilespmem:v34+s1+$0x0], $0xffff  }
0x731: {  	v32 =	vld [tilespmem:s28+$0x0];
	[tilespmem:v25+s13+$0x0] =	vst.idx.msk $0xffff, v28  }
0x732: {  	v25 =	vadd.s32 $0x9C40, v8;
	v33 =	vld [tilespmem:s21+$0x0];
	[tilespmem:v26+s13+$0x0] =	vst.idx.msk $0xffff, v30  }
0x733: {  	v30 =	vld.idx.msk [tilespmem:v20+s1+$0x0], $0xffff;
	[tilespmem:v6+s14+$0x0] =	vst.idx.msk $0xffff, v27;
	v6 =	vmov v26  }
0x734: {  	s18 =	sadd.s32 $0x100, s18;
	v34 =	vadd.s32 $0x2710, v31;
	v36 =	vadd.s32 $0x4E20, v31;
	v20 =	vadd.s32 $0x7530, v31;
	v26 =	vld.idx.msk [tilespmem:v24+s1+$0x0], $0xffff  }
0x735: {  	s25 =	sand.u32 $0x1E00, s18;
	v35 =	vadd.s32 $0x9C40, v31;
	v37 =	vadd.s32 $0xC350, v31;
	v38 =	vld.idx.msk [tilespmem:v1+s1+$0x0], $0xffff  }
0x736: {  	s24 =	sor.u32 s25, s24;
	s26 =	sor.u32 s25, s29;
	s21 =	sor.u32 s25, s23;
	v39 =	vadd.s32 $0x2710, v32;
	v28 =	vadd.s32 $0x4E20, v32;
	v24 =	vadd.s32 $0x7530, v32;
	v40 =	vld.idx.msk [tilespmem:v29+s1+$0x0], $0xffff;
	[tilespmem:v9+s14+$0x0] =	vst.idx.msk $0xffff, v0  }
0x737: {  	s22 =	sor.u32 s22, s25;
	v41 =	vor.u32 s26, v52;
	v0 =	vor.u32 s24, v52;
	v9 =	vor.u32 s21, v52;
	v42 =	vld.idx.msk [tilespmem:v25+s1+$0x0], $0xffff  }
0x738: {  	v43 =	vor.u32 s22, v52;
	v45 =	vadd.s32 $0x2710, v29;
	v44 =	vadd.s32 $0x2710, v33;
	v31 =	vld.idx.msk [tilespmem:v31+s1+$0x0], $0xffff  }
0x739: {  	v48 =	vadd.s32 $0xC350, v8;
	v46 =	vor.u32 s24, v2;
	v27 =	vor.u32 s26, v2;
	v8 =	vmovc v29;
	v47 =	vld.idx.msk [tilespmem:v32+s1+$0x0], $0xffff;
	[tilespmem:v17+s14+$0x0] =	vst.idx.msk $0xffff, v30  }
0x73a: {  	v49 =	vor.u32 s22, v2;
	v25 =	vor.u32 s24, v3;
	v30 =	vadd.s32 $0x4E20, v33;
	v50 =	vld.idx.msk [tilespmem:v33+s1+$0x0], $0xffff;
	[tilespmem:v10+s14+$0x0] =	vst.idx.msk $0xffff, v26;
	v10 =	vmovc v0  }
0x73b: {  	v1 =	vadd.s32 $0x7530, v33;
	v0 =	vor.u32 s22, v3;
	v26 =	vor.u32 s26, v3;
	v51 =	vld.idx.msk [tilespmem:v18+s1+$0x0], $0xffff;
	[tilespmem:v11+s14+$0x0] =	vst.idx.msk $0xffff, v38;
	v18 =	vmovc v35  }
0x73c: {  	v35 =	vadd.s32 $0xC350, v32;
	v38 =	vadd.s32 $0x9C40, v33;
	v11 =	vmovc v41;
	[tilespmem:v9+s13+$0x0] =	vst.idx.msk $0xffff, v40;
	v40 =	vld.idx.msk [tilespmem:v21+s1+$0x0], $0xffff;
	v21 =	vadd.s32 $0x9C40, v32  }
0x73d: {  	v29 =	vadd.s32 $0xC350, v33;
	v17 =	vmov v43;
	v33 =	vld.idx.msk [tilespmem:v45+s1+$0x0], $0xffff;
	[tilespmem:v12+s14+$0x0] =	vst.idx.msk $0xffff, v42  }
0x73e: {  	v12 =	vor.u32 s21, v2;
	[tilespmem:v43+s13+$0x0] =	vst.idx.msk $0xffff, v31;
	v42 =	vld.idx.msk [tilespmem:v48+s1+$0x0], $0xffff  }
0x73f: {  	v43 =	vld.idx.msk [tilespmem:v34+s1+$0x0], $0xffff;
	[tilespmem:v10+s13+$0x0] =	vst.idx.msk $0xffff, v47  }
0x740: {  	v39 =	vld.idx.msk [tilespmem:v39+s1+$0x0], $0xffff;
	[tilespmem:v41+s13+$0x0] =	vst.idx.msk $0xffff, v50;
	v41 =	vadd.s32 $0x4E20, v8  }
0x741: {  	v34 =	vld.idx.msk [tilespmem:v44+s1+$0x0], $0xffff;
	[tilespmem:v13+s14+$0x0] =	vst.idx.msk $0xffff, v51;
	v13 =	vmov v49  }
.Ltmp15:
0x742: {  	[tilespmem:v15+s14+$0x0] =	vst.idx.msk $0xffff, v40;
	v32 =	vld.idx.msk [tilespmem:v23+s1+$0x0], $0xffff;
	v15 =	vmov v46;
	v23 =	vmov v38;
	(pc) =	sbr.rel @p0 .LBB2_32-.Ltmp15, $4  }
0x743: {  	[tilespmem:v12+s13+$0x0] =	vst.idx.msk $0xffff, v33;
	v33 =	vld.idx.msk [tilespmem:v16+s1+$0x0], $0xffff;
	v16 =	vmov v37  }
0x744: {  	v31 =	vld.idx.msk [tilespmem:v19+s1+$0x0], $0xffff;
	[tilespmem:v22+s14+$0x0] =	vst.idx.msk $0xffff, v42;
	v19 =	vmov v35  }
0x745: {  	[tilespmem:v49+s13+$0x0] =	vst.idx.msk $0xffff, v43;
	v35 =	vld.idx.msk [tilespmem:v41+s1+$0x0], $0xffff  }
0x746: {  	s20 =	sadd.s32 $0x40, s20;
	v22 =	vor.u32 s21, v3;
	v36 =	vld.idx.msk [tilespmem:v36+s1+$0x0], $0xffff;
	[tilespmem:v46+s13+$0x0] =	vst.idx.msk $0xffff, v39  }
0x747: {  	_ =	sdelay $0x2  }
0x748: {  	v37 =	vadd.s32 $0x7530, v8  }
0x749: {  	v28 =	vld.idx.msk [tilespmem:v28+s1+$0x0], $0xffff;
	[tilespmem:v27+s13+$0x0] =	vst.idx.msk $0xffff, v34  }
0x74a: {  	v30 =	vld.idx.msk [tilespmem:v30+s1+$0x0], $0xffff;
	_ =	sdelay $0x1  }
0x74b: {  	[tilespmem:v22+s13+$0x0] =	vst.idx.msk $0xffff, v35  }
0x74c: {  	[tilespmem:v0+s13+$0x0] =	vst.idx.msk $0xffff, v36;
	v58 =	vld.idx.msk [tilespmem:v37+s1+$0x0], $0xffff  }
0x74d: {  	[tilespmem:v25+s13+$0x0] =	vst.idx.msk $0xffff, v28;
	v28 =	vadd.s32 $0x9C40, v8;
	v20 =	vld.idx.msk [tilespmem:v20+s1+$0x0], $0xffff  }
0x74e: {  	[tilespmem:v26+s13+$0x0] =	vst.idx.msk $0xffff, v30;
	v24 =	vld.idx.msk [tilespmem:v24+s1+$0x0], $0xffff  }
0x74f: {  	v1 =	vld.idx.msk [tilespmem:v1+s1+$0x0], $0xffff;
	_ =	sdelay $0x1  }
0x750: {  	[tilespmem:v9+s14+$0x0] =	vst.idx.msk $0xffff, v58  }
0x751: {  	[tilespmem:v17+s14+$0x0] =	vst.idx.msk $0xffff, v20;
	v9 =	vld.idx.msk [tilespmem:v28+s1+$0x0], $0xffff  }
0x752: {  	v8 =	vadd.s32 $0xC350, v8;
	[tilespmem:v10+s14+$0x0] =	vst.idx.msk $0xffff, v24;
	v10 =	vld.idx.msk [tilespmem:v18+s1+$0x0], $0xffff  }
0x753: {  	[tilespmem:v11+s14+$0x0] =	vst.idx.msk $0xffff, v1;
	v1 =	vld.idx.msk [tilespmem:v21+s1+$0x0], $0xffff  }
0x754: {  	[tilespmem:v4+s14+$0x0] =	vst.idx.msk $0xffff, v32;
	v4 =	vld.idx.msk [tilespmem:v23+s1+$0x0], $0xffff  }
0x755: {  	[tilespmem:v7+s14+$0x0] =	vst.idx.msk $0xffff, v33  }
0x756: {  	v7 =	vld.idx.msk [tilespmem:v14+s1+$0x0], $0xffff;
	[tilespmem:v12+s14+$0x0] =	vst.idx.msk $0xffff, v9  }
0x757: {  	[tilespmem:v13+s14+$0x0] =	vst.idx.msk $0xffff, v10;
	v8 =	vld.idx.msk [tilespmem:v8+s1+$0x0], $0xffff  }
0x758: {  	[tilespmem:v15+s14+$0x0] =	vst.idx.msk $0xffff, v1;
	v1 =	vld.idx.msk [tilespmem:v16+s1+$0x0], $0xffff  }
0x759: {  	v9 =	vld.idx.msk [tilespmem:v19+s1+$0x0], $0xffff;
	[tilespmem:v27+s14+$0x0] =	vst.idx.msk $0xffff, v4  }
0x75a: {  	[tilespmem:v5+s14+$0x0] =	vst.idx.msk $0xffff, v31;
	v4 =	vld.idx.msk [tilespmem:v29+s1+$0x0], $0xffff  }
0x75b: {  	[tilespmem:v6+s14+$0x0] =	vst.idx.msk $0xffff, v7  }
0x75c: {  	[tilespmem:v22+s14+$0x0] =	vst.idx.msk $0xffff, v8  }
0x75d: {  	[tilespmem:v0+s14+$0x0] =	vst.idx.msk $0xffff, v1  }
0x75e: {  	[tilespmem:v25+s14+$0x0] =	vst.idx.msk $0xffff, v9  }
0x75f: {  	[tilespmem:v26+s14+$0x0] =	vst.idx.msk $0xffff, v4  }
0x760: {  	s18 =	simm.s32 $0x0;
	s19 =	rddreg [dreg:$0x1e]  }
0x761: {  	[hbm4b:s19+s18] =	stream.linear.scatter [tilespmem:s14], [sflag:$0x3], $0x2000, $0x38;
	[tilespmem:$0x1EA80] =	vst v63  }
0x762: {  	s24 =	rddreg [dreg:$0x1f]  }
0x763: {  	[hbm4b:s24+s18] =	stream.linear.scatter [tilespmem:s13], [sflag:$0x5], $0x2000, $0x38;
	[tilespmem:$0x1EA80] =	vst v63  }
0x764: {  	_ =	swait.ge [sflag:s15], $0x2000  }
0x765: {  	[sflag:s15] =	ssyncset.done $0x0  }
0x766: {  	[sflag:s15] =	ssyncadd.s32 $0xFFFFE000  }
0x767: {  	s25 =	sand.u32 $0x780, s18;
	s20 =	sand.u32 $0x40, s18;
	_ =	swait.ge [sflag:s8], $0x2000  }
0x768: {  	s21 =	sor.u32 $0x30, s20;
	s19 =	sadd.s32 $0x15A80, s25;
	[sflag:s8] =	ssyncset.done $0x0  }
0x769: {  	s22 =	sor.u32 s21, s19;
	[sflag:s8] =	ssyncadd.s32 $0xFFFFE000  }
0x76a: {  	s23 =	sor.u32 $0x10, s20;
	s24 =	sor.u32 s20, s19;
	v0 =	vld [tilespmem:s22+$0x0]  }
0x76b: {  	s25 =	sor.u32 $0x20, s20;
	s26 =	sor.u32 s23, s19;
	v1 =	vld [tilespmem:s24+$0x0]  }
0x76c: {  	s19 =	sor.u32 s25, s19;
	v13 =	vld [tilespmem:s26+$0x0]  }
0x76d: {  	v14 =	vld [tilespmem:s19+$0x0];
	_ =	sdelay $0x2  }
0x76e: {  	s18 =	sand.u32 $0x1E00, s18  }
0x76f: {  	s28 =	sor.u32 s18, s21  }
0x770: {  	s20 =	sor.u32 s20, s18;
	v9 =	vor.u32 s28, v52;
	v4 =	vld.idx.msk [tilespmem:v0+s1+$0x0], $0xffff  }
0x771: {  	s29 =	sor.u32 s18, s23;
	v10 =	vor.u32 s20, v52;
	v6 =	vadd.s32 $0x2710, v0;
	v5 =	vld.idx.msk [tilespmem:v1+s1+$0x0], $0xffff  }
0x772: {  	s18 =	sor.u32 s18, s25;
	v11 =	vor.u32 s29, v52;
	v7 =	vadd.s32 $0x2710, v1;
	v8 =	vld.idx.msk [tilespmem:v13+s1+$0x0], $0xffff  }
0x773: {  	v15 =	vor.u32 s18, v52;
	v12 =	vadd.s32 $0x2710, v13;
	v16 =	vld.idx.msk [tilespmem:v14+s1+$0x0], $0xffff  }
0x774: {  	v17 =	vadd.s32 $0x2710, v14  }
0x775: {  	[tilespmem:v9+s11+$0x0] =	vst.idx.msk $0xffff, v4  }
0x776: {  	v18 =	vor.u32 s28, v2;
	s22 =	simm.s32 $0x40;
	[tilespmem:v10+s11+$0x0] =	vst.idx.msk $0xffff, v5;
	v6 =	vld.idx.msk [tilespmem:v6+s1+$0x0], $0xffff  }
0x777: {  	v19 =	vor.u32 s20, v2;
	s23 =	sand.u32 $0x780, s22;
	[tilespmem:v11+s11+$0x0] =	vst.idx.msk $0xffff, v8;
	v5 =	vld.idx.msk [tilespmem:v7+s1+$0x0], $0xffff;
	v7 =	vadd.s32 $0x4E20, v0  }
0x778: {  	v21 =	vor.u32 s29, v2;
	s19 =	sand.u32 $0x40, s22;
	s22 =	sadd.s32 $0x15A80, s23;
	v8 =	vadd.s32 $0x4E20, v1;
	[tilespmem:v15+s11+$0x0] =	vst.idx.msk $0xffff, v16;
	v12 =	vld.idx.msk [tilespmem:v12+s1+$0x0], $0xffff  }
0x779: {  	v23 =	vor.u32 s28, v3;
	s21 =	sor.u32 $0x20, s19;
	s28 =	sor.u32 s19, s22;
	v16 =	vadd.s32 $0x4E20, v13;
	v4 =	vor.u32 s18, v2;
	v17 =	vld.idx.msk [tilespmem:v17+s1+$0x0], $0xffff  }
0x77a: {  	s25 =	sor.u32 s21, s22;
	v26 =	vld [tilespmem:s28+$0x0];
	v20 =	vadd.s32 $0x4E20, v14  }
0x77b: {  	v59 =	vld [tilespmem:s25+$0x0];
	[tilespmem:v18+s11+$0x0] =	vst.idx.msk $0xffff, v6  }
0x77c: {  	[tilespmem:v19+s11+$0x0] =	vst.idx.msk $0xffff, v5;
	v22 =	vld.idx.msk [tilespmem:v7+s1+$0x0], $0xffff  }
0x77d: {  	[tilespmem:v21+s11+$0x0] =	vst.idx.msk $0xffff, v12;
	v24 =	vld.idx.msk [tilespmem:v8+s1+$0x0], $0xffff  }
0x77e: {  	s24 =	sor.u32 $0x30, s19;
	v12 =	vadd.s32 $0x7530, v0;
	[tilespmem:v4+s11+$0x0] =	vst.idx.msk $0xffff, v17;
	v16 =	vld.idx.msk [tilespmem:v16+s1+$0x0], $0xffff;
	v7 =	vor.u32 s20, v3  }
0x77f: {  	s26 =	sor.u32 s24, s22;
	v5 =	vor.u32 s29, v3;
	v17 =	vld.idx.msk [tilespmem:v20+s1+$0x0], $0xffff;
	v20 =	vadd.s32 $0x7530, v1  }
0x780: {  	s29 =	sor.u32 $0x10, s19;
	v8 =	vld [tilespmem:s26+$0x0]  }
0x781: {  	v25 =	vadd.s32 $0x7530, v13;
	s20 =	sor.u32 s29, s22  }
0x782: {  	v6 =	vor.u32 s18, v3;
	v29 =	vld [tilespmem:s20+$0x0];
	[tilespmem:v23+s11+$0x0] =	vst.idx.msk $0xffff, v22  }
0x783: {  	[tilespmem:v7+s11+$0x0] =	vst.idx.msk $0xffff, v24;
	v12 =	vld.idx.msk [tilespmem:v12+s1+$0x0], $0xffff  }
0x784: {  	s18 =	simm.s32 $0x100;
	v22 =	vadd.s32 $0x7530, v14;
	[tilespmem:v5+s11+$0x0] =	vst.idx.msk $0xffff, v16;
	v16 =	vld.idx.msk [tilespmem:v20+s1+$0x0], $0xffff  }
0x785: {  	v28 =	vld.idx.msk [tilespmem:v26+s1+$0x0], $0xffff;
	s26 =	sand.u32 $0x1E00, s18  }
0x786: {  	s19 =	sor.u32 s19, s26;
	v24 =	vadd.s32 $0x9C40, v0;
	v20 =	vld.idx.msk [tilespmem:v25+s1+$0x0], $0xffff  }
0x787: {  	v60 =	vld.idx.msk [tilespmem:v59+s1+$0x0], $0xffff;
	s28 =	sor.u32 s26, s24;
	[tilespmem:v6+s11+$0x0] =	vst.idx.msk $0xffff, v17;
	v17 =	vor.u32 s19, v52;
	v25 =	vadd.s32 $0x9C40, v1  }
0x788: {  	v27 =	vld.idx.msk [tilespmem:v8+s1+$0x0], $0xffff;
	[tilespmem:v9+s12+$0x0] =	vst.idx.msk $0xffff, v12;
	v12 =	vadd.s32 $0x9C40, v13;
	v9 =	vor.u32 s28, v52  }
0x789: {  	s29 =	sor.u32 s26, s29;
	v22 =	vld.idx.msk [tilespmem:v22+s1+$0x0], $0xffff;
	[tilespmem:v10+s12+$0x0] =	vst.idx.msk $0xffff, v16;
	v16 =	vadd.s32 $0x2710, v26  }
0x78a: {  	s21 =	sor.u32 s26, s21;
	v30 =	vadd.s32 $0x2710, v8;
	v31 =	vld.idx.msk [tilespmem:v29+s1+$0x0], $0xffff;
	v10 =	vor.u32 s29, v52  }
0x78b: {  	v61 =	vadd.s32 $0x9C40, v14;
	[tilespmem:v11+s12+$0x0] =	vst.idx.msk $0xffff, v20;
	v11 =	vor.u32 s21, v52;
	v24 =	vld.idx.msk [tilespmem:v24+s1+$0x0], $0xffff  }
0x78c: {  	[tilespmem:v17+s11+$0x0] =	vst.idx.msk $0xffff, v28;
	v20 =	vadd.s32 $0x2710, v29;
	v25 =	vld.idx.msk [tilespmem:v25+s1+$0x0], $0xffff  }
0x78d: {  	v0 =	vadd.s32 $0xC350, v0;
	[tilespmem:v9+s11+$0x0] =	vst.idx.msk $0xffff, v27;
	v27 =	vld.idx.msk [tilespmem:v12+s1+$0x0], $0xffff  }
0x78e: {  	[tilespmem:v15+s12+$0x0] =	vst.idx.msk $0xffff, v22;
	v22 =	vadd.s32 $0x2710, v59;
	v38 =	vld.idx.msk [tilespmem:v16+s1+$0x0], $0xffff  }
0x78f: {  	v1 =	vadd.s32 $0xC350, v1;
	v12 =	vor.u32 s28, v2;
	[tilespmem:v10+s11+$0x0] =	vst.idx.msk $0xffff, v31;
	v30 =	vld.idx.msk [tilespmem:v30+s1+$0x0], $0xffff  }
0x790: {  	v63 =	vadd.s32 $0xC350, v13;
	v13 =	vor.u32 s19, v2;
	[tilespmem:v11+s11+$0x0] =	vst.idx.msk $0xffff, v60;
	v32 =	vld.idx.msk [tilespmem:v61+s1+$0x0], $0xffff  }
0x791: {  	v41 =	vadd.s32 $0x4E20, v26;
	v15 =	vor.u32 s29, v2;
	[tilespmem:v18+s12+$0x0] =	vst.idx.msk $0xffff, v24;
	v39 =	vld.idx.msk [tilespmem:v20+s1+$0x0], $0xffff  }
0x792: {  	v14 =	vadd.s32 $0xC350, v14;
	v40 =	vadd.s32 $0x4E20, v8;
	v28 =	vadd.s32 $0x4E20, v29;
	[tilespmem:v19+s12+$0x0] =	vst.idx.msk $0xffff, v25;
	v62 =	vld.idx.msk [tilespmem:v0+s1+$0x0], $0xffff  }
0x793: {  	v16 =	vadd.s32 $0xC350, v26;
	v20 =	vadd.s32 $0x7530, v26;
	v34 =	vld.idx.msk [tilespmem:v22+s1+$0x0], $0xffff;
	[tilespmem:v21+s12+$0x0] =	vst.idx.msk $0xffff, v27;
	v27 =	vor.u32 s21, v2  }
0x794: {  	v18 =	vadd.s32 $0x9C40, v26;
	v24 =	vadd.s32 $0x7530, v29;
	v33 =	vld.idx.msk [tilespmem:v1+s1+$0x0], $0xffff;
	[tilespmem:v12+s11+$0x0] =	vst.idx.msk $0xffff, v30;
	v30 =	vadd.s32 $0x4E20, v59  }
0x795: {  	v25 =	vor.u32 s29, v3;
	v26 =	vor.u32 s21, v3;
	v19 =	vadd.s32 $0xC350, v29;
	[tilespmem:v13+s11+$0x0] =	vst.idx.msk $0xffff, v38;
	v31 =	vld.idx.msk [tilespmem:v63+s1+$0x0], $0xffff  }
0x796: {  	v0 =	vor.u32 s19, v3;
	v1 =	vadd.s32 $0x7530, v59;
	v22 =	vor.u32 s28, v3;
	v36 =	vld.idx.msk [tilespmem:v41+s1+$0x0], $0xffff;
	[tilespmem:v15+s11+$0x0] =	vst.idx.msk $0xffff, v39  }
0x797: {  	s20 =	simm.s32 $0x80;
	s19 =	simm.s32 $0x4;
	v21 =	vadd.s32 $0x9C40, v29;
	v29 =	vadd.s32 $0xC350, v59;
	[tilespmem:v23+s12+$0x0] =	vst.idx.msk $0xffff, v62;
	v35 =	vld.idx.msk [tilespmem:v40+s1+$0x0], $0xffff;
	v23 =	vadd.s32 $0x9C40, v59  }
.LBB2_34:
0x798: {  	s21 =	sand.u32 $0x780, s20;
	s22 =	sand.u32 $0x40, s20;
	v28 =	vld.idx.msk [tilespmem:v28+s1+$0x0], $0xffff;
	[tilespmem:v27+s11+$0x0] =	vst.idx.msk $0xffff, v34;
	v34 =	vadd.s32 $0x7530, v8  }
0x799: {  	s19 =	sadd.s32 $0x4, s19;
	s21 =	sadd.s32 $0x15A80, s21;
	s23 =	sor.u32 $0x30, s22;
	v30 =	vld.idx.msk [tilespmem:v30+s1+$0x0], $0xffff;
	[tilespmem:v4+s12+$0x0] =	vst.idx.msk $0xffff, v32;
	v4 =	vmov v27  }
0x79a: {  	s24 =	sor.u32 $0x10, s22;
	p0 =	slt.u32 s19, $0x7C;
	s25 =	sor.u32 s23, s21;
	[tilespmem:v7+s12+$0x0] =	vst.idx.msk $0xffff, v33;
	v27 =	vld.idx.msk [tilespmem:v14+s1+$0x0], $0xffff;
	v7 =	vmov v0;
	v14 =	vmov v29  }
0x79b: {  	s29 =	sor.u32 $0x20, s22;
	s26 =	sor.u32 s22, s21;
	s28 =	sor.u32 s24, s21;
	v29 =	vld [tilespmem:s25+$0x0];
	[tilespmem:v5+s12+$0x0] =	vst.idx.msk $0xffff, v31;
	v5 =	vmov v25  }
0x79c: {  	s21 =	sor.u32 s29, s21;
	v31 =	vld [tilespmem:s26+$0x0];
	[tilespmem:v22+s11+$0x0] =	vst.idx.msk $0xffff, v35  }
0x79d: {  	[tilespmem:v0+s11+$0x0] =	vst.idx.msk $0xffff, v36;
	v0 =	vld.idx.msk [tilespmem:v34+s1+$0x0], $0xffff  }
0x79e: {  	v32 =	vld [tilespmem:s28+$0x0];
	[tilespmem:v25+s11+$0x0] =	vst.idx.msk $0xffff, v28  }
0x79f: {  	v25 =	vadd.s32 $0x9C40, v8;
	v33 =	vld [tilespmem:s21+$0x0];
	[tilespmem:v26+s11+$0x0] =	vst.idx.msk $0xffff, v30  }
0x7a0: {  	v30 =	vld.idx.msk [tilespmem:v20+s1+$0x0], $0xffff;
	[tilespmem:v6+s12+$0x0] =	vst.idx.msk $0xffff, v27;
	v6 =	vmov v26  }
0x7a1: {  	s18 =	sadd.s32 $0x100, s18;
	v34 =	vadd.s32 $0x2710, v31;
	v36 =	vadd.s32 $0x4E20, v31;
	v20 =	vadd.s32 $0x7530, v31;
	v26 =	vld.idx.msk [tilespmem:v24+s1+$0x0], $0xffff  }
0x7a2: {  	s25 =	sand.u32 $0x1E00, s18;
	v35 =	vadd.s32 $0x9C40, v31;
	v37 =	vadd.s32 $0xC350, v31;
	v38 =	vld.idx.msk [tilespmem:v1+s1+$0x0], $0xffff  }
0x7a3: {  	s24 =	sor.u32 s25, s24;
	s26 =	sor.u32 s25, s29;
	s21 =	sor.u32 s25, s23;
	v39 =	vadd.s32 $0x2710, v32;
	v28 =	vadd.s32 $0x4E20, v32;
	v24 =	vadd.s32 $0x7530, v32;
	v40 =	vld.idx.msk [tilespmem:v29+s1+$0x0], $0xffff;
	[tilespmem:v9+s12+$0x0] =	vst.idx.msk $0xffff, v0  }
0x7a4: {  	s22 =	sor.u32 s22, s25;
	v41 =	vor.u32 s26, v52;
	v0 =	vor.u32 s24, v52;
	v9 =	vor.u32 s21, v52;
	v42 =	vld.idx.msk [tilespmem:v25+s1+$0x0], $0xffff  }
0x7a5: {  	v43 =	vor.u32 s22, v52;
	v45 =	vadd.s32 $0x2710, v29;
	v44 =	vadd.s32 $0x2710, v33;
	v31 =	vld.idx.msk [tilespmem:v31+s1+$0x0], $0xffff  }
0x7a6: {  	v48 =	vadd.s32 $0xC350, v8;
	v46 =	vor.u32 s24, v2;
	v27 =	vor.u32 s26, v2;
	v8 =	vmovc v29;
	v47 =	vld.idx.msk [tilespmem:v32+s1+$0x0], $0xffff;
	[tilespmem:v17+s12+$0x0] =	vst.idx.msk $0xffff, v30  }
0x7a7: {  	v49 =	vor.u32 s22, v2;
	v25 =	vor.u32 s24, v3;
	v30 =	vadd.s32 $0x4E20, v33;
	v50 =	vld.idx.msk [tilespmem:v33+s1+$0x0], $0xffff;
	[tilespmem:v10+s12+$0x0] =	vst.idx.msk $0xffff, v26;
	v10 =	vmovc v0  }
0x7a8: {  	v1 =	vadd.s32 $0x7530, v33;
	v0 =	vor.u32 s22, v3;
	v26 =	vor.u32 s26, v3;
	v51 =	vld.idx.msk [tilespmem:v18+s1+$0x0], $0xffff;
	[tilespmem:v11+s12+$0x0] =	vst.idx.msk $0xffff, v38;
	v18 =	vmovc v35  }
0x7a9: {  	v35 =	vadd.s32 $0xC350, v32;
	v38 =	vadd.s32 $0x9C40, v33;
	v11 =	vmovc v41;
	[tilespmem:v9+s11+$0x0] =	vst.idx.msk $0xffff, v40;
	v40 =	vld.idx.msk [tilespmem:v21+s1+$0x0], $0xffff;
	v21 =	vadd.s32 $0x9C40, v32  }
0x7aa: {  	v29 =	vadd.s32 $0xC350, v33;
	v17 =	vmov v43;
	v33 =	vld.idx.msk [tilespmem:v45+s1+$0x0], $0xffff;
	[tilespmem:v12+s12+$0x0] =	vst.idx.msk $0xffff, v42  }
0x7ab: {  	v12 =	vor.u32 s21, v2;
	[tilespmem:v43+s11+$0x0] =	vst.idx.msk $0xffff, v31;
	v42 =	vld.idx.msk [tilespmem:v48+s1+$0x0], $0xffff  }
0x7ac: {  	v43 =	vld.idx.msk [tilespmem:v34+s1+$0x0], $0xffff;
	[tilespmem:v10+s11+$0x0] =	vst.idx.msk $0xffff, v47  }
0x7ad: {  	v39 =	vld.idx.msk [tilespmem:v39+s1+$0x0], $0xffff;
	[tilespmem:v41+s11+$0x0] =	vst.idx.msk $0xffff, v50;
	v41 =	vadd.s32 $0x4E20, v8  }
0x7ae: {  	v34 =	vld.idx.msk [tilespmem:v44+s1+$0x0], $0xffff;
	[tilespmem:v13+s12+$0x0] =	vst.idx.msk $0xffff, v51;
	v13 =	vmov v49  }
.Ltmp16:
0x7af: {  	[tilespmem:v15+s12+$0x0] =	vst.idx.msk $0xffff, v40;
	v32 =	vld.idx.msk [tilespmem:v23+s1+$0x0], $0xffff;
	v15 =	vmov v46;
	v23 =	vmov v38;
	(pc) =	sbr.rel @p0 .LBB2_34-.Ltmp16, $4  }
0x7b0: {  	[tilespmem:v12+s11+$0x0] =	vst.idx.msk $0xffff, v33;
	v33 =	vld.idx.msk [tilespmem:v16+s1+$0x0], $0xffff;
	v16 =	vmov v37  }
0x7b1: {  	v31 =	vld.idx.msk [tilespmem:v19+s1+$0x0], $0xffff;
	[tilespmem:v22+s12+$0x0] =	vst.idx.msk $0xffff, v42;
	v19 =	vmov v35  }
0x7b2: {  	[tilespmem:v49+s11+$0x0] =	vst.idx.msk $0xffff, v43;
	v35 =	vld.idx.msk [tilespmem:v41+s1+$0x0], $0xffff  }
0x7b3: {  	s20 =	sadd.s32 $0x40, s20;
	v22 =	vor.u32 s21, v3;
	v36 =	vld.idx.msk [tilespmem:v36+s1+$0x0], $0xffff;
	[tilespmem:v46+s11+$0x0] =	vst.idx.msk $0xffff, v39  }
0x7b4: {  	_ =	sdelay $0x2  }
0x7b5: {  	v37 =	vadd.s32 $0x7530, v8  }
0x7b6: {  	v28 =	vld.idx.msk [tilespmem:v28+s1+$0x0], $0xffff;
	[tilespmem:v27+s11+$0x0] =	vst.idx.msk $0xffff, v34  }
0x7b7: {  	v30 =	vld.idx.msk [tilespmem:v30+s1+$0x0], $0xffff;
	_ =	sdelay $0x1  }
0x7b8: {  	[tilespmem:v22+s11+$0x0] =	vst.idx.msk $0xffff, v35  }
0x7b9: {  	[tilespmem:v0+s11+$0x0] =	vst.idx.msk $0xffff, v36;
	v58 =	vld.idx.msk [tilespmem:v37+s1+$0x0], $0xffff  }
0x7ba: {  	[tilespmem:v25+s11+$0x0] =	vst.idx.msk $0xffff, v28;
	v28 =	vadd.s32 $0x9C40, v8;
	v20 =	vld.idx.msk [tilespmem:v20+s1+$0x0], $0xffff  }
0x7bb: {  	[tilespmem:v26+s11+$0x0] =	vst.idx.msk $0xffff, v30;
	v24 =	vld.idx.msk [tilespmem:v24+s1+$0x0], $0xffff  }
0x7bc: {  	v1 =	vld.idx.msk [tilespmem:v1+s1+$0x0], $0xffff;
	_ =	sdelay $0x1  }
0x7bd: {  	[tilespmem:v9+s12+$0x0] =	vst.idx.msk $0xffff, v58  }
0x7be: {  	[tilespmem:v17+s12+$0x0] =	vst.idx.msk $0xffff, v20;
	v9 =	vld.idx.msk [tilespmem:v28+s1+$0x0], $0xffff  }
0x7bf: {  	v8 =	vadd.s32 $0xC350, v8;
	[tilespmem:v10+s12+$0x0] =	vst.idx.msk $0xffff, v24;
	v10 =	vld.idx.msk [tilespmem:v18+s1+$0x0], $0xffff  }
0x7c0: {  	[tilespmem:v11+s12+$0x0] =	vst.idx.msk $0xffff, v1;
	v1 =	vld.idx.msk [tilespmem:v21+s1+$0x0], $0xffff  }
0x7c1: {  	[tilespmem:v4+s12+$0x0] =	vst.idx.msk $0xffff, v32;
	v4 =	vld.idx.msk [tilespmem:v23+s1+$0x0], $0xffff  }
0x7c2: {  	[tilespmem:v7+s12+$0x0] =	vst.idx.msk $0xffff, v33  }
0x7c3: {  	v7 =	vld.idx.msk [tilespmem:v14+s1+$0x0], $0xffff;
	[tilespmem:v12+s12+$0x0] =	vst.idx.msk $0xffff, v9  }
0x7c4: {  	[tilespmem:v13+s12+$0x0] =	vst.idx.msk $0xffff, v10;
	v8 =	vld.idx.msk [tilespmem:v8+s1+$0x0], $0xffff  }
0x7c5: {  	[tilespmem:v15+s12+$0x0] =	vst.idx.msk $0xffff, v1;
	v1 =	vld.idx.msk [tilespmem:v16+s1+$0x0], $0xffff  }
0x7c6: {  	v9 =	vld.idx.msk [tilespmem:v19+s1+$0x0], $0xffff;
	[tilespmem:v27+s12+$0x0] =	vst.idx.msk $0xffff, v4  }
0x7c7: {  	[tilespmem:v5+s12+$0x0] =	vst.idx.msk $0xffff, v31;
	v4 =	vld.idx.msk [tilespmem:v29+s1+$0x0], $0xffff  }
0x7c8: {  	[tilespmem:v6+s12+$0x0] =	vst.idx.msk $0xffff, v7  }
0x7c9: {  	[tilespmem:v22+s12+$0x0] =	vst.idx.msk $0xffff, v8  }
0x7ca: {  	[tilespmem:v0+s12+$0x0] =	vst.idx.msk $0xffff, v1  }
0x7cb: {  	[tilespmem:v25+s12+$0x0] =	vst.idx.msk $0xffff, v9  }
0x7cc: {  	s18 =	simm.s32 $0x0;
	[tilespmem:v26+s12+$0x0] =	vst.idx.msk $0xffff, v4  }
0x7cd: {  	[hbm4b:s31+s18] =	stream.linear.scatter [tilespmem:s12], [sflag:$0x2], $0x2000, $0x38;
	[tilespmem:$0x1EA80] =	vst v63  }
0x7ce: {  	_ = 	snop  }
0x7cf: {  	[hbm4b:s30+s18] =	stream.linear.scatter [tilespmem:s11], [sflag:$0x4], $0x2000, $0x38;
	[tilespmem:$0x1EA80] =	vst v63  }
0x7d0: {  	_ =	swait.ge [sflag:s16], $0x2000  }
0x7d1: {  	[sflag:s16] =	ssyncset.done $0x0  }
0x7d2: {  	[sflag:s16] =	ssyncadd.s32 $0xFFFFE000  }
0x7d3: {  	s19 =	sand.u32 $0x780, s18;
	s20 =	sand.u32 $0x40, s18;
	_ =	swait.ge [sflag:s9], $0x2000  }
0x7d4: {  	s19 =	sadd.s32 $0x16280, s19;
	s21 =	sor.u32 $0x30, s20;
	[sflag:s9] =	ssyncset.done $0x0  }
0x7d5: {  	s22 =	sor.u32 s21, s19;
	[sflag:s9] =	ssyncadd.s32 $0xFFFFE000  }
0x7d6: {  	s23 =	sor.u32 $0x10, s20;
	s24 =	sor.u32 s20, s19;
	v0 =	vld [tilespmem:s22+$0x0]  }
0x7d7: {  	s25 =	sor.u32 $0x20, s20;
	s26 =	sor.u32 s23, s19;
	v1 =	vld [tilespmem:s24+$0x0]  }
0x7d8: {  	s19 =	sor.u32 s25, s19;
	v13 =	vld [tilespmem:s26+$0x0]  }
0x7d9: {  	v14 =	vld [tilespmem:s19+$0x0];
	_ =	sdelay $0x2  }
0x7da: {  	s18 =	sand.u32 $0x1E00, s18  }
0x7db: {  	s28 =	sor.u32 s18, s21  }
0x7dc: {  	s20 =	sor.u32 s20, s18;
	v9 =	vor.u32 s28, v52;
	v4 =	vld.idx.msk [tilespmem:v0+s1+$0x0], $0xffff  }
0x7dd: {  	s29 =	sor.u32 s18, s23;
	v10 =	vor.u32 s20, v52;
	v6 =	vadd.s32 $0x2710, v0;
	v5 =	vld.idx.msk [tilespmem:v1+s1+$0x0], $0xffff  }
0x7de: {  	s18 =	sor.u32 s18, s25;
	v11 =	vor.u32 s29, v52;
	v7 =	vadd.s32 $0x2710, v1;
	v8 =	vld.idx.msk [tilespmem:v13+s1+$0x0], $0xffff  }
0x7df: {  	v15 =	vor.u32 s18, v52;
	v12 =	vadd.s32 $0x2710, v13;
	v16 =	vld.idx.msk [tilespmem:v14+s1+$0x0], $0xffff  }
0x7e0: {  	v17 =	vadd.s32 $0x2710, v14  }
0x7e1: {  	[tilespmem:v9+s13+$0x0] =	vst.idx.msk $0xffff, v4  }
0x7e2: {  	v18 =	vor.u32 s28, v2;
	s22 =	simm.s32 $0x40;
	[tilespmem:v10+s13+$0x0] =	vst.idx.msk $0xffff, v5;
	v6 =	vld.idx.msk [tilespmem:v6+s1+$0x0], $0xffff  }
0x7e3: {  	v19 =	vor.u32 s20, v2;
	s23 =	sand.u32 $0x780, s22;
	[tilespmem:v11+s13+$0x0] =	vst.idx.msk $0xffff, v8;
	v5 =	vld.idx.msk [tilespmem:v7+s1+$0x0], $0xffff;
	v7 =	vadd.s32 $0x4E20, v0  }
0x7e4: {  	v21 =	vor.u32 s29, v2;
	s19 =	sand.u32 $0x40, s22;
	s22 =	sadd.s32 $0x16280, s23;
	v8 =	vadd.s32 $0x4E20, v1;
	[tilespmem:v15+s13+$0x0] =	vst.idx.msk $0xffff, v16;
	v12 =	vld.idx.msk [tilespmem:v12+s1+$0x0], $0xffff  }
0x7e5: {  	v23 =	vor.u32 s28, v3;
	s21 =	sor.u32 $0x20, s19;
	s28 =	sor.u32 s19, s22;
	v16 =	vadd.s32 $0x4E20, v13;
	v4 =	vor.u32 s18, v2;
	v17 =	vld.idx.msk [tilespmem:v17+s1+$0x0], $0xffff  }
0x7e6: {  	s25 =	sor.u32 s21, s22;
	v26 =	vld [tilespmem:s28+$0x0];
	v20 =	vadd.s32 $0x4E20, v14  }
0x7e7: {  	v59 =	vld [tilespmem:s25+$0x0];
	[tilespmem:v18+s13+$0x0] =	vst.idx.msk $0xffff, v6  }
0x7e8: {  	[tilespmem:v19+s13+$0x0] =	vst.idx.msk $0xffff, v5;
	v22 =	vld.idx.msk [tilespmem:v7+s1+$0x0], $0xffff  }
0x7e9: {  	[tilespmem:v21+s13+$0x0] =	vst.idx.msk $0xffff, v12;
	v24 =	vld.idx.msk [tilespmem:v8+s1+$0x0], $0xffff  }
0x7ea: {  	s24 =	sor.u32 $0x30, s19;
	v12 =	vadd.s32 $0x7530, v0;
	[tilespmem:v4+s13+$0x0] =	vst.idx.msk $0xffff, v17;
	v16 =	vld.idx.msk [tilespmem:v16+s1+$0x0], $0xffff;
	v7 =	vor.u32 s20, v3  }
0x7eb: {  	s26 =	sor.u32 s24, s22;
	v5 =	vor.u32 s29, v3;
	v17 =	vld.idx.msk [tilespmem:v20+s1+$0x0], $0xffff;
	v20 =	vadd.s32 $0x7530, v1  }
0x7ec: {  	s29 =	sor.u32 $0x10, s19;
	v8 =	vld [tilespmem:s26+$0x0]  }
0x7ed: {  	v25 =	vadd.s32 $0x7530, v13;
	s20 =	sor.u32 s29, s22  }
0x7ee: {  	v6 =	vor.u32 s18, v3;
	v29 =	vld [tilespmem:s20+$0x0];
	[tilespmem:v23+s13+$0x0] =	vst.idx.msk $0xffff, v22  }
0x7ef: {  	[tilespmem:v7+s13+$0x0] =	vst.idx.msk $0xffff, v24;
	v12 =	vld.idx.msk [tilespmem:v12+s1+$0x0], $0xffff  }
0x7f0: {  	s18 =	simm.s32 $0x100;
	v22 =	vadd.s32 $0x7530, v14;
	[tilespmem:v5+s13+$0x0] =	vst.idx.msk $0xffff, v16;
	v16 =	vld.idx.msk [tilespmem:v20+s1+$0x0], $0xffff  }
0x7f1: {  	v28 =	vld.idx.msk [tilespmem:v26+s1+$0x0], $0xffff;
	s26 =	sand.u32 $0x1E00, s18  }
0x7f2: {  	s19 =	sor.u32 s19, s26;
	v24 =	vadd.s32 $0x9C40, v0;
	v20 =	vld.idx.msk [tilespmem:v25+s1+$0x0], $0xffff  }
0x7f3: {  	v60 =	vld.idx.msk [tilespmem:v59+s1+$0x0], $0xffff;
	s28 =	sor.u32 s26, s24;
	[tilespmem:v6+s13+$0x0] =	vst.idx.msk $0xffff, v17;
	v17 =	vor.u32 s19, v52;
	v25 =	vadd.s32 $0x9C40, v1  }
0x7f4: {  	v27 =	vld.idx.msk [tilespmem:v8+s1+$0x0], $0xffff;
	[tilespmem:v9+s14+$0x0] =	vst.idx.msk $0xffff, v12;
	v12 =	vadd.s32 $0x9C40, v13;
	v9 =	vor.u32 s28, v52  }
0x7f5: {  	s29 =	sor.u32 s26, s29;
	v22 =	vld.idx.msk [tilespmem:v22+s1+$0x0], $0xffff;
	[tilespmem:v10+s14+$0x0] =	vst.idx.msk $0xffff, v16;
	v16 =	vadd.s32 $0x2710, v26  }
0x7f6: {  	s21 =	sor.u32 s26, s21;
	v30 =	vadd.s32 $0x2710, v8;
	v31 =	vld.idx.msk [tilespmem:v29+s1+$0x0], $0xffff;
	v10 =	vor.u32 s29, v52  }
0x7f7: {  	v61 =	vadd.s32 $0x9C40, v14;
	[tilespmem:v11+s14+$0x0] =	vst.idx.msk $0xffff, v20;
	v11 =	vor.u32 s21, v52;
	v24 =	vld.idx.msk [tilespmem:v24+s1+$0x0], $0xffff  }
0x7f8: {  	[tilespmem:v17+s13+$0x0] =	vst.idx.msk $0xffff, v28;
	v20 =	vadd.s32 $0x2710, v29;
	v25 =	vld.idx.msk [tilespmem:v25+s1+$0x0], $0xffff  }
0x7f9: {  	v0 =	vadd.s32 $0xC350, v0;
	[tilespmem:v9+s13+$0x0] =	vst.idx.msk $0xffff, v27;
	v27 =	vld.idx.msk [tilespmem:v12+s1+$0x0], $0xffff  }
0x7fa: {  	[tilespmem:v15+s14+$0x0] =	vst.idx.msk $0xffff, v22;
	v22 =	vadd.s32 $0x2710, v59;
	v38 =	vld.idx.msk [tilespmem:v16+s1+$0x0], $0xffff  }
0x7fb: {  	v1 =	vadd.s32 $0xC350, v1;
	v12 =	vor.u32 s28, v2;
	[tilespmem:v10+s13+$0x0] =	vst.idx.msk $0xffff, v31;
	v30 =	vld.idx.msk [tilespmem:v30+s1+$0x0], $0xffff  }
0x7fc: {  	v63 =	vadd.s32 $0xC350, v13;
	v13 =	vor.u32 s19, v2;
	[tilespmem:v11+s13+$0x0] =	vst.idx.msk $0xffff, v60;
	v32 =	vld.idx.msk [tilespmem:v61+s1+$0x0], $0xffff  }
0x7fd: {  	v41 =	vadd.s32 $0x4E20, v26;
	v15 =	vor.u32 s29, v2;
	[tilespmem:v18+s14+$0x0] =	vst.idx.msk $0xffff, v24;
	v39 =	vld.idx.msk [tilespmem:v20+s1+$0x0], $0xffff  }
0x7fe: {  	v14 =	vadd.s32 $0xC350, v14;
	v40 =	vadd.s32 $0x4E20, v8;
	v28 =	vadd.s32 $0x4E20, v29;
	[tilespmem:v19+s14+$0x0] =	vst.idx.msk $0xffff, v25;
	v62 =	vld.idx.msk [tilespmem:v0+s1+$0x0], $0xffff  }
0x7ff: {  	v16 =	vadd.s32 $0xC350, v26;
	v20 =	vadd.s32 $0x7530, v26;
	v34 =	vld.idx.msk [tilespmem:v22+s1+$0x0], $0xffff;
	[tilespmem:v21+s14+$0x0] =	vst.idx.msk $0xffff, v27;
	v27 =	vor.u32 s21, v2  }
0x800: {  	v18 =	vadd.s32 $0x9C40, v26;
	v24 =	vadd.s32 $0x7530, v29;
	v33 =	vld.idx.msk [tilespmem:v1+s1+$0x0], $0xffff;
	[tilespmem:v12+s13+$0x0] =	vst.idx.msk $0xffff, v30;
	v30 =	vadd.s32 $0x4E20, v59  }
0x801: {  	v25 =	vor.u32 s29, v3;
	v26 =	vor.u32 s21, v3;
	v19 =	vadd.s32 $0xC350, v29;
	[tilespmem:v13+s13+$0x0] =	vst.idx.msk $0xffff, v38;
	v31 =	vld.idx.msk [tilespmem:v63+s1+$0x0], $0xffff  }
0x802: {  	v0 =	vor.u32 s19, v3;
	v1 =	vadd.s32 $0x7530, v59;
	v22 =	vor.u32 s28, v3;
	v36 =	vld.idx.msk [tilespmem:v41+s1+$0x0], $0xffff;
	[tilespmem:v15+s13+$0x0] =	vst.idx.msk $0xffff, v39  }
0x803: {  	s20 =	simm.s32 $0x80;
	s19 =	simm.s32 $0x4;
	v21 =	vadd.s32 $0x9C40, v29;
	v29 =	vadd.s32 $0xC350, v59;
	[tilespmem:v23+s14+$0x0] =	vst.idx.msk $0xffff, v62;
	v35 =	vld.idx.msk [tilespmem:v40+s1+$0x0], $0xffff;
	v23 =	vadd.s32 $0x9C40, v59  }
.LBB2_36:
0x804: {  	s21 =	sand.u32 $0x780, s20;
	s22 =	sand.u32 $0x40, s20;
	v28 =	vld.idx.msk [tilespmem:v28+s1+$0x0], $0xffff;
	[tilespmem:v27+s13+$0x0] =	vst.idx.msk $0xffff, v34;
	v34 =	vadd.s32 $0x7530, v8  }
0x805: {  	s19 =	sadd.s32 $0x4, s19;
	s21 =	sadd.s32 $0x16280, s21;
	s23 =	sor.u32 $0x30, s22;
	v30 =	vld.idx.msk [tilespmem:v30+s1+$0x0], $0xffff;
	[tilespmem:v4+s14+$0x0] =	vst.idx.msk $0xffff, v32;
	v4 =	vmov v27  }
0x806: {  	s24 =	sor.u32 $0x10, s22;
	p0 =	slt.u32 s19, $0x7C;
	s25 =	sor.u32 s23, s21;
	[tilespmem:v7+s14+$0x0] =	vst.idx.msk $0xffff, v33;
	v27 =	vld.idx.msk [tilespmem:v14+s1+$0x0], $0xffff;
	v7 =	vmov v0;
	v14 =	vmov v29  }
0x807: {  	s29 =	sor.u32 $0x20, s22;
	s26 =	sor.u32 s22, s21;
	s28 =	sor.u32 s24, s21;
	v29 =	vld [tilespmem:s25+$0x0];
	[tilespmem:v5+s14+$0x0] =	vst.idx.msk $0xffff, v31;
	v5 =	vmov v25  }
0x808: {  	s21 =	sor.u32 s29, s21;
	v31 =	vld [tilespmem:s26+$0x0];
	[tilespmem:v22+s13+$0x0] =	vst.idx.msk $0xffff, v35  }
0x809: {  	[tilespmem:v0+s13+$0x0] =	vst.idx.msk $0xffff, v36;
	v0 =	vld.idx.msk [tilespmem:v34+s1+$0x0], $0xffff  }
0x80a: {  	v32 =	vld [tilespmem:s28+$0x0];
	[tilespmem:v25+s13+$0x0] =	vst.idx.msk $0xffff, v28  }
0x80b: {  	v25 =	vadd.s32 $0x9C40, v8;
	v33 =	vld [tilespmem:s21+$0x0];
	[tilespmem:v26+s13+$0x0] =	vst.idx.msk $0xffff, v30  }
0x80c: {  	v30 =	vld.idx.msk [tilespmem:v20+s1+$0x0], $0xffff;
	[tilespmem:v6+s14+$0x0] =	vst.idx.msk $0xffff, v27;
	v6 =	vmov v26  }
0x80d: {  	s18 =	sadd.s32 $0x100, s18;
	v34 =	vadd.s32 $0x2710, v31;
	v36 =	vadd.s32 $0x4E20, v31;
	v20 =	vadd.s32 $0x7530, v31;
	v26 =	vld.idx.msk [tilespmem:v24+s1+$0x0], $0xffff  }
0x80e: {  	s25 =	sand.u32 $0x1E00, s18;
	v35 =	vadd.s32 $0x9C40, v31;
	v37 =	vadd.s32 $0xC350, v31;
	v38 =	vld.idx.msk [tilespmem:v1+s1+$0x0], $0xffff  }
0x80f: {  	s24 =	sor.u32 s25, s24;
	s26 =	sor.u32 s25, s29;
	s21 =	sor.u32 s25, s23;
	v39 =	vadd.s32 $0x2710, v32;
	v28 =	vadd.s32 $0x4E20, v32;
	v24 =	vadd.s32 $0x7530, v32;
	v40 =	vld.idx.msk [tilespmem:v29+s1+$0x0], $0xffff;
	[tilespmem:v9+s14+$0x0] =	vst.idx.msk $0xffff, v0  }
0x810: {  	s22 =	sor.u32 s22, s25;
	v41 =	vor.u32 s26, v52;
	v0 =	vor.u32 s24, v52;
	v9 =	vor.u32 s21, v52;
	v42 =	vld.idx.msk [tilespmem:v25+s1+$0x0], $0xffff  }
0x811: {  	v43 =	vor.u32 s22, v52;
	v45 =	vadd.s32 $0x2710, v29;
	v44 =	vadd.s32 $0x2710, v33;
	v31 =	vld.idx.msk [tilespmem:v31+s1+$0x0], $0xffff  }
0x812: {  	v48 =	vadd.s32 $0xC350, v8;
	v46 =	vor.u32 s24, v2;
	v27 =	vor.u32 s26, v2;
	v8 =	vmovc v29;
	v47 =	vld.idx.msk [tilespmem:v32+s1+$0x0], $0xffff;
	[tilespmem:v17+s14+$0x0] =	vst.idx.msk $0xffff, v30  }
0x813: {  	v49 =	vor.u32 s22, v2;
	v25 =	vor.u32 s24, v3;
	v30 =	vadd.s32 $0x4E20, v33;
	v50 =	vld.idx.msk [tilespmem:v33+s1+$0x0], $0xffff;
	[tilespmem:v10+s14+$0x0] =	vst.idx.msk $0xffff, v26;
	v10 =	vmovc v0  }
0x814: {  	v1 =	vadd.s32 $0x7530, v33;
	v0 =	vor.u32 s22, v3;
	v26 =	vor.u32 s26, v3;
	v51 =	vld.idx.msk [tilespmem:v18+s1+$0x0], $0xffff;
	[tilespmem:v11+s14+$0x0] =	vst.idx.msk $0xffff, v38;
	v18 =	vmovc v35  }
0x815: {  	v35 =	vadd.s32 $0xC350, v32;
	v38 =	vadd.s32 $0x9C40, v33;
	v11 =	vmovc v41;
	[tilespmem:v9+s13+$0x0] =	vst.idx.msk $0xffff, v40;
	v40 =	vld.idx.msk [tilespmem:v21+s1+$0x0], $0xffff;
	v21 =	vadd.s32 $0x9C40, v32  }
0x816: {  	v29 =	vadd.s32 $0xC350, v33;
	v17 =	vmov v43;
	v33 =	vld.idx.msk [tilespmem:v45+s1+$0x0], $0xffff;
	[tilespmem:v12+s14+$0x0] =	vst.idx.msk $0xffff, v42  }
0x817: {  	v12 =	vor.u32 s21, v2;
	[tilespmem:v43+s13+$0x0] =	vst.idx.msk $0xffff, v31;
	v42 =	vld.idx.msk [tilespmem:v48+s1+$0x0], $0xffff  }
0x818: {  	v43 =	vld.idx.msk [tilespmem:v34+s1+$0x0], $0xffff;
	[tilespmem:v10+s13+$0x0] =	vst.idx.msk $0xffff, v47  }
0x819: {  	v39 =	vld.idx.msk [tilespmem:v39+s1+$0x0], $0xffff;
	[tilespmem:v41+s13+$0x0] =	vst.idx.msk $0xffff, v50;
	v41 =	vadd.s32 $0x4E20, v8  }
0x81a: {  	v34 =	vld.idx.msk [tilespmem:v44+s1+$0x0], $0xffff;
	[tilespmem:v13+s14+$0x0] =	vst.idx.msk $0xffff, v51;
	v13 =	vmov v49  }
.Ltmp17:
0x81b: {  	[tilespmem:v15+s14+$0x0] =	vst.idx.msk $0xffff, v40;
	v32 =	vld.idx.msk [tilespmem:v23+s1+$0x0], $0xffff;
	v15 =	vmov v46;
	v23 =	vmov v38;
	(pc) =	sbr.rel @p0 .LBB2_36-.Ltmp17, $4  }
0x81c: {  	[tilespmem:v12+s13+$0x0] =	vst.idx.msk $0xffff, v33;
	v33 =	vld.idx.msk [tilespmem:v16+s1+$0x0], $0xffff;
	v16 =	vmov v37  }
0x81d: {  	v31 =	vld.idx.msk [tilespmem:v19+s1+$0x0], $0xffff;
	[tilespmem:v22+s14+$0x0] =	vst.idx.msk $0xffff, v42;
	v19 =	vmov v35  }
0x81e: {  	[tilespmem:v49+s13+$0x0] =	vst.idx.msk $0xffff, v43;
	v35 =	vld.idx.msk [tilespmem:v41+s1+$0x0], $0xffff  }
0x81f: {  	s20 =	sadd.s32 $0x40, s20;
	v22 =	vor.u32 s21, v3;
	v36 =	vld.idx.msk [tilespmem:v36+s1+$0x0], $0xffff;
	[tilespmem:v46+s13+$0x0] =	vst.idx.msk $0xffff, v39  }
0x820: {  	_ =	sdelay $0x2  }
0x821: {  	v37 =	vadd.s32 $0x7530, v8  }
0x822: {  	[tilespmem:v27+s13+$0x0] =	vst.idx.msk $0xffff, v34;
	v28 =	vld.idx.msk [tilespmem:v28+s1+$0x0], $0xffff  }
0x823: {  	v30 =	vld.idx.msk [tilespmem:v30+s1+$0x0], $0xffff;
	_ =	sdelay $0x1  }
0x824: {  	[tilespmem:v22+s13+$0x0] =	vst.idx.msk $0xffff, v35  }
0x825: {  	[tilespmem:v0+s13+$0x0] =	vst.idx.msk $0xffff, v36;
	v58 =	vld.idx.msk [tilespmem:v37+s1+$0x0], $0xffff  }
0x826: {  	v59 =	vadd.s32 $0x9C40, v8;
	[tilespmem:v25+s13+$0x0] =	vst.idx.msk $0xffff, v28;
	v20 =	vld.idx.msk [tilespmem:v20+s1+$0x0], $0xffff  }
0x827: {  	[tilespmem:v26+s13+$0x0] =	vst.idx.msk $0xffff, v30;
	v24 =	vld.idx.msk [tilespmem:v24+s1+$0x0], $0xffff  }
0x828: {  	v1 =	vld.idx.msk [tilespmem:v1+s1+$0x0], $0xffff;
	_ =	sdelay $0x1  }
0x829: {  	[tilespmem:v9+s14+$0x0] =	vst.idx.msk $0xffff, v58  }
0x82a: {  	[tilespmem:v17+s14+$0x0] =	vst.idx.msk $0xffff, v20;
	v9 =	vld.idx.msk [tilespmem:v59+s1+$0x0], $0xffff  }
0x82b: {  	v60 =	vadd.s32 $0xC350, v8;
	[tilespmem:v10+s14+$0x0] =	vst.idx.msk $0xffff, v24;
	v61 =	vld.idx.msk [tilespmem:v18+s1+$0x0], $0xffff  }
0x82c: {  	[tilespmem:v11+s14+$0x0] =	vst.idx.msk $0xffff, v1;
	v1 =	vld.idx.msk [tilespmem:v21+s1+$0x0], $0xffff  }
0x82d: {  	[tilespmem:v4+s14+$0x0] =	vst.idx.msk $0xffff, v32;
	v4 =	vld.idx.msk [tilespmem:v23+s1+$0x0], $0xffff  }
0x82e: {  	[tilespmem:v7+s14+$0x0] =	vst.idx.msk $0xffff, v33  }
0x82f: {  	v62 =	vld.idx.msk [tilespmem:v14+s1+$0x0], $0xffff;
	[tilespmem:v12+s14+$0x0] =	vst.idx.msk $0xffff, v9  }
0x830: {  	[tilespmem:v13+s14+$0x0] =	vst.idx.msk $0xffff, v61;
	v8 =	vld.idx.msk [tilespmem:v60+s1+$0x0], $0xffff  }
0x831: {  	[tilespmem:v15+s14+$0x0] =	vst.idx.msk $0xffff, v1;
	v1 =	vld.idx.msk [tilespmem:v16+s1+$0x0], $0xffff  }
0x832: {  	v63 =	vld.idx.msk [tilespmem:v19+s1+$0x0], $0xffff;
	[tilespmem:v27+s14+$0x0] =	vst.idx.msk $0xffff, v4  }
0x833: {  	[tilespmem:v5+s14+$0x0] =	vst.idx.msk $0xffff, v31;
	v4 =	vld.idx.msk [tilespmem:v29+s1+$0x0], $0xffff  }
0x834: {  	[tilespmem:v6+s14+$0x0] =	vst.idx.msk $0xffff, v62  }
0x835: {  	[tilespmem:v22+s14+$0x0] =	vst.idx.msk $0xffff, v8  }
0x836: {  	[tilespmem:v0+s14+$0x0] =	vst.idx.msk $0xffff, v1  }
0x837: {  	[tilespmem:v25+s14+$0x0] =	vst.idx.msk $0xffff, v63  }
0x838: {  	[tilespmem:v26+s14+$0x0] =	vst.idx.msk $0xffff, v4  }
0x839: {  	[hbm4b:s3+s1] =	stream.linear.scatter [tilespmem:s14], [sflag:$0x3], $0x2000, $0x38;
	[tilespmem:$0x1EA80] =	vst v63  }
0x83a: {  	_ = 	snop  }
0x83b: {  	[hbm4b:s4+s1] =	stream.linear.scatter [tilespmem:s13], [sflag:$0x5], $0x2000, $0x38;
	[tilespmem:$0x1EA80] =	vst v63  }
0x83c: {  	_ =	swait.ge [sflag:s15], $0x2000  }
0x83d: {  	[sflag:s15] =	ssyncset.done $0x0  }
0x83e: {  	[sflag:s15] =	ssyncadd.s32 $0xFFFFE000  }
0x83f: {  	_ =	swait.ge [sflag:s8], $0x2000  }
0x840: {  	[sflag:s8] =	ssyncset.done $0x0  }
0x841: {  	s17 =	sadd.s32 $0x1, s17;
	[sflag:s8] =	ssyncadd.s32 $0xFFFFE000  }
0x842: {  	p0 =	sne.s32 s17, s7;
	_ =	swait.ge [sflag:s16], $0x2000  }
.Ltmp18:
0x843: {  	[sflag:s16] =	ssyncset.done $0x0;
	(pc) =	sbr.rel @p0 .LBB2_1-.Ltmp18, $4  }
0x844: {  	[sflag:s16] =	ssyncadd.s32 $0xFFFFE000  }
0x845: {  	_ =	swait.ge [sflag:s9], $0x2000  }
0x846: {  	[sflag:s9] =	ssyncset.done $0x0  }
0x847: {  	v1 =	vimm.f32 $0.0e+00;
	[sflag:s9] =	ssyncadd.s32 $0xFFFFE000  }
0x848: {  	_ =	sfence.sel $0x180000  }
0x849: {  	[bflag:$0x0] =	sbarrier.arrive $0xFFFF  }
0x84a: {  	_ =	strace $0x90000047  }
0x84b: {  	s0 =	stileid.u32;
	[bflag:$0x2] =	sbarrier.arrive $0xFFFF  }
0x84c: {  	p0 =	sne.s32 s0, $0x0;
	s0 =	rddreg [dreg:$0x4]  }
0x84d: {  	s0 =	sadd.s32 @!p0 $0x100000, s0  }
0x84e: {  	[sflag:s0] =	ssyncadd.tile.s32 @!p0 $0x1;
	_ =	shalt  }
.Lfunc_end2:
_tile_overlayer_lowered:
.L_overlay_start_2:
0x84f: {  	(tag) =	ssettag $0x2  }
0x850: {  	s0 =	rddreg [dreg:$0x0];
	s2 =	stileid.u32  }
0x851: {  	s1 =	rddreg [dreg:$0x1];
	p0 =	sne.s32 s2, $0x0  }
0x852: {  	s3 =	rddreg [dreg:$0x2];
	[bflag:$0x3] =	sbarrier.arrive $0xFFFF;
	s2 =	simm.s32 @!p0 $0x1C06  }
0x853: {  	[timem:s3], [sflag:s2] =	dma.local @!p0 [hbm:s0], s1  }
0x854: {  	s0 =	simm.s32 @!p0 $0x6  }
0x855: {  	_ =	swait.ge @!p0 [sflag:s0], s1  }
0x856: {  	s1 =	ssub.s32 @!p0 $0x0, s1;
	[sflag:s0] =	ssyncset.done @!p0 $0x0  }
0x857: {  	[sflag:s0] =	ssyncadd.s32 @!p0 s1  }
0x858: {  	[bflag:$0x3] =	sbarrier.arrive $0xFFFF  }
0x859: {  	_ =	shalt  }

</sc_bundles>
